<compile_context>
chip_gen: v7x
topology: tpu7x:2x2x1
jax: 0.10.2.dev20260603
libtpu: 0.0.44.dev20260713+nightly
codegen_flags: <defaults>
</compile_context>

<pallas_src>
import functools

import jax
import jax.numpy as jnp
from jax import lax
from jax.experimental import pallas as pl
from jax.experimental.pallas import tpu as pltpu
from jax.experimental.pallas import tpu_sc as plsc

N = 10000
E = 320000
NP = 10240
HALF = NP // 2
HR = HALF // 16
AROWS = HALF + 8
C = 64
CW = 316
EP = 16 * CW * C
W2ACC = 128

_f32 = jnp.float32
_i32 = jnp.int32


def _mesh():
    return plsc.VectorSubcoreMesh(core_axis_name="c", subcore_axis_name="s")


def _localize(didx, dloc, c):
    lo = c * HALF
    for k in range(C // 16):
        d16 = didx[pl.ds(16 * k, 16)]
        loc = d16 - lo
        ok = (loc >= 0) & (loc < HALF)
        dloc[pl.ds(16 * k, 16)] = jnp.where(ok, loc, HALF)


def _zero_buf(buf, width):
    z16 = jnp.zeros((16,), _f32)

    def _zero(j, _):
        for k in range(width // 16):
            buf[j, pl.ds(16 * k, 16)] = z16
        return 0

    lax.fori_loop(0, 64, _zero, 0)


def _zero_acc(acc, buf, s):
    a0 = s * HR
    for p in range(5):
        pltpu.sync_copy(buf.at[pl.ds(0, 64)], acc.at[pl.ds(a0 + p * 64, 64)])

    @pl.when(s == 0)
    def _():
        pltpu.sync_copy(buf.at[pl.ds(0, 8)], acc.at[pl.ds(HALF, 8)])


def _writeback(acc, buf, out_hbm, c, s):
    a0 = s * HR
    g0 = c * HALF + s * HR
    for p in range(5):
        pltpu.sync_copy(acc.at[pl.ds(a0 + p * 64, 64)], buf.at[pl.ds(0, 64)])
        pltpu.sync_copy(buf.at[pl.ds(0, 64)], out_hbm.at[pl.ds(g0 + p * 64, 64)])


def _sc_edges1(src_hbm, dst_hbm, x_hbm, er_hbm, out_hbm, den_hbm,
               sidx, didx, dloc, xrows, arows, exb, mrows,
               acc, dacc, sem_x, sem_a):
    c = lax.axis_index("c")
    s = lax.axis_index("s")

    _zero_buf(mrows, 128)
    _zero_buf(exb, 128)
    _zero_acc(acc, mrows, s)
    _zero_acc(dacc, exb, s)
    plsc.subcore_barrier()

    def _chunk(g, _):
        base = (s * CW + g) * C
        pltpu.sync_copy(src_hbm.at[pl.ds(base, C)], sidx)
        pltpu.sync_copy(dst_hbm.at[pl.ds(base, C)], didx)
        cpx = pltpu.async_copy(x_hbm.at[sidx], xrows, sem_x)
        cpa = pltpu.async_copy(er_hbm.at[didx], arows, sem_a)
        _localize(didx, dloc, c)
        cpx.wait()
        cpa.wait()

        def _edge(j, _):
            for u in range(4):
                jj = j * 4 + u
                ev = xrows[jj, pl.ds(128, 16)] + arows[jj, pl.ds(0, 16)]
                ev = jnp.maximum(ev, 0.2 * ev)
                ex = jnp.exp(ev)
                exb[jj, pl.ds(0, 16)] = ex
                for h in range(8):
                    mrows[jj, pl.ds(16 * h, 16)] = (
                        xrows[jj, pl.ds(16 * h, 16)] * ex[h])
            return 0

        lax.fori_loop(0, C // 4, _edge, 0)
        pltpu.sync_copy(mrows, acc.at[dloc], add=True)
        pltpu.sync_copy(exb, dacc.at[dloc], add=True)
        return 0

    lax.fori_loop(0, CW, _chunk, 0)
    plsc.subcore_barrier()
    _writeback(acc, mrows, out_hbm, c, s)
    _writeback(dacc, exb, den_hbm, c, s)


def _sc1():
  return pl.kernel(
    _sc_edges1,
    out_type=[jax.ShapeDtypeStruct((NP, 128), _f32),
              jax.ShapeDtypeStruct((NP, 128), _f32)],
    mesh=_mesh(),
    scratch_types=[
        pltpu.VMEM((C,), _i32),
        pltpu.VMEM((C,), _i32),
        pltpu.VMEM((C,), _i32),
        pltpu.VMEM((C, 256), _f32),
        pltpu.VMEM((C, 128), _f32),
        pltpu.VMEM((C, 128), _f32),
        pltpu.VMEM((C, 128), _f32),
        pltpu.VMEM_SHARED((AROWS, 128), _f32),
        pltpu.VMEM_SHARED((AROWS, 128), _f32),
        pltpu.SemaphoreType.DMA,
        pltpu.SemaphoreType.DMA,
    ],
  )


def _sc_edges2(src_hbm, dst_hbm, x_hbm, er_hbm, out_hbm,
               sidx, didx, dloc, xrows, arows, mrows,
               acc, sem_x, sem_a):
    c = lax.axis_index("c")
    s = lax.axis_index("s")

    _zero_buf(mrows, W2ACC)
    _zero_acc(acc, mrows, s)
    plsc.subcore_barrier()

    def _chunk(g, _):
        base = (s * CW + g) * C
        pltpu.sync_copy(src_hbm.at[pl.ds(base, C)], sidx)
        pltpu.sync_copy(dst_hbm.at[pl.ds(base, C)], didx)
        cpx = pltpu.async_copy(x_hbm.at[sidx], xrows, sem_x)
        cpa = pltpu.async_copy(er_hbm.at[didx], arows, sem_a)
        _localize(didx, dloc, c)
        cpx.wait()
        cpa.wait()

        def _edge(j, _):
            for u in range(4):
                jj = j * 4 + u
                ev = xrows[jj, pl.ds(64, 16)] + arows[jj, pl.ds(0, 16)]
                ev = jnp.maximum(ev, 0.2 * ev)
                ex = jnp.exp(ev)
                mrows[jj, pl.ds(64, 16)] = ex
                for k in range(4):
                    mrows[jj, pl.ds(16 * k, 16)] = (
                        xrows[jj, pl.ds(16 * k, 16)] * ex[0])
            return 0

        lax.fori_loop(0, C // 4, _edge, 0)
        pltpu.sync_copy(mrows, acc.at[dloc], add=True)
        return 0

    lax.fori_loop(0, CW, _chunk, 0)
    plsc.subcore_barrier()
    _writeback(acc, mrows, out_hbm, c, s)


def _sc2():
  return pl.kernel(
    _sc_edges2,
    out_type=jax.ShapeDtypeStruct((NP, W2ACC), _f32),
    mesh=_mesh(),
    scratch_types=[
        pltpu.VMEM((C,), _i32),
        pltpu.VMEM((C,), _i32),
        pltpu.VMEM((C,), _i32),
        pltpu.VMEM((C, 128), _f32),
        pltpu.VMEM((C, 128), _f32),
        pltpu.VMEM((C, W2ACC), _f32),
        pltpu.VMEM_SHARED((AROWS, W2ACC), _f32),
        pltpu.SemaphoreType.DMA,
        pltpu.SemaphoreType.DMA,
    ],
  )


_BT = 2048


def _tc_a_body(x_ref, w1_ref, ela_ref, era_ref, xo_ref, er_ref):
    f = jnp.dot(x_ref[...], w1_ref[...], preferred_element_type=_f32)
    el = jnp.dot(f, ela_ref[...], preferred_element_type=_f32)
    z = jnp.zeros((f.shape[0], 112), _f32)
    xo_ref[...] = jnp.concatenate([f, el, z], axis=1)
    er_ref[...] = jnp.dot(f, era_ref[...], preferred_element_type=_f32)


def _tc_a(xp, W1, ela, era):
    return pl.pallas_call(
        _tc_a_body,
        grid=(NP // _BT,),
        in_specs=[
            pl.BlockSpec((_BT, 128), lambda i: (i, 0)),
            pl.BlockSpec((128, 128), lambda i: (0, 0)),
            pl.BlockSpec((128, 16), lambda i: (0, 0)),
            pl.BlockSpec((128, 128), lambda i: (0, 0)),
        ],
        out_specs=[
            pl.BlockSpec((_BT, 256), lambda i: (i, 0)),
            pl.BlockSpec((_BT, 128), lambda i: (i, 0)),
        ],
        out_shape=[
            jax.ShapeDtypeStruct((NP, 256), _f32),
            jax.ShapeDtypeStruct((NP, 128), _f32),
        ],
    )(xp, W1, ela, era)


def _tc_b_body(q_ref, d_ref, b1_ref, exp_ref, w2x_ref, wr2_ref,
               x2_ref, er2_ref):
    den = jnp.dot(d_ref[...], exp_ref[...],
                  preferred_element_type=_f32) + 1e-16
    x2 = jnp.maximum(q_ref[...] / den + b1_ref[...], 0.0)
    x2_ref[...] = jnp.dot(x2, w2x_ref[...], preferred_element_type=_f32)
    er2_ref[...] = jnp.dot(x2, wr2_ref[...], preferred_element_type=_f32)


def _tc_b(q, d, b1, exp16, W2x, Wr2):
    return pl.pallas_call(
        _tc_b_body,
        grid=(NP // _BT,),
        in_specs=[
            pl.BlockSpec((_BT, 128), lambda i: (i, 0)),
            pl.BlockSpec((_BT, 128), lambda i: (i, 0)),
            pl.BlockSpec((1, 128), lambda i: (0, 0)),
            pl.BlockSpec((128, 128), lambda i: (0, 0)),
            pl.BlockSpec((128, 128), lambda i: (0, 0)),
            pl.BlockSpec((128, 128), lambda i: (0, 0)),
        ],
        out_specs=[
            pl.BlockSpec((_BT, 128), lambda i: (i, 0)),
            pl.BlockSpec((_BT, 128), lambda i: (i, 0)),
        ],
        out_shape=[
            jax.ShapeDtypeStruct((NP, 128), _f32),
            jax.ShapeDtypeStruct((NP, 128), _f32),
        ],
    )(q, d, b1, exp16, W2x, Wr2)


def _tc_c_body(q_ref, b2_ref, wp_ref, bp_ref, y_ref):
    q = q_ref[...]
    den = q[:, 64:65] + 1e-16
    x3 = jnp.maximum(q[:, :64] / den + b2_ref[...], 0.0)
    y = jnp.dot(x3, wp_ref[...], preferred_element_type=_f32) + bp_ref[...]
    y_ref[...] = 1.0 / (1.0 + jnp.exp(-y))


def _tc_c(q, b2, wp8, bp8):
    return pl.pallas_call(
        _tc_c_body,
        grid=(NP // _BT,),
        in_specs=[
            pl.BlockSpec((_BT, W2ACC), lambda i: (i, 0)),
            pl.BlockSpec((1, 64), lambda i: (0, 0)),
            pl.BlockSpec((64, 8), lambda i: (0, 0)),
            pl.BlockSpec((1, 8), lambda i: (0, 0)),
        ],
        out_specs=pl.BlockSpec((_BT, 8), lambda i: (i, 0)),
        out_shape=jax.ShapeDtypeStruct((NP, 8), _f32),
    )(q, b2, wp8, bp8)


def kernel(features, edge_index, edge_types, W1, attn_l1, attn_r1, bias1,
           W2, attn_l2, attn_r2, bias2, Wp, bp):
    del edge_types

    xp = jnp.pad(features, ((0, NP - N), (0, 0)))
    srcp = jnp.concatenate(
        [edge_index[0], jnp.full((EP - E,), N, _i32)])
    dstp = jnp.concatenate(
        [edge_index[1], jnp.full((EP - E,), N, _i32)])

    eye8_16 = jnp.concatenate([jnp.eye(8, dtype=_f32),
                               jnp.zeros((8, 8), _f32)], axis=1)
    ela = (attn_l1[0][:, :, None] * eye8_16[:, None, :]).reshape(128, 16)
    era = jnp.pad(
        (attn_r1[0][:, :, None] * eye8_16[:, None, :]).reshape(128, 16),
        ((0, 0), (0, 112)))
    exp16 = jnp.concatenate(
        [jnp.kron(jnp.eye(8, dtype=_f32), jnp.ones((1, 16), _f32)),
         jnp.zeros((120, 128), _f32)], axis=0)
    el2w = W2 @ attn_l2[0, 0]
    er2w = W2 @ attn_r2[0, 0]
    W2x = jnp.concatenate(
        [W2, el2w[:, None], jnp.zeros((128, 63), _f32)], axis=1)
    Wr2 = jnp.concatenate(
        [er2w[:, None], jnp.zeros((128, 127), _f32)], axis=1)
    wp8 = jnp.zeros((64, 8), _f32).at[:, 0].set(Wp[:, 0])
    bp8 = jnp.broadcast_to(bp[0], (1, 8))
    b1 = bias1.reshape(1, 128)
    b2 = bias2.reshape(1, 64)

    x1, er1 = _tc_a(xp, W1, ela, era)
    out1, den1 = _sc1()(srcp, dstp, x1, er1)

    x2, er2 = _tc_b(out1, den1, b1, exp16, W2x, Wr2)
    out2 = _sc2()(srcp, dstp, x2, er2)

    y8 = _tc_c(out2, b2, wp8, bp8)
    return y8[:N, 0]

# --- scband reference (transcript-rebuilt; emitter-appended) ---
"""Pipeline reference for scband-gatmodel2-13804024889636 (READ-ONLY COPY).

The authoritative reference and input builder live on the scoring server;
editing this copy changes nothing except your own understanding.
"""

import jax, jax.numpy as jnp
import numpy as np

N = 10000
E = 320000
IN_FEATS = 128
HIDDEN = 16
HEADS = 8
OUT_FEATS = 64


def setup_inputs(seed: int = 0):
    key = jax.random.key(seed)
    ks = jax.random.split(key, 14)
    features = jax.random.normal(ks[0], (N, IN_FEATS), dtype=jnp.float32)
    edge_index = jax.random.randint(ks[1], (2, E), 0, N, dtype=jnp.int32)
    edge_types = jax.random.randint(ks[2], (E,), 0, 4, dtype=jnp.int32)
    W1 = jax.random.normal(ks[3], (IN_FEATS, HEADS * HIDDEN), dtype=jnp.float32) * (1.0 / np.sqrt(IN_FEATS))
    attn_l1 = jax.random.normal(ks[4], (1, HEADS, HIDDEN), dtype=jnp.float32) * 0.1
    attn_r1 = jax.random.normal(ks[5], (1, HEADS, HIDDEN), dtype=jnp.float32) * 0.1
    bias1 = jnp.zeros((HEADS * HIDDEN,), dtype=jnp.float32)
    W2 = jax.random.normal(ks[6], (HEADS * HIDDEN, OUT_FEATS), dtype=jnp.float32) * (1.0 / np.sqrt(HEADS * HIDDEN))
    attn_l2 = jax.random.normal(ks[7], (1, 1, OUT_FEATS), dtype=jnp.float32) * 0.1
    attn_r2 = jax.random.normal(ks[8], (1, 1, OUT_FEATS), dtype=jnp.float32) * 0.1
    bias2 = jnp.zeros((OUT_FEATS,), dtype=jnp.float32)
    Wp = jax.random.normal(ks[9], (OUT_FEATS, 1), dtype=jnp.float32) * (1.0 / np.sqrt(OUT_FEATS))
    bp = jnp.zeros((1,), dtype=jnp.float32)
    return {"features": features, "edge_index": edge_index, "edge_types": edge_types,
            "W1": W1, "attn_l1": attn_l1, "attn_r1": attn_r1, "bias1": bias1,
            "W2": W2, "attn_l2": attn_l2, "attn_r2": attn_r2, "bias2": bias2,
            "Wp": Wp, "bp": bp}


def gat_conv(x, src, dst, W, attn_l, attn_r, bias, heads, dout):
    # DGL-style GATConv: shared linear, additive attention, edge softmax over dst
    feat = (x @ W).reshape(-1, heads, dout)          # [N, H, D]
    el = jnp.sum(feat * attn_l, axis=-1)             # [N, H]
    er = jnp.sum(feat * attn_r, axis=-1)             # [N, H]
    e = jax.nn.leaky_relu(el[src] + er[dst], negative_slope=0.2)  # [E, H]
    emax = jax.ops.segment_max(e, dst, num_segments=N)
    emax = jnp.where(jnp.isneginf(emax), 0.0, emax)
    emax = jax.lax.stop_gradient(emax)               # standard softmax stabilization
    ex = jnp.exp(e - emax[dst])
    denom = jax.ops.segment_sum(ex, dst, num_segments=N)
    alpha = ex / (denom[dst] + 1e-16)                # [E, H]
    msg = alpha[:, :, None] * feat[src]              # [E, H, D]
    out = jax.ops.segment_sum(msg, dst, num_segments=N)  # [N, H, D]
    return out + bias.reshape(1, heads, dout)


def reference(features, edge_index, edge_types, W1, attn_l1, attn_r1, bias1,
              W2, attn_l2, attn_r2, bias2, Wp, bp):
    src = edge_index[0]
    dst = edge_index[1]
    x = gat_conv(features, src, dst, W1, attn_l1, attn_r1, bias1, HEADS, HIDDEN)
    x = x.reshape(-1, HEADS * HIDDEN)
    x = jax.nn.relu(x)
    # dropout p=0.0 -> identity
    x = gat_conv(x, src, dst, W2, attn_l2, attn_r2, bias2, 1, OUT_FEATS)
    x = x[:, 0, :]
    x = jax.nn.relu(x)
    x = (x @ Wp + bp)[:, 0]
    return jax.nn.sigmoid(x)

if __name__ == "__main__":
    import jax
    _d = setup_inputs()
    print(jax.jit(kernel)(*tuple(_d.values())))

</pallas_src>

<mosaic_0001>
#map = affine_map<(d0, d1) -> (0)>
#map1 = affine_map<(d0, d1) -> (0, 0)>
module attributes {stable_mosaic.version = 14 : i64} {
  func.func @_sc_edges2(%arg0: i32, %arg1: i32, %arg2: memref<323584xi32, #tpu.memory_space<hbm>>, %arg3: memref<323584xi32, #tpu.memory_space<hbm>>, %arg4: memref<10240x128xf32, #tpu.memory_space<hbm>>, %arg5: memref<10240x128xf32, #tpu.memory_space<hbm>>, %arg6: memref<10240x128xf32, #tpu.memory_space<hbm>>, %arg7: memref<64xi32, #tpu.memory_space<vmem>>, %arg8: memref<64xi32, #tpu.memory_space<vmem>>, %arg9: memref<64xi32, #tpu.memory_space<vmem>>, %arg10: memref<64x128xf32, #tpu.memory_space<vmem>>, %arg11: memref<64x128xf32, #tpu.memory_space<vmem>>, %arg12: memref<64x128xf32, #tpu.memory_space<vmem>>, %arg13: memref<5128x128xf32, #tpu.memory_space<vmem_shared>>, %arg14: memref<!tpu.dma_semaphore, #tpu.memory_space<semaphore_mem>>, %arg15: memref<!tpu.dma_semaphore, #tpu.memory_space<semaphore_mem>>) attributes {dimension_semantics = [#tpu.dimension_semantics<core_parallel>, #tpu.dimension_semantics<subcore_parallel>], iteration_bounds = array<i64: 2, 16>, scalar_prefetch = 0 : i64, scratch_operands = 9 : i64, tpu.core_type = #tpu.core_type<sc_vector_subcore>, window_params = [{transform_indices = #map}, {transform_indices = #map}, {transform_indices = #map1}, {transform_indices = #map1}, {transform_indices = #map1}]} {
    %broadcast_in_dim3A = arith.constant 0.000000e+00 : f32
    %broadcast_in_dim3A_0 = vector.broadcast %broadcast_in_dim3A : f32 to vector<16xf32>
    %scan3A = arith.constant 0 : i32
    %scan3A_1 = arith.constant 0 : i32
    %scan3A_2 = arith.constant 64 : i32
    %scan3A_3 = arith.addi %scan3A_1, %scan3A_2 : i32
    %scan3A_4 = arith.constant 1 : i32
    %scan3A_5 = scf.for %scan3A_54 = %scan3A_1 to %scan3A_3 step %scan3A_4 iter_args(%scan3A_55 = %scan3A) -> (i32)  : i32 {
      %swap3A = arith.index_cast %scan3A_54 : i32 to index
      %swap3A_56 = arith.constant 0 : index
      %swap3A_57 = tpu.vector_load %arg12[%swap3A, %swap3A_56] {strides = array<i32>} : memref<64x128xf32, #tpu.memory_space<vmem>>, vector<1x16xf32>,
      %swap3A_58 = vector.shape_cast %swap3A_57 : vector<1x16xf32> to vector<16xf32>
      %swap3A_59 = vector.shape_cast %broadcast_in_dim3A_0 : vector<16xf32> to vector<1x16xf32>
      tpu.vector_store %arg12[%swap3A, %swap3A_56], %swap3A_59 {strides = array<i32>} : memref<64x128xf32, #tpu.memory_space<vmem>>, vector<1x16xf32>,
      %swap3A_60 = arith.index_cast %scan3A_54 : i32 to index
      %swap3A_61 = arith.constant 16 : index
      %swap3A_62 = tpu.vector_load %arg12[%swap3A_60, %swap3A_61] {strides = array<i32>} : memref<64x128xf32, #tpu.memory_space<vmem>>, vector<1x16xf32>,
      %swap3A_63 = vector.shape_cast %swap3A_62 : vector<1x16xf32> to vector<16xf32>
      %swap3A_64 = vector.shape_cast %broadcast_in_dim3A_0 : vector<16xf32> to vector<1x16xf32>
      tpu.vector_store %arg12[%swap3A_60, %swap3A_61], %swap3A_64 {strides = array<i32>} : memref<64x128xf32, #tpu.memory_space<vmem>>, vector<1x16xf32>,
      %swap3A_65 = arith.index_cast %scan3A_54 : i32 to index
      %swap3A_66 = arith.constant 32 : index
      %swap3A_67 = tpu.vector_load %arg12[%swap3A_65, %swap3A_66] {strides = array<i32>} : memref<64x128xf32, #tpu.memory_space<vmem>>, vector<1x16xf32>,
      %swap3A_68 = vector.shape_cast %swap3A_67 : vector<1x16xf32> to vector<16xf32>
      %swap3A_69 = vector.shape_cast %broadcast_in_dim3A_0 : vector<16xf32> to vector<1x16xf32>
      tpu.vector_store %arg12[%swap3A_65, %swap3A_66], %swap3A_69 {strides = array<i32>} : memref<64x128xf32, #tpu.memory_space<vmem>>, vector<1x16xf32>,
      %swap3A_70 = arith.index_cast %scan3A_54 : i32 to index
      %swap3A_71 = arith.constant 48 : index
      %swap3A_72 = tpu.vector_load %arg12[%swap3A_70, %swap3A_71] {strides = array<i32>} : memref<64x128xf32, #tpu.memory_space<vmem>>, vector<1x16xf32>,
      %swap3A_73 = vector.shape_cast %swap3A_72 : vector<1x16xf32> to vector<16xf32>
      %swap3A_74 = vector.shape_cast %broadcast_in_dim3A_0 : vector<16xf32> to vector<1x16xf32>
      tpu.vector_store %arg12[%swap3A_70, %swap3A_71], %swap3A_74 {strides = array<i32>} : memref<64x128xf32, #tpu.memory_space<vmem>>, vector<1x16xf32>,
      %swap3A_75 = arith.index_cast %scan3A_54 : i32 to index
      %swap3A_76 = arith.constant 64 : index
      %swap3A_77 = tpu.vector_load %arg12[%swap3A_75, %swap3A_76] {strides = array<i32>} : memref<64x128xf32, #tpu.memory_space<vmem>>, vector<1x16xf32>,
      %swap3A_78 = vector.shape_cast %swap3A_77 : vector<1x16xf32> to vector<16xf32>
      %swap3A_79 = vector.shape_cast %broadcast_in_dim3A_0 : vector<16xf32> to vector<1x16xf32>
      tpu.vector_store %arg12[%swap3A_75, %swap3A_76], %swap3A_79 {strides = array<i32>} : memref<64x128xf32, #tpu.memory_space<vmem>>, vector<1x16xf32>,
      %swap3A_80 = arith.index_cast %scan3A_54 : i32 to index
      %swap3A_81 = arith.constant 80 : index
      %swap3A_82 = tpu.vector_load %arg12[%swap3A_80, %swap3A_81] {strides = array<i32>} : memref<64x128xf32, #tpu.memory_space<vmem>>, vector<1x16xf32>,
      %swap3A_83 = vector.shape_cast %swap3A_82 : vector<1x16xf32> to vector<16xf32>
      %swap3A_84 = vector.shape_cast %broadcast_in_dim3A_0 : vector<16xf32> to vector<1x16xf32>
      tpu.vector_store %arg12[%swap3A_80, %swap3A_81], %swap3A_84 {strides = array<i32>} : memref<64x128xf32, #tpu.memory_space<vmem>>, vector<1x16xf32>,
      %swap3A_85 = arith.index_cast %scan3A_54 : i32 to index
      %swap3A_86 = arith.constant 96 : index
      %swap3A_87 = tpu.vector_load %arg12[%swap3A_85, %swap3A_86] {strides = array<i32>} : memref<64x128xf32, #tpu.memory_space<vmem>>, vector<1x16xf32>,
      %swap3A_88 = vector.shape_cast %swap3A_87 : vector<1x16xf32> to vector<16xf32>
      %swap3A_89 = vector.shape_cast %broadcast_in_dim3A_0 : vector<16xf32> to vector<1x16xf32>
      tpu.vector_store %arg12[%swap3A_85, %swap3A_86], %swap3A_89 {strides = array<i32>} : memref<64x128xf32, #tpu.memory_space<vmem>>, vector<1x16xf32>,
      %swap3A_90 = arith.index_cast %scan3A_54 : i32 to index
      %swap3A_91 = arith.constant 112 : index
      %swap3A_92 = tpu.vector_load %arg12[%swap3A_90, %swap3A_91] {strides = array<i32>} : memref<64x128xf32, #tpu.memory_space<vmem>>, vector<1x16xf32>,
      %swap3A_93 = vector.shape_cast %swap3A_92 : vector<1x16xf32> to vector<16xf32>
      %swap3A_94 = vector.shape_cast %broadcast_in_dim3A_0 : vector<16xf32> to vector<1x16xf32>
      tpu.vector_store %arg12[%swap3A_90, %swap3A_91], %swap3A_94 {strides = array<i32>} : memref<64x128xf32, #tpu.memory_space<vmem>>, vector<1x16xf32>,
      %scan3A_95 = arith.constant 0 : i32
      scf.yield %scan3A_95 : i32
    }
    %scan3A_6 = arith.constant 64 : i32
    %mul3A = arith.constant 320 : i32
    %mul3A_7 = arith.muli %arg1, %mul3A : i32
    %add3A = arith.constant 0 : i32
    %add3A_8 = arith.addi %mul3A_7, %add3A : i32
    "tpu.region"() ({
      %run_scoped3A = tpu.sem_alloc : memref<!tpu.dma_semaphore, #tpu.memory_space<semaphore_mem>>
      %dma_start3A = arith.constant 0 : i32
      %dma_start3A_54 = arith.constant 0 : i32
      %dma_start3A_55 = tpu.memref_slice %arg12[%dma_start3A, %dma_start3A_54] : memref<64x128xf32, #tpu.memory_space<vmem>> -> memref<64x128xf32, #tpu.memory_space<vmem>>
      %dma_start3A_56 = arith.constant 0 : i32
      %dma_start3A_57 = tpu.memref_slice %arg13[%add3A_8, %dma_start3A_56] : memref<5128x128xf32, #tpu.memory_space<vmem_shared>> -> memref<64x128xf32, #tpu.memory_space<vmem_shared>>
      %dma_start3A_58 = arith.constant 0 : i32
      %dma_start3A_59 = tpu.memref_slice %arg13[%add3A_8, %dma_start3A_58] : memref<5128x128xf32, #tpu.memory_space<vmem_shared>> -> memref<64x128xf32, #tpu.memory_space<vmem_shared>>
      %dma_start3A_60 = arith.constant 0 : i32
      %dma_start3A_61 = arith.constant 0 : i32
      %dma_start3A_62 = tpu.memref_slice %arg12[%dma_start3A_60, %dma_start3A_61] : memref<64x128xf32, #tpu.memory_space<vmem>> -> memref<64x128xf32, #tpu.memory_space<vmem>>
      tpu.enqueue_dma source(%dma_start3A_62 : memref<64x128xf32, #tpu.memory_space<vmem>>) target(%dma_start3A_59 : memref<64x128xf32, #tpu.memory_space<vmem_shared>>) target_semaphore(%run_scoped3A : memref<!tpu.dma_semaphore, #tpu.memory_space<semaphore_mem>>)
      %dma_wait3A = arith.constant 0 : i32
      %dma_wait3A_63 = arith.constant 0 : i32
      %dma_wait3A_64 = tpu.memref_slice %arg12[%dma_wait3A, %dma_wait3A_63] : memref<64x128xf32, #tpu.memory_space<vmem>> -> memref<64x128xf32, #tpu.memory_space<vmem>>
      %dma_wait3A_65 = arith.constant 0 : i32
      %dma_wait3A_66 = tpu.memref_slice %arg13[%add3A_8, %dma_wait3A_65] : memref<5128x128xf32, #tpu.memory_space<vmem_shared>> -> memref<64x128xf32, #tpu.memory_space<vmem_shared>>
      %dma_wait3A_67 = arith.constant 0 : i32
      %dma_wait3A_68 = tpu.memref_slice %arg13[%add3A_8, %dma_wait3A_67] : memref<5128x128xf32, #tpu.memory_space<vmem_shared>> -> memref<64x128xf32, #tpu.memory_space<vmem_shared>>
      %dma_wait3A_69 = arith.constant 0 : i32
      %dma_wait3A_70 = arith.constant 0 : i32
      %dma_wait3A_71 = tpu.memref_slice %arg12[%dma_wait3A_69, %dma_wait3A_70] : memref<64x128xf32, #tpu.memory_space<vmem>> -> memref<64x128xf32, #tpu.memory_space<vmem>>
      tpu.wait_dma2 semaphore(%run_scoped3A : memref<!tpu.dma_semaphore, #tpu.memory_space<semaphore_mem>>) src(%dma_wait3A_71 : memref<64x128xf32, #tpu.memory_space<vmem>>) dst(%dma_wait3A_68 : memref<64x128xf32, #tpu.memory_space<vmem_shared>>)
      tpu.yield
    }) : () -> ()
    %add3A_9 = arith.constant 64 : i32
    %add3A_10 = arith.addi %mul3A_7, %add3A_9 : i32
    "tpu.region"() ({
      %run_scoped3A = tpu.sem_alloc : memref<!tpu.dma_semaphore, #tpu.memory_space<semaphore_mem>>
      %dma_start3A = arith.constant 0 : i32
      %dma_start3A_54 = arith.constant 0 : i32
      %dma_start3A_55 = tpu.memref_slice %arg12[%dma_start3A, %dma_start3A_54] : memref<64x128xf32, #tpu.memory_space<vmem>> -> memref<64x128xf32, #tpu.memory_space<vmem>>
      %dma_start3A_56 = arith.constant 0 : i32
      %dma_start3A_57 = tpu.memref_slice %arg13[%add3A_10, %dma_start3A_56] : memref<5128x128xf32, #tpu.memory_space<vmem_shared>> -> memref<64x128xf32, #tpu.memory_space<vmem_shared>>
      %dma_start3A_58 = arith.constant 0 : i32
      %dma_start3A_59 = tpu.memref_slice %arg13[%add3A_10, %dma_start3A_58] : memref<5128x128xf32, #tpu.memory_space<vmem_shared>> -> memref<64x128xf32, #tpu.memory_space<vmem_shared>>
      %dma_start3A_60 = arith.constant 0 : i32
      %dma_start3A_61 = arith.constant 0 : i32
      %dma_start3A_62 = tpu.memref_slice %arg12[%dma_start3A_60, %dma_start3A_61] : memref<64x128xf32, #tpu.memory_space<vmem>> -> memref<64x128xf32, #tpu.memory_space<vmem>>
      tpu.enqueue_dma source(%dma_start3A_62 : memref<64x128xf32, #tpu.memory_space<vmem>>) target(%dma_start3A_59 : memref<64x128xf32, #tpu.memory_space<vmem_shared>>) target_semaphore(%run_scoped3A : memref<!tpu.dma_semaphore, #tpu.memory_space<semaphore_mem>>)
      %dma_wait3A = arith.constant 0 : i32
      %dma_wait3A_63 = arith.constant 0 : i32
      %dma_wait3A_64 = tpu.memref_slice %arg12[%dma_wait3A, %dma_wait3A_63] : memref<64x128xf32, #tpu.memory_space<vmem>> -> memref<64x128xf32, #tpu.memory_space<vmem>>
      %dma_wait3A_65 = arith.constant 0 : i32
      %dma_wait3A_66 = tpu.memref_slice %arg13[%add3A_10, %dma_wait3A_65] : memref<5128x128xf32, #tpu.memory_space<vmem_shared>> -> memref<64x128xf32, #tpu.memory_space<vmem_shared>>
      %dma_wait3A_67 = arith.constant 0 : i32
      %dma_wait3A_68 = tpu.memref_slice %arg13[%add3A_10, %dma_wait3A_67] : memref<5128x128xf32, #tpu.memory_space<vmem_shared>> -> memref<64x128xf32, #tpu.memory_space<vmem_shared>>
      %dma_wait3A_69 = arith.constant 0 : i32
      %dma_wait3A_70 = arith.constant 0 : i32
      %dma_wait3A_71 = tpu.memref_slice %arg12[%dma_wait3A_69, %dma_wait3A_70] : memref<64x128xf32, #tpu.memory_space<vmem>> -> memref<64x128xf32, #tpu.memory_space<vmem>>
      tpu.wait_dma2 semaphore(%run_scoped3A : memref<!tpu.dma_semaphore, #tpu.memory_space<semaphore_mem>>) src(%dma_wait3A_71 : memref<64x128xf32, #tpu.memory_space<vmem>>) dst(%dma_wait3A_68 : memref<64x128xf32, #tpu.memory_space<vmem_shared>>)
      tpu.yield
    }) : () -> ()
    %add3A_11 = arith.constant 128 : i32
    %add3A_12 = arith.addi %mul3A_7, %add3A_11 : i32
    "tpu.region"() ({
      %run_scoped3A = tpu.sem_alloc : memref<!tpu.dma_semaphore, #tpu.memory_space<semaphore_mem>>
      %dma_start3A = arith.constant 0 : i32
      %dma_start3A_54 = arith.constant 0 : i32
      %dma_start3A_55 = tpu.memref_slice %arg12[%dma_start3A, %dma_start3A_54] : memref<64x128xf32, #tpu.memory_space<vmem>> -> memref<64x128xf32, #tpu.memory_space<vmem>>
      %dma_start3A_56 = arith.constant 0 : i32
      %dma_start3A_57 = tpu.memref_slice %arg13[%add3A_12, %dma_start3A_56] : memref<5128x128xf32, #tpu.memory_space<vmem_shared>> -> memref<64x128xf32, #tpu.memory_space<vmem_shared>>
      %dma_start3A_58 = arith.constant 0 : i32
      %dma_start3A_59 = tpu.memref_slice %arg13[%add3A_12, %dma_start3A_58] : memref<5128x128xf32, #tpu.memory_space<vmem_shared>> -> memref<64x128xf32, #tpu.memory_space<vmem_shared>>
      %dma_start3A_60 = arith.constant 0 : i32
      %dma_start3A_61 = arith.constant 0 : i32
      %dma_start3A_62 = tpu.memref_slice %arg12[%dma_start3A_60, %dma_start3A_61] : memref<64x128xf32, #tpu.memory_space<vmem>> -> memref<64x128xf32, #tpu.memory_space<vmem>>
      tpu.enqueue_dma source(%dma_start3A_62 : memref<64x128xf32, #tpu.memory_space<vmem>>) target(%dma_start3A_59 : memref<64x128xf32, #tpu.memory_space<vmem_shared>>) target_semaphore(%run_scoped3A : memref<!tpu.dma_semaphore, #tpu.memory_space<semaphore_mem>>)
      %dma_wait3A = arith.constant 0 : i32
      %dma_wait3A_63 = arith.constant 0 : i32
      %dma_wait3A_64 = tpu.memref_slice %arg12[%dma_wait3A, %dma_wait3A_63] : memref<64x128xf32, #tpu.memory_space<vmem>> -> memref<64x128xf32, #tpu.memory_space<vmem>>
      %dma_wait3A_65 = arith.constant 0 : i32
      %dma_wait3A_66 = tpu.memref_slice %arg13[%add3A_12, %dma_wait3A_65] : memref<5128x128xf32, #tpu.memory_space<vmem_shared>> -> memref<64x128xf32, #tpu.memory_space<vmem_shared>>
      %dma_wait3A_67 = arith.constant 0 : i32
      %dma_wait3A_68 = tpu.memref_slice %arg13[%add3A_12, %dma_wait3A_67] : memref<5128x128xf32, #tpu.memory_space<vmem_shared>> -> memref<64x128xf32, #tpu.memory_space<vmem_shared>>
      %dma_wait3A_69 = arith.constant 0 : i32
      %dma_wait3A_70 = arith.constant 0 : i32
      %dma_wait3A_71 = tpu.memref_slice %arg12[%dma_wait3A_69, %dma_wait3A_70] : memref<64x128xf32, #tpu.memory_space<vmem>> -> memref<64x128xf32, #tpu.memory_space<vmem>>
      tpu.wait_dma2 semaphore(%run_scoped3A : memref<!tpu.dma_semaphore, #tpu.memory_space<semaphore_mem>>) src(%dma_wait3A_71 : memref<64x128xf32, #tpu.memory_space<vmem>>) dst(%dma_wait3A_68 : memref<64x128xf32, #tpu.memory_space<vmem_shared>>)
      tpu.yield
    }) : () -> ()
    %add3A_13 = arith.constant 192 : i32
    %add3A_14 = arith.addi %mul3A_7, %add3A_13 : i32
    "tpu.region"() ({
      %run_scoped3A = tpu.sem_alloc : memref<!tpu.dma_semaphore, #tpu.memory_space<semaphore_mem>>
      %dma_start3A = arith.constant 0 : i32
      %dma_start3A_54 = arith.constant 0 : i32
      %dma_start3A_55 = tpu.memref_slice %arg12[%dma_start3A, %dma_start3A_54] : memref<64x128xf32, #tpu.memory_space<vmem>> -> memref<64x128xf32, #tpu.memory_space<vmem>>
      %dma_start3A_56 = arith.constant 0 : i32
      %dma_start3A_57 = tpu.memref_slice %arg13[%add3A_14, %dma_start3A_56] : memref<5128x128xf32, #tpu.memory_space<vmem_shared>> -> memref<64x128xf32, #tpu.memory_space<vmem_shared>>
      %dma_start3A_58 = arith.constant 0 : i32
      %dma_start3A_59 = tpu.memref_slice %arg13[%add3A_14, %dma_start3A_58] : memref<5128x128xf32, #tpu.memory_space<vmem_shared>> -> memref<64x128xf32, #tpu.memory_space<vmem_shared>>
      %dma_start3A_60 = arith.constant 0 : i32
      %dma_start3A_61 = arith.constant 0 : i32
      %dma_start3A_62 = tpu.memref_slice %arg12[%dma_start3A_60, %dma_start3A_61] : memref<64x128xf32, #tpu.memory_space<vmem>> -> memref<64x128xf32, #tpu.memory_space<vmem>>
      tpu.enqueue_dma source(%dma_start3A_62 : memref<64x128xf32, #tpu.memory_space<vmem>>) target(%dma_start3A_59 : memref<64x128xf32, #tpu.memory_space<vmem_shared>>) target_semaphore(%run_scoped3A : memref<!tpu.dma_semaphore, #tpu.memory_space<semaphore_mem>>)
      %dma_wait3A = arith.constant 0 : i32
      %dma_wait3A_63 = arith.constant 0 : i32
      %dma_wait3A_64 = tpu.memref_slice %arg12[%dma_wait3A, %dma_wait3A_63] : memref<64x128xf32, #tpu.memory_space<vmem>> -> memref<64x128xf32, #tpu.memory_space<vmem>>
      %dma_wait3A_65 = arith.constant 0 : i32
      %dma_wait3A_66 = tpu.memref_slice %arg13[%add3A_14, %dma_wait3A_65] : memref<5128x128xf32, #tpu.memory_space<vmem_shared>> -> memref<64x128xf32, #tpu.memory_space<vmem_shared>>
      %dma_wait3A_67 = arith.constant 0 : i32
      %dma_wait3A_68 = tpu.memref_slice %arg13[%add3A_14, %dma_wait3A_67] : memref<5128x128xf32, #tpu.memory_space<vmem_shared>> -> memref<64x128xf32, #tpu.memory_space<vmem_shared>>
      %dma_wait3A_69 = arith.constant 0 : i32
      %dma_wait3A_70 = arith.constant 0 : i32
      %dma_wait3A_71 = tpu.memref_slice %arg12[%dma_wait3A_69, %dma_wait3A_70] : memref<64x128xf32, #tpu.memory_space<vmem>> -> memref<64x128xf32, #tpu.memory_space<vmem>>
      tpu.wait_dma2 semaphore(%run_scoped3A : memref<!tpu.dma_semaphore, #tpu.memory_space<semaphore_mem>>) src(%dma_wait3A_71 : memref<64x128xf32, #tpu.memory_space<vmem>>) dst(%dma_wait3A_68 : memref<64x128xf32, #tpu.memory_space<vmem_shared>>)
      tpu.yield
    }) : () -> ()
    %add3A_15 = arith.constant 256 : i32
    %add3A_16 = arith.addi %mul3A_7, %add3A_15 : i32
    "tpu.region"() ({
      %run_scoped3A = tpu.sem_alloc : memref<!tpu.dma_semaphore, #tpu.memory_space<semaphore_mem>>
      %dma_start3A = arith.constant 0 : i32
      %dma_start3A_54 = arith.constant 0 : i32
      %dma_start3A_55 = tpu.memref_slice %arg12[%dma_start3A, %dma_start3A_54] : memref<64x128xf32, #tpu.memory_space<vmem>> -> memref<64x128xf32, #tpu.memory_space<vmem>>
      %dma_start3A_56 = arith.constant 0 : i32
      %dma_start3A_57 = tpu.memref_slice %arg13[%add3A_16, %dma_start3A_56] : memref<5128x128xf32, #tpu.memory_space<vmem_shared>> -> memref<64x128xf32, #tpu.memory_space<vmem_shared>>
      %dma_start3A_58 = arith.constant 0 : i32
      %dma_start3A_59 = tpu.memref_slice %arg13[%add3A_16, %dma_start3A_58] : memref<5128x128xf32, #tpu.memory_space<vmem_shared>> -> memref<64x128xf32, #tpu.memory_space<vmem_shared>>
      %dma_start3A_60 = arith.constant 0 : i32
      %dma_start3A_61 = arith.constant 0 : i32
      %dma_start3A_62 = tpu.memref_slice %arg12[%dma_start3A_60, %dma_start3A_61] : memref<64x128xf32, #tpu.memory_space<vmem>> -> memref<64x128xf32, #tpu.memory_space<vmem>>
      tpu.enqueue_dma source(%dma_start3A_62 : memref<64x128xf32, #tpu.memory_space<vmem>>) target(%dma_start3A_59 : memref<64x128xf32, #tpu.memory_space<vmem_shared>>) target_semaphore(%run_scoped3A : memref<!tpu.dma_semaphore, #tpu.memory_space<semaphore_mem>>)
      %dma_wait3A = arith.constant 0 : i32
      %dma_wait3A_63 = arith.constant 0 : i32
      %dma_wait3A_64 = tpu.memref_slice %arg12[%dma_wait3A, %dma_wait3A_63] : memref<64x128xf32, #tpu.memory_space<vmem>> -> memref<64x128xf32, #tpu.memory_space<vmem>>
      %dma_wait3A_65 = arith.constant 0 : i32
      %dma_wait3A_66 = tpu.memref_slice %arg13[%add3A_16, %dma_wait3A_65] : memref<5128x128xf32, #tpu.memory_space<vmem_shared>> -> memref<64x128xf32, #tpu.memory_space<vmem_shared>>
      %dma_wait3A_67 = arith.constant 0 : i32
      %dma_wait3A_68 = tpu.memref_slice %arg13[%add3A_16, %dma_wait3A_67] : memref<5128x128xf32, #tpu.memory_space<vmem_shared>> -> memref<64x128xf32, #tpu.memory_space<vmem_shared>>
      %dma_wait3A_69 = arith.constant 0 : i32
      %dma_wait3A_70 = arith.constant 0 : i32
      %dma_wait3A_71 = tpu.memref_slice %arg12[%dma_wait3A_69, %dma_wait3A_70] : memref<64x128xf32, #tpu.memory_space<vmem>> -> memref<64x128xf32, #tpu.memory_space<vmem>>
      tpu.wait_dma2 semaphore(%run_scoped3A : memref<!tpu.dma_semaphore, #tpu.memory_space<semaphore_mem>>) src(%dma_wait3A_71 : memref<64x128xf32, #tpu.memory_space<vmem>>) dst(%dma_wait3A_68 : memref<64x128xf32, #tpu.memory_space<vmem_shared>>)
      tpu.yield
    }) : () -> ()
    %eq3A = arith.constant 0 : i32
    %eq3A_17 = arith.cmpi eq, %arg1, %eq3A : i32
    %convert_element_type3A = arith.extui %eq3A_17 : i1 to i32
    %cond3A = arith.constant 0 : i32
    %cond3A_18 = arith.cmpi ne, %convert_element_type3A, %cond3A : i32
    scf.if %cond3A_18 {
      "tpu.region"() ({
        %run_scoped3A = tpu.sem_alloc : memref<!tpu.dma_semaphore, #tpu.memory_space<semaphore_mem>>
        %dma_start3A = arith.constant 0 : i32
        %dma_start3A_54 = arith.constant 0 : i32
        %dma_start3A_55 = tpu.memref_slice %arg12[%dma_start3A, %dma_start3A_54] : memref<64x128xf32, #tpu.memory_space<vmem>> -> memref<8x128xf32, #tpu.memory_space<vmem>>
        %dma_start3A_56 = arith.constant 5120 : i32
        %dma_start3A_57 = arith.constant 0 : i32
        %dma_start3A_58 = tpu.memref_slice %arg13[%dma_start3A_56, %dma_start3A_57] : memref<5128x128xf32, #tpu.memory_space<vmem_shared>> -> memref<8x128xf32, #tpu.memory_space<vmem_shared>>
        %dma_start3A_59 = arith.constant 5120 : i32
        %dma_start3A_60 = arith.constant 0 : i32
        %dma_start3A_61 = tpu.memref_slice %arg13[%dma_start3A_59, %dma_start3A_60] : memref<5128x128xf32, #tpu.memory_space<vmem_shared>> -> memref<8x128xf32, #tpu.memory_space<vmem_shared>>
        %dma_start3A_62 = arith.constant 0 : i32
        %dma_start3A_63 = arith.constant 0 : i32
        %dma_start3A_64 = tpu.memref_slice %arg12[%dma_start3A_62, %dma_start3A_63] : memref<64x128xf32, #tpu.memory_space<vmem>> -> memref<8x128xf32, #tpu.memory_space<vmem>>
        tpu.enqueue_dma source(%dma_start3A_64 : memref<8x128xf32, #tpu.memory_space<vmem>>) target(%dma_start3A_61 : memref<8x128xf32, #tpu.memory_space<vmem_shared>>) target_semaphore(%run_scoped3A : memref<!tpu.dma_semaphore, #tpu.memory_space<semaphore_mem>>)
        %dma_wait3A = arith.constant 0 : i32
        %dma_wait3A_65 = arith.constant 0 : i32
        %dma_wait3A_66 = tpu.memref_slice %arg12[%dma_wait3A, %dma_wait3A_65] : memref<64x128xf32, #tpu.memory_space<vmem>> -> memref<8x128xf32, #tpu.memory_space<vmem>>
        %dma_wait3A_67 = arith.constant 5120 : i32
        %dma_wait3A_68 = arith.constant 0 : i32
        %dma_wait3A_69 = tpu.memref_slice %arg13[%dma_wait3A_67, %dma_wait3A_68] : memref<5128x128xf32, #tpu.memory_space<vmem_shared>> -> memref<8x128xf32, #tpu.memory_space<vmem_shared>>
        %dma_wait3A_70 = arith.constant 5120 : i32
        %dma_wait3A_71 = arith.constant 0 : i32
        %dma_wait3A_72 = tpu.memref_slice %arg13[%dma_wait3A_70, %dma_wait3A_71] : memref<5128x128xf32, #tpu.memory_space<vmem_shared>> -> memref<8x128xf32, #tpu.memory_space<vmem_shared>>
        %dma_wait3A_73 = arith.constant 0 : i32
        %dma_wait3A_74 = arith.constant 0 : i32
        %dma_wait3A_75 = tpu.memref_slice %arg12[%dma_wait3A_73, %dma_wait3A_74] : memref<64x128xf32, #tpu.memory_space<vmem>> -> memref<8x128xf32, #tpu.memory_space<vmem>>
        tpu.wait_dma2 semaphore(%run_scoped3A : memref<!tpu.dma_semaphore, #tpu.memory_space<semaphore_mem>>) src(%dma_wait3A_75 : memref<8x128xf32, #tpu.memory_space<vmem>>) dst(%dma_wait3A_72 : memref<8x128xf32, #tpu.memory_space<vmem_shared>>)
        tpu.yield
      }) : () -> ()
    } else {
    }
    %barrier3A = arith.constant 0 : index
    tpu.barrier barrier_id(%barrier3A)
    %scan3A_19 = arith.constant 0 : i32
    %scan3A_20 = arith.constant 0 : i32
    %scan3A_21 = arith.constant 316 : i32
    %scan3A_22 = arith.addi %scan3A_20, %scan3A_21 : i32
    %scan3A_23 = arith.constant 1 : i32
    %scan3A_24 = scf.for %scan3A_54 = %scan3A_20 to %scan3A_22 step %scan3A_23 iter_args(%scan3A_55 = %scan3A_19) -> (i32)  : i32 {
      %mul3A_56 = arith.constant 316 : i32
      %mul3A_57 = arith.muli %arg1, %mul3A_56 : i32
      %add3A_58 = arith.addi %mul3A_57, %scan3A_54 : i32
      %mul3A_59 = arith.constant 64 : i32
      %mul3A_60 = arith.muli %add3A_58, %mul3A_59 : i32
      "tpu.region"() ({
        %run_scoped3A = tpu.sem_alloc : memref<!tpu.dma_semaphore, #tpu.memory_space<semaphore_mem>>
        %dma_start3A_149 = tpu.memref_slice %arg2[%mul3A_60] : memref<323584xi32, #tpu.memory_space<hbm>> -> memref<64xi32, #tpu.memory_space<hbm>>
        %dma_start3A_150 = tpu.memref_slice %arg2[%mul3A_60] : memref<323584xi32, #tpu.memory_space<hbm>> -> memref<64xi32, #tpu.memory_space<hbm>>
        tpu.enqueue_dma source(%dma_start3A_150 : memref<64xi32, #tpu.memory_space<hbm>>) target(%arg7 : memref<64xi32, #tpu.memory_space<vmem>>) target_semaphore(%run_scoped3A : memref<!tpu.dma_semaphore, #tpu.memory_space<semaphore_mem>>)
        %dma_wait3A_151 = tpu.memref_slice %arg2[%mul3A_60] : memref<323584xi32, #tpu.memory_space<hbm>> -> memref<64xi32, #tpu.memory_space<hbm>>
        %dma_wait3A_152 = tpu.memref_slice %arg2[%mul3A_60] : memref<323584xi32, #tpu.memory_space<hbm>> -> memref<64xi32, #tpu.memory_space<hbm>>
        tpu.wait_dma2 semaphore(%run_scoped3A : memref<!tpu.dma_semaphore, #tpu.memory_space<semaphore_mem>>) src(%dma_wait3A_152 : memref<64xi32, #tpu.memory_space<hbm>>) dst(%arg7 : memref<64xi32, #tpu.memory_space<vmem>>)
        tpu.yield
      }) : () -> ()
      "tpu.region"() ({
        %run_scoped3A = tpu.sem_alloc : memref<!tpu.dma_semaphore, #tpu.memory_space<semaphore_mem>>
        %dma_start3A_149 = tpu.memref_slice %arg3[%mul3A_60] : memref<323584xi32, #tpu.memory_space<hbm>> -> memref<64xi32, #tpu.memory_space<hbm>>
        %dma_start3A_150 = tpu.memref_slice %arg3[%mul3A_60] : memref<323584xi32, #tpu.memory_space<hbm>> -> memref<64xi32, #tpu.memory_space<hbm>>
        tpu.enqueue_dma source(%dma_start3A_150 : memref<64xi32, #tpu.memory_space<hbm>>) target(%arg8 : memref<64xi32, #tpu.memory_space<vmem>>) target_semaphore(%run_scoped3A : memref<!tpu.dma_semaphore, #tpu.memory_space<semaphore_mem>>)
        %dma_wait3A_151 = tpu.memref_slice %arg3[%mul3A_60] : memref<323584xi32, #tpu.memory_space<hbm>> -> memref<64xi32, #tpu.memory_space<hbm>>
        %dma_wait3A_152 = tpu.memref_slice %arg3[%mul3A_60] : memref<323584xi32, #tpu.memory_space<hbm>> -> memref<64xi32, #tpu.memory_space<hbm>>
        tpu.wait_dma2 semaphore(%run_scoped3A : memref<!tpu.dma_semaphore, #tpu.memory_space<semaphore_mem>>) src(%dma_wait3A_152 : memref<64xi32, #tpu.memory_space<hbm>>) dst(%arg8 : memref<64xi32, #tpu.memory_space<vmem>>)
        tpu.yield
      }) : () -> ()
      %dma_start3A = arith.constant 0 : i32
      %dma_start3A_61 = arith.constant 0 : i32
      %dma_start3A_62 = tpu.memref_slice %arg4[%dma_start3A, %dma_start3A_61] : memref<10240x128xf32, #tpu.memory_space<hbm>> -> memref<10240x128xf32, #tpu.memory_space<hbm>>
      tpu.enqueue_indirect_dma source(%dma_start3A_62 : memref<10240x128xf32, #tpu.memory_space<hbm>>) target(%arg10 : memref<64x128xf32, #tpu.memory_space<vmem>>) offsets(%arg7 : memref<64xi32, #tpu.memory_space<vmem>>) semaphore(%arg14 : memref<!tpu.dma_semaphore, #tpu.memory_space<semaphore_mem>>)
      %dma_start3A_63 = arith.constant 0 : i32
      %dma_start3A_64 = arith.constant 0 : i32
      %dma_start3A_65 = tpu.memref_slice %arg5[%dma_start3A_63, %dma_start3A_64] : memref<10240x128xf32, #tpu.memory_space<hbm>> -> memref<10240x128xf32, #tpu.memory_space<hbm>>
      tpu.enqueue_indirect_dma source(%dma_start3A_65 : memref<10240x128xf32, #tpu.memory_space<hbm>>) target(%arg11 : memref<64x128xf32, #tpu.memory_space<vmem>>) offsets(%arg8 : memref<64xi32, #tpu.memory_space<vmem>>) semaphore(%arg15 : memref<!tpu.dma_semaphore, #tpu.memory_space<semaphore_mem>>)
      %mul3A_66 = arith.constant 5120 : i32
      %mul3A_67 = arith.muli %arg0, %mul3A_66 : i32
      %get3A = arith.constant 0 : index
      %get3A_68 = tpu.vector_load %arg8[%get3A] {strides = array<i32>} : memref<64xi32, #tpu.memory_space<vmem>>, vector<16xi32>,
      %get3A_69 = vector.shape_cast %get3A_68 : vector<16xi32> to vector<16xi32>
      %sub3A = vector.broadcast %mul3A_67 : i32 to vector<16xi32>
      %sub3A_70 = arith.subi %get3A_69, %sub3A : vector<16xi32>
      %ge3A = arith.constant 0 : i32
      %ge3A_71 = vector.broadcast %ge3A : i32 to vector<16xi32>
      %ge3A_72 = arith.cmpi sge, %sub3A_70, %ge3A_71 : vector<16xi32>
      %lt3A = arith.constant 5120 : i32
      %lt3A_73 = vector.broadcast %lt3A : i32 to vector<16xi32>
      %lt3A_74 = arith.cmpi slt, %sub3A_70, %lt3A_73 : vector<16xi32>
      %and3A = arith.andi %ge3A_72, %lt3A_74 : vector<16xi1>
      %jit3A = arith.constant 5120 : i32
      %broadcast_in_dim3A_75 = vector.broadcast %jit3A : i32 to vector<16xi32>
      %select_n3A = arith.select %and3A, %sub3A_70, %broadcast_in_dim3A_75 : vector<16xi1>, vector<16xi32>
      %swap3A = arith.constant 0 : index
      %swap3A_76 = tpu.vector_load %arg9[%swap3A] {strides = array<i32>} : memref<64xi32, #tpu.memory_space<vmem>>, vector<16xi32>,
      %swap3A_77 = vector.shape_cast %swap3A_76 : vector<16xi32> to vector<16xi32>
      %swap3A_78 = vector.shape_cast %select_n3A : vector<16xi32> to vector<16xi32>
      tpu.vector_store %arg9[%swap3A], %swap3A_78 {strides = array<i32>} : memref<64xi32, #tpu.memory_space<vmem>>, vector<16xi32>,
      %get3A_79 = arith.constant 16 : index
      %get3A_80 = tpu.vector_load %arg8[%get3A_79] {strides = array<i32>} : memref<64xi32, #tpu.memory_space<vmem>>, vector<16xi32>,
      %get3A_81 = vector.shape_cast %get3A_80 : vector<16xi32> to vector<16xi32>
      %sub3A_82 = vector.broadcast %mul3A_67 : i32 to vector<16xi32>
      %sub3A_83 = arith.subi %get3A_81, %sub3A_82 : vector<16xi32>
      %ge3A_84 = arith.constant 0 : i32
      %ge3A_85 = vector.broadcast %ge3A_84 : i32 to vector<16xi32>
      %ge3A_86 = arith.cmpi sge, %sub3A_83, %ge3A_85 : vector<16xi32>
      %lt3A_87 = arith.constant 5120 : i32
      %lt3A_88 = vector.broadcast %lt3A_87 : i32 to vector<16xi32>
      %lt3A_89 = arith.cmpi slt, %sub3A_83, %lt3A_88 : vector<16xi32>
      %and3A_90 = arith.andi %ge3A_86, %lt3A_89 : vector<16xi1>
      %jit3A_91 = arith.constant 5120 : i32
      %broadcast_in_dim3A_92 = vector.broadcast %jit3A_91 : i32 to vector<16xi32>
      %select_n3A_93 = arith.select %and3A_90, %sub3A_83, %broadcast_in_dim3A_92 : vector<16xi1>, vector<16xi32>
      %swap3A_94 = arith.constant 16 : index
      %swap3A_95 = tpu.vector_load %arg9[%swap3A_94] {strides = array<i32>} : memref<64xi32, #tpu.memory_space<vmem>>, vector<16xi32>,
      %swap3A_96 = vector.shape_cast %swap3A_95 : vector<16xi32> to vector<16xi32>
      %swap3A_97 = vector.shape_cast %select_n3A_93 : vector<16xi32> to vector<16xi32>
      tpu.vector_store %arg9[%swap3A_94], %swap3A_97 {strides = array<i32>} : memref<64xi32, #tpu.memory_space<vmem>>, vector<16xi32>,
      %get3A_98 = arith.constant 32 : index
      %get3A_99 = tpu.vector_load %arg8[%get3A_98] {strides = array<i32>} : memref<64xi32, #tpu.memory_space<vmem>>, vector<16xi32>,
      %get3A_100 = vector.shape_cast %get3A_99 : vector<16xi32> to vector<16xi32>
      %sub3A_101 = vector.broadcast %mul3A_67 : i32 to vector<16xi32>
      %sub3A_102 = arith.subi %get3A_100, %sub3A_101 : vector<16xi32>
      %ge3A_103 = arith.constant 0 : i32
      %ge3A_104 = vector.broadcast %ge3A_103 : i32 to vector<16xi32>
      %ge3A_105 = arith.cmpi sge, %sub3A_102, %ge3A_104 : vector<16xi32>
      %lt3A_106 = arith.constant 5120 : i32
      %lt3A_107 = vector.broadcast %lt3A_106 : i32 to vector<16xi32>
      %lt3A_108 = arith.cmpi slt, %sub3A_102, %lt3A_107 : vector<16xi32>
      %and3A_109 = arith.andi %ge3A_105, %lt3A_108 : vector<16xi1>
      %jit3A_110 = arith.constant 5120 : i32
      %broadcast_in_dim3A_111 = vector.broadcast %jit3A_110 : i32 to vector<16xi32>
      %select_n3A_112 = arith.select %and3A_109, %sub3A_102, %broadcast_in_dim3A_111 : vector<16xi1>, vector<16xi32>
      %swap3A_113 = arith.constant 32 : index
      %swap3A_114 = tpu.vector_load %arg9[%swap3A_113] {strides = array<i32>} : memref<64xi32, #tpu.memory_space<vmem>>, vector<16xi32>,
      %swap3A_115 = vector.shape_cast %swap3A_114 : vector<16xi32> to vector<16xi32>
      %swap3A_116 = vector.shape_cast %select_n3A_112 : vector<16xi32> to vector<16xi32>
      tpu.vector_store %arg9[%swap3A_113], %swap3A_116 {strides = array<i32>} : memref<64xi32, #tpu.memory_space<vmem>>, vector<16xi32>,
      %get3A_117 = arith.constant 48 : index
      %get3A_118 = tpu.vector_load %arg8[%get3A_117] {strides = array<i32>} : memref<64xi32, #tpu.memory_space<vmem>>, vector<16xi32>,
      %get3A_119 = vector.shape_cast %get3A_118 : vector<16xi32> to vector<16xi32>
      %sub3A_120 = vector.broadcast %mul3A_67 : i32 to vector<16xi32>
      %sub3A_121 = arith.subi %get3A_119, %sub3A_120 : vector<16xi32>
      %ge3A_122 = arith.constant 0 : i32
      %ge3A_123 = vector.broadcast %ge3A_122 : i32 to vector<16xi32>
      %ge3A_124 = arith.cmpi sge, %sub3A_121, %ge3A_123 : vector<16xi32>
      %lt3A_125 = arith.constant 5120 : i32
      %lt3A_126 = vector.broadcast %lt3A_125 : i32 to vector<16xi32>
      %lt3A_127 = arith.cmpi slt, %sub3A_121, %lt3A_126 : vector<16xi32>
      %and3A_128 = arith.andi %ge3A_124, %lt3A_127 : vector<16xi1>
      %jit3A_129 = arith.constant 5120 : i32
      %broadcast_in_dim3A_130 = vector.broadcast %jit3A_129 : i32 to vector<16xi32>
      %select_n3A_131 = arith.select %and3A_128, %sub3A_121, %broadcast_in_dim3A_130 : vector<16xi1>, vector<16xi32>
      %swap3A_132 = arith.constant 48 : index
      %swap3A_133 = tpu.vector_load %arg9[%swap3A_132] {strides = array<i32>} : memref<64xi32, #tpu.memory_space<vmem>>, vector<16xi32>,
      %swap3A_134 = vector.shape_cast %swap3A_133 : vector<16xi32> to vector<16xi32>
      %swap3A_135 = vector.shape_cast %select_n3A_131 : vector<16xi32> to vector<16xi32>
      tpu.vector_store %arg9[%swap3A_132], %swap3A_135 {strides = array<i32>} : memref<64xi32, #tpu.memory_space<vmem>>, vector<16xi32>,
      %dma_wait3A = arith.constant 0 : i32
      %dma_wait3A_136 = arith.constant 0 : i32
      %dma_wait3A_137 = tpu.memref_slice %arg4[%dma_wait3A, %dma_wait3A_136] : memref<10240x128xf32, #tpu.memory_space<hbm>> -> memref<10240x128xf32, #tpu.memory_space<hbm>>
      tpu.wait_indirect_dma semaphore(%arg14 : memref<!tpu.dma_semaphore, #tpu.memory_space<semaphore_mem>>) src(%dma_wait3A_137 : memref<10240x128xf32, #tpu.memory_space<hbm>>) dst(%arg10 : memref<64x128xf32, #tpu.memory_space<vmem>>)
      %dma_wait3A_138 = arith.constant 0 : i32
      %dma_wait3A_139 = arith.constant 0 : i32
      %dma_wait3A_140 = tpu.memref_slice %arg5[%dma_wait3A_138, %dma_wait3A_139] : memref<10240x128xf32, #tpu.memory_space<hbm>> -> memref<10240x128xf32, #tpu.memory_space<hbm>>
      tpu.wait_indirect_dma semaphore(%arg15 : memref<!tpu.dma_semaphore, #tpu.memory_space<semaphore_mem>>) src(%dma_wait3A_140 : memref<10240x128xf32, #tpu.memory_space<hbm>>) dst(%arg11 : memref<64x128xf32, #tpu.memory_space<vmem>>)
      %scan3A_141 = arith.constant 0 : i32
      %scan3A_142 = arith.constant 0 : i32
      %scan3A_143 = arith.constant 16 : i32
      %scan3A_144 = arith.addi %scan3A_142, %scan3A_143 : i32
      %scan3A_145 = arith.constant 1 : i32
      %scan3A_146 = scf.for %scan3A_149 = %scan3A_142 to %scan3A_144 step %scan3A_145 iter_args(%scan3A_150 = %scan3A_141) -> (i32)  : i32 {
        %mul3A_151 = arith.constant 4 : i32
        %mul3A_152 = arith.muli %scan3A_149, %mul3A_151 : i32
        %add3A_153 = arith.constant 0 : i32
        %add3A_154 = arith.addi %mul3A_152, %add3A_153 : i32
        %get3A_155 = arith.index_cast %add3A_154 : i32 to index
        %get3A_156 = arith.constant 64 : index
        %get3A_157 = tpu.vector_load %arg10[%get3A_155, %get3A_156] {strides = array<i32>} : memref<64x128xf32, #tpu.memory_space<vmem>>, vector<1x16xf32>,
        %get3A_158 = vector.shape_cast %get3A_157 : vector<1x16xf32> to vector<16xf32>
        %get3A_159 = arith.index_cast %add3A_154 : i32 to index
        %get3A_160 = arith.constant 0 : index
        %get3A_161 = tpu.vector_load %arg11[%get3A_159, %get3A_160] {strides = array<i32>} : memref<64x128xf32, #tpu.memory_space<vmem>>, vector<1x16xf32>,
        %get3A_162 = vector.shape_cast %get3A_161 : vector<1x16xf32> to vector<16xf32>
        %add3A_163 = arith.addf %get3A_158, %get3A_162 : vector<16xf32>
        %mul3A_164 = arith.constant 2.000000e-01 : f32
        %mul3A_165 = vector.broadcast %mul3A_164 : f32 to vector<16xf32>
        %mul3A_166 = arith.mulf %mul3A_165, %add3A_163 : vector<16xf32>
        %max3A = arith.maximumf %add3A_163, %mul3A_166 : vector<16xf32>
        %exp3A = math.exp %max3A : vector<16xf32>
        %swap3A_167 = arith.index_cast %add3A_154 : i32 to index
        %swap3A_168 = arith.constant 64 : index
        %swap3A_169 = tpu.vector_load %arg12[%swap3A_167, %swap3A_168] {strides = array<i32>} : memref<64x128xf32, #tpu.memory_space<vmem>>, vector<1x16xf32>,
        %swap3A_170 = vector.shape_cast %swap3A_169 : vector<1x16xf32> to vector<16xf32>
        %swap3A_171 = vector.shape_cast %exp3A : vector<16xf32> to vector<1x16xf32>
        tpu.vector_store %arg12[%swap3A_167, %swap3A_168], %swap3A_171 {strides = array<i32>} : memref<64x128xf32, #tpu.memory_space<vmem>>, vector<1x16xf32>,
        %get3A_172 = arith.index_cast %add3A_154 : i32 to index
        %get3A_173 = arith.constant 0 : index
        %get3A_174 = tpu.vector_load %arg10[%get3A_172, %get3A_173] {strides = array<i32>} : memref<64x128xf32, #tpu.memory_space<vmem>>, vector<1x16xf32>,
        %get3A_175 = vector.shape_cast %get3A_174 : vector<1x16xf32> to vector<16xf32>
        %slice3A = vector.extract_strided_slice %exp3A {offsets = [0], sizes = [1], strides = [1]} : vector<16xf32> to vector<1xf32>
        %squeeze3A = vector.extract %slice3A[0] : f32 from vector<1xf32>
        %mul3A_176 = vector.broadcast %squeeze3A : f32 to vector<16xf32>
        %mul3A_177 = arith.mulf %get3A_175, %mul3A_176 : vector<16xf32>
        %swap3A_178 = arith.index_cast %add3A_154 : i32 to index
        %swap3A_179 = arith.constant 0 : index
        %swap3A_180 = tpu.vector_load %arg12[%swap3A_178, %swap3A_179] {strides = array<i32>} : memref<64x128xf32, #tpu.memory_space<vmem>>, vector<1x16xf32>,
        %swap3A_181 = vector.shape_cast %swap3A_180 : vector<1x16xf32> to vector<16xf32>
        %swap3A_182 = vector.shape_cast %mul3A_177 : vector<16xf32> to vector<1x16xf32>
        tpu.vector_store %arg12[%swap3A_178, %swap3A_179], %swap3A_182 {strides = array<i32>} : memref<64x128xf32, #tpu.memory_space<vmem>>, vector<1x16xf32>,
        %get3A_183 = arith.index_cast %add3A_154 : i32 to index
        %get3A_184 = arith.constant 16 : index
        %get3A_185 = tpu.vector_load %arg10[%get3A_183, %get3A_184] {strides = array<i32>} : memref<64x128xf32, #tpu.memory_space<vmem>>, vector<1x16xf32>,
        %get3A_186 = vector.shape_cast %get3A_185 : vector<1x16xf32> to vector<16xf32>
        %slice3A_187 = vector.extract_strided_slice %exp3A {offsets = [0], sizes = [1], strides = [1]} : vector<16xf32> to vector<1xf32>
        %squeeze3A_188 = vector.extract %slice3A_187[0] : f32 from vector<1xf32>
        %mul3A_189 = vector.broadcast %squeeze3A_188 : f32 to vector<16xf32>
        %mul3A_190 = arith.mulf %get3A_186, %mul3A_189 : vector<16xf32>
        %swap3A_191 = arith.index_cast %add3A_154 : i32 to index
        %swap3A_192 = arith.constant 16 : index
        %swap3A_193 = tpu.vector_load %arg12[%swap3A_191, %swap3A_192] {strides = array<i32>} : memref<64x128xf32, #tpu.memory_space<vmem>>, vector<1x16xf32>,
        %swap3A_194 = vector.shape_cast %swap3A_193 : vector<1x16xf32> to vector<16xf32>
        %swap3A_195 = vector.shape_cast %mul3A_190 : vector<16xf32> to vector<1x16xf32>
        tpu.vector_store %arg12[%swap3A_191, %swap3A_192], %swap3A_195 {strides = array<i32>} : memref<64x128xf32, #tpu.memory_space<vmem>>, vector<1x16xf32>,
        %get3A_196 = arith.index_cast %add3A_154 : i32 to index
        %get3A_197 = arith.constant 32 : index
        %get3A_198 = tpu.vector_load %arg10[%get3A_196, %get3A_197] {strides = array<i32>} : memref<64x128xf32, #tpu.memory_space<vmem>>, vector<1x16xf32>,
        %get3A_199 = vector.shape_cast %get3A_198 : vector<1x16xf32> to vector<16xf32>
        %slice3A_200 = vector.extract_strided_slice %exp3A {offsets = [0], sizes = [1], strides = [1]} : vector<16xf32> to vector<1xf32>
        %squeeze3A_201 = vector.extract %slice3A_200[0] : f32 from vector<1xf32>
        %mul3A_202 = vector.broadcast %squeeze3A_201 : f32 to vector<16xf32>
        %mul3A_203 = arith.mulf %get3A_199, %mul3A_202 : vector<16xf32>
        %swap3A_204 = arith.index_cast %add3A_154 : i32 to index
        %swap3A_205 = arith.constant 32 : index
        %swap3A_206 = tpu.vector_load %arg12[%swap3A_204, %swap3A_205] {strides = array<i32>} : memref<64x128xf32, #tpu.memory_space<vmem>>, vector<1x16xf32>,
        %swap3A_207 = vector.shape_cast %swap3A_206 : vector<1x16xf32> to vector<16xf32>
        %swap3A_208 = vector.shape_cast %mul3A_203 : vector<16xf32> to vector<1x16xf32>
        tpu.vector_store %arg12[%swap3A_204, %swap3A_205], %swap3A_208 {strides = array<i32>} : memref<64x128xf32, #tpu.memory_space<vmem>>, vector<1x16xf32>,
        %get3A_209 = arith.index_cast %add3A_154 : i32 to index
        %get3A_210 = arith.constant 48 : index
        %get3A_211 = tpu.vector_load %arg10[%get3A_209, %get3A_210] {strides = array<i32>} : memref<64x128xf32, #tpu.memory_space<vmem>>, vector<1x16xf32>,
        %get3A_212 = vector.shape_cast %get3A_211 : vector<1x16xf32> to vector<16xf32>
        %slice3A_213 = vector.extract_strided_slice %exp3A {offsets = [0], sizes = [1], strides = [1]} : vector<16xf32> to vector<1xf32>
        %squeeze3A_214 = vector.extract %slice3A_213[0] : f32 from vector<1xf32>
        %mul3A_215 = vector.broadcast %squeeze3A_214 : f32 to vector<16xf32>
        %mul3A_216 = arith.mulf %get3A_212, %mul3A_215 : vector<16xf32>
        %swap3A_217 = arith.index_cast %add3A_154 : i32 to index
        %swap3A_218 = arith.constant 48 : index
        %swap3A_219 = tpu.vector_load %arg12[%swap3A_217, %swap3A_218] {strides = array<i32>} : memref<64x128xf32, #tpu.memory_space<vmem>>, vector<1x16xf32>,
        %swap3A_220 = vector.shape_cast %swap3A_219 : vector<1x16xf32> to vector<16xf32>
        %swap3A_221 = vector.shape_cast %mul3A_216 : vector<16xf32> to vector<1x16xf32>
        tpu.vector_store %arg12[%swap3A_217, %swap3A_218], %swap3A_221 {strides = array<i32>} : memref<64x128xf32, #tpu.memory_space<vmem>>, vector<1x16xf32>,
        %mul3A_222 = arith.constant 4 : i32
        %mul3A_223 = arith.muli %scan3A_149, %mul3A_222 : i32
        %add3A_224 = arith.constant 1 : i32
        %add3A_225 = arith.addi %mul3A_223, %add3A_224 : i32
        %get3A_226 = arith.index_cast %add3A_225 : i32 to index
        %get3A_227 = arith.constant 64 : index
        %get3A_228 = tpu.vector_load %arg10[%get3A_226, %get3A_227] {strides = array<i32>} : memref<64x128xf32, #tpu.memory_space<vmem>>, vector<1x16xf32>,
        %get3A_229 = vector.shape_cast %get3A_228 : vector<1x16xf32> to vector<16xf32>
        %get3A_230 = arith.index_cast %add3A_225 : i32 to index
        %get3A_231 = arith.constant 0 : index
        %get3A_232 = tpu.vector_load %arg11[%get3A_230, %get3A_231] {strides = array<i32>} : memref<64x128xf32, #tpu.memory_space<vmem>>, vector<1x16xf32>,
        %get3A_233 = vector.shape_cast %get3A_232 : vector<1x16xf32> to vector<16xf32>
        %add3A_234 = arith.addf %get3A_229, %get3A_233 : vector<16xf32>
        %mul3A_235 = arith.constant 2.000000e-01 : f32
        %mul3A_236 = vector.broadcast %mul3A_235 : f32 to vector<16xf32>
        %mul3A_237 = arith.mulf %mul3A_236, %add3A_234 : vector<16xf32>
        %max3A_238 = arith.maximumf %add3A_234, %mul3A_237 : vector<16xf32>
        %exp3A_239 = math.exp %max3A_238 : vector<16xf32>
        %swap3A_240 = arith.index_cast %add3A_225 : i32 to index
        %swap3A_241 = arith.constant 64 : index
        %swap3A_242 = tpu.vector_load %arg12[%swap3A_240, %swap3A_241] {strides = array<i32>} : memref<64x128xf32, #tpu.memory_space<vmem>>, vector<1x16xf32>,
        %swap3A_243 = vector.shape_cast %swap3A_242 : vector<1x16xf32> to vector<16xf32>
        %swap3A_244 = vector.shape_cast %exp3A_239 : vector<16xf32> to vector<1x16xf32>
        tpu.vector_store %arg12[%swap3A_240, %swap3A_241], %swap3A_244 {strides = array<i32>} : memref<64x128xf32, #tpu.memory_space<vmem>>, vector<1x16xf32>,
        %get3A_245 = arith.index_cast %add3A_225 : i32 to index
        %get3A_246 = arith.constant 0 : index
        %get3A_247 = tpu.vector_load %arg10[%get3A_245, %get3A_246] {strides = array<i32>} : memref<64x128xf32, #tpu.memory_space<vmem>>, vector<1x16xf32>,
        %get3A_248 = vector.shape_cast %get3A_247 : vector<1x16xf32> to vector<16xf32>
        %slice3A_249 = vector.extract_strided_slice %exp3A_239 {offsets = [0], sizes = [1], strides = [1]} : vector<16xf32> to vector<1xf32>
        %squeeze3A_250 = vector.extract %slice3A_249[0] : f32 from vector<1xf32>
        %mul3A_251 = vector.broadcast %squeeze3A_250 : f32 to vector<16xf32>
        %mul3A_252 = arith.mulf %get3A_248, %mul3A_251 : vector<16xf32>
        %swap3A_253 = arith.index_cast %add3A_225 : i32 to index
        %swap3A_254 = arith.constant 0 : index
        %swap3A_255 = tpu.vector_load %arg12[%swap3A_253, %swap3A_254] {strides = array<i32>} : memref<64x128xf32, #tpu.memory_space<vmem>>, vector<1x16xf32>,
        %swap3A_256 = vector.shape_cast %swap3A_255 : vector<1x16xf32> to vector<16xf32>
        %swap3A_257 = vector.shape_cast %mul3A_252 : vector<16xf32> to vector<1x16xf32>
        tpu.vector_store %arg12[%swap3A_253, %swap3A_254], %swap3A_257 {strides = array<i32>} : memref<64x128xf32, #tpu.memory_space<vmem>>, vector<1x16xf32>,
        %get3A_258 = arith.index_cast %add3A_225 : i32 to index
        %get3A_259 = arith.constant 16 : index
        %get3A_260 = tpu.vector_load %arg10[%get3A_258, %get3A_259] {strides = array<i32>} : memref<64x128xf32, #tpu.memory_space<vmem>>, vector<1x16xf32>,
        %get3A_261 = vector.shape_cast %get3A_260 : vector<1x16xf32> to vector<16xf32>
        %slice3A_262 = vector.extract_strided_slice %exp3A_239 {offsets = [0], sizes = [1], strides = [1]} : vector<16xf32> to vector<1xf32>
        %squeeze3A_263 = vector.extract %slice3A_262[0] : f32 from vector<1xf32>
        %mul3A_264 = vector.broadcast %squeeze3A_263 : f32 to vector<16xf32>
        %mul3A_265 = arith.mulf %get3A_261, %mul3A_264 : vector<16xf32>
        %swap3A_266 = arith.index_cast %add3A_225 : i32 to index
        %swap3A_267 = arith.constant 16 : index
        %swap3A_268 = tpu.vector_load %arg12[%swap3A_266, %swap3A_267] {strides = array<i32>} : memref<64x128xf32, #tpu.memory_space<vmem>>, vector<1x16xf32>,
        %swap3A_269 = vector.shape_cast %swap3A_268 : vector<1x16xf32> to vector<16xf32>
        %swap3A_270 = vector.shape_cast %mul3A_265 : vector<16xf32> to vector<1x16xf32>
        tpu.vector_store %arg12[%swap3A_266, %swap3A_267], %swap3A_270 {strides = array<i32>} : memref<64x128xf32, #tpu.memory_space<vmem>>, vector<1x16xf32>,
        %get3A_271 = arith.index_cast %add3A_225 : i32 to index
        %get3A_272 = arith.constant 32 : index
        %get3A_273 = tpu.vector_load %arg10[%get3A_271, %get3A_272] {strides = array<i32>} : memref<64x128xf32, #tpu.memory_space<vmem>>, vector<1x16xf32>,
        %get3A_274 = vector.shape_cast %get3A_273 : vector<1x16xf32> to vector<16xf32>
        %slice3A_275 = vector.extract_strided_slice %exp3A_239 {offsets = [0], sizes = [1], strides = [1]} : vector<16xf32> to vector<1xf32>
        %squeeze3A_276 = vector.extract %slice3A_275[0] : f32 from vector<1xf32>
        %mul3A_277 = vector.broadcast %squeeze3A_276 : f32 to vector<16xf32>
        %mul3A_278 = arith.mulf %get3A_274, %mul3A_277 : vector<16xf32>
        %swap3A_279 = arith.index_cast %add3A_225 : i32 to index
        %swap3A_280 = arith.constant 32 : index
        %swap3A_281 = tpu.vector_load %arg12[%swap3A_279, %swap3A_280] {strides = array<i32>} : memref<64x128xf32, #tpu.memory_space<vmem>>, vector<1x16xf32>,
        %swap3A_282 = vector.shape_cast %swap3A_281 : vector<1x16xf32> to vector<16xf32>
        %swap3A_283 = vector.shape_cast %mul3A_278 : vector<16xf32> to vector<1x16xf32>
        tpu.vector_store %arg12[%swap3A_279, %swap3A_280], %swap3A_283 {strides = array<i32>} : memref<64x128xf32, #tpu.memory_space<vmem>>, vector<1x16xf32>,
        %get3A_284 = arith.index_cast %add3A_225 : i32 to index
        %get3A_285 = arith.constant 48 : index
        %get3A_286 = tpu.vector_load %arg10[%get3A_284, %get3A_285] {strides = array<i32>} : memref<64x128xf32, #tpu.memory_space<vmem>>, vector<1x16xf32>,
        %get3A_287 = vector.shape_cast %get3A_286 : vector<1x16xf32> to vector<16xf32>
        %slice3A_288 = vector.extract_strided_slice %exp3A_239 {offsets = [0], sizes = [1], strides = [1]} : vector<16xf32> to vector<1xf32>
        %squeeze3A_289 = vector.extract %slice3A_288[0] : f32 from vector<1xf32>
        %mul3A_290 = vector.broadcast %squeeze3A_289 : f32 to vector<16xf32>
        %mul3A_291 = arith.mulf %get3A_287, %mul3A_290 : vector<16xf32>
        %swap3A_292 = arith.index_cast %add3A_225 : i32 to index
        %swap3A_293 = arith.constant 48 : index
        %swap3A_294 = tpu.vector_load %arg12[%swap3A_292, %swap3A_293] {strides = array<i32>} : memref<64x128xf32, #tpu.memory_space<vmem>>, vector<1x16xf32>,
        %swap3A_295 = vector.shape_cast %swap3A_294 : vector<1x16xf32> to vector<16xf32>
        %swap3A_296 = vector.shape_cast %mul3A_291 : vector<16xf32> to vector<1x16xf32>
        tpu.vector_store %arg12[%swap3A_292, %swap3A_293], %swap3A_296 {strides = array<i32>} : memref<64x128xf32, #tpu.memory_space<vmem>>, vector<1x16xf32>,
        %mul3A_297 = arith.constant 4 : i32
        %mul3A_298 = arith.muli %scan3A_149, %mul3A_297 : i32
        %add3A_299 = arith.constant 2 : i32
        %add3A_300 = arith.addi %mul3A_298, %add3A_299 : i32
        %get3A_301 = arith.index_cast %add3A_300 : i32 to index
        %get3A_302 = arith.constant 64 : index
        %get3A_303 = tpu.vector_load %arg10[%get3A_301, %get3A_302] {strides = array<i32>} : memref<64x128xf32, #tpu.memory_space<vmem>>, vector<1x16xf32>,
        %get3A_304 = vector.shape_cast %get3A_303 : vector<1x16xf32> to vector<16xf32>
        %get3A_305 = arith.index_cast %add3A_300 : i32 to index
        %get3A_306 = arith.constant 0 : index
        %get3A_307 = tpu.vector_load %arg11[%get3A_305, %get3A_306] {strides = array<i32>} : memref<64x128xf32, #tpu.memory_space<vmem>>, vector<1x16xf32>,
        %get3A_308 = vector.shape_cast %get3A_307 : vector<1x16xf32> to vector<16xf32>
        %add3A_309 = arith.addf %get3A_304, %get3A_308 : vector<16xf32>
        %mul3A_310 = arith.constant 2.000000e-01 : f32
        %mul3A_311 = vector.broadcast %mul3A_310 : f32 to vector<16xf32>
        %mul3A_312 = arith.mulf %mul3A_311, %add3A_309 : vector<16xf32>
        %max3A_313 = arith.maximumf %add3A_309, %mul3A_312 : vector<16xf32>
        %exp3A_314 = math.exp %max3A_313 : vector<16xf32>
        %swap3A_315 = arith.index_cast %add3A_300 : i32 to index
        %swap3A_316 = arith.constant 64 : index
        %swap3A_317 = tpu.vector_load %arg12[%swap3A_315, %swap3A_316] {strides = array<i32>} : memref<64x128xf32, #tpu.memory_space<vmem>>, vector<1x16xf32>,
        %swap3A_318 = vector.shape_cast %swap3A_317 : vector<1x16xf32> to vector<16xf32>
        %swap3A_319 = vector.shape_cast %exp3A_314 : vector<16xf32> to vector<1x16xf32>
        tpu.vector_store %arg12[%swap3A_315, %swap3A_316], %swap3A_319 {strides = array<i32>} : memref<64x128xf32, #tpu.memory_space<vmem>>, vector<1x16xf32>,
        %get3A_320 = arith.index_cast %add3A_300 : i32 to index
        %get3A_321 = arith.constant 0 : index
        %get3A_322 = tpu.vector_load %arg10[%get3A_320, %get3A_321] {strides = array<i32>} : memref<64x128xf32, #tpu.memory_space<vmem>>, vector<1x16xf32>,
        %get3A_323 = vector.shape_cast %get3A_322 : vector<1x16xf32> to vector<16xf32>
        %slice3A_324 = vector.extract_strided_slice %exp3A_314 {offsets = [0], sizes = [1], strides = [1]} : vector<16xf32> to vector<1xf32>
        %squeeze3A_325 = vector.extract %slice3A_324[0] : f32 from vector<1xf32>
        %mul3A_326 = vector.broadcast %squeeze3A_325 : f32 to vector<16xf32>
        %mul3A_327 = arith.mulf %get3A_323, %mul3A_326 : vector<16xf32>
        %swap3A_328 = arith.index_cast %add3A_300 : i32 to index
        %swap3A_329 = arith.constant 0 : index
        %swap3A_330 = tpu.vector_load %arg12[%swap3A_328, %swap3A_329] {strides = array<i32>} : memref<64x128xf32, #tpu.memory_space<vmem>>, vector<1x16xf32>,
        %swap3A_331 = vector.shape_cast %swap3A_330 : vector<1x16xf32> to vector<16xf32>
        %swap3A_332 = vector.shape_cast %mul3A_327 : vector<16xf32> to vector<1x16xf32>
        tpu.vector_store %arg12[%swap3A_328, %swap3A_329], %swap3A_332 {strides = array<i32>} : memref<64x128xf32, #tpu.memory_space<vmem>>, vector<1x16xf32>,
        %get3A_333 = arith.index_cast %add3A_300 : i32 to index
        %get3A_334 = arith.constant 16 : index
        %get3A_335 = tpu.vector_load %arg10[%get3A_333, %get3A_334] {strides = array<i32>} : memref<64x128xf32, #tpu.memory_space<vmem>>, vector<1x16xf32>,
        %get3A_336 = vector.shape_cast %get3A_335 : vector<1x16xf32> to vector<16xf32>
        %slice3A_337 = vector.extract_strided_slice %exp3A_314 {offsets = [0], sizes = [1], strides = [1]} : vector<16xf32> to vector<1xf32>
        %squeeze3A_338 = vector.extract %slice3A_337[0] : f32 from vector<1xf32>
        %mul3A_339 = vector.broadcast %squeeze3A_338 : f32 to vector<16xf32>
        %mul3A_340 = arith.mulf %get3A_336, %mul3A_339 : vector<16xf32>
        %swap3A_341 = arith.index_cast %add3A_300 : i32 to index
        %swap3A_342 = arith.constant 16 : index
        %swap3A_343 = tpu.vector_load %arg12[%swap3A_341, %swap3A_342] {strides = array<i32>} : memref<64x128xf32, #tpu.memory_space<vmem>>, vector<1x16xf32>,
        %swap3A_344 = vector.shape_cast %swap3A_343 : vector<1x16xf32> to vector<16xf32>
        %swap3A_345 = vector.shape_cast %mul3A_340 : vector<16xf32> to vector<1x16xf32>
        tpu.vector_store %arg12[%swap3A_341, %swap3A_342], %swap3A_345 {strides = array<i32>} : memref<64x128xf32, #tpu.memory_space<vmem>>, vector<1x16xf32>,
        %get3A_346 = arith.index_cast %add3A_300 : i32 to index
        %get3A_347 = arith.constant 32 : index
        %get3A_348 = tpu.vector_load %arg10[%get3A_346, %get3A_347] {strides = array<i32>} : memref<64x128xf32, #tpu.memory_space<vmem>>, vector<1x16xf32>,
        %get3A_349 = vector.shape_cast %get3A_348 : vector<1x16xf32> to vector<16xf32>
        %slice3A_350 = vector.extract_strided_slice %exp3A_314 {offsets = [0], sizes = [1], strides = [1]} : vector<16xf32> to vector<1xf32>
        %squeeze3A_351 = vector.extract %slice3A_350[0] : f32 from vector<1xf32>
        %mul3A_352 = vector.broadcast %squeeze3A_351 : f32 to vector<16xf32>
        %mul3A_353 = arith.mulf %get3A_349, %mul3A_352 : vector<16xf32>
        %swap3A_354 = arith.index_cast %add3A_300 : i32 to index
        %swap3A_355 = arith.constant 32 : index
        %swap3A_356 = tpu.vector_load %arg12[%swap3A_354, %swap3A_355] {strides = array<i32>} : memref<64x128xf32, #tpu.memory_space<vmem>>, vector<1x16xf32>,
        %swap3A_357 = vector.shape_cast %swap3A_356 : vector<1x16xf32> to vector<16xf32>
        %swap3A_358 = vector.shape_cast %mul3A_353 : vector<16xf32> to vector<1x16xf32>
        tpu.vector_store %arg12[%swap3A_354, %swap3A_355], %swap3A_358 {strides = array<i32>} : memref<64x128xf32, #tpu.memory_space<vmem>>, vector<1x16xf32>,
        %get3A_359 = arith.index_cast %add3A_300 : i32 to index
        %get3A_360 = arith.constant 48 : index
        %get3A_361 = tpu.vector_load %arg10[%get3A_359, %get3A_360] {strides = array<i32>} : memref<64x128xf32, #tpu.memory_space<vmem>>, vector<1x16xf32>,
        %get3A_362 = vector.shape_cast %get3A_361 : vector<1x16xf32> to vector<16xf32>
        %slice3A_363 = vector.extract_strided_slice %exp3A_314 {offsets = [0], sizes = [1], strides = [1]} : vector<16xf32> to vector<1xf32>
        %squeeze3A_364 = vector.extract %slice3A_363[0] : f32 from vector<1xf32>
        %mul3A_365 = vector.broadcast %squeeze3A_364 : f32 to vector<16xf32>
        %mul3A_366 = arith.mulf %get3A_362, %mul3A_365 : vector<16xf32>
        %swap3A_367 = arith.index_cast %add3A_300 : i32 to index
        %swap3A_368 = arith.constant 48 : index
        %swap3A_369 = tpu.vector_load %arg12[%swap3A_367, %swap3A_368] {strides = array<i32>} : memref<64x128xf32, #tpu.memory_space<vmem>>, vector<1x16xf32>,
        %swap3A_370 = vector.shape_cast %swap3A_369 : vector<1x16xf32> to vector<16xf32>
        %swap3A_371 = vector.shape_cast %mul3A_366 : vector<16xf32> to vector<1x16xf32>
        tpu.vector_store %arg12[%swap3A_367, %swap3A_368], %swap3A_371 {strides = array<i32>} : memref<64x128xf32, #tpu.memory_space<vmem>>, vector<1x16xf32>,
        %mul3A_372 = arith.constant 4 : i32
        %mul3A_373 = arith.muli %scan3A_149, %mul3A_372 : i32
        %add3A_374 = arith.constant 3 : i32
        %add3A_375 = arith.addi %mul3A_373, %add3A_374 : i32
        %get3A_376 = arith.index_cast %add3A_375 : i32 to index
        %get3A_377 = arith.constant 64 : index
        %get3A_378 = tpu.vector_load %arg10[%get3A_376, %get3A_377] {strides = array<i32>} : memref<64x128xf32, #tpu.memory_space<vmem>>, vector<1x16xf32>,
        %get3A_379 = vector.shape_cast %get3A_378 : vector<1x16xf32> to vector<16xf32>
        %get3A_380 = arith.index_cast %add3A_375 : i32 to index
        %get3A_381 = arith.constant 0 : index
        %get3A_382 = tpu.vector_load %arg11[%get3A_380, %get3A_381] {strides = array<i32>} : memref<64x128xf32, #tpu.memory_space<vmem>>, vector<1x16xf32>,
        %get3A_383 = vector.shape_cast %get3A_382 : vector<1x16xf32> to vector<16xf32>
        %add3A_384 = arith.addf %get3A_379, %get3A_383 : vector<16xf32>
        %mul3A_385 = arith.constant 2.000000e-01 : f32
        %mul3A_386 = vector.broadcast %mul3A_385 : f32 to vector<16xf32>
        %mul3A_387 = arith.mulf %mul3A_386, %add3A_384 : vector<16xf32>
        %max3A_388 = arith.maximumf %add3A_384, %mul3A_387 : vector<16xf32>
        %exp3A_389 = math.exp %max3A_388 : vector<16xf32>
        %swap3A_390 = arith.index_cast %add3A_375 : i32 to index
        %swap3A_391 = arith.constant 64 : index
        %swap3A_392 = tpu.vector_load %arg12[%swap3A_390, %swap3A_391] {strides = array<i32>} : memref<64x128xf32, #tpu.memory_space<vmem>>, vector<1x16xf32>,
        %swap3A_393 = vector.shape_cast %swap3A_392 : vector<1x16xf32> to vector<16xf32>
        %swap3A_394 = vector.shape_cast %exp3A_389 : vector<16xf32> to vector<1x16xf32>
        tpu.vector_store %arg12[%swap3A_390, %swap3A_391], %swap3A_394 {strides = array<i32>} : memref<64x128xf32, #tpu.memory_space<vmem>>, vector<1x16xf32>,
        %get3A_395 = arith.index_cast %add3A_375 : i32 to index
        %get3A_396 = arith.constant 0 : index
        %get3A_397 = tpu.vector_load %arg10[%get3A_395, %get3A_396] {strides = array<i32>} : memref<64x128xf32, #tpu.memory_space<vmem>>, vector<1x16xf32>,
        %get3A_398 = vector.shape_cast %get3A_397 : vector<1x16xf32> to vector<16xf32>
        %slice3A_399 = vector.extract_strided_slice %exp3A_389 {offsets = [0], sizes = [1], strides = [1]} : vector<16xf32> to vector<1xf32>
        %squeeze3A_400 = vector.extract %slice3A_399[0] : f32 from vector<1xf32>
        %mul3A_401 = vector.broadcast %squeeze3A_400 : f32 to vector<16xf32>
        %mul3A_402 = arith.mulf %get3A_398, %mul3A_401 : vector<16xf32>
        %swap3A_403 = arith.index_cast %add3A_375 : i32 to index
        %swap3A_404 = arith.constant 0 : index
        %swap3A_405 = tpu.vector_load %arg12[%swap3A_403, %swap3A_404] {strides = array<i32>} : memref<64x128xf32, #tpu.memory_space<vmem>>, vector<1x16xf32>,
        %swap3A_406 = vector.shape_cast %swap3A_405 : vector<1x16xf32> to vector<16xf32>
        %swap3A_407 = vector.shape_cast %mul3A_402 : vector<16xf32> to vector<1x16xf32>
        tpu.vector_store %arg12[%swap3A_403, %swap3A_404], %swap3A_407 {strides = array<i32>} : memref<64x128xf32, #tpu.memory_space<vmem>>, vector<1x16xf32>,
        %get3A_408 = arith.index_cast %add3A_375 : i32 to index
        %get3A_409 = arith.constant 16 : index
        %get3A_410 = tpu.vector_load %arg10[%get3A_408, %get3A_409] {strides = array<i32>} : memref<64x128xf32, #tpu.memory_space<vmem>>, vector<1x16xf32>,
        %get3A_411 = vector.shape_cast %get3A_410 : vector<1x16xf32> to vector<16xf32>
        %slice3A_412 = vector.extract_strided_slice %exp3A_389 {offsets = [0], sizes = [1], strides = [1]} : vector<16xf32> to vector<1xf32>
        %squeeze3A_413 = vector.extract %slice3A_412[0] : f32 from vector<1xf32>
        %mul3A_414 = vector.broadcast %squeeze3A_413 : f32 to vector<16xf32>
        %mul3A_415 = arith.mulf %get3A_411, %mul3A_414 : vector<16xf32>
        %swap3A_416 = arith.index_cast %add3A_375 : i32 to index
        %swap3A_417 = arith.constant 16 : index
        %swap3A_418 = tpu.vector_load %arg12[%swap3A_416, %swap3A_417] {strides = array<i32>} : memref<64x128xf32, #tpu.memory_space<vmem>>, vector<1x16xf32>,
        %swap3A_419 = vector.shape_cast %swap3A_418 : vector<1x16xf32> to vector<16xf32>
        %swap3A_420 = vector.shape_cast %mul3A_415 : vector<16xf32> to vector<1x16xf32>
        tpu.vector_store %arg12[%swap3A_416, %swap3A_417], %swap3A_420 {strides = array<i32>} : memref<64x128xf32, #tpu.memory_space<vmem>>, vector<1x16xf32>,
        %get3A_421 = arith.index_cast %add3A_375 : i32 to index
        %get3A_422 = arith.constant 32 : index
        %get3A_423 = tpu.vector_load %arg10[%get3A_421, %get3A_422] {strides = array<i32>} : memref<64x128xf32, #tpu.memory_space<vmem>>, vector<1x16xf32>,
        %get3A_424 = vector.shape_cast %get3A_423 : vector<1x16xf32> to vector<16xf32>
        %slice3A_425 = vector.extract_strided_slice %exp3A_389 {offsets = [0], sizes = [1], strides = [1]} : vector<16xf32> to vector<1xf32>
        %squeeze3A_426 = vector.extract %slice3A_425[0] : f32 from vector<1xf32>
        %mul3A_427 = vector.broadcast %squeeze3A_426 : f32 to vector<16xf32>
        %mul3A_428 = arith.mulf %get3A_424, %mul3A_427 : vector<16xf32>
        %swap3A_429 = arith.index_cast %add3A_375 : i32 to index
        %swap3A_430 = arith.constant 32 : index
        %swap3A_431 = tpu.vector_load %arg12[%swap3A_429, %swap3A_430] {strides = array<i32>} : memref<64x128xf32, #tpu.memory_space<vmem>>, vector<1x16xf32>,
        %swap3A_432 = vector.shape_cast %swap3A_431 : vector<1x16xf32> to vector<16xf32>
        %swap3A_433 = vector.shape_cast %mul3A_428 : vector<16xf32> to vector<1x16xf32>
        tpu.vector_store %arg12[%swap3A_429, %swap3A_430], %swap3A_433 {strides = array<i32>} : memref<64x128xf32, #tpu.memory_space<vmem>>, vector<1x16xf32>,
        %get3A_434 = arith.index_cast %add3A_375 : i32 to index
        %get3A_435 = arith.constant 48 : index
        %get3A_436 = tpu.vector_load %arg10[%get3A_434, %get3A_435] {strides = array<i32>} : memref<64x128xf32, #tpu.memory_space<vmem>>, vector<1x16xf32>,
        %get3A_437 = vector.shape_cast %get3A_436 : vector<1x16xf32> to vector<16xf32>
        %slice3A_438 = vector.extract_strided_slice %exp3A_389 {offsets = [0], sizes = [1], strides = [1]} : vector<16xf32> to vector<1xf32>
        %squeeze3A_439 = vector.extract %slice3A_438[0] : f32 from vector<1xf32>
        %mul3A_440 = vector.broadcast %squeeze3A_439 : f32 to vector<16xf32>
        %mul3A_441 = arith.mulf %get3A_437, %mul3A_440 : vector<16xf32>
        %swap3A_442 = arith.index_cast %add3A_375 : i32 to index
        %swap3A_443 = arith.constant 48 : index
        %swap3A_444 = tpu.vector_load %arg12[%swap3A_442, %swap3A_443] {strides = array<i32>} : memref<64x128xf32, #tpu.memory_space<vmem>>, vector<1x16xf32>,
        %swap3A_445 = vector.shape_cast %swap3A_444 : vector<1x16xf32> to vector<16xf32>
        %swap3A_446 = vector.shape_cast %mul3A_441 : vector<16xf32> to vector<1x16xf32>
        tpu.vector_store %arg12[%swap3A_442, %swap3A_443], %swap3A_446 {strides = array<i32>} : memref<64x128xf32, #tpu.memory_space<vmem>>, vector<1x16xf32>,
        %scan3A_447 = arith.constant 0 : i32
        scf.yield %scan3A_447 : i32
      }
      %scan3A_147 = arith.constant 16 : i32
      "tpu.region"() ({
        %run_scoped3A = tpu.sem_alloc : memref<!tpu.dma_semaphore, #tpu.memory_space<semaphore_mem>>
        %dma_start3A_149 = arith.constant 0 : i32
        %dma_start3A_150 = arith.constant 0 : i32
        %dma_start3A_151 = tpu.memref_slice %arg13[%dma_start3A_149, %dma_start3A_150] : memref<5128x128xf32, #tpu.memory_space<vmem_shared>> -> memref<5128x128xf32, #tpu.memory_space<vmem_shared>>
        tpu.enqueue_indirect_dma source(%arg12 : memref<64x128xf32, #tpu.memory_space<vmem>>) target(%dma_start3A_151 : memref<5128x128xf32, #tpu.memory_space<vmem_shared>>) offsets(%arg9 : memref<64xi32, #tpu.memory_space<vmem>>) semaphore(%run_scoped3A : memref<!tpu.dma_semaphore, #tpu.memory_space<semaphore_mem>>) {add = true}
        %dma_wait3A_152 = arith.constant 0 : i32
        %dma_wait3A_153 = arith.constant 0 : i32
        %dma_wait3A_154 = tpu.memref_slice %arg13[%dma_wait3A_152, %dma_wait3A_153] : memref<5128x128xf32, #tpu.memory_space<vmem_shared>> -> memref<5128x128xf32, #tpu.memory_space<vmem_shared>>
        tpu.wait_indirect_dma semaphore(%run_scoped3A : memref<!tpu.dma_semaphore, #tpu.memory_space<semaphore_mem>>) src(%arg12 : memref<64x128xf32, #tpu.memory_space<vmem>>) dst(%dma_wait3A_154 : memref<5128x128xf32, #tpu.memory_space<vmem_shared>>)
        tpu.yield
      }) : () -> ()
      %scan3A_148 = arith.constant 0 : i32
      scf.yield %scan3A_148 : i32
    }
    %scan3A_25 = arith.constant 316 : i32
    %barrier3A_26 = arith.constant 0 : index
    tpu.barrier barrier_id(%barrier3A_26)
    %mul3A_27 = arith.constant 320 : i32
    %mul3A_28 = arith.muli %arg1, %mul3A_27 : i32
    %mul3A_29 = arith.constant 5120 : i32
    %mul3A_30 = arith.muli %arg0, %mul3A_29 : i32
    %mul3A_31 = arith.constant 320 : i32
    %mul3A_32 = arith.muli %arg1, %mul3A_31 : i32
    %add3A_33 = arith.addi %mul3A_30, %mul3A_32 : i32
    %add3A_34 = arith.constant 0 : i32
    %add3A_35 = arith.addi %mul3A_28, %add3A_34 : i32
    "tpu.region"() ({
      %run_scoped3A = tpu.sem_alloc : memref<!tpu.dma_semaphore, #tpu.memory_space<semaphore_mem>>
      %dma_start3A = arith.constant 0 : i32
      %dma_start3A_54 = arith.constant 0 : i32
      %dma_start3A_55 = tpu.memref_slice %arg12[%dma_start3A, %dma_start3A_54] : memref<64x128xf32, #tpu.memory_space<vmem>> -> memref<64x128xf32, #tpu.memory_space<vmem>>
      %dma_start3A_56 = arith.constant 0 : i32
      %dma_start3A_57 = tpu.memref_slice %arg13[%add3A_35, %dma_start3A_56] : memref<5128x128xf32, #tpu.memory_space<vmem_shared>> -> memref<64x128xf32, #tpu.memory_space<vmem_shared>>
      %dma_start3A_58 = arith.constant 0 : i32
      %dma_start3A_59 = arith.constant 0 : i32
      %dma_start3A_60 = tpu.memref_slice %arg12[%dma_start3A_58, %dma_start3A_59] : memref<64x128xf32, #tpu.memory_space<vmem>> -> memref<64x128xf32, #tpu.memory_space<vmem>>
      %dma_start3A_61 = arith.constant 0 : i32
      %dma_start3A_62 = tpu.memref_slice %arg13[%add3A_35, %dma_start3A_61] : memref<5128x128xf32, #tpu.memory_space<vmem_shared>> -> memref<64x128xf32, #tpu.memory_space<vmem_shared>>
      tpu.enqueue_dma source(%dma_start3A_62 : memref<64x128xf32, #tpu.memory_space<vmem_shared>>) target(%dma_start3A_60 : memref<64x128xf32, #tpu.memory_space<vmem>>) target_semaphore(%run_scoped3A : memref<!tpu.dma_semaphore, #tpu.memory_space<semaphore_mem>>)
      %dma_wait3A = arith.constant 0 : i32
      %dma_wait3A_63 = arith.constant 0 : i32
      %dma_wait3A_64 = tpu.memref_slice %arg12[%dma_wait3A, %dma_wait3A_63] : memref<64x128xf32, #tpu.memory_space<vmem>> -> memref<64x128xf32, #tpu.memory_space<vmem>>
      %dma_wait3A_65 = arith.constant 0 : i32
      %dma_wait3A_66 = tpu.memref_slice %arg13[%add3A_35, %dma_wait3A_65] : memref<5128x128xf32, #tpu.memory_space<vmem_shared>> -> memref<64x128xf32, #tpu.memory_space<vmem_shared>>
      %dma_wait3A_67 = arith.constant 0 : i32
      %dma_wait3A_68 = arith.constant 0 : i32
      %dma_wait3A_69 = tpu.memref_slice %arg12[%dma_wait3A_67, %dma_wait3A_68] : memref<64x128xf32, #tpu.memory_space<vmem>> -> memref<64x128xf32, #tpu.memory_space<vmem>>
      %dma_wait3A_70 = arith.constant 0 : i32
      %dma_wait3A_71 = tpu.memref_slice %arg13[%add3A_35, %dma_wait3A_70] : memref<5128x128xf32, #tpu.memory_space<vmem_shared>> -> memref<64x128xf32, #tpu.memory_space<vmem_shared>>
      tpu.wait_dma2 semaphore(%run_scoped3A : memref<!tpu.dma_semaphore, #tpu.memory_space<semaphore_mem>>) src(%dma_wait3A_71 : memref<64x128xf32, #tpu.memory_space<vmem_shared>>) dst(%dma_wait3A_69 : memref<64x128xf32, #tpu.memory_space<vmem>>)
      tpu.yield
    }) : () -> ()
    %add3A_36 = arith.constant 0 : i32
    %add3A_37 = arith.addi %add3A_33, %add3A_36 : i32
    "tpu.region"() ({
      %run_scoped3A = tpu.sem_alloc : memref<!tpu.dma_semaphore, #tpu.memory_space<semaphore_mem>>
      %dma_start3A = arith.constant 0 : i32
      %dma_start3A_54 = arith.constant 0 : i32
      %dma_start3A_55 = tpu.memref_slice %arg12[%dma_start3A, %dma_start3A_54] : memref<64x128xf32, #tpu.memory_space<vmem>> -> memref<64x128xf32, #tpu.memory_space<vmem>>
      %dma_start3A_56 = arith.constant 0 : i32
      %dma_start3A_57 = tpu.memref_slice %arg6[%add3A_37, %dma_start3A_56] : memref<10240x128xf32, #tpu.memory_space<hbm>> -> memref<64x128xf32, #tpu.memory_space<hbm>>
      %dma_start3A_58 = arith.constant 0 : i32
      %dma_start3A_59 = tpu.memref_slice %arg6[%add3A_37, %dma_start3A_58] : memref<10240x128xf32, #tpu.memory_space<hbm>> -> memref<64x128xf32, #tpu.memory_space<hbm>>
      %dma_start3A_60 = arith.constant 0 : i32
      %dma_start3A_61 = arith.constant 0 : i32
      %dma_start3A_62 = tpu.memref_slice %arg12[%dma_start3A_60, %dma_start3A_61] : memref<64x128xf32, #tpu.memory_space<vmem>> -> memref<64x128xf32, #tpu.memory_space<vmem>>
      tpu.enqueue_dma source(%dma_start3A_62 : memref<64x128xf32, #tpu.memory_space<vmem>>) target(%dma_start3A_59 : memref<64x128xf32, #tpu.memory_space<hbm>>) target_semaphore(%run_scoped3A : memref<!tpu.dma_semaphore, #tpu.memory_space<semaphore_mem>>)
      %dma_wait3A = arith.constant 0 : i32
      %dma_wait3A_63 = arith.constant 0 : i32
      %dma_wait3A_64 = tpu.memref_slice %arg12[%dma_wait3A, %dma_wait3A_63] : memref<64x128xf32, #tpu.memory_space<vmem>> -> memref<64x128xf32, #tpu.memory_space<vmem>>
      %dma_wait3A_65 = arith.constant 0 : i32
      %dma_wait3A_66 = tpu.memref_slice %arg6[%add3A_37, %dma_wait3A_65] : memref<10240x128xf32, #tpu.memory_space<hbm>> -> memref<64x128xf32, #tpu.memory_space<hbm>>
      %dma_wait3A_67 = arith.constant 0 : i32
      %dma_wait3A_68 = tpu.memref_slice %arg6[%add3A_37, %dma_wait3A_67] : memref<10240x128xf32, #tpu.memory_space<hbm>> -> memref<64x128xf32, #tpu.memory_space<hbm>>
      %dma_wait3A_69 = arith.constant 0 : i32
      %dma_wait3A_70 = arith.constant 0 : i32
      %dma_wait3A_71 = tpu.memref_slice %arg12[%dma_wait3A_69, %dma_wait3A_70] : memref<64x128xf32, #tpu.memory_space<vmem>> -> memref<64x128xf32, #tpu.memory_space<vmem>>
      tpu.wait_dma2 semaphore(%run_scoped3A : memref<!tpu.dma_semaphore, #tpu.memory_space<semaphore_mem>>) src(%dma_wait3A_71 : memref<64x128xf32, #tpu.memory_space<vmem>>) dst(%dma_wait3A_68 : memref<64x128xf32, #tpu.memory_space<hbm>>)
      tpu.yield
    }) : () -> ()
    %add3A_38 = arith.constant 64 : i32
    %add3A_39 = arith.addi %mul3A_28, %add3A_38 : i32
    "tpu.region"() ({
      %run_scoped3A = tpu.sem_alloc : memref<!tpu.dma_semaphore, #tpu.memory_space<semaphore_mem>>
      %dma_start3A = arith.constant 0 : i32
      %dma_start3A_54 = arith.constant 0 : i32
      %dma_start3A_55 = tpu.memref_slice %arg12[%dma_start3A, %dma_start3A_54] : memref<64x128xf32, #tpu.memory_space<vmem>> -> memref<64x128xf32, #tpu.memory_space<vmem>>
      %dma_start3A_56 = arith.constant 0 : i32
      %dma_start3A_57 = tpu.memref_slice %arg13[%add3A_39, %dma_start3A_56] : memref<5128x128xf32, #tpu.memory_space<vmem_shared>> -> memref<64x128xf32, #tpu.memory_space<vmem_shared>>
      %dma_start3A_58 = arith.constant 0 : i32
      %dma_start3A_59 = arith.constant 0 : i32
      %dma_start3A_60 = tpu.memref_slice %arg12[%dma_start3A_58, %dma_start3A_59] : memref<64x128xf32, #tpu.memory_space<vmem>> -> memref<64x128xf32, #tpu.memory_space<vmem>>
      %dma_start3A_61 = arith.constant 0 : i32
      %dma_start3A_62 = tpu.memref_slice %arg13[%add3A_39, %dma_start3A_61] : memref<5128x128xf32, #tpu.memory_space<vmem_shared>> -> memref<64x128xf32, #tpu.memory_space<vmem_shared>>
      tpu.enqueue_dma source(%dma_start3A_62 : memref<64x128xf32, #tpu.memory_space<vmem_shared>>) target(%dma_start3A_60 : memref<64x128xf32, #tpu.memory_space<vmem>>) target_semaphore(%run_scoped3A : memref<!tpu.dma_semaphore, #tpu.memory_space<semaphore_mem>>)
      %dma_wait3A = arith.constant 0 : i32
      %dma_wait3A_63 = arith.constant 0 : i32
      %dma_wait3A_64 = tpu.memref_slice %arg12[%dma_wait3A, %dma_wait3A_63] : memref<64x128xf32, #tpu.memory_space<vmem>> -> memref<64x128xf32, #tpu.memory_space<vmem>>
      %dma_wait3A_65 = arith.constant 0 : i32
      %dma_wait3A_66 = tpu.memref_slice %arg13[%add3A_39, %dma_wait3A_65] : memref<5128x128xf32, #tpu.memory_space<vmem_shared>> -> memref<64x128xf32, #tpu.memory_space<vmem_shared>>
      %dma_wait3A_67 = arith.constant 0 : i32
      %dma_wait3A_68 = arith.constant 0 : i32
      %dma_wait3A_69 = tpu.memref_slice %arg12[%dma_wait3A_67, %dma_wait3A_68] : memref<64x128xf32, #tpu.memory_space<vmem>> -> memref<64x128xf32, #tpu.memory_space<vmem>>
      %dma_wait3A_70 = arith.constant 0 : i32
      %dma_wait3A_71 = tpu.memref_slice %arg13[%add3A_39, %dma_wait3A_70] : memref<5128x128xf32, #tpu.memory_space<vmem_shared>> -> memref<64x128xf32, #tpu.memory_space<vmem_shared>>
      tpu.wait_dma2 semaphore(%run_scoped3A : memref<!tpu.dma_semaphore, #tpu.memory_space<semaphore_mem>>) src(%dma_wait3A_71 : memref<64x128xf32, #tpu.memory_space<vmem_shared>>) dst(%dma_wait3A_69 : memref<64x128xf32, #tpu.memory_space<vmem>>)
      tpu.yield
    }) : () -> ()
    %add3A_40 = arith.constant 64 : i32
    %add3A_41 = arith.addi %add3A_33, %add3A_40 : i32
    "tpu.region"() ({
      %run_scoped3A = tpu.sem_alloc : memref<!tpu.dma_semaphore, #tpu.memory_space<semaphore_mem>>
      %dma_start3A = arith.constant 0 : i32
      %dma_start3A_54 = arith.constant 0 : i32
      %dma_start3A_55 = tpu.memref_slice %arg12[%dma_start3A, %dma_start3A_54] : memref<64x128xf32, #tpu.memory_space<vmem>> -> memref<64x128xf32, #tpu.memory_space<vmem>>
      %dma_start3A_56 = arith.constant 0 : i32
      %dma_start3A_57 = tpu.memref_slice %arg6[%add3A_41, %dma_start3A_56] : memref<10240x128xf32, #tpu.memory_space<hbm>> -> memref<64x128xf32, #tpu.memory_space<hbm>>
      %dma_start3A_58 = arith.constant 0 : i32
      %dma_start3A_59 = tpu.memref_slice %arg6[%add3A_41, %dma_start3A_58] : memref<10240x128xf32, #tpu.memory_space<hbm>> -> memref<64x128xf32, #tpu.memory_space<hbm>>
      %dma_start3A_60 = arith.constant 0 : i32
      %dma_start3A_61 = arith.constant 0 : i32
      %dma_start3A_62 = tpu.memref_slice %arg12[%dma_start3A_60, %dma_start3A_61] : memref<64x128xf32, #tpu.memory_space<vmem>> -> memref<64x128xf32, #tpu.memory_space<vmem>>
      tpu.enqueue_dma source(%dma_start3A_62 : memref<64x128xf32, #tpu.memory_space<vmem>>) target(%dma_start3A_59 : memref<64x128xf32, #tpu.memory_space<hbm>>) target_semaphore(%run_scoped3A : memref<!tpu.dma_semaphore, #tpu.memory_space<semaphore_mem>>)
      %dma_wait3A = arith.constant 0 : i32
      %dma_wait3A_63 = arith.constant 0 : i32
      %dma_wait3A_64 = tpu.memref_slice %arg12[%dma_wait3A, %dma_wait3A_63] : memref<64x128xf32, #tpu.memory_space<vmem>> -> memref<64x128xf32, #tpu.memory_space<vmem>>
      %dma_wait3A_65 = arith.constant 0 : i32
      %dma_wait3A_66 = tpu.memref_slice %arg6[%add3A_41, %dma_wait3A_65] : memref<10240x128xf32, #tpu.memory_space<hbm>> -> memref<64x128xf32, #tpu.memory_space<hbm>>
      %dma_wait3A_67 = arith.constant 0 : i32
      %dma_wait3A_68 = tpu.memref_slice %arg6[%add3A_41, %dma_wait3A_67] : memref<10240x128xf32, #tpu.memory_space<hbm>> -> memref<64x128xf32, #tpu.memory_space<hbm>>
      %dma_wait3A_69 = arith.constant 0 : i32
      %dma_wait3A_70 = arith.constant 0 : i32
      %dma_wait3A_71 = tpu.memref_slice %arg12[%dma_wait3A_69, %dma_wait3A_70] : memref<64x128xf32, #tpu.memory_space<vmem>> -> memref<64x128xf32, #tpu.memory_space<vmem>>
      tpu.wait_dma2 semaphore(%run_scoped3A : memref<!tpu.dma_semaphore, #tpu.memory_space<semaphore_mem>>) src(%dma_wait3A_71 : memref<64x128xf32, #tpu.memory_space<vmem>>) dst(%dma_wait3A_68 : memref<64x128xf32, #tpu.memory_space<hbm>>)
      tpu.yield
    }) : () -> ()
    %add3A_42 = arith.constant 128 : i32
    %add3A_43 = arith.addi %mul3A_28, %add3A_42 : i32
    "tpu.region"() ({
      %run_scoped3A = tpu.sem_alloc : memref<!tpu.dma_semaphore, #tpu.memory_space<semaphore_mem>>
      %dma_start3A = arith.constant 0 : i32
      %dma_start3A_54 = arith.constant 0 : i32
      %dma_start3A_55 = tpu.memref_slice %arg12[%dma_start3A, %dma_start3A_54] : memref<64x128xf32, #tpu.memory_space<vmem>> -> memref<64x128xf32, #tpu.memory_space<vmem>>
      %dma_start3A_56 = arith.constant 0 : i32
      %dma_start3A_57 = tpu.memref_slice %arg13[%add3A_43, %dma_start3A_56] : memref<5128x128xf32, #tpu.memory_space<vmem_shared>> -> memref<64x128xf32, #tpu.memory_space<vmem_shared>>
      %dma_start3A_58 = arith.constant 0 : i32
      %dma_start3A_59 = arith.constant 0 : i32
      %dma_start3A_60 = tpu.memref_slice %arg12[%dma_start3A_58, %dma_start3A_59] : memref<64x128xf32, #tpu.memory_space<vmem>> -> memref<64x128xf32, #tpu.memory_space<vmem>>
      %dma_start3A_61 = arith.constant 0 : i32
      %dma_start3A_62 = tpu.memref_slice %arg13[%add3A_43, %dma_start3A_61] : memref<5128x128xf32, #tpu.memory_space<vmem_shared>> -> memref<64x128xf32, #tpu.memory_space<vmem_shared>>
      tpu.enqueue_dma source(%dma_start3A_62 : memref<64x128xf32, #tpu.memory_space<vmem_shared>>) target(%dma_start3A_60 : memref<64x128xf32, #tpu.memory_space<vmem>>) target_semaphore(%run_scoped3A : memref<!tpu.dma_semaphore, #tpu.memory_space<semaphore_mem>>)
      %dma_wait3A = arith.constant 0 : i32
      %dma_wait3A_63 = arith.constant 0 : i32
      %dma_wait3A_64 = tpu.memref_slice %arg12[%dma_wait3A, %dma_wait3A_63] : memref<64x128xf32, #tpu.memory_space<vmem>> -> memref<64x128xf32, #tpu.memory_space<vmem>>
      %dma_wait3A_65 = arith.constant 0 : i32
      %dma_wait3A_66 = tpu.memref_slice %arg13[%add3A_43, %dma_wait3A_65] : memref<5128x128xf32, #tpu.memory_space<vmem_shared>> -> memref<64x128xf32, #tpu.memory_space<vmem_shared>>
      %dma_wait3A_67 = arith.constant 0 : i32
      %dma_wait3A_68 = arith.constant 0 : i32
      %dma_wait3A_69 = tpu.memref_slice %arg12[%dma_wait3A_67, %dma_wait3A_68] : memref<64x128xf32, #tpu.memory_space<vmem>> -> memref<64x128xf32, #tpu.memory_space<vmem>>
      %dma_wait3A_70 = arith.constant 0 : i32
      %dma_wait3A_71 = tpu.memref_slice %arg13[%add3A_43, %dma_wait3A_70] : memref<5128x128xf32, #tpu.memory_space<vmem_shared>> -> memref<64x128xf32, #tpu.memory_space<vmem_shared>>
      tpu.wait_dma2 semaphore(%run_scoped3A : memref<!tpu.dma_semaphore, #tpu.memory_space<semaphore_mem>>) src(%dma_wait3A_71 : memref<64x128xf32, #tpu.memory_space<vmem_shared>>) dst(%dma_wait3A_69 : memref<64x128xf32, #tpu.memory_space<vmem>>)
      tpu.yield
    }) : () -> ()
    %add3A_44 = arith.constant 128 : i32
    %add3A_45 = arith.addi %add3A_33, %add3A_44 : i32
    "tpu.region"() ({
      %run_scoped3A = tpu.sem_alloc : memref<!tpu.dma_semaphore, #tpu.memory_space<semaphore_mem>>
      %dma_start3A = arith.constant 0 : i32
      %dma_start3A_54 = arith.constant 0 : i32
      %dma_start3A_55 = tpu.memref_slice %arg12[%dma_start3A, %dma_start3A_54] : memref<64x128xf32, #tpu.memory_space<vmem>> -> memref<64x128xf32, #tpu.memory_space<vmem>>
      %dma_start3A_56 = arith.constant 0 : i32
      %dma_start3A_57 = tpu.memref_slice %arg6[%add3A_45, %dma_start3A_56] : memref<10240x128xf32, #tpu.memory_space<hbm>> -> memref<64x128xf32, #tpu.memory_space<hbm>>
      %dma_start3A_58 = arith.constant 0 : i32
      %dma_start3A_59 = tpu.memref_slice %arg6[%add3A_45, %dma_start3A_58] : memref<10240x128xf32, #tpu.memory_space<hbm>> -> memref<64x128xf32, #tpu.memory_space<hbm>>
      %dma_start3A_60 = arith.constant 0 : i32
      %dma_start3A_61 = arith.constant 0 : i32
      %dma_start3A_62 = tpu.memref_slice %arg12[%dma_start3A_60, %dma_start3A_61] : memref<64x128xf32, #tpu.memory_space<vmem>> -> memref<64x128xf32, #tpu.memory_space<vmem>>
      tpu.enqueue_dma source(%dma_start3A_62 : memref<64x128xf32, #tpu.memory_space<vmem>>) target(%dma_start3A_59 : memref<64x128xf32, #tpu.memory_space<hbm>>) target_semaphore(%run_scoped3A : memref<!tpu.dma_semaphore, #tpu.memory_space<semaphore_mem>>)
      %dma_wait3A = arith.constant 0 : i32
      %dma_wait3A_63 = arith.constant 0 : i32
      %dma_wait3A_64 = tpu.memref_slice %arg12[%dma_wait3A, %dma_wait3A_63] : memref<64x128xf32, #tpu.memory_space<vmem>> -> memref<64x128xf32, #tpu.memory_space<vmem>>
      %dma_wait3A_65 = arith.constant 0 : i32
      %dma_wait3A_66 = tpu.memref_slice %arg6[%add3A_45, %dma_wait3A_65] : memref<10240x128xf32, #tpu.memory_space<hbm>> -> memref<64x128xf32, #tpu.memory_space<hbm>>
      %dma_wait3A_67 = arith.constant 0 : i32
      %dma_wait3A_68 = tpu.memref_slice %arg6[%add3A_45, %dma_wait3A_67] : memref<10240x128xf32, #tpu.memory_space<hbm>> -> memref<64x128xf32, #tpu.memory_space<hbm>>
      %dma_wait3A_69 = arith.constant 0 : i32
      %dma_wait3A_70 = arith.constant 0 : i32
      %dma_wait3A_71 = tpu.memref_slice %arg12[%dma_wait3A_69, %dma_wait3A_70] : memref<64x128xf32, #tpu.memory_space<vmem>> -> memref<64x128xf32, #tpu.memory_space<vmem>>
      tpu.wait_dma2 semaphore(%run_scoped3A : memref<!tpu.dma_semaphore, #tpu.memory_space<semaphore_mem>>) src(%dma_wait3A_71 : memref<64x128xf32, #tpu.memory_space<vmem>>) dst(%dma_wait3A_68 : memref<64x128xf32, #tpu.memory_space<hbm>>)
      tpu.yield
    }) : () -> ()
    %add3A_46 = arith.constant 192 : i32
    %add3A_47 = arith.addi %mul3A_28, %add3A_46 : i32
    "tpu.region"() ({
      %run_scoped3A = tpu.sem_alloc : memref<!tpu.dma_semaphore, #tpu.memory_space<semaphore_mem>>
      %dma_start3A = arith.constant 0 : i32
      %dma_start3A_54 = arith.constant 0 : i32
      %dma_start3A_55 = tpu.memref_slice %arg12[%dma_start3A, %dma_start3A_54] : memref<64x128xf32, #tpu.memory_space<vmem>> -> memref<64x128xf32, #tpu.memory_space<vmem>>
      %dma_start3A_56 = arith.constant 0 : i32
      %dma_start3A_57 = tpu.memref_slice %arg13[%add3A_47, %dma_start3A_56] : memref<5128x128xf32, #tpu.memory_space<vmem_shared>> -> memref<64x128xf32, #tpu.memory_space<vmem_shared>>
      %dma_start3A_58 = arith.constant 0 : i32
      %dma_start3A_59 = arith.constant 0 : i32
      %dma_start3A_60 = tpu.memref_slice %arg12[%dma_start3A_58, %dma_start3A_59] : memref<64x128xf32, #tpu.memory_space<vmem>> -> memref<64x128xf32, #tpu.memory_space<vmem>>
      %dma_start3A_61 = arith.constant 0 : i32
      %dma_start3A_62 = tpu.memref_slice %arg13[%add3A_47, %dma_start3A_61] : memref<5128x128xf32, #tpu.memory_space<vmem_shared>> -> memref<64x128xf32, #tpu.memory_space<vmem_shared>>
      tpu.enqueue_dma source(%dma_start3A_62 : memref<64x128xf32, #tpu.memory_space<vmem_shared>>) target(%dma_start3A_60 : memref<64x128xf32, #tpu.memory_space<vmem>>) target_semaphore(%run_scoped3A : memref<!tpu.dma_semaphore, #tpu.memory_space<semaphore_mem>>)
      %dma_wait3A = arith.constant 0 : i32
      %dma_wait3A_63 = arith.constant 0 : i32
      %dma_wait3A_64 = tpu.memref_slice %arg12[%dma_wait3A, %dma_wait3A_63] : memref<64x128xf32, #tpu.memory_space<vmem>> -> memref<64x128xf32, #tpu.memory_space<vmem>>
      %dma_wait3A_65 = arith.constant 0 : i32
      %dma_wait3A_66 = tpu.memref_slice %arg13[%add3A_47, %dma_wait3A_65] : memref<5128x128xf32, #tpu.memory_space<vmem_shared>> -> memref<64x128xf32, #tpu.memory_space<vmem_shared>>
      %dma_wait3A_67 = arith.constant 0 : i32
      %dma_wait3A_68 = arith.constant 0 : i32
      %dma_wait3A_69 = tpu.memref_slice %arg12[%dma_wait3A_67, %dma_wait3A_68] : memref<64x128xf32, #tpu.memory_space<vmem>> -> memref<64x128xf32, #tpu.memory_space<vmem>>
      %dma_wait3A_70 = arith.constant 0 : i32
      %dma_wait3A_71 = tpu.memref_slice %arg13[%add3A_47, %dma_wait3A_70] : memref<5128x128xf32, #tpu.memory_space<vmem_shared>> -> memref<64x128xf32, #tpu.memory_space<vmem_shared>>
      tpu.wait_dma2 semaphore(%run_scoped3A : memref<!tpu.dma_semaphore, #tpu.memory_space<semaphore_mem>>) src(%dma_wait3A_71 : memref<64x128xf32, #tpu.memory_space<vmem_shared>>) dst(%dma_wait3A_69 : memref<64x128xf32, #tpu.memory_space<vmem>>)
      tpu.yield
    }) : () -> ()
    %add3A_48 = arith.constant 192 : i32
    %add3A_49 = arith.addi %add3A_33, %add3A_48 : i32
    "tpu.region"() ({
      %run_scoped3A = tpu.sem_alloc : memref<!tpu.dma_semaphore, #tpu.memory_space<semaphore_mem>>
      %dma_start3A = arith.constant 0 : i32
      %dma_start3A_54 = arith.constant 0 : i32
      %dma_start3A_55 = tpu.memref_slice %arg12[%dma_start3A, %dma_start3A_54] : memref<64x128xf32, #tpu.memory_space<vmem>> -> memref<64x128xf32, #tpu.memory_space<vmem>>
      %dma_start3A_56 = arith.constant 0 : i32
      %dma_start3A_57 = tpu.memref_slice %arg6[%add3A_49, %dma_start3A_56] : memref<10240x128xf32, #tpu.memory_space<hbm>> -> memref<64x128xf32, #tpu.memory_space<hbm>>
      %dma_start3A_58 = arith.constant 0 : i32
      %dma_start3A_59 = tpu.memref_slice %arg6[%add3A_49, %dma_start3A_58] : memref<10240x128xf32, #tpu.memory_space<hbm>> -> memref<64x128xf32, #tpu.memory_space<hbm>>
      %dma_start3A_60 = arith.constant 0 : i32
      %dma_start3A_61 = arith.constant 0 : i32
      %dma_start3A_62 = tpu.memref_slice %arg12[%dma_start3A_60, %dma_start3A_61] : memref<64x128xf32, #tpu.memory_space<vmem>> -> memref<64x128xf32, #tpu.memory_space<vmem>>
      tpu.enqueue_dma source(%dma_start3A_62 : memref<64x128xf32, #tpu.memory_space<vmem>>) target(%dma_start3A_59 : memref<64x128xf32, #tpu.memory_space<hbm>>) target_semaphore(%run_scoped3A : memref<!tpu.dma_semaphore, #tpu.memory_space<semaphore_mem>>)
      %dma_wait3A = arith.constant 0 : i32
      %dma_wait3A_63 = arith.constant 0 : i32
      %dma_wait3A_64 = tpu.memref_slice %arg12[%dma_wait3A, %dma_wait3A_63] : memref<64x128xf32, #tpu.memory_space<vmem>> -> memref<64x128xf32, #tpu.memory_space<vmem>>
      %dma_wait3A_65 = arith.constant 0 : i32
      %dma_wait3A_66 = tpu.memref_slice %arg6[%add3A_49, %dma_wait3A_65] : memref<10240x128xf32, #tpu.memory_space<hbm>> -> memref<64x128xf32, #tpu.memory_space<hbm>>
      %dma_wait3A_67 = arith.constant 0 : i32
      %dma_wait3A_68 = tpu.memref_slice %arg6[%add3A_49, %dma_wait3A_67] : memref<10240x128xf32, #tpu.memory_space<hbm>> -> memref<64x128xf32, #tpu.memory_space<hbm>>
      %dma_wait3A_69 = arith.constant 0 : i32
      %dma_wait3A_70 = arith.constant 0 : i32
      %dma_wait3A_71 = tpu.memref_slice %arg12[%dma_wait3A_69, %dma_wait3A_70] : memref<64x128xf32, #tpu.memory_space<vmem>> -> memref<64x128xf32, #tpu.memory_space<vmem>>
      tpu.wait_dma2 semaphore(%run_scoped3A : memref<!tpu.dma_semaphore, #tpu.memory_space<semaphore_mem>>) src(%dma_wait3A_71 : memref<64x128xf32, #tpu.memory_space<vmem>>) dst(%dma_wait3A_68 : memref<64x128xf32, #tpu.memory_space<hbm>>)
      tpu.yield
    }) : () -> ()
    %add3A_50 = arith.constant 256 : i32
    %add3A_51 = arith.addi %mul3A_28, %add3A_50 : i32
    "tpu.region"() ({
      %run_scoped3A = tpu.sem_alloc : memref<!tpu.dma_semaphore, #tpu.memory_space<semaphore_mem>>
      %dma_start3A = arith.constant 0 : i32
      %dma_start3A_54 = arith.constant 0 : i32
      %dma_start3A_55 = tpu.memref_slice %arg12[%dma_start3A, %dma_start3A_54] : memref<64x128xf32, #tpu.memory_space<vmem>> -> memref<64x128xf32, #tpu.memory_space<vmem>>
      %dma_start3A_56 = arith.constant 0 : i32
      %dma_start3A_57 = tpu.memref_slice %arg13[%add3A_51, %dma_start3A_56] : memref<5128x128xf32, #tpu.memory_space<vmem_shared>> -> memref<64x128xf32, #tpu.memory_space<vmem_shared>>
      %dma_start3A_58 = arith.constant 0 : i32
      %dma_start3A_59 = arith.constant 0 : i32
      %dma_start3A_60 = tpu.memref_slice %arg12[%dma_start3A_58, %dma_start3A_59] : memref<64x128xf32, #tpu.memory_space<vmem>> -> memref<64x128xf32, #tpu.memory_space<vmem>>
      %dma_start3A_61 = arith.constant 0 : i32
      %dma_start3A_62 = tpu.memref_slice %arg13[%add3A_51, %dma_start3A_61] : memref<5128x128xf32, #tpu.memory_space<vmem_shared>> -> memref<64x128xf32, #tpu.memory_space<vmem_shared>>
      tpu.enqueue_dma source(%dma_start3A_62 : memref<64x128xf32, #tpu.memory_space<vmem_shared>>) target(%dma_start3A_60 : memref<64x128xf32, #tpu.memory_space<vmem>>) target_semaphore(%run_scoped3A : memref<!tpu.dma_semaphore, #tpu.memory_space<semaphore_mem>>)
      %dma_wait3A = arith.constant 0 : i32
      %dma_wait3A_63 = arith.constant 0 : i32
      %dma_wait3A_64 = tpu.memref_slice %arg12[%dma_wait3A, %dma_wait3A_63] : memref<64x128xf32, #tpu.memory_space<vmem>> -> memref<64x128xf32, #tpu.memory_space<vmem>>
      %dma_wait3A_65 = arith.constant 0 : i32
      %dma_wait3A_66 = tpu.memref_slice %arg13[%add3A_51, %dma_wait3A_65] : memref<5128x128xf32, #tpu.memory_space<vmem_shared>> -> memref<64x128xf32, #tpu.memory_space<vmem_shared>>
      %dma_wait3A_67 = arith.constant 0 : i32
      %dma_wait3A_68 = arith.constant 0 : i32
      %dma_wait3A_69 = tpu.memref_slice %arg12[%dma_wait3A_67, %dma_wait3A_68] : memref<64x128xf32, #tpu.memory_space<vmem>> -> memref<64x128xf32, #tpu.memory_space<vmem>>
      %dma_wait3A_70 = arith.constant 0 : i32
      %dma_wait3A_71 = tpu.memref_slice %arg13[%add3A_51, %dma_wait3A_70] : memref<5128x128xf32, #tpu.memory_space<vmem_shared>> -> memref<64x128xf32, #tpu.memory_space<vmem_shared>>
      tpu.wait_dma2 semaphore(%run_scoped3A : memref<!tpu.dma_semaphore, #tpu.memory_space<semaphore_mem>>) src(%dma_wait3A_71 : memref<64x128xf32, #tpu.memory_space<vmem_shared>>) dst(%dma_wait3A_69 : memref<64x128xf32, #tpu.memory_space<vmem>>)
      tpu.yield
    }) : () -> ()
    %add3A_52 = arith.constant 256 : i32
    %add3A_53 = arith.addi %add3A_33, %add3A_52 : i32
    "tpu.region"() ({
      %run_scoped3A = tpu.sem_alloc : memref<!tpu.dma_semaphore, #tpu.memory_space<semaphore_mem>>
      %dma_start3A = arith.constant 0 : i32
      %dma_start3A_54 = arith.constant 0 : i32
      %dma_start3A_55 = tpu.memref_slice %arg12[%dma_start3A, %dma_start3A_54] : memref<64x128xf32, #tpu.memory_space<vmem>> -> memref<64x128xf32, #tpu.memory_space<vmem>>
      %dma_start3A_56 = arith.constant 0 : i32
      %dma_start3A_57 = tpu.memref_slice %arg6[%add3A_53, %dma_start3A_56] : memref<10240x128xf32, #tpu.memory_space<hbm>> -> memref<64x128xf32, #tpu.memory_space<hbm>>
      %dma_start3A_58 = arith.constant 0 : i32
      %dma_start3A_59 = tpu.memref_slice %arg6[%add3A_53, %dma_start3A_58] : memref<10240x128xf32, #tpu.memory_space<hbm>> -> memref<64x128xf32, #tpu.memory_space<hbm>>
      %dma_start3A_60 = arith.constant 0 : i32
      %dma_start3A_61 = arith.constant 0 : i32
      %dma_start3A_62 = tpu.memref_slice %arg12[%dma_start3A_60, %dma_start3A_61] : memref<64x128xf32, #tpu.memory_space<vmem>> -> memref<64x128xf32, #tpu.memory_space<vmem>>
      tpu.enqueue_dma source(%dma_start3A_62 : memref<64x128xf32, #tpu.memory_space<vmem>>) target(%dma_start3A_59 : memref<64x128xf32, #tpu.memory_space<hbm>>) target_semaphore(%run_scoped3A : memref<!tpu.dma_semaphore, #tpu.memory_space<semaphore_mem>>)
      %dma_wait3A = arith.constant 0 : i32
      %dma_wait3A_63 = arith.constant 0 : i32
      %dma_wait3A_64 = tpu.memref_slice %arg12[%dma_wait3A, %dma_wait3A_63] : memref<64x128xf32, #tpu.memory_space<vmem>> -> memref<64x128xf32, #tpu.memory_space<vmem>>
      %dma_wait3A_65 = arith.constant 0 : i32
      %dma_wait3A_66 = tpu.memref_slice %arg6[%add3A_53, %dma_wait3A_65] : memref<10240x128xf32, #tpu.memory_space<hbm>> -> memref<64x128xf32, #tpu.memory_space<hbm>>
      %dma_wait3A_67 = arith.constant 0 : i32
      %dma_wait3A_68 = tpu.memref_slice %arg6[%add3A_53, %dma_wait3A_67] : memref<10240x128xf32, #tpu.memory_space<hbm>> -> memref<64x128xf32, #tpu.memory_space<hbm>>
      %dma_wait3A_69 = arith.constant 0 : i32
      %dma_wait3A_70 = arith.constant 0 : i32
      %dma_wait3A_71 = tpu.memref_slice %arg12[%dma_wait3A_69, %dma_wait3A_70] : memref<64x128xf32, #tpu.memory_space<vmem>> -> memref<64x128xf32, #tpu.memory_space<vmem>>
      tpu.wait_dma2 semaphore(%run_scoped3A : memref<!tpu.dma_semaphore, #tpu.memory_space<semaphore_mem>>) src(%dma_wait3A_71 : memref<64x128xf32, #tpu.memory_space<vmem>>) dst(%dma_wait3A_68 : memref<64x128xf32, #tpu.memory_space<hbm>>)
      tpu.yield
    }) : () -> ()
    return
  }
}

#map = affine_map<(d0, d1) -> (0)>
#map1 = affine_map<(d0, d1) -> (0, 0)>
module attributes {stable_mosaic.version = 14 : i64} {
  func.func @_sc_edges1(%arg0: i32, %arg1: i32, %arg2: memref<323584xi32, #tpu.memory_space<hbm>>, %arg3: memref<323584xi32, #tpu.memory_space<hbm>>, %arg4: memref<10240x256xf32, #tpu.memory_space<hbm>>, %arg5: memref<10240x128xf32, #tpu.memory_space<hbm>>, %arg6: memref<10240x128xf32, #tpu.memory_space<hbm>>, %arg7: memref<10240x128xf32, #tpu.memory_space<hbm>>, %arg8: memref<64xi32, #tpu.memory_space<vmem>>, %arg9: memref<64xi32, #tpu.memory_space<vmem>>, %arg10: memref<64xi32, #tpu.memory_space<vmem>>, %arg11: memref<64x256xf32, #tpu.memory_space<vmem>>, %arg12: memref<64x128xf32, #tpu.memory_space<vmem>>, %arg13: memref<64x128xf32, #tpu.memory_space<vmem>>, %arg14: memref<64x128xf32, #tpu.memory_space<vmem>>, %arg15: memref<5128x128xf32, #tpu.memory_space<vmem_shared>>, %arg16: memref<5128x128xf32, #tpu.memory_space<vmem_shared>>, %arg17: memref<!tpu.dma_semaphore, #tpu.memory_space<semaphore_mem>>, %arg18: memref<!tpu.dma_semaphore, #tpu.memory_space<semaphore_mem>>) attributes {dimension_semantics = [#tpu.dimension_semantics<core_parallel>, #tpu.dimension_semantics<subcore_parallel>], iteration_bounds = array<i64: 2, 16>, scalar_prefetch = 0 : i64, scratch_operands = 11 : i64, tpu.core_type = #tpu.core_type<sc_vector_subcore>, window_params = [{transform_indices = #map}, {transform_indices = #map}, {transform_indices = #map1}, {transform_indices = #map1}, {transform_indices = #map1}, {transform_indices = #map1}]} {
    %broadcast_in_dim3A = arith.constant 0.000000e+00 : f32
    %broadcast_in_dim3A_0 = vector.broadcast %broadcast_in_dim3A : f32 to vector<16xf32>
    %scan3A = arith.constant 0 : i32
    %scan3A_1 = arith.constant 0 : i32
    %scan3A_2 = arith.constant 64 : i32
    %scan3A_3 = arith.addi %scan3A_1, %scan3A_2 : i32
    %scan3A_4 = arith.constant 1 : i32
    %scan3A_5 = scf.for %scan3A_107 = %scan3A_1 to %scan3A_3 step %scan3A_4 iter_args(%scan3A_108 = %scan3A) -> (i32)  : i32 {
      %swap3A = arith.index_cast %scan3A_107 : i32 to index
      %swap3A_109 = arith.constant 0 : index
      %swap3A_110 = tpu.vector_load %arg14[%swap3A, %swap3A_109] {strides = array<i32>} : memref<64x128xf32, #tpu.memory_space<vmem>>, vector<1x16xf32>,
      %swap3A_111 = vector.shape_cast %swap3A_110 : vector<1x16xf32> to vector<16xf32>
      %swap3A_112 = vector.shape_cast %broadcast_in_dim3A_0 : vector<16xf32> to vector<1x16xf32>
      tpu.vector_store %arg14[%swap3A, %swap3A_109], %swap3A_112 {strides = array<i32>} : memref<64x128xf32, #tpu.memory_space<vmem>>, vector<1x16xf32>,
      %swap3A_113 = arith.index_cast %scan3A_107 : i32 to index
      %swap3A_114 = arith.constant 16 : index
      %swap3A_115 = tpu.vector_load %arg14[%swap3A_113, %swap3A_114] {strides = array<i32>} : memref<64x128xf32, #tpu.memory_space<vmem>>, vector<1x16xf32>,
      %swap3A_116 = vector.shape_cast %swap3A_115 : vector<1x16xf32> to vector<16xf32>
      %swap3A_117 = vector.shape_cast %broadcast_in_dim3A_0 : vector<16xf32> to vector<1x16xf32>
      tpu.vector_store %arg14[%swap3A_113, %swap3A_114], %swap3A_117 {strides = array<i32>} : memref<64x128xf32, #tpu.memory_space<vmem>>, vector<1x16xf32>,
      %swap3A_118 = arith.index_cast %scan3A_107 : i32 to index
      %swap3A_119 = arith.constant 32 : index
      %swap3A_120 = tpu.vector_load %arg14[%swap3A_118, %swap3A_119] {strides = array<i32>} : memref<64x128xf32, #tpu.memory_space<vmem>>, vector<1x16xf32>,
      %swap3A_121 = vector.shape_cast %swap3A_120 : vector<1x16xf32> to vector<16xf32>
      %swap3A_122 = vector.shape_cast %broadcast_in_dim3A_0 : vector<16xf32> to vector<1x16xf32>
      tpu.vector_store %arg14[%swap3A_118, %swap3A_119], %swap3A_122 {strides = array<i32>} : memref<64x128xf32, #tpu.memory_space<vmem>>, vector<1x16xf32>,
      %swap3A_123 = arith.index_cast %scan3A_107 : i32 to index
      %swap3A_124 = arith.constant 48 : index
      %swap3A_125 = tpu.vector_load %arg14[%swap3A_123, %swap3A_124] {strides = array<i32>} : memref<64x128xf32, #tpu.memory_space<vmem>>, vector<1x16xf32>,
      %swap3A_126 = vector.shape_cast %swap3A_125 : vector<1x16xf32> to vector<16xf32>
      %swap3A_127 = vector.shape_cast %broadcast_in_dim3A_0 : vector<16xf32> to vector<1x16xf32>
      tpu.vector_store %arg14[%swap3A_123, %swap3A_124], %swap3A_127 {strides = array<i32>} : memref<64x128xf32, #tpu.memory_space<vmem>>, vector<1x16xf32>,
      %swap3A_128 = arith.index_cast %scan3A_107 : i32 to index
      %swap3A_129 = arith.constant 64 : index
      %swap3A_130 = tpu.vector_load %arg14[%swap3A_128, %swap3A_129] {strides = array<i32>} : memref<64x128xf32, #tpu.memory_space<vmem>>, vector<1x16xf32>,
      %swap3A_131 = vector.shape_cast %swap3A_130 : vector<1x16xf32> to vector<16xf32>
      %swap3A_132 = vector.shape_cast %broadcast_in_dim3A_0 : vector<16xf32> to vector<1x16xf32>
      tpu.vector_store %arg14[%swap3A_128, %swap3A_129], %swap3A_132 {strides = array<i32>} : memref<64x128xf32, #tpu.memory_space<vmem>>, vector<1x16xf32>,
      %swap3A_133 = arith.index_cast %scan3A_107 : i32 to index
      %swap3A_134 = arith.constant 80 : index
      %swap3A_135 = tpu.vector_load %arg14[%swap3A_133, %swap3A_134] {strides = array<i32>} : memref<64x128xf32, #tpu.memory_space<vmem>>, vector<1x16xf32>,
      %swap3A_136 = vector.shape_cast %swap3A_135 : vector<1x16xf32> to vector<16xf32>
      %swap3A_137 = vector.shape_cast %broadcast_in_dim3A_0 : vector<16xf32> to vector<1x16xf32>
      tpu.vector_store %arg14[%swap3A_133, %swap3A_134], %swap3A_137 {strides = array<i32>} : memref<64x128xf32, #tpu.memory_space<vmem>>, vector<1x16xf32>,
      %swap3A_138 = arith.index_cast %scan3A_107 : i32 to index
      %swap3A_139 = arith.constant 96 : index
      %swap3A_140 = tpu.vector_load %arg14[%swap3A_138, %swap3A_139] {strides = array<i32>} : memref<64x128xf32, #tpu.memory_space<vmem>>, vector<1x16xf32>,
      %swap3A_141 = vector.shape_cast %swap3A_140 : vector<1x16xf32> to vector<16xf32>
      %swap3A_142 = vector.shape_cast %broadcast_in_dim3A_0 : vector<16xf32> to vector<1x16xf32>
      tpu.vector_store %arg14[%swap3A_138, %swap3A_139], %swap3A_142 {strides = array<i32>} : memref<64x128xf32, #tpu.memory_space<vmem>>, vector<1x16xf32>,
      %swap3A_143 = arith.index_cast %scan3A_107 : i32 to index
      %swap3A_144 = arith.constant 112 : index
      %swap3A_145 = tpu.vector_load %arg14[%swap3A_143, %swap3A_144] {strides = array<i32>} : memref<64x128xf32, #tpu.memory_space<vmem>>, vector<1x16xf32>,
      %swap3A_146 = vector.shape_cast %swap3A_145 : vector<1x16xf32> to vector<16xf32>
      %swap3A_147 = vector.shape_cast %broadcast_in_dim3A_0 : vector<16xf32> to vector<1x16xf32>
      tpu.vector_store %arg14[%swap3A_143, %swap3A_144], %swap3A_147 {strides = array<i32>} : memref<64x128xf32, #tpu.memory_space<vmem>>, vector<1x16xf32>,
      %scan3A_148 = arith.constant 0 : i32
      scf.yield %scan3A_148 : i32
    }
    %scan3A_6 = arith.constant 64 : i32
    %broadcast_in_dim3A_7 = arith.constant 0.000000e+00 : f32
    %broadcast_in_dim3A_8 = vector.broadcast %broadcast_in_dim3A_7 : f32 to vector<16xf32>
    %scan3A_9 = arith.constant 0 : i32
    %scan3A_10 = arith.constant 0 : i32
    %scan3A_11 = arith.constant 64 : i32
    %scan3A_12 = arith.addi %scan3A_10, %scan3A_11 : i32
    %scan3A_13 = arith.constant 1 : i32
    %scan3A_14 = scf.for %scan3A_107 = %scan3A_10 to %scan3A_12 step %scan3A_13 iter_args(%scan3A_108 = %scan3A_9) -> (i32)  : i32 {
      %swap3A = arith.index_cast %scan3A_107 : i32 to index
      %swap3A_109 = arith.constant 0 : index
      %swap3A_110 = tpu.vector_load %arg13[%swap3A, %swap3A_109] {strides = array<i32>} : memref<64x128xf32, #tpu.memory_space<vmem>>, vector<1x16xf32>,
      %swap3A_111 = vector.shape_cast %swap3A_110 : vector<1x16xf32> to vector<16xf32>
      %swap3A_112 = vector.shape_cast %broadcast_in_dim3A_8 : vector<16xf32> to vector<1x16xf32>
      tpu.vector_store %arg13[%swap3A, %swap3A_109], %swap3A_112 {strides = array<i32>} : memref<64x128xf32, #tpu.memory_space<vmem>>, vector<1x16xf32>,
      %swap3A_113 = arith.index_cast %scan3A_107 : i32 to index
      %swap3A_114 = arith.constant 16 : index
      %swap3A_115 = tpu.vector_load %arg13[%swap3A_113, %swap3A_114] {strides = array<i32>} : memref<64x128xf32, #tpu.memory_space<vmem>>, vector<1x16xf32>,
      %swap3A_116 = vector.shape_cast %swap3A_115 : vector<1x16xf32> to vector<16xf32>
      %swap3A_117 = vector.shape_cast %broadcast_in_dim3A_8 : vector<16xf32> to vector<1x16xf32>
      tpu.vector_store %arg13[%swap3A_113, %swap3A_114], %swap3A_117 {strides = array<i32>} : memref<64x128xf32, #tpu.memory_space<vmem>>, vector<1x16xf32>,
      %swap3A_118 = arith.index_cast %scan3A_107 : i32 to index
      %swap3A_119 = arith.constant 32 : index
      %swap3A_120 = tpu.vector_load %arg13[%swap3A_118, %swap3A_119] {strides = array<i32>} : memref<64x128xf32, #tpu.memory_space<vmem>>, vector<1x16xf32>,
      %swap3A_121 = vector.shape_cast %swap3A_120 : vector<1x16xf32> to vector<16xf32>
      %swap3A_122 = vector.shape_cast %broadcast_in_dim3A_8 : vector<16xf32> to vector<1x16xf32>
      tpu.vector_store %arg13[%swap3A_118, %swap3A_119], %swap3A_122 {strides = array<i32>} : memref<64x128xf32, #tpu.memory_space<vmem>>, vector<1x16xf32>,
      %swap3A_123 = arith.index_cast %scan3A_107 : i32 to index
      %swap3A_124 = arith.constant 48 : index
      %swap3A_125 = tpu.vector_load %arg13[%swap3A_123, %swap3A_124] {strides = array<i32>} : memref<64x128xf32, #tpu.memory_space<vmem>>, vector<1x16xf32>,
      %swap3A_126 = vector.shape_cast %swap3A_125 : vector<1x16xf32> to vector<16xf32>
      %swap3A_127 = vector.shape_cast %broadcast_in_dim3A_8 : vector<16xf32> to vector<1x16xf32>
      tpu.vector_store %arg13[%swap3A_123, %swap3A_124], %swap3A_127 {strides = array<i32>} : memref<64x128xf32, #tpu.memory_space<vmem>>, vector<1x16xf32>,
      %swap3A_128 = arith.index_cast %scan3A_107 : i32 to index
      %swap3A_129 = arith.constant 64 : index
      %swap3A_130 = tpu.vector_load %arg13[%swap3A_128, %swap3A_129] {strides = array<i32>} : memref<64x128xf32, #tpu.memory_space<vmem>>, vector<1x16xf32>,
      %swap3A_131 = vector.shape_cast %swap3A_130 : vector<1x16xf32> to vector<16xf32>
      %swap3A_132 = vector.shape_cast %broadcast_in_dim3A_8 : vector<16xf32> to vector<1x16xf32>
      tpu.vector_store %arg13[%swap3A_128, %swap3A_129], %swap3A_132 {strides = array<i32>} : memref<64x128xf32, #tpu.memory_space<vmem>>, vector<1x16xf32>,
      %swap3A_133 = arith.index_cast %scan3A_107 : i32 to index
      %swap3A_134 = arith.constant 80 : index
      %swap3A_135 = tpu.vector_load %arg13[%swap3A_133, %swap3A_134] {strides = array<i32>} : memref<64x128xf32, #tpu.memory_space<vmem>>, vector<1x16xf32>,
      %swap3A_136 = vector.shape_cast %swap3A_135 : vector<1x16xf32> to vector<16xf32>
      %swap3A_137 = vector.shape_cast %broadcast_in_dim3A_8 : vector<16xf32> to vector<1x16xf32>
      tpu.vector_store %arg13[%swap3A_133, %swap3A_134], %swap3A_137 {strides = array<i32>} : memref<64x128xf32, #tpu.memory_space<vmem>>, vector<1x16xf32>,
      %swap3A_138 = arith.index_cast %scan3A_107 : i32 to index
      %swap3A_139 = arith.constant 96 : index
      %swap3A_140 = tpu.vector_load %arg13[%swap3A_138, %swap3A_139] {strides = array<i32>} : memref<64x128xf32, #tpu.memory_space<vmem>>, vector<1x16xf32>,
      %swap3A_141 = vector.shape_cast %swap3A_140 : vector<1x16xf32> to vector<16xf32>
      %swap3A_142 = vector.shape_cast %broadcast_in_dim3A_8 : vector<16xf32> to vector<1x16xf32>
      tpu.vector_store %arg13[%swap3A_138, %swap3A_139], %swap3A_142 {strides = array<i32>} : memref<64x128xf32, #tpu.memory_space<vmem>>, vector<1x16xf32>,
      %swap3A_143 = arith.index_cast %scan3A_107 : i32 to index
      %swap3A_144 = arith.constant 112 : index
      %swap3A_145 = tpu.vector_load %arg13[%swap3A_143, %swap3A_144] {strides = array<i32>} : memref<64x128xf32, #tpu.memory_space<vmem>>, vector<1x16xf32>,
      %swap3A_146 = vector.shape_cast %swap3A_145 : vector<1x16xf32> to vector<16xf32>
      %swap3A_147 = vector.shape_cast %broadcast_in_dim3A_8 : vector<16xf32> to vector<1x16xf32>
      tpu.vector_store %arg13[%swap3A_143, %swap3A_144], %swap3A_147 {strides = array<i32>} : memref<64x128xf32, #tpu.memory_space<vmem>>, vector<1x16xf32>,
      %scan3A_148 = arith.constant 0 : i32
      scf.yield %scan3A_148 : i32
    }
    %scan3A_15 = arith.constant 64 : i32
    %mul3A = arith.constant 320 : i32
    %mul3A_16 = arith.muli %arg1, %mul3A : i32
    %add3A = arith.constant 0 : i32
    %add3A_17 = arith.addi %mul3A_16, %add3A : i32
    "tpu.region"() ({
      %run_scoped3A = tpu.sem_alloc : memref<!tpu.dma_semaphore, #tpu.memory_space<semaphore_mem>>
      %dma_start3A = arith.constant 0 : i32
      %dma_start3A_107 = arith.constant 0 : i32
      %dma_start3A_108 = tpu.memref_slice %arg14[%dma_start3A, %dma_start3A_107] : memref<64x128xf32, #tpu.memory_space<vmem>> -> memref<64x128xf32, #tpu.memory_space<vmem>>
      %dma_start3A_109 = arith.constant 0 : i32
      %dma_start3A_110 = tpu.memref_slice %arg15[%add3A_17, %dma_start3A_109] : memref<5128x128xf32, #tpu.memory_space<vmem_shared>> -> memref<64x128xf32, #tpu.memory_space<vmem_shared>>
      %dma_start3A_111 = arith.constant 0 : i32
      %dma_start3A_112 = tpu.memref_slice %arg15[%add3A_17, %dma_start3A_111] : memref<5128x128xf32, #tpu.memory_space<vmem_shared>> -> memref<64x128xf32, #tpu.memory_space<vmem_shared>>
      %dma_start3A_113 = arith.constant 0 : i32
      %dma_start3A_114 = arith.constant 0 : i32
      %dma_start3A_115 = tpu.memref_slice %arg14[%dma_start3A_113, %dma_start3A_114] : memref<64x128xf32, #tpu.memory_space<vmem>> -> memref<64x128xf32, #tpu.memory_space<vmem>>
      tpu.enqueue_dma source(%dma_start3A_115 : memref<64x128xf32, #tpu.memory_space<vmem>>) target(%dma_start3A_112 : memref<64x128xf32, #tpu.memory_space<vmem_shared>>) target_semaphore(%run_scoped3A : memref<!tpu.dma_semaphore, #tpu.memory_space<semaphore_mem>>)
      %dma_wait3A = arith.constant 0 : i32
      %dma_wait3A_116 = arith.constant 0 : i32
      %dma_wait3A_117 = tpu.memref_slice %arg14[%dma_wait3A, %dma_wait3A_116] : memref<64x128xf32, #tpu.memory_space<vmem>> -> memref<64x128xf32, #tpu.memory_space<vmem>>
      %dma_wait3A_118 = arith.constant 0 : i32
      %dma_wait3A_119 = tpu.memref_slice %arg15[%add3A_17, %dma_wait3A_118] : memref<5128x128xf32, #tpu.memory_space<vmem_shared>> -> memref<64x128xf32, #tpu.memory_space<vmem_shared>>
      %dma_wait3A_120 = arith.constant 0 : i32
      %dma_wait3A_121 = tpu.memref_slice %arg15[%add3A_17, %dma_wait3A_120] : memref<5128x128xf32, #tpu.memory_space<vmem_shared>> -> memref<64x128xf32, #tpu.memory_space<vmem_shared>>
      %dma_wait3A_122 = arith.constant 0 : i32
      %dma_wait3A_123 = arith.constant 0 : i32
      %dma_wait3A_124 = tpu.memref_slice %arg14[%dma_wait3A_122, %dma_wait3A_123] : memref<64x128xf32, #tpu.memory_space<vmem>> -> memref<64x128xf32, #tpu.memory_space<vmem>>
      tpu.wait_dma2 semaphore(%run_scoped3A : memref<!tpu.dma_semaphore, #tpu.memory_space<semaphore_mem>>) src(%dma_wait3A_124 : memref<64x128xf32, #tpu.memory_space<vmem>>) dst(%dma_wait3A_121 : memref<64x128xf32, #tpu.memory_space<vmem_shared>>)
      tpu.yield
    }) : () -> ()
    %add3A_18 = arith.constant 64 : i32
    %add3A_19 = arith.addi %mul3A_16, %add3A_18 : i32
    "tpu.region"() ({
      %run_scoped3A = tpu.sem_alloc : memref<!tpu.dma_semaphore, #tpu.memory_space<semaphore_mem>>
      %dma_start3A = arith.constant 0 : i32
      %dma_start3A_107 = arith.constant 0 : i32
      %dma_start3A_108 = tpu.memref_slice %arg14[%dma_start3A, %dma_start3A_107] : memref<64x128xf32, #tpu.memory_space<vmem>> -> memref<64x128xf32, #tpu.memory_space<vmem>>
      %dma_start3A_109 = arith.constant 0 : i32
      %dma_start3A_110 = tpu.memref_slice %arg15[%add3A_19, %dma_start3A_109] : memref<5128x128xf32, #tpu.memory_space<vmem_shared>> -> memref<64x128xf32, #tpu.memory_space<vmem_shared>>
      %dma_start3A_111 = arith.constant 0 : i32
      %dma_start3A_112 = tpu.memref_slice %arg15[%add3A_19, %dma_start3A_111] : memref<5128x128xf32, #tpu.memory_space<vmem_shared>> -> memref<64x128xf32, #tpu.memory_space<vmem_shared>>
      %dma_start3A_113 = arith.constant 0 : i32
      %dma_start3A_114 = arith.constant 0 : i32
      %dma_start3A_115 = tpu.memref_slice %arg14[%dma_start3A_113, %dma_start3A_114] : memref<64x128xf32, #tpu.memory_space<vmem>> -> memref<64x128xf32, #tpu.memory_space<vmem>>
      tpu.enqueue_dma source(%dma_start3A_115 : memref<64x128xf32, #tpu.memory_space<vmem>>) target(%dma_start3A_112 : memref<64x128xf32, #tpu.memory_space<vmem_shared>>) target_semaphore(%run_scoped3A : memref<!tpu.dma_semaphore, #tpu.memory_space<semaphore_mem>>)
      %dma_wait3A = arith.constant 0 : i32
      %dma_wait3A_116 = arith.constant 0 : i32
      %dma_wait3A_117 = tpu.memref_slice %arg14[%dma_wait3A, %dma_wait3A_116] : memref<64x128xf32, #tpu.memory_space<vmem>> -> memref<64x128xf32, #tpu.memory_space<vmem>>
      %dma_wait3A_118 = arith.constant 0 : i32
      %dma_wait3A_119 = tpu.memref_slice %arg15[%add3A_19, %dma_wait3A_118] : memref<5128x128xf32, #tpu.memory_space<vmem_shared>> -> memref<64x128xf32, #tpu.memory_space<vmem_shared>>
      %dma_wait3A_120 = arith.constant 0 : i32
      %dma_wait3A_121 = tpu.memref_slice %arg15[%add3A_19, %dma_wait3A_120] : memref<5128x128xf32, #tpu.memory_space<vmem_shared>> -> memref<64x128xf32, #tpu.memory_space<vmem_shared>>
      %dma_wait3A_122 = arith.constant 0 : i32
      %dma_wait3A_123 = arith.constant 0 : i32
      %dma_wait3A_124 = tpu.memref_slice %arg14[%dma_wait3A_122, %dma_wait3A_123] : memref<64x128xf32, #tpu.memory_space<vmem>> -> memref<64x128xf32, #tpu.memory_space<vmem>>
      tpu.wait_dma2 semaphore(%run_scoped3A : memref<!tpu.dma_semaphore, #tpu.memory_space<semaphore_mem>>) src(%dma_wait3A_124 : memref<64x128xf32, #tpu.memory_space<vmem>>) dst(%dma_wait3A_121 : memref<64x128xf32, #tpu.memory_space<vmem_shared>>)
      tpu.yield
    }) : () -> ()
    %add3A_20 = arith.constant 128 : i32
    %add3A_21 = arith.addi %mul3A_16, %add3A_20 : i32
    "tpu.region"() ({
      %run_scoped3A = tpu.sem_alloc : memref<!tpu.dma_semaphore, #tpu.memory_space<semaphore_mem>>
      %dma_start3A = arith.constant 0 : i32
      %dma_start3A_107 = arith.constant 0 : i32
      %dma_start3A_108 = tpu.memref_slice %arg14[%dma_start3A, %dma_start3A_107] : memref<64x128xf32, #tpu.memory_space<vmem>> -> memref<64x128xf32, #tpu.memory_space<vmem>>
      %dma_start3A_109 = arith.constant 0 : i32
      %dma_start3A_110 = tpu.memref_slice %arg15[%add3A_21, %dma_start3A_109] : memref<5128x128xf32, #tpu.memory_space<vmem_shared>> -> memref<64x128xf32, #tpu.memory_space<vmem_shared>>
      %dma_start3A_111 = arith.constant 0 : i32
      %dma_start3A_112 = tpu.memref_slice %arg15[%add3A_21, %dma_start3A_111] : memref<5128x128xf32, #tpu.memory_space<vmem_shared>> -> memref<64x128xf32, #tpu.memory_space<vmem_shared>>
      %dma_start3A_113 = arith.constant 0 : i32
      %dma_start3A_114 = arith.constant 0 : i32
      %dma_start3A_115 = tpu.memref_slice %arg14[%dma_start3A_113, %dma_start3A_114] : memref<64x128xf32, #tpu.memory_space<vmem>> -> memref<64x128xf32, #tpu.memory_space<vmem>>
      tpu.enqueue_dma source(%dma_start3A_115 : memref<64x128xf32, #tpu.memory_space<vmem>>) target(%dma_start3A_112 : memref<64x128xf32, #tpu.memory_space<vmem_shared>>) target_semaphore(%run_scoped3A : memref<!tpu.dma_semaphore, #tpu.memory_space<semaphore_mem>>)
      %dma_wait3A = arith.constant 0 : i32
      %dma_wait3A_116 = arith.constant 0 : i32
      %dma_wait3A_117 = tpu.memref_slice %arg14[%dma_wait3A, %dma_wait3A_116] : memref<64x128xf32, #tpu.memory_space<vmem>> -> memref<64x128xf32, #tpu.memory_space<vmem>>
      %dma_wait3A_118 = arith.constant 0 : i32
      %dma_wait3A_119 = tpu.memref_slice %arg15[%add3A_21, %dma_wait3A_118] : memref<5128x128xf32, #tpu.memory_space<vmem_shared>> -> memref<64x128xf32, #tpu.memory_space<vmem_shared>>
      %dma_wait3A_120 = arith.constant 0 : i32
      %dma_wait3A_121 = tpu.memref_slice %arg15[%add3A_21, %dma_wait3A_120] : memref<5128x128xf32, #tpu.memory_space<vmem_shared>> -> memref<64x128xf32, #tpu.memory_space<vmem_shared>>
      %dma_wait3A_122 = arith.constant 0 : i32
      %dma_wait3A_123 = arith.constant 0 : i32
      %dma_wait3A_124 = tpu.memref_slice %arg14[%dma_wait3A_122, %dma_wait3A_123] : memref<64x128xf32, #tpu.memory_space<vmem>> -> memref<64x128xf32, #tpu.memory_space<vmem>>
      tpu.wait_dma2 semaphore(%run_scoped3A : memref<!tpu.dma_semaphore, #tpu.memory_space<semaphore_mem>>) src(%dma_wait3A_124 : memref<64x128xf32, #tpu.memory_space<vmem>>) dst(%dma_wait3A_121 : memref<64x128xf32, #tpu.memory_space<vmem_shared>>)
      tpu.yield
    }) : () -> ()
    %add3A_22 = arith.constant 192 : i32
    %add3A_23 = arith.addi %mul3A_16, %add3A_22 : i32
    "tpu.region"() ({
      %run_scoped3A = tpu.sem_alloc : memref<!tpu.dma_semaphore, #tpu.memory_space<semaphore_mem>>
      %dma_start3A = arith.constant 0 : i32
      %dma_start3A_107 = arith.constant 0 : i32
      %dma_start3A_108 = tpu.memref_slice %arg14[%dma_start3A, %dma_start3A_107] : memref<64x128xf32, #tpu.memory_space<vmem>> -> memref<64x128xf32, #tpu.memory_space<vmem>>
      %dma_start3A_109 = arith.constant 0 : i32
      %dma_start3A_110 = tpu.memref_slice %arg15[%add3A_23, %dma_start3A_109] : memref<5128x128xf32, #tpu.memory_space<vmem_shared>> -> memref<64x128xf32, #tpu.memory_space<vmem_shared>>
      %dma_start3A_111 = arith.constant 0 : i32
      %dma_start3A_112 = tpu.memref_slice %arg15[%add3A_23, %dma_start3A_111] : memref<5128x128xf32, #tpu.memory_space<vmem_shared>> -> memref<64x128xf32, #tpu.memory_space<vmem_shared>>
      %dma_start3A_113 = arith.constant 0 : i32
      %dma_start3A_114 = arith.constant 0 : i32
      %dma_start3A_115 = tpu.memref_slice %arg14[%dma_start3A_113, %dma_start3A_114] : memref<64x128xf32, #tpu.memory_space<vmem>> -> memref<64x128xf32, #tpu.memory_space<vmem>>
      tpu.enqueue_dma source(%dma_start3A_115 : memref<64x128xf32, #tpu.memory_space<vmem>>) target(%dma_start3A_112 : memref<64x128xf32, #tpu.memory_space<vmem_shared>>) target_semaphore(%run_scoped3A : memref<!tpu.dma_semaphore, #tpu.memory_space<semaphore_mem>>)
      %dma_wait3A = arith.constant 0 : i32
      %dma_wait3A_116 = arith.constant 0 : i32
      %dma_wait3A_117 = tpu.memref_slice %arg14[%dma_wait3A, %dma_wait3A_116] : memref<64x128xf32, #tpu.memory_space<vmem>> -> memref<64x128xf32, #tpu.memory_space<vmem>>
      %dma_wait3A_118 = arith.constant 0 : i32
      %dma_wait3A_119 = tpu.memref_slice %arg15[%add3A_23, %dma_wait3A_118] : memref<5128x128xf32, #tpu.memory_space<vmem_shared>> -> memref<64x128xf32, #tpu.memory_space<vmem_shared>>
      %dma_wait3A_120 = arith.constant 0 : i32
      %dma_wait3A_121 = tpu.memref_slice %arg15[%add3A_23, %dma_wait3A_120] : memref<5128x128xf32, #tpu.memory_space<vmem_shared>> -> memref<64x128xf32, #tpu.memory_space<vmem_shared>>
      %dma_wait3A_122 = arith.constant 0 : i32
      %dma_wait3A_123 = arith.constant 0 : i32
      %dma_wait3A_124 = tpu.memref_slice %arg14[%dma_wait3A_122, %dma_wait3A_123] : memref<64x128xf32, #tpu.memory_space<vmem>> -> memref<64x128xf32, #tpu.memory_space<vmem>>
      tpu.wait_dma2 semaphore(%run_scoped3A : memref<!tpu.dma_semaphore, #tpu.memory_space<semaphore_mem>>) src(%dma_wait3A_124 : memref<64x128xf32, #tpu.memory_space<vmem>>) dst(%dma_wait3A_121 : memref<64x128xf32, #tpu.memory_space<vmem_shared>>)
      tpu.yield
    }) : () -> ()
    %add3A_24 = arith.constant 256 : i32
    %add3A_25 = arith.addi %mul3A_16, %add3A_24 : i32
    "tpu.region"() ({
      %run_scoped3A = tpu.sem_alloc : memref<!tpu.dma_semaphore, #tpu.memory_space<semaphore_mem>>
      %dma_start3A = arith.constant 0 : i32
      %dma_start3A_107 = arith.constant 0 : i32
      %dma_start3A_108 = tpu.memref_slice %arg14[%dma_start3A, %dma_start3A_107] : memref<64x128xf32, #tpu.memory_space<vmem>> -> memref<64x128xf32, #tpu.memory_space<vmem>>
      %dma_start3A_109 = arith.constant 0 : i32
      %dma_start3A_110 = tpu.memref_slice %arg15[%add3A_25, %dma_start3A_109] : memref<5128x128xf32, #tpu.memory_space<vmem_shared>> -> memref<64x128xf32, #tpu.memory_space<vmem_shared>>
      %dma_start3A_111 = arith.constant 0 : i32
      %dma_start3A_112 = tpu.memref_slice %arg15[%add3A_25, %dma_start3A_111] : memref<5128x128xf32, #tpu.memory_space<vmem_shared>> -> memref<64x128xf32, #tpu.memory_space<vmem_shared>>
      %dma_start3A_113 = arith.constant 0 : i32
      %dma_start3A_114 = arith.constant 0 : i32
      %dma_start3A_115 = tpu.memref_slice %arg14[%dma_start3A_113, %dma_start3A_114] : memref<64x128xf32, #tpu.memory_space<vmem>> -> memref<64x128xf32, #tpu.memory_space<vmem>>
      tpu.enqueue_dma source(%dma_start3A_115 : memref<64x128xf32, #tpu.memory_space<vmem>>) target(%dma_start3A_112 : memref<64x128xf32, #tpu.memory_space<vmem_shared>>) target_semaphore(%run_scoped3A : memref<!tpu.dma_semaphore, #tpu.memory_space<semaphore_mem>>)
      %dma_wait3A = arith.constant 0 : i32
      %dma_wait3A_116 = arith.constant 0 : i32
      %dma_wait3A_117 = tpu.memref_slice %arg14[%dma_wait3A, %dma_wait3A_116] : memref<64x128xf32, #tpu.memory_space<vmem>> -> memref<64x128xf32, #tpu.memory_space<vmem>>
      %dma_wait3A_118 = arith.constant 0 : i32
      %dma_wait3A_119 = tpu.memref_slice %arg15[%add3A_25, %dma_wait3A_118] : memref<5128x128xf32, #tpu.memory_space<vmem_shared>> -> memref<64x128xf32, #tpu.memory_space<vmem_shared>>
      %dma_wait3A_120 = arith.constant 0 : i32
      %dma_wait3A_121 = tpu.memref_slice %arg15[%add3A_25, %dma_wait3A_120] : memref<5128x128xf32, #tpu.memory_space<vmem_shared>> -> memref<64x128xf32, #tpu.memory_space<vmem_shared>>
      %dma_wait3A_122 = arith.constant 0 : i32
      %dma_wait3A_123 = arith.constant 0 : i32
      %dma_wait3A_124 = tpu.memref_slice %arg14[%dma_wait3A_122, %dma_wait3A_123] : memref<64x128xf32, #tpu.memory_space<vmem>> -> memref<64x128xf32, #tpu.memory_space<vmem>>
      tpu.wait_dma2 semaphore(%run_scoped3A : memref<!tpu.dma_semaphore, #tpu.memory_space<semaphore_mem>>) src(%dma_wait3A_124 : memref<64x128xf32, #tpu.memory_space<vmem>>) dst(%dma_wait3A_121 : memref<64x128xf32, #tpu.memory_space<vmem_shared>>)
      tpu.yield
    }) : () -> ()
    %eq3A = arith.constant 0 : i32
    %eq3A_26 = arith.cmpi eq, %arg1, %eq3A : i32
    %convert_element_type3A = arith.extui %eq3A_26 : i1 to i32
    %cond3A = arith.constant 0 : i32
    %cond3A_27 = arith.cmpi ne, %convert_element_type3A, %cond3A : i32
    scf.if %cond3A_27 {
      "tpu.region"() ({
        %run_scoped3A = tpu.sem_alloc : memref<!tpu.dma_semaphore, #tpu.memory_space<semaphore_mem>>
        %dma_start3A = arith.constant 0 : i32
        %dma_start3A_107 = arith.constant 0 : i32
        %dma_start3A_108 = tpu.memref_slice %arg14[%dma_start3A, %dma_start3A_107] : memref<64x128xf32, #tpu.memory_space<vmem>> -> memref<8x128xf32, #tpu.memory_space<vmem>>
        %dma_start3A_109 = arith.constant 5120 : i32
        %dma_start3A_110 = arith.constant 0 : i32
        %dma_start3A_111 = tpu.memref_slice %arg15[%dma_start3A_109, %dma_start3A_110] : memref<5128x128xf32, #tpu.memory_space<vmem_shared>> -> memref<8x128xf32, #tpu.memory_space<vmem_shared>>
        %dma_start3A_112 = arith.constant 5120 : i32
        %dma_start3A_113 = arith.constant 0 : i32
        %dma_start3A_114 = tpu.memref_slice %arg15[%dma_start3A_112, %dma_start3A_113] : memref<5128x128xf32, #tpu.memory_space<vmem_shared>> -> memref<8x128xf32, #tpu.memory_space<vmem_shared>>
        %dma_start3A_115 = arith.constant 0 : i32
        %dma_start3A_116 = arith.constant 0 : i32
        %dma_start3A_117 = tpu.memref_slice %arg14[%dma_start3A_115, %dma_start3A_116] : memref<64x128xf32, #tpu.memory_space<vmem>> -> memref<8x128xf32, #tpu.memory_space<vmem>>
        tpu.enqueue_dma source(%dma_start3A_117 : memref<8x128xf32, #tpu.memory_space<vmem>>) target(%dma_start3A_114 : memref<8x128xf32, #tpu.memory_space<vmem_shared>>) target_semaphore(%run_scoped3A : memref<!tpu.dma_semaphore, #tpu.memory_space<semaphore_mem>>)
        %dma_wait3A = arith.constant 0 : i32
        %dma_wait3A_118 = arith.constant 0 : i32
        %dma_wait3A_119 = tpu.memref_slice %arg14[%dma_wait3A, %dma_wait3A_118] : memref<64x128xf32, #tpu.memory_space<vmem>> -> memref<8x128xf32, #tpu.memory_space<vmem>>
        %dma_wait3A_120 = arith.constant 5120 : i32
        %dma_wait3A_121 = arith.constant 0 : i32
        %dma_wait3A_122 = tpu.memref_slice %arg15[%dma_wait3A_120, %dma_wait3A_121] : memref<5128x128xf32, #tpu.memory_space<vmem_shared>> -> memref<8x128xf32, #tpu.memory_space<vmem_shared>>
        %dma_wait3A_123 = arith.constant 5120 : i32
        %dma_wait3A_124 = arith.constant 0 : i32
        %dma_wait3A_125 = tpu.memref_slice %arg15[%dma_wait3A_123, %dma_wait3A_124] : memref<5128x128xf32, #tpu.memory_space<vmem_shared>> -> memref<8x128xf32, #tpu.memory_space<vmem_shared>>
        %dma_wait3A_126 = arith.constant 0 : i32
        %dma_wait3A_127 = arith.constant 0 : i32
        %dma_wait3A_128 = tpu.memref_slice %arg14[%dma_wait3A_126, %dma_wait3A_127] : memref<64x128xf32, #tpu.memory_space<vmem>> -> memref<8x128xf32, #tpu.memory_space<vmem>>
        tpu.wait_dma2 semaphore(%run_scoped3A : memref<!tpu.dma_semaphore, #tpu.memory_space<semaphore_mem>>) src(%dma_wait3A_128 : memref<8x128xf32, #tpu.memory_space<vmem>>) dst(%dma_wait3A_125 : memref<8x128xf32, #tpu.memory_space<vmem_shared>>)
        tpu.yield
      }) : () -> ()
    } else {
    }
    %mul3A_28 = arith.constant 320 : i32
    %mul3A_29 = arith.muli %arg1, %mul3A_28 : i32
    %add3A_30 = arith.constant 0 : i32
    %add3A_31 = arith.addi %mul3A_29, %add3A_30 : i32
    "tpu.region"() ({
      %run_scoped3A = tpu.sem_alloc : memref<!tpu.dma_semaphore, #tpu.memory_space<semaphore_mem>>
      %dma_start3A = arith.constant 0 : i32
      %dma_start3A_107 = arith.constant 0 : i32
      %dma_start3A_108 = tpu.memref_slice %arg13[%dma_start3A, %dma_start3A_107] : memref<64x128xf32, #tpu.memory_space<vmem>> -> memref<64x128xf32, #tpu.memory_space<vmem>>
      %dma_start3A_109 = arith.constant 0 : i32
      %dma_start3A_110 = tpu.memref_slice %arg16[%add3A_31, %dma_start3A_109] : memref<5128x128xf32, #tpu.memory_space<vmem_shared>> -> memref<64x128xf32, #tpu.memory_space<vmem_shared>>
      %dma_start3A_111 = arith.constant 0 : i32
      %dma_start3A_112 = tpu.memref_slice %arg16[%add3A_31, %dma_start3A_111] : memref<5128x128xf32, #tpu.memory_space<vmem_shared>> -> memref<64x128xf32, #tpu.memory_space<vmem_shared>>
      %dma_start3A_113 = arith.constant 0 : i32
      %dma_start3A_114 = arith.constant 0 : i32
      %dma_start3A_115 = tpu.memref_slice %arg13[%dma_start3A_113, %dma_start3A_114] : memref<64x128xf32, #tpu.memory_space<vmem>> -> memref<64x128xf32, #tpu.memory_space<vmem>>
      tpu.enqueue_dma source(%dma_start3A_115 : memref<64x128xf32, #tpu.memory_space<vmem>>) target(%dma_start3A_112 : memref<64x128xf32, #tpu.memory_space<vmem_shared>>) target_semaphore(%run_scoped3A : memref<!tpu.dma_semaphore, #tpu.memory_space<semaphore_mem>>)
      %dma_wait3A = arith.constant 0 : i32
      %dma_wait3A_116 = arith.constant 0 : i32
      %dma_wait3A_117 = tpu.memref_slice %arg13[%dma_wait3A, %dma_wait3A_116] : memref<64x128xf32, #tpu.memory_space<vmem>> -> memref<64x128xf32, #tpu.memory_space<vmem>>
      %dma_wait3A_118 = arith.constant 0 : i32
      %dma_wait3A_119 = tpu.memref_slice %arg16[%add3A_31, %dma_wait3A_118] : memref<5128x128xf32, #tpu.memory_space<vmem_shared>> -> memref<64x128xf32, #tpu.memory_space<vmem_shared>>
      %dma_wait3A_120 = arith.constant 0 : i32
      %dma_wait3A_121 = tpu.memref_slice %arg16[%add3A_31, %dma_wait3A_120] : memref<5128x128xf32, #tpu.memory_space<vmem_shared>> -> memref<64x128xf32, #tpu.memory_space<vmem_shared>>
      %dma_wait3A_122 = arith.constant 0 : i32
      %dma_wait3A_123 = arith.constant 0 : i32
      %dma_wait3A_124 = tpu.memref_slice %arg13[%dma_wait3A_122, %dma_wait3A_123] : memref<64x128xf32, #tpu.memory_space<vmem>> -> memref<64x128xf32, #tpu.memory_space<vmem>>
      tpu.wait_dma2 semaphore(%run_scoped3A : memref<!tpu.dma_semaphore, #tpu.memory_space<semaphore_mem>>) src(%dma_wait3A_124 : memref<64x128xf32, #tpu.memory_space<vmem>>) dst(%dma_wait3A_121 : memref<64x128xf32, #tpu.memory_space<vmem_shared>>)
      tpu.yield
    }) : () -> ()
    %add3A_32 = arith.constant 64 : i32
    %add3A_33 = arith.addi %mul3A_29, %add3A_32 : i32
    "tpu.region"() ({
      %run_scoped3A = tpu.sem_alloc : memref<!tpu.dma_semaphore, #tpu.memory_space<semaphore_mem>>
      %dma_start3A = arith.constant 0 : i32
      %dma_start3A_107 = arith.constant 0 : i32
      %dma_start3A_108 = tpu.memref_slice %arg13[%dma_start3A, %dma_start3A_107] : memref<64x128xf32, #tpu.memory_space<vmem>> -> memref<64x128xf32, #tpu.memory_space<vmem>>
      %dma_start3A_109 = arith.constant 0 : i32
      %dma_start3A_110 = tpu.memref_slice %arg16[%add3A_33, %dma_start3A_109] : memref<5128x128xf32, #tpu.memory_space<vmem_shared>> -> memref<64x128xf32, #tpu.memory_space<vmem_shared>>
      %dma_start3A_111 = arith.constant 0 : i32
      %dma_start3A_112 = tpu.memref_slice %arg16[%add3A_33, %dma_start3A_111] : memref<5128x128xf32, #tpu.memory_space<vmem_shared>> -> memref<64x128xf32, #tpu.memory_space<vmem_shared>>
      %dma_start3A_113 = arith.constant 0 : i32
      %dma_start3A_114 = arith.constant 0 : i32
      %dma_start3A_115 = tpu.memref_slice %arg13[%dma_start3A_113, %dma_start3A_114] : memref<64x128xf32, #tpu.memory_space<vmem>> -> memref<64x128xf32, #tpu.memory_space<vmem>>
      tpu.enqueue_dma source(%dma_start3A_115 : memref<64x128xf32, #tpu.memory_space<vmem>>) target(%dma_start3A_112 : memref<64x128xf32, #tpu.memory_space<vmem_shared>>) target_semaphore(%run_scoped3A : memref<!tpu.dma_semaphore, #tpu.memory_space<semaphore_mem>>)
      %dma_wait3A = arith.constant 0 : i32
      %dma_wait3A_116 = arith.constant 0 : i32
      %dma_wait3A_117 = tpu.memref_slice %arg13[%dma_wait3A, %dma_wait3A_116] : memref<64x128xf32, #tpu.memory_space<vmem>> -> memref<64x128xf32, #tpu.memory_space<vmem>>
      %dma_wait3A_118 = arith.constant 0 : i32
      %dma_wait3A_119 = tpu.memref_slice %arg16[%add3A_33, %dma_wait3A_118] : memref<5128x128xf32, #tpu.memory_space<vmem_shared>> -> memref<64x128xf32, #tpu.memory_space<vmem_shared>>
      %dma_wait3A_120 = arith.constant 0 : i32
      %dma_wait3A_121 = tpu.memref_slice %arg16[%add3A_33, %dma_wait3A_120] : memref<5128x128xf32, #tpu.memory_space<vmem_shared>> -> memref<64x128xf32, #tpu.memory_space<vmem_shared>>
      %dma_wait3A_122 = arith.constant 0 : i32
      %dma_wait3A_123 = arith.constant 0 : i32
      %dma_wait3A_124 = tpu.memref_slice %arg13[%dma_wait3A_122, %dma_wait3A_123] : memref<64x128xf32, #tpu.memory_space<vmem>> -> memref<64x128xf32, #tpu.memory_space<vmem>>
      tpu.wait_dma2 semaphore(%run_scoped3A : memref<!tpu.dma_semaphore, #tpu.memory_space<semaphore_mem>>) src(%dma_wait3A_124 : memref<64x128xf32, #tpu.memory_space<vmem>>) dst(%dma_wait3A_121 : memref<64x128xf32, #tpu.memory_space<vmem_shared>>)
      tpu.yield
    }) : () -> ()
    %add3A_34 = arith.constant 128 : i32
    %add3A_35 = arith.addi %mul3A_29, %add3A_34 : i32
    "tpu.region"() ({
      %run_scoped3A = tpu.sem_alloc : memref<!tpu.dma_semaphore, #tpu.memory_space<semaphore_mem>>
      %dma_start3A = arith.constant 0 : i32
      %dma_start3A_107 = arith.constant 0 : i32
      %dma_start3A_108 = tpu.memref_slice %arg13[%dma_start3A, %dma_start3A_107] : memref<64x128xf32, #tpu.memory_space<vmem>> -> memref<64x128xf32, #tpu.memory_space<vmem>>
      %dma_start3A_109 = arith.constant 0 : i32
      %dma_start3A_110 = tpu.memref_slice %arg16[%add3A_35, %dma_start3A_109] : memref<5128x128xf32, #tpu.memory_space<vmem_shared>> -> memref<64x128xf32, #tpu.memory_space<vmem_shared>>
      %dma_start3A_111 = arith.constant 0 : i32
      %dma_start3A_112 = tpu.memref_slice %arg16[%add3A_35, %dma_start3A_111] : memref<5128x128xf32, #tpu.memory_space<vmem_shared>> -> memref<64x128xf32, #tpu.memory_space<vmem_shared>>
      %dma_start3A_113 = arith.constant 0 : i32
      %dma_start3A_114 = arith.constant 0 : i32
      %dma_start3A_115 = tpu.memref_slice %arg13[%dma_start3A_113, %dma_start3A_114] : memref<64x128xf32, #tpu.memory_space<vmem>> -> memref<64x128xf32, #tpu.memory_space<vmem>>
      tpu.enqueue_dma source(%dma_start3A_115 : memref<64x128xf32, #tpu.memory_space<vmem>>) target(%dma_start3A_112 : memref<64x128xf32, #tpu.memory_space<vmem_shared>>) target_semaphore(%run_scoped3A : memref<!tpu.dma_semaphore, #tpu.memory_space<semaphore_mem>>)
      %dma_wait3A = arith.constant 0 : i32
      %dma_wait3A_116 = arith.constant 0 : i32
      %dma_wait3A_117 = tpu.memref_slice %arg13[%dma_wait3A, %dma_wait3A_116] : memref<64x128xf32, #tpu.memory_space<vmem>> -> memref<64x128xf32, #tpu.memory_space<vmem>>
      %dma_wait3A_118 = arith.constant 0 : i32
      %dma_wait3A_119 = tpu.memref_slice %arg16[%add3A_35, %dma_wait3A_118] : memref<5128x128xf32, #tpu.memory_space<vmem_shared>> -> memref<64x128xf32, #tpu.memory_space<vmem_shared>>
      %dma_wait3A_120 = arith.constant 0 : i32
      %dma_wait3A_121 = tpu.memref_slice %arg16[%add3A_35, %dma_wait3A_120] : memref<5128x128xf32, #tpu.memory_space<vmem_shared>> -> memref<64x128xf32, #tpu.memory_space<vmem_shared>>
      %dma_wait3A_122 = arith.constant 0 : i32
      %dma_wait3A_123 = arith.constant 0 : i32
      %dma_wait3A_124 = tpu.memref_slice %arg13[%dma_wait3A_122, %dma_wait3A_123] : memref<64x128xf32, #tpu.memory_space<vmem>> -> memref<64x128xf32, #tpu.memory_space<vmem>>
      tpu.wait_dma2 semaphore(%run_scoped3A : memref<!tpu.dma_semaphore, #tpu.memory_space<semaphore_mem>>) src(%dma_wait3A_124 : memref<64x128xf32, #tpu.memory_space<vmem>>) dst(%dma_wait3A_121 : memref<64x128xf32, #tpu.memory_space<vmem_shared>>)
      tpu.yield
    }) : () -> ()
    %add3A_36 = arith.constant 192 : i32
    %add3A_37 = arith.addi %mul3A_29, %add3A_36 : i32
    "tpu.region"() ({
      %run_scoped3A = tpu.sem_alloc : memref<!tpu.dma_semaphore, #tpu.memory_space<semaphore_mem>>
      %dma_start3A = arith.constant 0 : i32
      %dma_start3A_107 = arith.constant 0 : i32
      %dma_start3A_108 = tpu.memref_slice %arg13[%dma_start3A, %dma_start3A_107] : memref<64x128xf32, #tpu.memory_space<vmem>> -> memref<64x128xf32, #tpu.memory_space<vmem>>
      %dma_start3A_109 = arith.constant 0 : i32
      %dma_start3A_110 = tpu.memref_slice %arg16[%add3A_37, %dma_start3A_109] : memref<5128x128xf32, #tpu.memory_space<vmem_shared>> -> memref<64x128xf32, #tpu.memory_space<vmem_shared>>
      %dma_start3A_111 = arith.constant 0 : i32
      %dma_start3A_112 = tpu.memref_slice %arg16[%add3A_37, %dma_start3A_111] : memref<5128x128xf32, #tpu.memory_space<vmem_shared>> -> memref<64x128xf32, #tpu.memory_space<vmem_shared>>
      %dma_start3A_113 = arith.constant 0 : i32
      %dma_start3A_114 = arith.constant 0 : i32
      %dma_start3A_115 = tpu.memref_slice %arg13[%dma_start3A_113, %dma_start3A_114] : memref<64x128xf32, #tpu.memory_space<vmem>> -> memref<64x128xf32, #tpu.memory_space<vmem>>
      tpu.enqueue_dma source(%dma_start3A_115 : memref<64x128xf32, #tpu.memory_space<vmem>>) target(%dma_start3A_112 : memref<64x128xf32, #tpu.memory_space<vmem_shared>>) target_semaphore(%run_scoped3A : memref<!tpu.dma_semaphore, #tpu.memory_space<semaphore_mem>>)
      %dma_wait3A = arith.constant 0 : i32
      %dma_wait3A_116 = arith.constant 0 : i32
      %dma_wait3A_117 = tpu.memref_slice %arg13[%dma_wait3A, %dma_wait3A_116] : memref<64x128xf32, #tpu.memory_space<vmem>> -> memref<64x128xf32, #tpu.memory_space<vmem>>
      %dma_wait3A_118 = arith.constant 0 : i32
      %dma_wait3A_119 = tpu.memref_slice %arg16[%add3A_37, %dma_wait3A_118] : memref<5128x128xf32, #tpu.memory_space<vmem_shared>> -> memref<64x128xf32, #tpu.memory_space<vmem_shared>>
      %dma_wait3A_120 = arith.constant 0 : i32
      %dma_wait3A_121 = tpu.memref_slice %arg16[%add3A_37, %dma_wait3A_120] : memref<5128x128xf32, #tpu.memory_space<vmem_shared>> -> memref<64x128xf32, #tpu.memory_space<vmem_shared>>
      %dma_wait3A_122 = arith.constant 0 : i32
      %dma_wait3A_123 = arith.constant 0 : i32
      %dma_wait3A_124 = tpu.memref_slice %arg13[%dma_wait3A_122, %dma_wait3A_123] : memref<64x128xf32, #tpu.memory_space<vmem>> -> memref<64x128xf32, #tpu.memory_space<vmem>>
      tpu.wait_dma2 semaphore(%run_scoped3A : memref<!tpu.dma_semaphore, #tpu.memory_space<semaphore_mem>>) src(%dma_wait3A_124 : memref<64x128xf32, #tpu.memory_space<vmem>>) dst(%dma_wait3A_121 : memref<64x128xf32, #tpu.memory_space<vmem_shared>>)
      tpu.yield
    }) : () -> ()
    %add3A_38 = arith.constant 256 : i32
    %add3A_39 = arith.addi %mul3A_29, %add3A_38 : i32
    "tpu.region"() ({
      %run_scoped3A = tpu.sem_alloc : memref<!tpu.dma_semaphore, #tpu.memory_space<semaphore_mem>>
      %dma_start3A = arith.constant 0 : i32
      %dma_start3A_107 = arith.constant 0 : i32
      %dma_start3A_108 = tpu.memref_slice %arg13[%dma_start3A, %dma_start3A_107] : memref<64x128xf32, #tpu.memory_space<vmem>> -> memref<64x128xf32, #tpu.memory_space<vmem>>
      %dma_start3A_109 = arith.constant 0 : i32
      %dma_start3A_110 = tpu.memref_slice %arg16[%add3A_39, %dma_start3A_109] : memref<5128x128xf32, #tpu.memory_space<vmem_shared>> -> memref<64x128xf32, #tpu.memory_space<vmem_shared>>
      %dma_start3A_111 = arith.constant 0 : i32
      %dma_start3A_112 = tpu.memref_slice %arg16[%add3A_39, %dma_start3A_111] : memref<5128x128xf32, #tpu.memory_space<vmem_shared>> -> memref<64x128xf32, #tpu.memory_space<vmem_shared>>
      %dma_start3A_113 = arith.constant 0 : i32
      %dma_start3A_114 = arith.constant 0 : i32
      %dma_start3A_115 = tpu.memref_slice %arg13[%dma_start3A_113, %dma_start3A_114] : memref<64x128xf32, #tpu.memory_space<vmem>> -> memref<64x128xf32, #tpu.memory_space<vmem>>
      tpu.enqueue_dma source(%dma_start3A_115 : memref<64x128xf32, #tpu.memory_space<vmem>>) target(%dma_start3A_112 : memref<64x128xf32, #tpu.memory_space<vmem_shared>>) target_semaphore(%run_scoped3A : memref<!tpu.dma_semaphore, #tpu.memory_space<semaphore_mem>>)
      %dma_wait3A = arith.constant 0 : i32
      %dma_wait3A_116 = arith.constant 0 : i32
      %dma_wait3A_117 = tpu.memref_slice %arg13[%dma_wait3A, %dma_wait3A_116] : memref<64x128xf32, #tpu.memory_space<vmem>> -> memref<64x128xf32, #tpu.memory_space<vmem>>
      %dma_wait3A_118 = arith.constant 0 : i32
      %dma_wait3A_119 = tpu.memref_slice %arg16[%add3A_39, %dma_wait3A_118] : memref<5128x128xf32, #tpu.memory_space<vmem_shared>> -> memref<64x128xf32, #tpu.memory_space<vmem_shared>>
      %dma_wait3A_120 = arith.constant 0 : i32
      %dma_wait3A_121 = tpu.memref_slice %arg16[%add3A_39, %dma_wait3A_120] : memref<5128x128xf32, #tpu.memory_space<vmem_shared>> -> memref<64x128xf32, #tpu.memory_space<vmem_shared>>
      %dma_wait3A_122 = arith.constant 0 : i32
      %dma_wait3A_123 = arith.constant 0 : i32
      %dma_wait3A_124 = tpu.memref_slice %arg13[%dma_wait3A_122, %dma_wait3A_123] : memref<64x128xf32, #tpu.memory_space<vmem>> -> memref<64x128xf32, #tpu.memory_space<vmem>>
      tpu.wait_dma2 semaphore(%run_scoped3A : memref<!tpu.dma_semaphore, #tpu.memory_space<semaphore_mem>>) src(%dma_wait3A_124 : memref<64x128xf32, #tpu.memory_space<vmem>>) dst(%dma_wait3A_121 : memref<64x128xf32, #tpu.memory_space<vmem_shared>>)
      tpu.yield
    }) : () -> ()
    %eq3A_40 = arith.constant 0 : i32
    %eq3A_41 = arith.cmpi eq, %arg1, %eq3A_40 : i32
    %convert_element_type3A_42 = arith.extui %eq3A_41 : i1 to i32
    %cond3A_43 = arith.constant 0 : i32
    %cond3A_44 = arith.cmpi ne, %convert_element_type3A_42, %cond3A_43 : i32
    scf.if %cond3A_44 {
      "tpu.region"() ({
        %run_scoped3A = tpu.sem_alloc : memref<!tpu.dma_semaphore, #tpu.memory_space<semaphore_mem>>
        %dma_start3A = arith.constant 0 : i32
        %dma_start3A_107 = arith.constant 0 : i32
        %dma_start3A_108 = tpu.memref_slice %arg13[%dma_start3A, %dma_start3A_107] : memref<64x128xf32, #tpu.memory_space<vmem>> -> memref<8x128xf32, #tpu.memory_space<vmem>>
        %dma_start3A_109 = arith.constant 5120 : i32
        %dma_start3A_110 = arith.constant 0 : i32
        %dma_start3A_111 = tpu.memref_slice %arg16[%dma_start3A_109, %dma_start3A_110] : memref<5128x128xf32, #tpu.memory_space<vmem_shared>> -> memref<8x128xf32, #tpu.memory_space<vmem_shared>>
        %dma_start3A_112 = arith.constant 5120 : i32
        %dma_start3A_113 = arith.constant 0 : i32
        %dma_start3A_114 = tpu.memref_slice %arg16[%dma_start3A_112, %dma_start3A_113] : memref<5128x128xf32, #tpu.memory_space<vmem_shared>> -> memref<8x128xf32, #tpu.memory_space<vmem_shared>>
        %dma_start3A_115 = arith.constant 0 : i32
        %dma_start3A_116 = arith.constant 0 : i32
        %dma_start3A_117 = tpu.memref_slice %arg13[%dma_start3A_115, %dma_start3A_116] : memref<64x128xf32, #tpu.memory_space<vmem>> -> memref<8x128xf32, #tpu.memory_space<vmem>>
        tpu.enqueue_dma source(%dma_start3A_117 : memref<8x128xf32, #tpu.memory_space<vmem>>) target(%dma_start3A_114 : memref<8x128xf32, #tpu.memory_space<vmem_shared>>) target_semaphore(%run_scoped3A : memref<!tpu.dma_semaphore, #tpu.memory_space<semaphore_mem>>)
        %dma_wait3A = arith.constant 0 : i32
        %dma_wait3A_118 = arith.constant 0 : i32
        %dma_wait3A_119 = tpu.memref_slice %arg13[%dma_wait3A, %dma_wait3A_118] : memref<64x128xf32, #tpu.memory_space<vmem>> -> memref<8x128xf32, #tpu.memory_space<vmem>>
        %dma_wait3A_120 = arith.constant 5120 : i32
        %dma_wait3A_121 = arith.constant 0 : i32
        %dma_wait3A_122 = tpu.memref_slice %arg16[%dma_wait3A_120, %dma_wait3A_121] : memref<5128x128xf32, #tpu.memory_space<vmem_shared>> -> memref<8x128xf32, #tpu.memory_space<vmem_shared>>
        %dma_wait3A_123 = arith.constant 5120 : i32
        %dma_wait3A_124 = arith.constant 0 : i32
        %dma_wait3A_125 = tpu.memref_slice %arg16[%dma_wait3A_123, %dma_wait3A_124] : memref<5128x128xf32, #tpu.memory_space<vmem_shared>> -> memref<8x128xf32, #tpu.memory_space<vmem_shared>>
        %dma_wait3A_126 = arith.constant 0 : i32
        %dma_wait3A_127 = arith.constant 0 : i32
        %dma_wait3A_128 = tpu.memref_slice %arg13[%dma_wait3A_126, %dma_wait3A_127] : memref<64x128xf32, #tpu.memory_space<vmem>> -> memref<8x128xf32, #tpu.memory_space<vmem>>
        tpu.wait_dma2 semaphore(%run_scoped3A : memref<!tpu.dma_semaphore, #tpu.memory_space<semaphore_mem>>) src(%dma_wait3A_128 : memref<8x128xf32, #tpu.memory_space<vmem>>) dst(%dma_wait3A_125 : memref<8x128xf32, #tpu.memory_space<vmem_shared>>)
        tpu.yield
      }) : () -> ()
    } else {
    }
    %barrier3A = arith.constant 0 : index
    tpu.barrier barrier_id(%barrier3A)
    %scan3A_45 = arith.constant 0 : i32
    %scan3A_46 = arith.constant 0 : i32
    %scan3A_47 = arith.constant 316 : i32
    %scan3A_48 = arith.addi %scan3A_46, %scan3A_47 : i32
    %scan3A_49 = arith.constant 1 : i32
    %scan3A_50 = scf.for %scan3A_107 = %scan3A_46 to %scan3A_48 step %scan3A_49 iter_args(%scan3A_108 = %scan3A_45) -> (i32)  : i32 {
      %mul3A_109 = arith.constant 316 : i32
      %mul3A_110 = arith.muli %arg1, %mul3A_109 : i32
      %add3A_111 = arith.addi %mul3A_110, %scan3A_107 : i32
      %mul3A_112 = arith.constant 64 : i32
      %mul3A_113 = arith.muli %add3A_111, %mul3A_112 : i32
      "tpu.region"() ({
        %run_scoped3A = tpu.sem_alloc : memref<!tpu.dma_semaphore, #tpu.memory_space<semaphore_mem>>
        %dma_start3A_202 = tpu.memref_slice %arg2[%mul3A_113] : memref<323584xi32, #tpu.memory_space<hbm>> -> memref<64xi32, #tpu.memory_space<hbm>>
        %dma_start3A_203 = tpu.memref_slice %arg2[%mul3A_113] : memref<323584xi32, #tpu.memory_space<hbm>> -> memref<64xi32, #tpu.memory_space<hbm>>
        tpu.enqueue_dma source(%dma_start3A_203 : memref<64xi32, #tpu.memory_space<hbm>>) target(%arg8 : memref<64xi32, #tpu.memory_space<vmem>>) target_semaphore(%run_scoped3A : memref<!tpu.dma_semaphore, #tpu.memory_space<semaphore_mem>>)
        %dma_wait3A_204 = tpu.memref_slice %arg2[%mul3A_113] : memref<323584xi32, #tpu.memory_space<hbm>> -> memref<64xi32, #tpu.memory_space<hbm>>
        %dma_wait3A_205 = tpu.memref_slice %arg2[%mul3A_113] : memref<323584xi32, #tpu.memory_space<hbm>> -> memref<64xi32, #tpu.memory_space<hbm>>
        tpu.wait_dma2 semaphore(%run_scoped3A : memref<!tpu.dma_semaphore, #tpu.memory_space<semaphore_mem>>) src(%dma_wait3A_205 : memref<64xi32, #tpu.memory_space<hbm>>) dst(%arg8 : memref<64xi32, #tpu.memory_space<vmem>>)
        tpu.yield
      }) : () -> ()
      "tpu.region"() ({
        %run_scoped3A = tpu.sem_alloc : memref<!tpu.dma_semaphore, #tpu.memory_space<semaphore_mem>>
        %dma_start3A_202 = tpu.memref_slice %arg3[%mul3A_113] : memref<323584xi32, #tpu.memory_space<hbm>> -> memref<64xi32, #tpu.memory_space<hbm>>
        %dma_start3A_203 = tpu.memref_slice %arg3[%mul3A_113] : memref<323584xi32, #tpu.memory_space<hbm>> -> memref<64xi32, #tpu.memory_space<hbm>>
        tpu.enqueue_dma source(%dma_start3A_203 : memref<64xi32, #tpu.memory_space<hbm>>) target(%arg9 : memref<64xi32, #tpu.memory_space<vmem>>) target_semaphore(%run_scoped3A : memref<!tpu.dma_semaphore, #tpu.memory_space<semaphore_mem>>)
        %dma_wait3A_204 = tpu.memref_slice %arg3[%mul3A_113] : memref<323584xi32, #tpu.memory_space<hbm>> -> memref<64xi32, #tpu.memory_space<hbm>>
        %dma_wait3A_205 = tpu.memref_slice %arg3[%mul3A_113] : memref<323584xi32, #tpu.memory_space<hbm>> -> memref<64xi32, #tpu.memory_space<hbm>>
        tpu.wait_dma2 semaphore(%run_scoped3A : memref<!tpu.dma_semaphore, #tpu.memory_space<semaphore_mem>>) src(%dma_wait3A_205 : memref<64xi32, #tpu.memory_space<hbm>>) dst(%arg9 : memref<64xi32, #tpu.memory_space<vmem>>)
        tpu.yield
      }) : () -> ()
      %dma_start3A = arith.constant 0 : i32
      %dma_start3A_114 = arith.constant 0 : i32
      %dma_start3A_115 = tpu.memref_slice %arg4[%dma_start3A, %dma_start3A_114] : memref<10240x256xf32, #tpu.memory_space<hbm>> -> memref<10240x256xf32, #tpu.memory_space<hbm>>
      tpu.enqueue_indirect_dma source(%dma_start3A_115 : memref<10240x256xf32, #tpu.memory_space<hbm>>) target(%arg11 : memref<64x256xf32, #tpu.memory_space<vmem>>) offsets(%arg8 : memref<64xi32, #tpu.memory_space<vmem>>) semaphore(%arg17 : memref<!tpu.dma_semaphore, #tpu.memory_space<semaphore_mem>>)
      %dma_start3A_116 = arith.constant 0 : i32
      %dma_start3A_117 = arith.constant 0 : i32
      %dma_start3A_118 = tpu.memref_slice %arg5[%dma_start3A_116, %dma_start3A_117] : memref<10240x128xf32, #tpu.memory_space<hbm>> -> memref<10240x128xf32, #tpu.memory_space<hbm>>
      tpu.enqueue_indirect_dma source(%dma_start3A_118 : memref<10240x128xf32, #tpu.memory_space<hbm>>) target(%arg12 : memref<64x128xf32, #tpu.memory_space<vmem>>) offsets(%arg9 : memref<64xi32, #tpu.memory_space<vmem>>) semaphore(%arg18 : memref<!tpu.dma_semaphore, #tpu.memory_space<semaphore_mem>>)
      %mul3A_119 = arith.constant 5120 : i32
      %mul3A_120 = arith.muli %arg0, %mul3A_119 : i32
      %get3A = arith.constant 0 : index
      %get3A_121 = tpu.vector_load %arg9[%get3A] {strides = array<i32>} : memref<64xi32, #tpu.memory_space<vmem>>, vector<16xi32>,
      %get3A_122 = vector.shape_cast %get3A_121 : vector<16xi32> to vector<16xi32>
      %sub3A = vector.broadcast %mul3A_120 : i32 to vector<16xi32>
      %sub3A_123 = arith.subi %get3A_122, %sub3A : vector<16xi32>
      %ge3A = arith.constant 0 : i32
      %ge3A_124 = vector.broadcast %ge3A : i32 to vector<16xi32>
      %ge3A_125 = arith.cmpi sge, %sub3A_123, %ge3A_124 : vector<16xi32>
      %lt3A = arith.constant 5120 : i32
      %lt3A_126 = vector.broadcast %lt3A : i32 to vector<16xi32>
      %lt3A_127 = arith.cmpi slt, %sub3A_123, %lt3A_126 : vector<16xi32>
      %and3A = arith.andi %ge3A_125, %lt3A_127 : vector<16xi1>
      %jit3A = arith.constant 5120 : i32
      %broadcast_in_dim3A_128 = vector.broadcast %jit3A : i32 to vector<16xi32>
      %select_n3A = arith.select %and3A, %sub3A_123, %broadcast_in_dim3A_128 : vector<16xi1>, vector<16xi32>
      %swap3A = arith.constant 0 : index
      %swap3A_129 = tpu.vector_load %arg10[%swap3A] {strides = array<i32>} : memref<64xi32, #tpu.memory_space<vmem>>, vector<16xi32>,
      %swap3A_130 = vector.shape_cast %swap3A_129 : vector<16xi32> to vector<16xi32>
      %swap3A_131 = vector.shape_cast %select_n3A : vector<16xi32> to vector<16xi32>
      tpu.vector_store %arg10[%swap3A], %swap3A_131 {strides = array<i32>} : memref<64xi32, #tpu.memory_space<vmem>>, vector<16xi32>,
      %get3A_132 = arith.constant 16 : index
      %get3A_133 = tpu.vector_load %arg9[%get3A_132] {strides = array<i32>} : memref<64xi32, #tpu.memory_space<vmem>>, vector<16xi32>,
      %get3A_134 = vector.shape_cast %get3A_133 : vector<16xi32> to vector<16xi32>
      %sub3A_135 = vector.broadcast %mul3A_120 : i32 to vector<16xi32>
      %sub3A_136 = arith.subi %get3A_134, %sub3A_135 : vector<16xi32>
      %ge3A_137 = arith.constant 0 : i32
      %ge3A_138 = vector.broadcast %ge3A_137 : i32 to vector<16xi32>
      %ge3A_139 = arith.cmpi sge, %sub3A_136, %ge3A_138 : vector<16xi32>
      %lt3A_140 = arith.constant 5120 : i32
      %lt3A_141 = vector.broadcast %lt3A_140 : i32 to vector<16xi32>
      %lt3A_142 = arith.cmpi slt, %sub3A_136, %lt3A_141 : vector<16xi32>
      %and3A_143 = arith.andi %ge3A_139, %lt3A_142 : vector<16xi1>
      %jit3A_144 = arith.constant 5120 : i32
      %broadcast_in_dim3A_145 = vector.broadcast %jit3A_144 : i32 to vector<16xi32>
      %select_n3A_146 = arith.select %and3A_143, %sub3A_136, %broadcast_in_dim3A_145 : vector<16xi1>, vector<16xi32>
      %swap3A_147 = arith.constant 16 : index
      %swap3A_148 = tpu.vector_load %arg10[%swap3A_147] {strides = array<i32>} : memref<64xi32, #tpu.memory_space<vmem>>, vector<16xi32>,
      %swap3A_149 = vector.shape_cast %swap3A_148 : vector<16xi32> to vector<16xi32>
      %swap3A_150 = vector.shape_cast %select_n3A_146 : vector<16xi32> to vector<16xi32>
      tpu.vector_store %arg10[%swap3A_147], %swap3A_150 {strides = array<i32>} : memref<64xi32, #tpu.memory_space<vmem>>, vector<16xi32>,
      %get3A_151 = arith.constant 32 : index
      %get3A_152 = tpu.vector_load %arg9[%get3A_151] {strides = array<i32>} : memref<64xi32, #tpu.memory_space<vmem>>, vector<16xi32>,
      %get3A_153 = vector.shape_cast %get3A_152 : vector<16xi32> to vector<16xi32>
      %sub3A_154 = vector.broadcast %mul3A_120 : i32 to vector<16xi32>
      %sub3A_155 = arith.subi %get3A_153, %sub3A_154 : vector<16xi32>
      %ge3A_156 = arith.constant 0 : i32
      %ge3A_157 = vector.broadcast %ge3A_156 : i32 to vector<16xi32>
      %ge3A_158 = arith.cmpi sge, %sub3A_155, %ge3A_157 : vector<16xi32>
      %lt3A_159 = arith.constant 5120 : i32
      %lt3A_160 = vector.broadcast %lt3A_159 : i32 to vector<16xi32>
      %lt3A_161 = arith.cmpi slt, %sub3A_155, %lt3A_160 : vector<16xi32>
      %and3A_162 = arith.andi %ge3A_158, %lt3A_161 : vector<16xi1>
      %jit3A_163 = arith.constant 5120 : i32
      %broadcast_in_dim3A_164 = vector.broadcast %jit3A_163 : i32 to vector<16xi32>
      %select_n3A_165 = arith.select %and3A_162, %sub3A_155, %broadcast_in_dim3A_164 : vector<16xi1>, vector<16xi32>
      %swap3A_166 = arith.constant 32 : index
      %swap3A_167 = tpu.vector_load %arg10[%swap3A_166] {strides = array<i32>} : memref<64xi32, #tpu.memory_space<vmem>>, vector<16xi32>,
      %swap3A_168 = vector.shape_cast %swap3A_167 : vector<16xi32> to vector<16xi32>
      %swap3A_169 = vector.shape_cast %select_n3A_165 : vector<16xi32> to vector<16xi32>
      tpu.vector_store %arg10[%swap3A_166], %swap3A_169 {strides = array<i32>} : memref<64xi32, #tpu.memory_space<vmem>>, vector<16xi32>,
      %get3A_170 = arith.constant 48 : index
      %get3A_171 = tpu.vector_load %arg9[%get3A_170] {strides = array<i32>} : memref<64xi32, #tpu.memory_space<vmem>>, vector<16xi32>,
      %get3A_172 = vector.shape_cast %get3A_171 : vector<16xi32> to vector<16xi32>
      %sub3A_173 = vector.broadcast %mul3A_120 : i32 to vector<16xi32>
      %sub3A_174 = arith.subi %get3A_172, %sub3A_173 : vector<16xi32>
      %ge3A_175 = arith.constant 0 : i32
      %ge3A_176 = vector.broadcast %ge3A_175 : i32 to vector<16xi32>
      %ge3A_177 = arith.cmpi sge, %sub3A_174, %ge3A_176 : vector<16xi32>
      %lt3A_178 = arith.constant 5120 : i32
      %lt3A_179 = vector.broadcast %lt3A_178 : i32 to vector<16xi32>
      %lt3A_180 = arith.cmpi slt, %sub3A_174, %lt3A_179 : vector<16xi32>
      %and3A_181 = arith.andi %ge3A_177, %lt3A_180 : vector<16xi1>
      %jit3A_182 = arith.constant 5120 : i32
      %broadcast_in_dim3A_183 = vector.broadcast %jit3A_182 : i32 to vector<16xi32>
      %select_n3A_184 = arith.select %and3A_181, %sub3A_174, %broadcast_in_dim3A_183 : vector<16xi1>, vector<16xi32>
      %swap3A_185 = arith.constant 48 : index
      %swap3A_186 = tpu.vector_load %arg10[%swap3A_185] {strides = array<i32>} : memref<64xi32, #tpu.memory_space<vmem>>, vector<16xi32>,
      %swap3A_187 = vector.shape_cast %swap3A_186 : vector<16xi32> to vector<16xi32>
      %swap3A_188 = vector.shape_cast %select_n3A_184 : vector<16xi32> to vector<16xi32>
      tpu.vector_store %arg10[%swap3A_185], %swap3A_188 {strides = array<i32>} : memref<64xi32, #tpu.memory_space<vmem>>, vector<16xi32>,
      %dma_wait3A = arith.constant 0 : i32
      %dma_wait3A_189 = arith.constant 0 : i32
      %dma_wait3A_190 = tpu.memref_slice %arg4[%dma_wait3A, %dma_wait3A_189] : memref<10240x256xf32, #tpu.memory_space<hbm>> -> memref<10240x256xf32, #tpu.memory_space<hbm>>
      tpu.wait_indirect_dma semaphore(%arg17 : memref<!tpu.dma_semaphore, #tpu.memory_space<semaphore_mem>>) src(%dma_wait3A_190 : memref<10240x256xf32, #tpu.memory_space<hbm>>) dst(%arg11 : memref<64x256xf32, #tpu.memory_space<vmem>>)
      %dma_wait3A_191 = arith.constant 0 : i32
      %dma_wait3A_192 = arith.constant 0 : i32
      %dma_wait3A_193 = tpu.memref_slice %arg5[%dma_wait3A_191, %dma_wait3A_192] : memref<10240x128xf32, #tpu.memory_space<hbm>> -> memref<10240x128xf32, #tpu.memory_space<hbm>>
      tpu.wait_indirect_dma semaphore(%arg18 : memref<!tpu.dma_semaphore, #tpu.memory_space<semaphore_mem>>) src(%dma_wait3A_193 : memref<10240x128xf32, #tpu.memory_space<hbm>>) dst(%arg12 : memref<64x128xf32, #tpu.memory_space<vmem>>)
      %scan3A_194 = arith.constant 0 : i32
      %scan3A_195 = arith.constant 0 : i32
      %scan3A_196 = arith.constant 16 : i32
      %scan3A_197 = arith.addi %scan3A_195, %scan3A_196 : i32
      %scan3A_198 = arith.constant 1 : i32
      %scan3A_199 = scf.for %scan3A_202 = %scan3A_195 to %scan3A_197 step %scan3A_198 iter_args(%scan3A_203 = %scan3A_194) -> (i32)  : i32 {
        %mul3A_204 = arith.constant 4 : i32
        %mul3A_205 = arith.muli %scan3A_202, %mul3A_204 : i32
        %add3A_206 = arith.constant 0 : i32
        %add3A_207 = arith.addi %mul3A_205, %add3A_206 : i32
        %get3A_208 = arith.index_cast %add3A_207 : i32 to index
        %get3A_209 = arith.constant 128 : index
        %get3A_210 = tpu.vector_load %arg11[%get3A_208, %get3A_209] {strides = array<i32>} : memref<64x256xf32, #tpu.memory_space<vmem>>, vector<1x16xf32>,
        %get3A_211 = vector.shape_cast %get3A_210 : vector<1x16xf32> to vector<16xf32>
        %get3A_212 = arith.index_cast %add3A_207 : i32 to index
        %get3A_213 = arith.constant 0 : index
        %get3A_214 = tpu.vector_load %arg12[%get3A_212, %get3A_213] {strides = array<i32>} : memref<64x128xf32, #tpu.memory_space<vmem>>, vector<1x16xf32>,
        %get3A_215 = vector.shape_cast %get3A_214 : vector<1x16xf32> to vector<16xf32>
        %add3A_216 = arith.addf %get3A_211, %get3A_215 : vector<16xf32>
        %mul3A_217 = arith.constant 2.000000e-01 : f32
        %mul3A_218 = vector.broadcast %mul3A_217 : f32 to vector<16xf32>
        %mul3A_219 = arith.mulf %mul3A_218, %add3A_216 : vector<16xf32>
        %max3A = arith.maximumf %add3A_216, %mul3A_219 : vector<16xf32>
        %exp3A = math.exp %max3A : vector<16xf32>
        %swap3A_220 = arith.index_cast %add3A_207 : i32 to index
        %swap3A_221 = arith.constant 0 : index
        %swap3A_222 = tpu.vector_load %arg13[%swap3A_220, %swap3A_221] {strides = array<i32>} : memref<64x128xf32, #tpu.memory_space<vmem>>, vector<1x16xf32>,
        %swap3A_223 = vector.shape_cast %swap3A_222 : vector<1x16xf32> to vector<16xf32>
        %swap3A_224 = vector.shape_cast %exp3A : vector<16xf32> to vector<1x16xf32>
        tpu.vector_store %arg13[%swap3A_220, %swap3A_221], %swap3A_224 {strides = array<i32>} : memref<64x128xf32, #tpu.memory_space<vmem>>, vector<1x16xf32>,
        %get3A_225 = arith.index_cast %add3A_207 : i32 to index
        %get3A_226 = arith.constant 0 : index
        %get3A_227 = tpu.vector_load %arg11[%get3A_225, %get3A_226] {strides = array<i32>} : memref<64x256xf32, #tpu.memory_space<vmem>>, vector<1x16xf32>,
        %get3A_228 = vector.shape_cast %get3A_227 : vector<1x16xf32> to vector<16xf32>
        %slice3A = vector.extract_strided_slice %exp3A {offsets = [0], sizes = [1], strides = [1]} : vector<16xf32> to vector<1xf32>
        %squeeze3A = vector.extract %slice3A[0] : f32 from vector<1xf32>
        %mul3A_229 = vector.broadcast %squeeze3A : f32 to vector<16xf32>
        %mul3A_230 = arith.mulf %get3A_228, %mul3A_229 : vector<16xf32>
        %swap3A_231 = arith.index_cast %add3A_207 : i32 to index
        %swap3A_232 = arith.constant 0 : index
        %swap3A_233 = tpu.vector_load %arg14[%swap3A_231, %swap3A_232] {strides = array<i32>} : memref<64x128xf32, #tpu.memory_space<vmem>>, vector<1x16xf32>,
        %swap3A_234 = vector.shape_cast %swap3A_233 : vector<1x16xf32> to vector<16xf32>
        %swap3A_235 = vector.shape_cast %mul3A_230 : vector<16xf32> to vector<1x16xf32>
        tpu.vector_store %arg14[%swap3A_231, %swap3A_232], %swap3A_235 {strides = array<i32>} : memref<64x128xf32, #tpu.memory_space<vmem>>, vector<1x16xf32>,
        %get3A_236 = arith.index_cast %add3A_207 : i32 to index
        %get3A_237 = arith.constant 16 : index
        %get3A_238 = tpu.vector_load %arg11[%get3A_236, %get3A_237] {strides = array<i32>} : memref<64x256xf32, #tpu.memory_space<vmem>>, vector<1x16xf32>,
        %get3A_239 = vector.shape_cast %get3A_238 : vector<1x16xf32> to vector<16xf32>
        %slice3A_240 = vector.extract_strided_slice %exp3A {offsets = [1], sizes = [1], strides = [1]} : vector<16xf32> to vector<1xf32>
        %squeeze3A_241 = vector.extract %slice3A_240[0] : f32 from vector<1xf32>
        %mul3A_242 = vector.broadcast %squeeze3A_241 : f32 to vector<16xf32>
        %mul3A_243 = arith.mulf %get3A_239, %mul3A_242 : vector<16xf32>
        %swap3A_244 = arith.index_cast %add3A_207 : i32 to index
        %swap3A_245 = arith.constant 16 : index
        %swap3A_246 = tpu.vector_load %arg14[%swap3A_244, %swap3A_245] {strides = array<i32>} : memref<64x128xf32, #tpu.memory_space<vmem>>, vector<1x16xf32>,
        %swap3A_247 = vector.shape_cast %swap3A_246 : vector<1x16xf32> to vector<16xf32>
        %swap3A_248 = vector.shape_cast %mul3A_243 : vector<16xf32> to vector<1x16xf32>
        tpu.vector_store %arg14[%swap3A_244, %swap3A_245], %swap3A_248 {strides = array<i32>} : memref<64x128xf32, #tpu.memory_space<vmem>>, vector<1x16xf32>,
        %get3A_249 = arith.index_cast %add3A_207 : i32 to index
        %get3A_250 = arith.constant 32 : index
        %get3A_251 = tpu.vector_load %arg11[%get3A_249, %get3A_250] {strides = array<i32>} : memref<64x256xf32, #tpu.memory_space<vmem>>, vector<1x16xf32>,
        %get3A_252 = vector.shape_cast %get3A_251 : vector<1x16xf32> to vector<16xf32>
        %slice3A_253 = vector.extract_strided_slice %exp3A {offsets = [2], sizes = [1], strides = [1]} : vector<16xf32> to vector<1xf32>
        %squeeze3A_254 = vector.extract %slice3A_253[0] : f32 from vector<1xf32>
        %mul3A_255 = vector.broadcast %squeeze3A_254 : f32 to vector<16xf32>
        %mul3A_256 = arith.mulf %get3A_252, %mul3A_255 : vector<16xf32>
        %swap3A_257 = arith.index_cast %add3A_207 : i32 to index
        %swap3A_258 = arith.constant 32 : index
        %swap3A_259 = tpu.vector_load %arg14[%swap3A_257, %swap3A_258] {strides = array<i32>} : memref<64x128xf32, #tpu.memory_space<vmem>>, vector<1x16xf32>,
        %swap3A_260 = vector.shape_cast %swap3A_259 : vector<1x16xf32> to vector<16xf32>
        %swap3A_261 = vector.shape_cast %mul3A_256 : vector<16xf32> to vector<1x16xf32>
        tpu.vector_store %arg14[%swap3A_257, %swap3A_258], %swap3A_261 {strides = array<i32>} : memref<64x128xf32, #tpu.memory_space<vmem>>, vector<1x16xf32>,
        %get3A_262 = arith.index_cast %add3A_207 : i32 to index
        %get3A_263 = arith.constant 48 : index
        %get3A_264 = tpu.vector_load %arg11[%get3A_262, %get3A_263] {strides = array<i32>} : memref<64x256xf32, #tpu.memory_space<vmem>>, vector<1x16xf32>,
        %get3A_265 = vector.shape_cast %get3A_264 : vector<1x16xf32> to vector<16xf32>
        %slice3A_266 = vector.extract_strided_slice %exp3A {offsets = [3], sizes = [1], strides = [1]} : vector<16xf32> to vector<1xf32>
        %squeeze3A_267 = vector.extract %slice3A_266[0] : f32 from vector<1xf32>
        %mul3A_268 = vector.broadcast %squeeze3A_267 : f32 to vector<16xf32>
        %mul3A_269 = arith.mulf %get3A_265, %mul3A_268 : vector<16xf32>
        %swap3A_270 = arith.index_cast %add3A_207 : i32 to index
        %swap3A_271 = arith.constant 48 : index
        %swap3A_272 = tpu.vector_load %arg14[%swap3A_270, %swap3A_271] {strides = array<i32>} : memref<64x128xf32, #tpu.memory_space<vmem>>, vector<1x16xf32>,
        %swap3A_273 = vector.shape_cast %swap3A_272 : vector<1x16xf32> to vector<16xf32>
        %swap3A_274 = vector.shape_cast %mul3A_269 : vector<16xf32> to vector<1x16xf32>
        tpu.vector_store %arg14[%swap3A_270, %swap3A_271], %swap3A_274 {strides = array<i32>} : memref<64x128xf32, #tpu.memory_space<vmem>>, vector<1x16xf32>,
        %get3A_275 = arith.index_cast %add3A_207 : i32 to index
        %get3A_276 = arith.constant 64 : index
        %get3A_277 = tpu.vector_load %arg11[%get3A_275, %get3A_276] {strides = array<i32>} : memref<64x256xf32, #tpu.memory_space<vmem>>, vector<1x16xf32>,
        %get3A_278 = vector.shape_cast %get3A_277 : vector<1x16xf32> to vector<16xf32>
        %slice3A_279 = vector.extract_strided_slice %exp3A {offsets = [4], sizes = [1], strides = [1]} : vector<16xf32> to vector<1xf32>
        %squeeze3A_280 = vector.extract %slice3A_279[0] : f32 from vector<1xf32>
        %mul3A_281 = vector.broadcast %squeeze3A_280 : f32 to vector<16xf32>
        %mul3A_282 = arith.mulf %get3A_278, %mul3A_281 : vector<16xf32>
        %swap3A_283 = arith.index_cast %add3A_207 : i32 to index
        %swap3A_284 = arith.constant 64 : index
        %swap3A_285 = tpu.vector_load %arg14[%swap3A_283, %swap3A_284] {strides = array<i32>} : memref<64x128xf32, #tpu.memory_space<vmem>>, vector<1x16xf32>,
        %swap3A_286 = vector.shape_cast %swap3A_285 : vector<1x16xf32> to vector<16xf32>
        %swap3A_287 = vector.shape_cast %mul3A_282 : vector<16xf32> to vector<1x16xf32>
        tpu.vector_store %arg14[%swap3A_283, %swap3A_284], %swap3A_287 {strides = array<i32>} : memref<64x128xf32, #tpu.memory_space<vmem>>, vector<1x16xf32>,
        %get3A_288 = arith.index_cast %add3A_207 : i32 to index
        %get3A_289 = arith.constant 80 : index
        %get3A_290 = tpu.vector_load %arg11[%get3A_288, %get3A_289] {strides = array<i32>} : memref<64x256xf32, #tpu.memory_space<vmem>>, vector<1x16xf32>,
        %get3A_291 = vector.shape_cast %get3A_290 : vector<1x16xf32> to vector<16xf32>
        %slice3A_292 = vector.extract_strided_slice %exp3A {offsets = [5], sizes = [1], strides = [1]} : vector<16xf32> to vector<1xf32>
        %squeeze3A_293 = vector.extract %slice3A_292[0] : f32 from vector<1xf32>
        %mul3A_294 = vector.broadcast %squeeze3A_293 : f32 to vector<16xf32>
        %mul3A_295 = arith.mulf %get3A_291, %mul3A_294 : vector<16xf32>
        %swap3A_296 = arith.index_cast %add3A_207 : i32 to index
        %swap3A_297 = arith.constant 80 : index
        %swap3A_298 = tpu.vector_load %arg14[%swap3A_296, %swap3A_297] {strides = array<i32>} : memref<64x128xf32, #tpu.memory_space<vmem>>, vector<1x16xf32>,
        %swap3A_299 = vector.shape_cast %swap3A_298 : vector<1x16xf32> to vector<16xf32>
        %swap3A_300 = vector.shape_cast %mul3A_295 : vector<16xf32> to vector<1x16xf32>
        tpu.vector_store %arg14[%swap3A_296, %swap3A_297], %swap3A_300 {strides = array<i32>} : memref<64x128xf32, #tpu.memory_space<vmem>>, vector<1x16xf32>,
        %get3A_301 = arith.index_cast %add3A_207 : i32 to index
        %get3A_302 = arith.constant 96 : index
        %get3A_303 = tpu.vector_load %arg11[%get3A_301, %get3A_302] {strides = array<i32>} : memref<64x256xf32, #tpu.memory_space<vmem>>, vector<1x16xf32>,
        %get3A_304 = vector.shape_cast %get3A_303 : vector<1x16xf32> to vector<16xf32>
        %slice3A_305 = vector.extract_strided_slice %exp3A {offsets = [6], sizes = [1], strides = [1]} : vector<16xf32> to vector<1xf32>
        %squeeze3A_306 = vector.extract %slice3A_305[0] : f32 from vector<1xf32>
        %mul3A_307 = vector.broadcast %squeeze3A_306 : f32 to vector<16xf32>
        %mul3A_308 = arith.mulf %get3A_304, %mul3A_307 : vector<16xf32>
        %swap3A_309 = arith.index_cast %add3A_207 : i32 to index
        %swap3A_310 = arith.constant 96 : index
        %swap3A_311 = tpu.vector_load %arg14[%swap3A_309, %swap3A_310] {strides = array<i32>} : memref<64x128xf32, #tpu.memory_space<vmem>>, vector<1x16xf32>,
        %swap3A_312 = vector.shape_cast %swap3A_311 : vector<1x16xf32> to vector<16xf32>
        %swap3A_313 = vector.shape_cast %mul3A_308 : vector<16xf32> to vector<1x16xf32>
        tpu.vector_store %arg14[%swap3A_309, %swap3A_310], %swap3A_313 {strides = array<i32>} : memref<64x128xf32, #tpu.memory_space<vmem>>, vector<1x16xf32>,
        %get3A_314 = arith.index_cast %add3A_207 : i32 to index
        %get3A_315 = arith.constant 112 : index
        %get3A_316 = tpu.vector_load %arg11[%get3A_314, %get3A_315] {strides = array<i32>} : memref<64x256xf32, #tpu.memory_space<vmem>>, vector<1x16xf32>,
        %get3A_317 = vector.shape_cast %get3A_316 : vector<1x16xf32> to vector<16xf32>
        %slice3A_318 = vector.extract_strided_slice %exp3A {offsets = [7], sizes = [1], strides = [1]} : vector<16xf32> to vector<1xf32>
        %squeeze3A_319 = vector.extract %slice3A_318[0] : f32 from vector<1xf32>
        %mul3A_320 = vector.broadcast %squeeze3A_319 : f32 to vector<16xf32>
        %mul3A_321 = arith.mulf %get3A_317, %mul3A_320 : vector<16xf32>
        %swap3A_322 = arith.index_cast %add3A_207 : i32 to index
        %swap3A_323 = arith.constant 112 : index
        %swap3A_324 = tpu.vector_load %arg14[%swap3A_322, %swap3A_323] {strides = array<i32>} : memref<64x128xf32, #tpu.memory_space<vmem>>, vector<1x16xf32>,
        %swap3A_325 = vector.shape_cast %swap3A_324 : vector<1x16xf32> to vector<16xf32>
        %swap3A_326 = vector.shape_cast %mul3A_321 : vector<16xf32> to vector<1x16xf32>
        tpu.vector_store %arg14[%swap3A_322, %swap3A_323], %swap3A_326 {strides = array<i32>} : memref<64x128xf32, #tpu.memory_space<vmem>>, vector<1x16xf32>,
        %mul3A_327 = arith.constant 4 : i32
        %mul3A_328 = arith.muli %scan3A_202, %mul3A_327 : i32
        %add3A_329 = arith.constant 1 : i32
        %add3A_330 = arith.addi %mul3A_328, %add3A_329 : i32
        %get3A_331 = arith.index_cast %add3A_330 : i32 to index
        %get3A_332 = arith.constant 128 : index
        %get3A_333 = tpu.vector_load %arg11[%get3A_331, %get3A_332] {strides = array<i32>} : memref<64x256xf32, #tpu.memory_space<vmem>>, vector<1x16xf32>,
        %get3A_334 = vector.shape_cast %get3A_333 : vector<1x16xf32> to vector<16xf32>
        %get3A_335 = arith.index_cast %add3A_330 : i32 to index
        %get3A_336 = arith.constant 0 : index
        %get3A_337 = tpu.vector_load %arg12[%get3A_335, %get3A_336] {strides = array<i32>} : memref<64x128xf32, #tpu.memory_space<vmem>>, vector<1x16xf32>,
        %get3A_338 = vector.shape_cast %get3A_337 : vector<1x16xf32> to vector<16xf32>
        %add3A_339 = arith.addf %get3A_334, %get3A_338 : vector<16xf32>
        %mul3A_340 = arith.constant 2.000000e-01 : f32
        %mul3A_341 = vector.broadcast %mul3A_340 : f32 to vector<16xf32>
        %mul3A_342 = arith.mulf %mul3A_341, %add3A_339 : vector<16xf32>
        %max3A_343 = arith.maximumf %add3A_339, %mul3A_342 : vector<16xf32>
        %exp3A_344 = math.exp %max3A_343 : vector<16xf32>
        %swap3A_345 = arith.index_cast %add3A_330 : i32 to index
        %swap3A_346 = arith.constant 0 : index
        %swap3A_347 = tpu.vector_load %arg13[%swap3A_345, %swap3A_346] {strides = array<i32>} : memref<64x128xf32, #tpu.memory_space<vmem>>, vector<1x16xf32>,
        %swap3A_348 = vector.shape_cast %swap3A_347 : vector<1x16xf32> to vector<16xf32>
        %swap3A_349 = vector.shape_cast %exp3A_344 : vector<16xf32> to vector<1x16xf32>
        tpu.vector_store %arg13[%swap3A_345, %swap3A_346], %swap3A_349 {strides = array<i32>} : memref<64x128xf32, #tpu.memory_space<vmem>>, vector<1x16xf32>,
        %get3A_350 = arith.index_cast %add3A_330 : i32 to index
        %get3A_351 = arith.constant 0 : index
        %get3A_352 = tpu.vector_load %arg11[%get3A_350, %get3A_351] {strides = array<i32>} : memref<64x256xf32, #tpu.memory_space<vmem>>, vector<1x16xf32>,
        %get3A_353 = vector.shape_cast %get3A_352 : vector<1x16xf32> to vector<16xf32>
        %slice3A_354 = vector.extract_strided_slice %exp3A_344 {offsets = [0], sizes = [1], strides = [1]} : vector<16xf32> to vector<1xf32>
        %squeeze3A_355 = vector.extract %slice3A_354[0] : f32 from vector<1xf32>
        %mul3A_356 = vector.broadcast %squeeze3A_355 : f32 to vector<16xf32>
        %mul3A_357 = arith.mulf %get3A_353, %mul3A_356 : vector<16xf32>
        %swap3A_358 = arith.index_cast %add3A_330 : i32 to index
        %swap3A_359 = arith.constant 0 : index
        %swap3A_360 = tpu.vector_load %arg14[%swap3A_358, %swap3A_359] {strides = array<i32>} : memref<64x128xf32, #tpu.memory_space<vmem>>, vector<1x16xf32>,
        %swap3A_361 = vector.shape_cast %swap3A_360 : vector<1x16xf32> to vector<16xf32>
        %swap3A_362 = vector.shape_cast %mul3A_357 : vector<16xf32> to vector<1x16xf32>
        tpu.vector_store %arg14[%swap3A_358, %swap3A_359], %swap3A_362 {strides = array<i32>} : memref<64x128xf32, #tpu.memory_space<vmem>>, vector<1x16xf32>,
        %get3A_363 = arith.index_cast %add3A_330 : i32 to index
        %get3A_364 = arith.constant 16 : index
        %get3A_365 = tpu.vector_load %arg11[%get3A_363, %get3A_364] {strides = array<i32>} : memref<64x256xf32, #tpu.memory_space<vmem>>, vector<1x16xf32>,
        %get3A_366 = vector.shape_cast %get3A_365 : vector<1x16xf32> to vector<16xf32>
        %slice3A_367 = vector.extract_strided_slice %exp3A_344 {offsets = [1], sizes = [1], strides = [1]} : vector<16xf32> to vector<1xf32>
        %squeeze3A_368 = vector.extract %slice3A_367[0] : f32 from vector<1xf32>
        %mul3A_369 = vector.broadcast %squeeze3A_368 : f32 to vector<16xf32>
        %mul3A_370 = arith.mulf %get3A_366, %mul3A_369 : vector<16xf32>
        %swap3A_371 = arith.index_cast %add3A_330 : i32 to index
        %swap3A_372 = arith.constant 16 : index
        %swap3A_373 = tpu.vector_load %arg14[%swap3A_371, %swap3A_372] {strides = array<i32>} : memref<64x128xf32, #tpu.memory_space<vmem>>, vector<1x16xf32>,
        %swap3A_374 = vector.shape_cast %swap3A_373 : vector<1x16xf32> to vector<16xf32>
        %swap3A_375 = vector.shape_cast %mul3A_370 : vector<16xf32> to vector<1x16xf32>
        tpu.vector_store %arg14[%swap3A_371, %swap3A_372], %swap3A_375 {strides = array<i32>} : memref<64x128xf32, #tpu.memory_space<vmem>>, vector<1x16xf32>,
        %get3A_376 = arith.index_cast %add3A_330 : i32 to index
        %get3A_377 = arith.constant 32 : index
        %get3A_378 = tpu.vector_load %arg11[%get3A_376, %get3A_377] {strides = array<i32>} : memref<64x256xf32, #tpu.memory_space<vmem>>, vector<1x16xf32>,
        %get3A_379 = vector.shape_cast %get3A_378 : vector<1x16xf32> to vector<16xf32>
        %slice3A_380 = vector.extract_strided_slice %exp3A_344 {offsets = [2], sizes = [1], strides = [1]} : vector<16xf32> to vector<1xf32>
        %squeeze3A_381 = vector.extract %slice3A_380[0] : f32 from vector<1xf32>
        %mul3A_382 = vector.broadcast %squeeze3A_381 : f32 to vector<16xf32>
        %mul3A_383 = arith.mulf %get3A_379, %mul3A_382 : vector<16xf32>
        %swap3A_384 = arith.index_cast %add3A_330 : i32 to index
        %swap3A_385 = arith.constant 32 : index
        %swap3A_386 = tpu.vector_load %arg14[%swap3A_384, %swap3A_385] {strides = array<i32>} : memref<64x128xf32, #tpu.memory_space<vmem>>, vector<1x16xf32>,
        %swap3A_387 = vector.shape_cast %swap3A_386 : vector<1x16xf32> to vector<16xf32>
        %swap3A_388 = vector.shape_cast %mul3A_383 : vector<16xf32> to vector<1x16xf32>
        tpu.vector_store %arg14[%swap3A_384, %swap3A_385], %swap3A_388 {strides = array<i32>} : memref<64x128xf32, #tpu.memory_space<vmem>>, vector<1x16xf32>,
        %get3A_389 = arith.index_cast %add3A_330 : i32 to index
        %get3A_390 = arith.constant 48 : index
        %get3A_391 = tpu.vector_load %arg11[%get3A_389, %get3A_390] {strides = array<i32>} : memref<64x256xf32, #tpu.memory_space<vmem>>, vector<1x16xf32>,
        %get3A_392 = vector.shape_cast %get3A_391 : vector<1x16xf32> to vector<16xf32>
        %slice3A_393 = vector.extract_strided_slice %exp3A_344 {offsets = [3], sizes = [1], strides = [1]} : vector<16xf32> to vector<1xf32>
        %squeeze3A_394 = vector.extract %slice3A_393[0] : f32 from vector<1xf32>
        %mul3A_395 = vector.broadcast %squeeze3A_394 : f32 to vector<16xf32>
        %mul3A_396 = arith.mulf %get3A_392, %mul3A_395 : vector<16xf32>
        %swap3A_397 = arith.index_cast %add3A_330 : i32 to index
        %swap3A_398 = arith.constant 48 : index
        %swap3A_399 = tpu.vector_load %arg14[%swap3A_397, %swap3A_398] {strides = array<i32>} : memref<64x128xf32, #tpu.memory_space<vmem>>, vector<1x16xf32>,
        %swap3A_400 = vector.shape_cast %swap3A_399 : vector<1x16xf32> to vector<16xf32>
        %swap3A_401 = vector.shape_cast %mul3A_396 : vector<16xf32> to vector<1x16xf32>
        tpu.vector_store %arg14[%swap3A_397, %swap3A_398], %swap3A_401 {strides = array<i32>} : memref<64x128xf32, #tpu.memory_space<vmem>>, vector<1x16xf32>,
        %get3A_402 = arith.index_cast %add3A_330 : i32 to index
        %get3A_403 = arith.constant 64 : index
        %get3A_404 = tpu.vector_load %arg11[%get3A_402, %get3A_403] {strides = array<i32>} : memref<64x256xf32, #tpu.memory_space<vmem>>, vector<1x16xf32>,
        %get3A_405 = vector.shape_cast %get3A_404 : vector<1x16xf32> to vector<16xf32>
        %slice3A_406 = vector.extract_strided_slice %exp3A_344 {offsets = [4], sizes = [1], strides = [1]} : vector<16xf32> to vector<1xf32>
        %squeeze3A_407 = vector.extract %slice3A_406[0] : f32 from vector<1xf32>
        %mul3A_408 = vector.broadcast %squeeze3A_407 : f32 to vector<16xf32>
        %mul3A_409 = arith.mulf %get3A_405, %mul3A_408 : vector<16xf32>
        %swap3A_410 = arith.index_cast %add3A_330 : i32 to index
        %swap3A_411 = arith.constant 64 : index
        %swap3A_412 = tpu.vector_load %arg14[%swap3A_410, %swap3A_411] {strides = array<i32>} : memref<64x128xf32, #tpu.memory_space<vmem>>, vector<1x16xf32>,
        %swap3A_413 = vector.shape_cast %swap3A_412 : vector<1x16xf32> to vector<16xf32>
        %swap3A_414 = vector.shape_cast %mul3A_409 : vector<16xf32> to vector<1x16xf32>
        tpu.vector_store %arg14[%swap3A_410, %swap3A_411], %swap3A_414 {strides = array<i32>} : memref<64x128xf32, #tpu.memory_space<vmem>>, vector<1x16xf32>,
        %get3A_415 = arith.index_cast %add3A_330 : i32 to index
        %get3A_416 = arith.constant 80 : index
        %get3A_417 = tpu.vector_load %arg11[%get3A_415, %get3A_416] {strides = array<i32>} : memref<64x256xf32, #tpu.memory_space<vmem>>, vector<1x16xf32>,
        %get3A_418 = vector.shape_cast %get3A_417 : vector<1x16xf32> to vector<16xf32>
        %slice3A_419 = vector.extract_strided_slice %exp3A_344 {offsets = [5], sizes = [1], strides = [1]} : vector<16xf32> to vector<1xf32>
        %squeeze3A_420 = vector.extract %slice3A_419[0] : f32 from vector<1xf32>
        %mul3A_421 = vector.broadcast %squeeze3A_420 : f32 to vector<16xf32>
        %mul3A_422 = arith.mulf %get3A_418, %mul3A_421 : vector<16xf32>
        %swap3A_423 = arith.index_cast %add3A_330 : i32 to index
        %swap3A_424 = arith.constant 80 : index
        %swap3A_425 = tpu.vector_load %arg14[%swap3A_423, %swap3A_424] {strides = array<i32>} : memref<64x128xf32, #tpu.memory_space<vmem>>, vector<1x16xf32>,
        %swap3A_426 = vector.shape_cast %swap3A_425 : vector<1x16xf32> to vector<16xf32>
        %swap3A_427 = vector.shape_cast %mul3A_422 : vector<16xf32> to vector<1x16xf32>
        tpu.vector_store %arg14[%swap3A_423, %swap3A_424], %swap3A_427 {strides = array<i32>} : memref<64x128xf32, #tpu.memory_space<vmem>>, vector<1x16xf32>,
        %get3A_428 = arith.index_cast %add3A_330 : i32 to index
        %get3A_429 = arith.constant 96 : index
        %get3A_430 = tpu.vector_load %arg11[%get3A_428, %get3A_429] {strides = array<i32>} : memref<64x256xf32, #tpu.memory_space<vmem>>, vector<1x16xf32>,
        %get3A_431 = vector.shape_cast %get3A_430 : vector<1x16xf32> to vector<16xf32>
        %slice3A_432 = vector.extract_strided_slice %exp3A_344 {offsets = [6], sizes = [1], strides = [1]} : vector<16xf32> to vector<1xf32>
        %squeeze3A_433 = vector.extract %slice3A_432[0] : f32 from vector<1xf32>
        %mul3A_434 = vector.broadcast %squeeze3A_433 : f32 to vector<16xf32>
        %mul3A_435 = arith.mulf %get3A_431, %mul3A_434 : vector<16xf32>
        %swap3A_436 = arith.index_cast %add3A_330 : i32 to index
        %swap3A_437 = arith.constant 96 : index
        %swap3A_438 = tpu.vector_load %arg14[%swap3A_436, %swap3A_437] {strides = array<i32>} : memref<64x128xf32, #tpu.memory_space<vmem>>, vector<1x16xf32>,
        %swap3A_439 = vector.shape_cast %swap3A_438 : vector<1x16xf32> to vector<16xf32>
        %swap3A_440 = vector.shape_cast %mul3A_435 : vector<16xf32> to vector<1x16xf32>
        tpu.vector_store %arg14[%swap3A_436, %swap3A_437], %swap3A_440 {strides = array<i32>} : memref<64x128xf32, #tpu.memory_space<vmem>>, vector<1x16xf32>,
        %get3A_441 = arith.index_cast %add3A_330 : i32 to index
        %get3A_442 = arith.constant 112 : index
        %get3A_443 = tpu.vector_load %arg11[%get3A_441, %get3A_442] {strides = array<i32>} : memref<64x256xf32, #tpu.memory_space<vmem>>, vector<1x16xf32>,
        %get3A_444 = vector.shape_cast %get3A_443 : vector<1x16xf32> to vector<16xf32>
        %slice3A_445 = vector.extract_strided_slice %exp3A_344 {offsets = [7], sizes = [1], strides = [1]} : vector<16xf32> to vector<1xf32>
        %squeeze3A_446 = vector.extract %slice3A_445[0] : f32 from vector<1xf32>
        %mul3A_447 = vector.broadcast %squeeze3A_446 : f32 to vector<16xf32>
        %mul3A_448 = arith.mulf %get3A_444, %mul3A_447 : vector<16xf32>
        %swap3A_449 = arith.index_cast %add3A_330 : i32 to index
        %swap3A_450 = arith.constant 112 : index
        %swap3A_451 = tpu.vector_load %arg14[%swap3A_449, %swap3A_450] {strides = array<i32>} : memref<64x128xf32, #tpu.memory_space<vmem>>, vector<1x16xf32>,
        %swap3A_452 = vector.shape_cast %swap3A_451 : vector<1x16xf32> to vector<16xf32>
        %swap3A_453 = vector.shape_cast %mul3A_448 : vector<16xf32> to vector<1x16xf32>
        tpu.vector_store %arg14[%swap3A_449, %swap3A_450], %swap3A_453 {strides = array<i32>} : memref<64x128xf32, #tpu.memory_space<vmem>>, vector<1x16xf32>,
        %mul3A_454 = arith.constant 4 : i32
        %mul3A_455 = arith.muli %scan3A_202, %mul3A_454 : i32
        %add3A_456 = arith.constant 2 : i32
        %add3A_457 = arith.addi %mul3A_455, %add3A_456 : i32
        %get3A_458 = arith.index_cast %add3A_457 : i32 to index
        %get3A_459 = arith.constant 128 : index
        %get3A_460 = tpu.vector_load %arg11[%get3A_458, %get3A_459] {strides = array<i32>} : memref<64x256xf32, #tpu.memory_space<vmem>>, vector<1x16xf32>,
        %get3A_461 = vector.shape_cast %get3A_460 : vector<1x16xf32> to vector<16xf32>
        %get3A_462 = arith.index_cast %add3A_457 : i32 to index
        %get3A_463 = arith.constant 0 : index
        %get3A_464 = tpu.vector_load %arg12[%get3A_462, %get3A_463] {strides = array<i32>} : memref<64x128xf32, #tpu.memory_space<vmem>>, vector<1x16xf32>,
        %get3A_465 = vector.shape_cast %get3A_464 : vector<1x16xf32> to vector<16xf32>
        %add3A_466 = arith.addf %get3A_461, %get3A_465 : vector<16xf32>
        %mul3A_467 = arith.constant 2.000000e-01 : f32
        %mul3A_468 = vector.broadcast %mul3A_467 : f32 to vector<16xf32>
        %mul3A_469 = arith.mulf %mul3A_468, %add3A_466 : vector<16xf32>
        %max3A_470 = arith.maximumf %add3A_466, %mul3A_469 : vector<16xf32>
        %exp3A_471 = math.exp %max3A_470 : vector<16xf32>
        %swap3A_472 = arith.index_cast %add3A_457 : i32 to index
        %swap3A_473 = arith.constant 0 : index
        %swap3A_474 = tpu.vector_load %arg13[%swap3A_472, %swap3A_473] {strides = array<i32>} : memref<64x128xf32, #tpu.memory_space<vmem>>, vector<1x16xf32>,
        %swap3A_475 = vector.shape_cast %swap3A_474 : vector<1x16xf32> to vector<16xf32>
        %swap3A_476 = vector.shape_cast %exp3A_471 : vector<16xf32> to vector<1x16xf32>
        tpu.vector_store %arg13[%swap3A_472, %swap3A_473], %swap3A_476 {strides = array<i32>} : memref<64x128xf32, #tpu.memory_space<vmem>>, vector<1x16xf32>,
        %get3A_477 = arith.index_cast %add3A_457 : i32 to index
        %get3A_478 = arith.constant 0 : index
        %get3A_479 = tpu.vector_load %arg11[%get3A_477, %get3A_478] {strides = array<i32>} : memref<64x256xf32, #tpu.memory_space<vmem>>, vector<1x16xf32>,
        %get3A_480 = vector.shape_cast %get3A_479 : vector<1x16xf32> to vector<16xf32>
        %slice3A_481 = vector.extract_strided_slice %exp3A_471 {offsets = [0], sizes = [1], strides = [1]} : vector<16xf32> to vector<1xf32>
        %squeeze3A_482 = vector.extract %slice3A_481[0] : f32 from vector<1xf32>
        %mul3A_483 = vector.broadcast %squeeze3A_482 : f32 to vector<16xf32>
        %mul3A_484 = arith.mulf %get3A_480, %mul3A_483 : vector<16xf32>
        %swap3A_485 = arith.index_cast %add3A_457 : i32 to index
        %swap3A_486 = arith.constant 0 : index
        %swap3A_487 = tpu.vector_load %arg14[%swap3A_485, %swap3A_486] {strides = array<i32>} : memref<64x128xf32, #tpu.memory_space<vmem>>, vector<1x16xf32>,
        %swap3A_488 = vector.shape_cast %swap3A_487 : vector<1x16xf32> to vector<16xf32>
        %swap3A_489 = vector.shape_cast %mul3A_484 : vector<16xf32> to vector<1x16xf32>
        tpu.vector_store %arg14[%swap3A_485, %swap3A_486], %swap3A_489 {strides = array<i32>} : memref<64x128xf32, #tpu.memory_space<vmem>>, vector<1x16xf32>,
        %get3A_490 = arith.index_cast %add3A_457 : i32 to index
        %get3A_491 = arith.constant 16 : index
        %get3A_492 = tpu.vector_load %arg11[%get3A_490, %get3A_491] {strides = array<i32>} : memref<64x256xf32, #tpu.memory_space<vmem>>, vector<1x16xf32>,
        %get3A_493 = vector.shape_cast %get3A_492 : vector<1x16xf32> to vector<16xf32>
        %slice3A_494 = vector.extract_strided_slice %exp3A_471 {offsets = [1], sizes = [1], strides = [1]} : vector<16xf32> to vector<1xf32>
        %squeeze3A_495 = vector.extract %slice3A_494[0] : f32 from vector<1xf32>
        %mul3A_496 = vector.broadcast %squeeze3A_495 : f32 to vector<16xf32>
        %mul3A_497 = arith.mulf %get3A_493, %mul3A_496 : vector<16xf32>
        %swap3A_498 = arith.index_cast %add3A_457 : i32 to index
        %swap3A_499 = arith.constant 16 : index
        %swap3A_500 = tpu.vector_load %arg14[%swap3A_498, %swap3A_499] {strides = array<i32>} : memref<64x128xf32, #tpu.memory_space<vmem>>, vector<1x16xf32>,
        %swap3A_501 = vector.shape_cast %swap3A_500 : vector<1x16xf32> to vector<16xf32>
        %swap3A_502 = vector.shape_cast %mul3A_497 : vector<16xf32> to vector<1x16xf32>
        tpu.vector_store %arg14[%swap3A_498, %swap3A_499], %swap3A_502 {strides = array<i32>} : memref<64x128xf32, #tpu.memory_space<vmem>>, vector<1x16xf32>,
        %get3A_503 = arith.index_cast %add3A_457 : i32 to index
        %get3A_504 = arith.constant 32 : index
        %get3A_505 = tpu.vector_load %arg11[%get3A_503, %get3A_504] {strides = array<i32>} : memref<64x256xf32, #tpu.memory_space<vmem>>, vector<1x16xf32>,
        %get3A_506 = vector.shape_cast %get3A_505 : vector<1x16xf32> to vector<16xf32>
        %slice3A_507 = vector.extract_strided_slice %exp3A_471 {offsets = [2], sizes = [1], strides = [1]} : vector<16xf32> to vector<1xf32>
        %squeeze3A_508 = vector.extract %slice3A_507[0] : f32 from vector<1xf32>
        %mul3A_509 = vector.broadcast %squeeze3A_508 : f32 to vector<16xf32>
        %mul3A_510 = arith.mulf %get3A_506, %mul3A_509 : vector<16xf32>
        %swap3A_511 = arith.index_cast %add3A_457 : i32 to index
        %swap3A_512 = arith.constant 32 : index
        %swap3A_513 = tpu.vector_load %arg14[%swap3A_511, %swap3A_512] {strides = array<i32>} : memref<64x128xf32, #tpu.memory_space<vmem>>, vector<1x16xf32>,
        %swap3A_514 = vector.shape_cast %swap3A_513 : vector<1x16xf32> to vector<16xf32>
        %swap3A_515 = vector.shape_cast %mul3A_510 : vector<16xf32> to vector<1x16xf32>
        tpu.vector_store %arg14[%swap3A_511, %swap3A_512], %swap3A_515 {strides = array<i32>} : memref<64x128xf32, #tpu.memory_space<vmem>>, vector<1x16xf32>,
        %get3A_516 = arith.index_cast %add3A_457 : i32 to index
        %get3A_517 = arith.constant 48 : index
        %get3A_518 = tpu.vector_load %arg11[%get3A_516, %get3A_517] {strides = array<i32>} : memref<64x256xf32, #tpu.memory_space<vmem>>, vector<1x16xf32>,
        %get3A_519 = vector.shape_cast %get3A_518 : vector<1x16xf32> to vector<16xf32>
        %slice3A_520 = vector.extract_strided_slice %exp3A_471 {offsets = [3], sizes = [1], strides = [1]} : vector<16xf32> to vector<1xf32>
        %squeeze3A_521 = vector.extract %slice3A_520[0] : f32 from vector<1xf32>
        %mul3A_522 = vector.broadcast %squeeze3A_521 : f32 to vector<16xf32>
        %mul3A_523 = arith.mulf %get3A_519, %mul3A_522 : vector<16xf32>
        %swap3A_524 = arith.index_cast %add3A_457 : i32 to index
        %swap3A_525 = arith.constant 48 : index
        %swap3A_526 = tpu.vector_load %arg14[%swap3A_524, %swap3A_525] {strides = array<i32>} : memref<64x128xf32, #tpu.memory_space<vmem>>, vector<1x16xf32>,
        %swap3A_527 = vector.shape_cast %swap3A_526 : vector<1x16xf32> to vector<16xf32>
        %swap3A_528 = vector.shape_cast %mul3A_523 : vector<16xf32> to vector<1x16xf32>
        tpu.vector_store %arg14[%swap3A_524, %swap3A_525], %swap3A_528 {strides = array<i32>} : memref<64x128xf32, #tpu.memory_space<vmem>>, vector<1x16xf32>,
        %get3A_529 = arith.index_cast %add3A_457 : i32 to index
        %get3A_530 = arith.constant 64 : index
        %get3A_531 = tpu.vector_load %arg11[%get3A_529, %get3A_530] {strides = array<i32>} : memref<64x256xf32, #tpu.memory_space<vmem>>, vector<1x16xf32>,
        %get3A_532 = vector.shape_cast %get3A_531 : vector<1x16xf32> to vector<16xf32>
        %slice3A_533 = vector.extract_strided_slice %exp3A_471 {offsets = [4], sizes = [1], strides = [1]} : vector<16xf32> to vector<1xf32>
        %squeeze3A_534 = vector.extract %slice3A_533[0] : f32 from vector<1xf32>
        %mul3A_535 = vector.broadcast %squeeze3A_534 : f32 to vector<16xf32>
        %mul3A_536 = arith.mulf %get3A_532, %mul3A_535 : vector<16xf32>
        %swap3A_537 = arith.index_cast %add3A_457 : i32 to index
        %swap3A_538 = arith.constant 64 : index
        %swap3A_539 = tpu.vector_load %arg14[%swap3A_537, %swap3A_538] {strides = array<i32>} : memref<64x128xf32, #tpu.memory_space<vmem>>, vector<1x16xf32>,
        %swap3A_540 = vector.shape_cast %swap3A_539 : vector<1x16xf32> to vector<16xf32>
        %swap3A_541 = vector.shape_cast %mul3A_536 : vector<16xf32> to vector<1x16xf32>
        tpu.vector_store %arg14[%swap3A_537, %swap3A_538], %swap3A_541 {strides = array<i32>} : memref<64x128xf32, #tpu.memory_space<vmem>>, vector<1x16xf32>,
        %get3A_542 = arith.index_cast %add3A_457 : i32 to index
        %get3A_543 = arith.constant 80 : index
        %get3A_544 = tpu.vector_load %arg11[%get3A_542, %get3A_543] {strides = array<i32>} : memref<64x256xf32, #tpu.memory_space<vmem>>, vector<1x16xf32>,
        %get3A_545 = vector.shape_cast %get3A_544 : vector<1x16xf32> to vector<16xf32>
        %slice3A_546 = vector.extract_strided_slice %exp3A_471 {offsets = [5], sizes = [1], strides = [1]} : vector<16xf32> to vector<1xf32>
        %squeeze3A_547 = vector.extract %slice3A_546[0] : f32 from vector<1xf32>
        %mul3A_548 = vector.broadcast %squeeze3A_547 : f32 to vector<16xf32>
        %mul3A_549 = arith.mulf %get3A_545, %mul3A_548 : vector<16xf32>
        %swap3A_550 = arith.index_cast %add3A_457 : i32 to index
        %swap3A_551 = arith.constant 80 : index
        %swap3A_552 = tpu.vector_load %arg14[%swap3A_550, %swap3A_551] {strides = array<i32>} : memref<64x128xf32, #tpu.memory_space<vmem>>, vector<1x16xf32>,
        %swap3A_553 = vector.shape_cast %swap3A_552 : vector<1x16xf32> to vector<16xf32>
        %swap3A_554 = vector.shape_cast %mul3A_549 : vector<16xf32> to vector<1x16xf32>
        tpu.vector_store %arg14[%swap3A_550, %swap3A_551], %swap3A_554 {strides = array<i32>} : memref<64x128xf32, #tpu.memory_space<vmem>>, vector<1x16xf32>,
        %get3A_555 = arith.index_cast %add3A_457 : i32 to index
        %get3A_556 = arith.constant 96 : index
        %get3A_557 = tpu.vector_load %arg11[%get3A_555, %get3A_556] {strides = array<i32>} : memref<64x256xf32, #tpu.memory_space<vmem>>, vector<1x16xf32>,
        %get3A_558 = vector.shape_cast %get3A_557 : vector<1x16xf32> to vector<16xf32>
        %slice3A_559 = vector.extract_strided_slice %exp3A_471 {offsets = [6], sizes = [1], strides = [1]} : vector<16xf32> to vector<1xf32>
        %squeeze3A_560 = vector.extract %slice3A_559[0] : f32 from vector<1xf32>
        %mul3A_561 = vector.broadcast %squeeze3A_560 : f32 to vector<16xf32>
        %mul3A_562 = arith.mulf %get3A_558, %mul3A_561 : vector<16xf32>
        %swap3A_563 = arith.index_cast %add3A_457 : i32 to index
        %swap3A_564 = arith.constant 96 : index
        %swap3A_565 = tpu.vector_load %arg14[%swap3A_563, %swap3A_564] {strides = array<i32>} : memref<64x128xf32, #tpu.memory_space<vmem>>, vector<1x16xf32>,
        %swap3A_566 = vector.shape_cast %swap3A_565 : vector<1x16xf32> to vector<16xf32>
        %swap3A_567 = vector.shape_cast %mul3A_562 : vector<16xf32> to vector<1x16xf32>
        tpu.vector_store %arg14[%swap3A_563, %swap3A_564], %swap3A_567 {strides = array<i32>} : memref<64x128xf32, #tpu.memory_space<vmem>>, vector<1x16xf32>,
        %get3A_568 = arith.index_cast %add3A_457 : i32 to index
        %get3A_569 = arith.constant 112 : index
        %get3A_570 = tpu.vector_load %arg11[%get3A_568, %get3A_569] {strides = array<i32>} : memref<64x256xf32, #tpu.memory_space<vmem>>, vector<1x16xf32>,
        %get3A_571 = vector.shape_cast %get3A_570 : vector<1x16xf32> to vector<16xf32>
        %slice3A_572 = vector.extract_strided_slice %exp3A_471 {offsets = [7], sizes = [1], strides = [1]} : vector<16xf32> to vector<1xf32>
        %squeeze3A_573 = vector.extract %slice3A_572[0] : f32 from vector<1xf32>
        %mul3A_574 = vector.broadcast %squeeze3A_573 : f32 to vector<16xf32>
        %mul3A_575 = arith.mulf %get3A_571, %mul3A_574 : vector<16xf32>
        %swap3A_576 = arith.index_cast %add3A_457 : i32 to index
        %swap3A_577 = arith.constant 112 : index
        %swap3A_578 = tpu.vector_load %arg14[%swap3A_576, %swap3A_577] {strides = array<i32>} : memref<64x128xf32, #tpu.memory_space<vmem>>, vector<1x16xf32>,
        %swap3A_579 = vector.shape_cast %swap3A_578 : vector<1x16xf32> to vector<16xf32>
        %swap3A_580 = vector.shape_cast %mul3A_575 : vector<16xf32> to vector<1x16xf32>
        tpu.vector_store %arg14[%swap3A_576, %swap3A_577], %swap3A_580 {strides = array<i32>} : memref<64x128xf32, #tpu.memory_space<vmem>>, vector<1x16xf32>,
        %mul3A_581 = arith.constant 4 : i32
        %mul3A_582 = arith.muli %scan3A_202, %mul3A_581 : i32
        %add3A_583 = arith.constant 3 : i32
        %add3A_584 = arith.addi %mul3A_582, %add3A_583 : i32
        %get3A_585 = arith.index_cast %add3A_584 : i32 to index
        %get3A_586 = arith.constant 128 : index
        %get3A_587 = tpu.vector_load %arg11[%get3A_585, %get3A_586] {strides = array<i32>} : memref<64x256xf32, #tpu.memory_space<vmem>>, vector<1x16xf32>,
        %get3A_588 = vector.shape_cast %get3A_587 : vector<1x16xf32> to vector<16xf32>
        %get3A_589 = arith.index_cast %add3A_584 : i32 to index
        %get3A_590 = arith.constant 0 : index
        %get3A_591 = tpu.vector_load %arg12[%get3A_589, %get3A_590] {strides = array<i32>} : memref<64x128xf32, #tpu.memory_space<vmem>>, vector<1x16xf32>,
        %get3A_592 = vector.shape_cast %get3A_591 : vector<1x16xf32> to vector<16xf32>
        %add3A_593 = arith.addf %get3A_588, %get3A_592 : vector<16xf32>
        %mul3A_594 = arith.constant 2.000000e-01 : f32
        %mul3A_595 = vector.broadcast %mul3A_594 : f32 to vector<16xf32>
        %mul3A_596 = arith.mulf %mul3A_595, %add3A_593 : vector<16xf32>
        %max3A_597 = arith.maximumf %add3A_593, %mul3A_596 : vector<16xf32>
        %exp3A_598 = math.exp %max3A_597 : vector<16xf32>
        %swap3A_599 = arith.index_cast %add3A_584 : i32 to index
        %swap3A_600 = arith.constant 0 : index
        %swap3A_601 = tpu.vector_load %arg13[%swap3A_599, %swap3A_600] {strides = array<i32>} : memref<64x128xf32, #tpu.memory_space<vmem>>, vector<1x16xf32>,
        %swap3A_602 = vector.shape_cast %swap3A_601 : vector<1x16xf32> to vector<16xf32>
        %swap3A_603 = vector.shape_cast %exp3A_598 : vector<16xf32> to vector<1x16xf32>
        tpu.vector_store %arg13[%swap3A_599, %swap3A_600], %swap3A_603 {strides = array<i32>} : memref<64x128xf32, #tpu.memory_space<vmem>>, vector<1x16xf32>,
        %get3A_604 = arith.index_cast %add3A_584 : i32 to index
        %get3A_605 = arith.constant 0 : index
        %get3A_606 = tpu.vector_load %arg11[%get3A_604, %get3A_605] {strides = array<i32>} : memref<64x256xf32, #tpu.memory_space<vmem>>, vector<1x16xf32>,
        %get3A_607 = vector.shape_cast %get3A_606 : vector<1x16xf32> to vector<16xf32>
        %slice3A_608 = vector.extract_strided_slice %exp3A_598 {offsets = [0], sizes = [1], strides = [1]} : vector<16xf32> to vector<1xf32>
        %squeeze3A_609 = vector.extract %slice3A_608[0] : f32 from vector<1xf32>
        %mul3A_610 = vector.broadcast %squeeze3A_609 : f32 to vector<16xf32>
        %mul3A_611 = arith.mulf %get3A_607, %mul3A_610 : vector<16xf32>
        %swap3A_612 = arith.index_cast %add3A_584 : i32 to index
        %swap3A_613 = arith.constant 0 : index
        %swap3A_614 = tpu.vector_load %arg14[%swap3A_612, %swap3A_613] {strides = array<i32>} : memref<64x128xf32, #tpu.memory_space<vmem>>, vector<1x16xf32>,
        %swap3A_615 = vector.shape_cast %swap3A_614 : vector<1x16xf32> to vector<16xf32>
        %swap3A_616 = vector.shape_cast %mul3A_611 : vector<16xf32> to vector<1x16xf32>
        tpu.vector_store %arg14[%swap3A_612, %swap3A_613], %swap3A_616 {strides = array<i32>} : memref<64x128xf32, #tpu.memory_space<vmem>>, vector<1x16xf32>,
        %get3A_617 = arith.index_cast %add3A_584 : i32 to index
        %get3A_618 = arith.constant 16 : index
        %get3A_619 = tpu.vector_load %arg11[%get3A_617, %get3A_618] {strides = array<i32>} : memref<64x256xf32, #tpu.memory_space<vmem>>, vector<1x16xf32>,
        %get3A_620 = vector.shape_cast %get3A_619 : vector<1x16xf32> to vector<16xf32>
        %slice3A_621 = vector.extract_strided_slice %exp3A_598 {offsets = [1], sizes = [1], strides = [1]} : vector<16xf32> to vector<1xf32>
        %squeeze3A_622 = vector.extract %slice3A_621[0] : f32 from vector<1xf32>
        %mul3A_623 = vector.broadcast %squeeze3A_622 : f32 to vector<16xf32>
        %mul3A_624 = arith.mulf %get3A_620, %mul3A_623 : vector<16xf32>
        %swap3A_625 = arith.index_cast %add3A_584 : i32 to index
        %swap3A_626 = arith.constant 16 : index
        %swap3A_627 = tpu.vector_load %arg14[%swap3A_625, %swap3A_626] {strides = array<i32>} : memref<64x128xf32, #tpu.memory_space<vmem>>, vector<1x16xf32>,
        %swap3A_628 = vector.shape_cast %swap3A_627 : vector<1x16xf32> to vector<16xf32>
        %swap3A_629 = vector.shape_cast %mul3A_624 : vector<16xf32> to vector<1x16xf32>
        tpu.vector_store %arg14[%swap3A_625, %swap3A_626], %swap3A_629 {strides = array<i32>} : memref<64x128xf32, #tpu.memory_space<vmem>>, vector<1x16xf32>,
        %get3A_630 = arith.index_cast %add3A_584 : i32 to index
        %get3A_631 = arith.constant 32 : index
        %get3A_632 = tpu.vector_load %arg11[%get3A_630, %get3A_631] {strides = array<i32>} : memref<64x256xf32, #tpu.memory_space<vmem>>, vector<1x16xf32>,
        %get3A_633 = vector.shape_cast %get3A_632 : vector<1x16xf32> to vector<16xf32>
        %slice3A_634 = vector.extract_strided_slice %exp3A_598 {offsets = [2], sizes = [1], strides = [1]} : vector<16xf32> to vector<1xf32>
        %squeeze3A_635 = vector.extract %slice3A_634[0] : f32 from vector<1xf32>
        %mul3A_636 = vector.broadcast %squeeze3A_635 : f32 to vector<16xf32>
        %mul3A_637 = arith.mulf %get3A_633, %mul3A_636 : vector<16xf32>
        %swap3A_638 = arith.index_cast %add3A_584 : i32 to index
        %swap3A_639 = arith.constant 32 : index
        %swap3A_640 = tpu.vector_load %arg14[%swap3A_638, %swap3A_639] {strides = array<i32>} : memref<64x128xf32, #tpu.memory_space<vmem>>, vector<1x16xf32>,
        %swap3A_641 = vector.shape_cast %swap3A_640 : vector<1x16xf32> to vector<16xf32>
        %swap3A_642 = vector.shape_cast %mul3A_637 : vector<16xf32> to vector<1x16xf32>
        tpu.vector_store %arg14[%swap3A_638, %swap3A_639], %swap3A_642 {strides = array<i32>} : memref<64x128xf32, #tpu.memory_space<vmem>>, vector<1x16xf32>,
        %get3A_643 = arith.index_cast %add3A_584 : i32 to index
        %get3A_644 = arith.constant 48 : index
        %get3A_645 = tpu.vector_load %arg11[%get3A_643, %get3A_644] {strides = array<i32>} : memref<64x256xf32, #tpu.memory_space<vmem>>, vector<1x16xf32>,
        %get3A_646 = vector.shape_cast %get3A_645 : vector<1x16xf32> to vector<16xf32>
        %slice3A_647 = vector.extract_strided_slice %exp3A_598 {offsets = [3], sizes = [1], strides = [1]} : vector<16xf32> to vector<1xf32>
        %squeeze3A_648 = vector.extract %slice3A_647[0] : f32 from vector<1xf32>
        %mul3A_649 = vector.broadcast %squeeze3A_648 : f32 to vector<16xf32>
        %mul3A_650 = arith.mulf %get3A_646, %mul3A_649 : vector<16xf32>
        %swap3A_651 = arith.index_cast %add3A_584 : i32 to index
        %swap3A_652 = arith.constant 48 : index
        %swap3A_653 = tpu.vector_load %arg14[%swap3A_651, %swap3A_652] {strides = array<i32>} : memref<64x128xf32, #tpu.memory_space<vmem>>, vector<1x16xf32>,
        %swap3A_654 = vector.shape_cast %swap3A_653 : vector<1x16xf32> to vector<16xf32>
        %swap3A_655 = vector.shape_cast %mul3A_650 : vector<16xf32> to vector<1x16xf32>
        tpu.vector_store %arg14[%swap3A_651, %swap3A_652], %swap3A_655 {strides = array<i32>} : memref<64x128xf32, #tpu.memory_space<vmem>>, vector<1x16xf32>,
        %get3A_656 = arith.index_cast %add3A_584 : i32 to index
        %get3A_657 = arith.constant 64 : index
        %get3A_658 = tpu.vector_load %arg11[%get3A_656, %get3A_657] {strides = array<i32>} : memref<64x256xf32, #tpu.memory_space<vmem>>, vector<1x16xf32>,
        %get3A_659 = vector.shape_cast %get3A_658 : vector<1x16xf32> to vector<16xf32>
        %slice3A_660 = vector.extract_strided_slice %exp3A_598 {offsets = [4], sizes = [1], strides = [1]} : vector<16xf32> to vector<1xf32>
        %squeeze3A_661 = vector.extract %slice3A_660[0] : f32 from vector<1xf32>
        %mul3A_662 = vector.broadcast %squeeze3A_661 : f32 to vector<16xf32>
        %mul3A_663 = arith.mulf %get3A_659, %mul3A_662 : vector<16xf32>
        %swap3A_664 = arith.index_cast %add3A_584 : i32 to index
        %swap3A_665 = arith.constant 64 : index
        %swap3A_666 = tpu.vector_load %arg14[%swap3A_664, %swap3A_665] {strides = array<i32>} : memref<64x128xf32, #tpu.memory_space<vmem>>, vector<1x16xf32>,
        %swap3A_667 = vector.shape_cast %swap3A_666 : vector<1x16xf32> to vector<16xf32>
        %swap3A_668 = vector.shape_cast %mul3A_663 : vector<16xf32> to vector<1x16xf32>
        tpu.vector_store %arg14[%swap3A_664, %swap3A_665], %swap3A_668 {strides = array<i32>} : memref<64x128xf32, #tpu.memory_space<vmem>>, vector<1x16xf32>,
        %get3A_669 = arith.index_cast %add3A_584 : i32 to index
        %get3A_670 = arith.constant 80 : index
        %get3A_671 = tpu.vector_load %arg11[%get3A_669, %get3A_670] {strides = array<i32>} : memref<64x256xf32, #tpu.memory_space<vmem>>, vector<1x16xf32>,
        %get3A_672 = vector.shape_cast %get3A_671 : vector<1x16xf32> to vector<16xf32>
        %slice3A_673 = vector.extract_strided_slice %exp3A_598 {offsets = [5], sizes = [1], strides = [1]} : vector<16xf32> to vector<1xf32>
        %squeeze3A_674 = vector.extract %slice3A_673[0] : f32 from vector<1xf32>
        %mul3A_675 = vector.broadcast %squeeze3A_674 : f32 to vector<16xf32>
        %mul3A_676 = arith.mulf %get3A_672, %mul3A_675 : vector<16xf32>
        %swap3A_677 = arith.index_cast %add3A_584 : i32 to index
        %swap3A_678 = arith.constant 80 : index
        %swap3A_679 = tpu.vector_load %arg14[%swap3A_677, %swap3A_678] {strides = array<i32>} : memref<64x128xf32, #tpu.memory_space<vmem>>, vector<1x16xf32>,
        %swap3A_680 = vector.shape_cast %swap3A_679 : vector<1x16xf32> to vector<16xf32>
        %swap3A_681 = vector.shape_cast %mul3A_676 : vector<16xf32> to vector<1x16xf32>
        tpu.vector_store %arg14[%swap3A_677, %swap3A_678], %swap3A_681 {strides = array<i32>} : memref<64x128xf32, #tpu.memory_space<vmem>>, vector<1x16xf32>,
        %get3A_682 = arith.index_cast %add3A_584 : i32 to index
        %get3A_683 = arith.constant 96 : index
        %get3A_684 = tpu.vector_load %arg11[%get3A_682, %get3A_683] {strides = array<i32>} : memref<64x256xf32, #tpu.memory_space<vmem>>, vector<1x16xf32>,
        %get3A_685 = vector.shape_cast %get3A_684 : vector<1x16xf32> to vector<16xf32>
        %slice3A_686 = vector.extract_strided_slice %exp3A_598 {offsets = [6], sizes = [1], strides = [1]} : vector<16xf32> to vector<1xf32>
        %squeeze3A_687 = vector.extract %slice3A_686[0] : f32 from vector<1xf32>
        %mul3A_688 = vector.broadcast %squeeze3A_687 : f32 to vector<16xf32>
        %mul3A_689 = arith.mulf %get3A_685, %mul3A_688 : vector<16xf32>
        %swap3A_690 = arith.index_cast %add3A_584 : i32 to index
        %swap3A_691 = arith.constant 96 : index
        %swap3A_692 = tpu.vector_load %arg14[%swap3A_690, %swap3A_691] {strides = array<i32>} : memref<64x128xf32, #tpu.memory_space<vmem>>, vector<1x16xf32>,
        %swap3A_693 = vector.shape_cast %swap3A_692 : vector<1x16xf32> to vector<16xf32>
        %swap3A_694 = vector.shape_cast %mul3A_689 : vector<16xf32> to vector<1x16xf32>
        tpu.vector_store %arg14[%swap3A_690, %swap3A_691], %swap3A_694 {strides = array<i32>} : memref<64x128xf32, #tpu.memory_space<vmem>>, vector<1x16xf32>,
        %get3A_695 = arith.index_cast %add3A_584 : i32 to index
        %get3A_696 = arith.constant 112 : index
        %get3A_697 = tpu.vector_load %arg11[%get3A_695, %get3A_696] {strides = array<i32>} : memref<64x256xf32, #tpu.memory_space<vmem>>, vector<1x16xf32>,
        %get3A_698 = vector.shape_cast %get3A_697 : vector<1x16xf32> to vector<16xf32>
        %slice3A_699 = vector.extract_strided_slice %exp3A_598 {offsets = [7], sizes = [1], strides = [1]} : vector<16xf32> to vector<1xf32>
        %squeeze3A_700 = vector.extract %slice3A_699[0] : f32 from vector<1xf32>
        %mul3A_701 = vector.broadcast %squeeze3A_700 : f32 to vector<16xf32>
        %mul3A_702 = arith.mulf %get3A_698, %mul3A_701 : vector<16xf32>
        %swap3A_703 = arith.index_cast %add3A_584 : i32 to index
        %swap3A_704 = arith.constant 112 : index
        %swap3A_705 = tpu.vector_load %arg14[%swap3A_703, %swap3A_704] {strides = array<i32>} : memref<64x128xf32, #tpu.memory_space<vmem>>, vector<1x16xf32>,
        %swap3A_706 = vector.shape_cast %swap3A_705 : vector<1x16xf32> to vector<16xf32>
        %swap3A_707 = vector.shape_cast %mul3A_702 : vector<16xf32> to vector<1x16xf32>
        tpu.vector_store %arg14[%swap3A_703, %swap3A_704], %swap3A_707 {strides = array<i32>} : memref<64x128xf32, #tpu.memory_space<vmem>>, vector<1x16xf32>,
        %scan3A_708 = arith.constant 0 : i32
        scf.yield %scan3A_708 : i32
      }
      %scan3A_200 = arith.constant 16 : i32
      "tpu.region"() ({
        %run_scoped3A = tpu.sem_alloc : memref<!tpu.dma_semaphore, #tpu.memory_space<semaphore_mem>>
        %dma_start3A_202 = arith.constant 0 : i32
        %dma_start3A_203 = arith.constant 0 : i32
        %dma_start3A_204 = tpu.memref_slice %arg15[%dma_start3A_202, %dma_start3A_203] : memref<5128x128xf32, #tpu.memory_space<vmem_shared>> -> memref<5128x128xf32, #tpu.memory_space<vmem_shared>>
        tpu.enqueue_indirect_dma source(%arg14 : memref<64x128xf32, #tpu.memory_space<vmem>>) target(%dma_start3A_204 : memref<5128x128xf32, #tpu.memory_space<vmem_shared>>) offsets(%arg10 : memref<64xi32, #tpu.memory_space<vmem>>) semaphore(%run_scoped3A : memref<!tpu.dma_semaphore, #tpu.memory_space<semaphore_mem>>) {add = true}
        %dma_wait3A_205 = arith.constant 0 : i32
        %dma_wait3A_206 = arith.constant 0 : i32
        %dma_wait3A_207 = tpu.memref_slice %arg15[%dma_wait3A_205, %dma_wait3A_206] : memref<5128x128xf32, #tpu.memory_space<vmem_shared>> -> memref<5128x128xf32, #tpu.memory_space<vmem_shared>>
        tpu.wait_indirect_dma semaphore(%run_scoped3A : memref<!tpu.dma_semaphore, #tpu.memory_space<semaphore_mem>>) src(%arg14 : memref<64x128xf32, #tpu.memory_space<vmem>>) dst(%dma_wait3A_207 : memref<5128x128xf32, #tpu.memory_space<vmem_shared>>)
        tpu.yield
      }) : () -> ()
      "tpu.region"() ({
        %run_scoped3A = tpu.sem_alloc : memref<!tpu.dma_semaphore, #tpu.memory_space<semaphore_mem>>
        %dma_start3A_202 = arith.constant 0 : i32
        %dma_start3A_203 = arith.constant 0 : i32
        %dma_start3A_204 = tpu.memref_slice %arg16[%dma_start3A_202, %dma_start3A_203] : memref<5128x128xf32, #tpu.memory_space<vmem_shared>> -> memref<5128x128xf32, #tpu.memory_space<vmem_shared>>
        tpu.enqueue_indirect_dma source(%arg13 : memref<64x128xf32, #tpu.memory_space<vmem>>) target(%dma_start3A_204 : memref<5128x128xf32, #tpu.memory_space<vmem_shared>>) offsets(%arg10 : memref<64xi32, #tpu.memory_space<vmem>>) semaphore(%run_scoped3A : memref<!tpu.dma_semaphore, #tpu.memory_space<semaphore_mem>>) {add = true}
        %dma_wait3A_205 = arith.constant 0 : i32
        %dma_wait3A_206 = arith.constant 0 : i32
        %dma_wait3A_207 = tpu.memref_slice %arg16[%dma_wait3A_205, %dma_wait3A_206] : memref<5128x128xf32, #tpu.memory_space<vmem_shared>> -> memref<5128x128xf32, #tpu.memory_space<vmem_shared>>
        tpu.wait_indirect_dma semaphore(%run_scoped3A : memref<!tpu.dma_semaphore, #tpu.memory_space<semaphore_mem>>) src(%arg13 : memref<64x128xf32, #tpu.memory_space<vmem>>) dst(%dma_wait3A_207 : memref<5128x128xf32, #tpu.memory_space<vmem_shared>>)
        tpu.yield
      }) : () -> ()
      %scan3A_201 = arith.constant 0 : i32
      scf.yield %scan3A_201 : i32
    }
    %scan3A_51 = arith.constant 316 : i32
    %barrier3A_52 = arith.constant 0 : index
    tpu.barrier barrier_id(%barrier3A_52)
    %mul3A_53 = arith.constant 320 : i32
    %mul3A_54 = arith.muli %arg1, %mul3A_53 : i32
    %mul3A_55 = arith.constant 5120 : i32
    %mul3A_56 = arith.muli %arg0, %mul3A_55 : i32
    %mul3A_57 = arith.constant 320 : i32
    %mul3A_58 = arith.muli %arg1, %mul3A_57 : i32
    %add3A_59 = arith.addi %mul3A_56, %mul3A_58 : i32
    %add3A_60 = arith.constant 0 : i32
    %add3A_61 = arith.addi %mul3A_54, %add3A_60 : i32
    "tpu.region"() ({
      %run_scoped3A = tpu.sem_alloc : memref<!tpu.dma_semaphore, #tpu.memory_space<semaphore_mem>>
      %dma_start3A = arith.constant 0 : i32
      %dma_start3A_107 = arith.constant 0 : i32
      %dma_start3A_108 = tpu.memref_slice %arg14[%dma_start3A, %dma_start3A_107] : memref<64x128xf32, #tpu.memory_space<vmem>> -> memref<64x128xf32, #tpu.memory_space<vmem>>
      %dma_start3A_109 = arith.constant 0 : i32
      %dma_start3A_110 = tpu.memref_slice %arg15[%add3A_61, %dma_start3A_109] : memref<5128x128xf32, #tpu.memory_space<vmem_shared>> -> memref<64x128xf32, #tpu.memory_space<vmem_shared>>
      %dma_start3A_111 = arith.constant 0 : i32
      %dma_start3A_112 = arith.constant 0 : i32
      %dma_start3A_113 = tpu.memref_slice %arg14[%dma_start3A_111, %dma_start3A_112] : memref<64x128xf32, #tpu.memory_space<vmem>> -> memref<64x128xf32, #tpu.memory_space<vmem>>
      %dma_start3A_114 = arith.constant 0 : i32
      %dma_start3A_115 = tpu.memref_slice %arg15[%add3A_61, %dma_start3A_114] : memref<5128x128xf32, #tpu.memory_space<vmem_shared>> -> memref<64x128xf32, #tpu.memory_space<vmem_shared>>
      tpu.enqueue_dma source(%dma_start3A_115 : memref<64x128xf32, #tpu.memory_space<vmem_shared>>) target(%dma_start3A_113 : memref<64x128xf32, #tpu.memory_space<vmem>>) target_semaphore(%run_scoped3A : memref<!tpu.dma_semaphore, #tpu.memory_space<semaphore_mem>>)
      %dma_wait3A = arith.constant 0 : i32
      %dma_wait3A_116 = arith.constant 0 : i32
      %dma_wait3A_117 = tpu.memref_slice %arg14[%dma_wait3A, %dma_wait3A_116] : memref<64x128xf32, #tpu.memory_space<vmem>> -> memref<64x128xf32, #tpu.memory_space<vmem>>
      %dma_wait3A_118 = arith.constant 0 : i32
      %dma_wait3A_119 = tpu.memref_slice %arg15[%add3A_61, %dma_wait3A_118] : memref<5128x128xf32, #tpu.memory_space<vmem_shared>> -> memref<64x128xf32, #tpu.memory_space<vmem_shared>>
      %dma_wait3A_120 = arith.constant 0 : i32
      %dma_wait3A_121 = arith.constant 0 : i32
      %dma_wait3A_122 = tpu.memref_slice %arg14[%dma_wait3A_120, %dma_wait3A_121] : memref<64x128xf32, #tpu.memory_space<vmem>> -> memref<64x128xf32, #tpu.memory_space<vmem>>
      %dma_wait3A_123 = arith.constant 0 : i32
      %dma_wait3A_124 = tpu.memref_slice %arg15[%add3A_61, %dma_wait3A_123] : memref<5128x128xf32, #tpu.memory_space<vmem_shared>> -> memref<64x128xf32, #tpu.memory_space<vmem_shared>>
      tpu.wait_dma2 semaphore(%run_scoped3A : memref<!tpu.dma_semaphore, #tpu.memory_space<semaphore_mem>>) src(%dma_wait3A_124 : memref<64x128xf32, #tpu.memory_space<vmem_shared>>) dst(%dma_wait3A_122 : memref<64x128xf32, #tpu.memory_space<vmem>>)
      tpu.yield
    }) : () -> ()
    %add3A_62 = arith.constant 0 : i32
    %add3A_63 = arith.addi %add3A_59, %add3A_62 : i32
    "tpu.region"() ({
      %run_scoped3A = tpu.sem_alloc : memref<!tpu.dma_semaphore, #tpu.memory_space<semaphore_mem>>
      %dma_start3A = arith.constant 0 : i32
      %dma_start3A_107 = arith.constant 0 : i32
      %dma_start3A_108 = tpu.memref_slice %arg14[%dma_start3A, %dma_start3A_107] : memref<64x128xf32, #tpu.memory_space<vmem>> -> memref<64x128xf32, #tpu.memory_space<vmem>>
      %dma_start3A_109 = arith.constant 0 : i32
      %dma_start3A_110 = tpu.memref_slice %arg6[%add3A_63, %dma_start3A_109] : memref<10240x128xf32, #tpu.memory_space<hbm>> -> memref<64x128xf32, #tpu.memory_space<hbm>>
      %dma_start3A_111 = arith.constant 0 : i32
      %dma_start3A_112 = tpu.memref_slice %arg6[%add3A_63, %dma_start3A_111] : memref<10240x128xf32, #tpu.memory_space<hbm>> -> memref<64x128xf32, #tpu.memory_space<hbm>>
      %dma_start3A_113 = arith.constant 0 : i32
      %dma_start3A_114 = arith.constant 0 : i32
      %dma_start3A_115 = tpu.memref_slice %arg14[%dma_start3A_113, %dma_start3A_114] : memref<64x128xf32, #tpu.memory_space<vmem>> -> memref<64x128xf32, #tpu.memory_space<vmem>>
      tpu.enqueue_dma source(%dma_start3A_115 : memref<64x128xf32, #tpu.memory_space<vmem>>) target(%dma_start3A_112 : memref<64x128xf32, #tpu.memory_space<hbm>>) target_semaphore(%run_scoped3A : memref<!tpu.dma_semaphore, #tpu.memory_space<semaphore_mem>>)
      %dma_wait3A = arith.constant 0 : i32
      %dma_wait3A_116 = arith.constant 0 : i32
      %dma_wait3A_117 = tpu.memref_slice %arg14[%dma_wait3A, %dma_wait3A_116] : memref<64x128xf32, #tpu.memory_space<vmem>> -> memref<64x128xf32, #tpu.memory_space<vmem>>
      %dma_wait3A_118 = arith.constant 0 : i32
      %dma_wait3A_119 = tpu.memref_slice %arg6[%add3A_63, %dma_wait3A_118] : memref<10240x128xf32, #tpu.memory_space<hbm>> -> memref<64x128xf32, #tpu.memory_space<hbm>>
      %dma_wait3A_120 = arith.constant 0 : i32
      %dma_wait3A_121 = tpu.memref_slice %arg6[%add3A_63, %dma_wait3A_120] : memref<10240x128xf32, #tpu.memory_space<hbm>> -> memref<64x128xf32, #tpu.memory_space<hbm>>
      %dma_wait3A_122 = arith.constant 0 : i32
      %dma_wait3A_123 = arith.constant 0 : i32
      %dma_wait3A_124 = tpu.memref_slice %arg14[%dma_wait3A_122, %dma_wait3A_123] : memref<64x128xf32, #tpu.memory_space<vmem>> -> memref<64x128xf32, #tpu.memory_space<vmem>>
      tpu.wait_dma2 semaphore(%run_scoped3A : memref<!tpu.dma_semaphore, #tpu.memory_space<semaphore_mem>>) src(%dma_wait3A_124 : memref<64x128xf32, #tpu.memory_space<vmem>>) dst(%dma_wait3A_121 : memref<64x128xf32, #tpu.memory_space<hbm>>)
      tpu.yield
    }) : () -> ()
    %add3A_64 = arith.constant 64 : i32
    %add3A_65 = arith.addi %mul3A_54, %add3A_64 : i32
    "tpu.region"() ({
      %run_scoped3A = tpu.sem_alloc : memref<!tpu.dma_semaphore, #tpu.memory_space<semaphore_mem>>
      %dma_start3A = arith.constant 0 : i32
      %dma_start3A_107 = arith.constant 0 : i32
      %dma_start3A_108 = tpu.memref_slice %arg14[%dma_start3A, %dma_start3A_107] : memref<64x128xf32, #tpu.memory_space<vmem>> -> memref<64x128xf32, #tpu.memory_space<vmem>>
      %dma_start3A_109 = arith.constant 0 : i32
      %dma_start3A_110 = tpu.memref_slice %arg15[%add3A_65, %dma_start3A_109] : memref<5128x128xf32, #tpu.memory_space<vmem_shared>> -> memref<64x128xf32, #tpu.memory_space<vmem_shared>>
      %dma_start3A_111 = arith.constant 0 : i32
      %dma_start3A_112 = arith.constant 0 : i32
      %dma_start3A_113 = tpu.memref_slice %arg14[%dma_start3A_111, %dma_start3A_112] : memref<64x128xf32, #tpu.memory_space<vmem>> -> memref<64x128xf32, #tpu.memory_space<vmem>>
      %dma_start3A_114 = arith.constant 0 : i32
      %dma_start3A_115 = tpu.memref_slice %arg15[%add3A_65, %dma_start3A_114] : memref<5128x128xf32, #tpu.memory_space<vmem_shared>> -> memref<64x128xf32, #tpu.memory_space<vmem_shared>>
      tpu.enqueue_dma source(%dma_start3A_115 : memref<64x128xf32, #tpu.memory_space<vmem_shared>>) target(%dma_start3A_113 : memref<64x128xf32, #tpu.memory_space<vmem>>) target_semaphore(%run_scoped3A : memref<!tpu.dma_semaphore, #tpu.memory_space<semaphore_mem>>)
      %dma_wait3A = arith.constant 0 : i32
      %dma_wait3A_116 = arith.constant 0 : i32
      %dma_wait3A_117 = tpu.memref_slice %arg14[%dma_wait3A, %dma_wait3A_116] : memref<64x128xf32, #tpu.memory_space<vmem>> -> memref<64x128xf32, #tpu.memory_space<vmem>>
      %dma_wait3A_118 = arith.constant 0 : i32
      %dma_wait3A_119 = tpu.memref_slice %arg15[%add3A_65, %dma_wait3A_118] : memref<5128x128xf32, #tpu.memory_space<vmem_shared>> -> memref<64x128xf32, #tpu.memory_space<vmem_shared>>
      %dma_wait3A_120 = arith.constant 0 : i32
      %dma_wait3A_121 = arith.constant 0 : i32
      %dma_wait3A_122 = tpu.memref_slice %arg14[%dma_wait3A_120, %dma_wait3A_121] : memref<64x128xf32, #tpu.memory_space<vmem>> -> memref<64x128xf32, #tpu.memory_space<vmem>>
      %dma_wait3A_123 = arith.constant 0 : i32
      %dma_wait3A_124 = tpu.memref_slice %arg15[%add3A_65, %dma_wait3A_123] : memref<5128x128xf32, #tpu.memory_space<vmem_shared>> -> memref<64x128xf32, #tpu.memory_space<vmem_shared>>
      tpu.wait_dma2 semaphore(%run_scoped3A : memref<!tpu.dma_semaphore, #tpu.memory_space<semaphore_mem>>) src(%dma_wait3A_124 : memref<64x128xf32, #tpu.memory_space<vmem_shared>>) dst(%dma_wait3A_122 : memref<64x128xf32, #tpu.memory_space<vmem>>)
      tpu.yield
    }) : () -> ()
    %add3A_66 = arith.constant 64 : i32
    %add3A_67 = arith.addi %add3A_59, %add3A_66 : i32
    "tpu.region"() ({
      %run_scoped3A = tpu.sem_alloc : memref<!tpu.dma_semaphore, #tpu.memory_space<semaphore_mem>>
      %dma_start3A = arith.constant 0 : i32
      %dma_start3A_107 = arith.constant 0 : i32
      %dma_start3A_108 = tpu.memref_slice %arg14[%dma_start3A, %dma_start3A_107] : memref<64x128xf32, #tpu.memory_space<vmem>> -> memref<64x128xf32, #tpu.memory_space<vmem>>
      %dma_start3A_109 = arith.constant 0 : i32
      %dma_start3A_110 = tpu.memref_slice %arg6[%add3A_67, %dma_start3A_109] : memref<10240x128xf32, #tpu.memory_space<hbm>> -> memref<64x128xf32, #tpu.memory_space<hbm>>
      %dma_start3A_111 = arith.constant 0 : i32
      %dma_start3A_112 = tpu.memref_slice %arg6[%add3A_67, %dma_start3A_111] : memref<10240x128xf32, #tpu.memory_space<hbm>> -> memref<64x128xf32, #tpu.memory_space<hbm>>
      %dma_start3A_113 = arith.constant 0 : i32
      %dma_start3A_114 = arith.constant 0 : i32
      %dma_start3A_115 = tpu.memref_slice %arg14[%dma_start3A_113, %dma_start3A_114] : memref<64x128xf32, #tpu.memory_space<vmem>> -> memref<64x128xf32, #tpu.memory_space<vmem>>
      tpu.enqueue_dma source(%dma_start3A_115 : memref<64x128xf32, #tpu.memory_space<vmem>>) target(%dma_start3A_112 : memref<64x128xf32, #tpu.memory_space<hbm>>) target_semaphore(%run_scoped3A : memref<!tpu.dma_semaphore, #tpu.memory_space<semaphore_mem>>)
      %dma_wait3A = arith.constant 0 : i32
      %dma_wait3A_116 = arith.constant 0 : i32
      %dma_wait3A_117 = tpu.memref_slice %arg14[%dma_wait3A, %dma_wait3A_116] : memref<64x128xf32, #tpu.memory_space<vmem>> -> memref<64x128xf32, #tpu.memory_space<vmem>>
      %dma_wait3A_118 = arith.constant 0 : i32
      %dma_wait3A_119 = tpu.memref_slice %arg6[%add3A_67, %dma_wait3A_118] : memref<10240x128xf32, #tpu.memory_space<hbm>> -> memref<64x128xf32, #tpu.memory_space<hbm>>
      %dma_wait3A_120 = arith.constant 0 : i32
      %dma_wait3A_121 = tpu.memref_slice %arg6[%add3A_67, %dma_wait3A_120] : memref<10240x128xf32, #tpu.memory_space<hbm>> -> memref<64x128xf32, #tpu.memory_space<hbm>>
      %dma_wait3A_122 = arith.constant 0 : i32
      %dma_wait3A_123 = arith.constant 0 : i32
      %dma_wait3A_124 = tpu.memref_slice %arg14[%dma_wait3A_122, %dma_wait3A_123] : memref<64x128xf32, #tpu.memory_space<vmem>> -> memref<64x128xf32, #tpu.memory_space<vmem>>
      tpu.wait_dma2 semaphore(%run_scoped3A : memref<!tpu.dma_semaphore, #tpu.memory_space<semaphore_mem>>) src(%dma_wait3A_124 : memref<64x128xf32, #tpu.memory_space<vmem>>) dst(%dma_wait3A_121 : memref<64x128xf32, #tpu.memory_space<hbm>>)
      tpu.yield
    }) : () -> ()
    %add3A_68 = arith.constant 128 : i32
    %add3A_69 = arith.addi %mul3A_54, %add3A_68 : i32
    "tpu.region"() ({
      %run_scoped3A = tpu.sem_alloc : memref<!tpu.dma_semaphore, #tpu.memory_space<semaphore_mem>>
      %dma_start3A = arith.constant 0 : i32
      %dma_start3A_107 = arith.constant 0 : i32
      %dma_start3A_108 = tpu.memref_slice %arg14[%dma_start3A, %dma_start3A_107] : memref<64x128xf32, #tpu.memory_space<vmem>> -> memref<64x128xf32, #tpu.memory_space<vmem>>
      %dma_start3A_109 = arith.constant 0 : i32
      %dma_start3A_110 = tpu.memref_slice %arg15[%add3A_69, %dma_start3A_109] : memref<5128x128xf32, #tpu.memory_space<vmem_shared>> -> memref<64x128xf32, #tpu.memory_space<vmem_shared>>
      %dma_start3A_111 = arith.constant 0 : i32
      %dma_start3A_112 = arith.constant 0 : i32
      %dma_start3A_113 = tpu.memref_slice %arg14[%dma_start3A_111, %dma_start3A_112] : memref<64x128xf32, #tpu.memory_space<vmem>> -> memref<64x128xf32, #tpu.memory_space<vmem>>
      %dma_start3A_114 = arith.constant 0 : i32
      %dma_start3A_115 = tpu.memref_slice %arg15[%add3A_69, %dma_start3A_114] : memref<5128x128xf32, #tpu.memory_space<vmem_shared>> -> memref<64x128xf32, #tpu.memory_space<vmem_shared>>
      tpu.enqueue_dma source(%dma_start3A_115 : memref<64x128xf32, #tpu.memory_space<vmem_shared>>) target(%dma_start3A_113 : memref<64x128xf32, #tpu.memory_space<vmem>>) target_semaphore(%run_scoped3A : memref<!tpu.dma_semaphore, #tpu.memory_space<semaphore_mem>>)
      %dma_wait3A = arith.constant 0 : i32
      %dma_wait3A_116 = arith.constant 0 : i32
      %dma_wait3A_117 = tpu.memref_slice %arg14[%dma_wait3A, %dma_wait3A_116] : memref<64x128xf32, #tpu.memory_space<vmem>> -> memref<64x128xf32, #tpu.memory_space<vmem>>
      %dma_wait3A_118 = arith.constant 0 : i32
      %dma_wait3A_119 = tpu.memref_slice %arg15[%add3A_69, %dma_wait3A_118] : memref<5128x128xf32, #tpu.memory_space<vmem_shared>> -> memref<64x128xf32, #tpu.memory_space<vmem_shared>>
      %dma_wait3A_120 = arith.constant 0 : i32
      %dma_wait3A_121 = arith.constant 0 : i32
      %dma_wait3A_122 = tpu.memref_slice %arg14[%dma_wait3A_120, %dma_wait3A_121] : memref<64x128xf32, #tpu.memory_space<vmem>> -> memref<64x128xf32, #tpu.memory_space<vmem>>
      %dma_wait3A_123 = arith.constant 0 : i32
      %dma_wait3A_124 = tpu.memref_slice %arg15[%add3A_69, %dma_wait3A_123] : memref<5128x128xf32, #tpu.memory_space<vmem_shared>> -> memref<64x128xf32, #tpu.memory_space<vmem_shared>>
      tpu.wait_dma2 semaphore(%run_scoped3A : memref<!tpu.dma_semaphore, #tpu.memory_space<semaphore_mem>>) src(%dma_wait3A_124 : memref<64x128xf32, #tpu.memory_space<vmem_shared>>) dst(%dma_wait3A_122 : memref<64x128xf32, #tpu.memory_space<vmem>>)
      tpu.yield
    }) : () -> ()
    %add3A_70 = arith.constant 128 : i32
    %add3A_71 = arith.addi %add3A_59, %add3A_70 : i32
    "tpu.region"() ({
      %run_scoped3A = tpu.sem_alloc : memref<!tpu.dma_semaphore, #tpu.memory_space<semaphore_mem>>
      %dma_start3A = arith.constant 0 : i32
      %dma_start3A_107 = arith.constant 0 : i32
      %dma_start3A_108 = tpu.memref_slice %arg14[%dma_start3A, %dma_start3A_107] : memref<64x128xf32, #tpu.memory_space<vmem>> -> memref<64x128xf32, #tpu.memory_space<vmem>>
      %dma_start3A_109 = arith.constant 0 : i32
      %dma_start3A_110 = tpu.memref_slice %arg6[%add3A_71, %dma_start3A_109] : memref<10240x128xf32, #tpu.memory_space<hbm>> -> memref<64x128xf32, #tpu.memory_space<hbm>>
      %dma_start3A_111 = arith.constant 0 : i32
      %dma_start3A_112 = tpu.memref_slice %arg6[%add3A_71, %dma_start3A_111] : memref<10240x128xf32, #tpu.memory_space<hbm>> -> memref<64x128xf32, #tpu.memory_space<hbm>>
      %dma_start3A_113 = arith.constant 0 : i32
      %dma_start3A_114 = arith.constant 0 : i32
      %dma_start3A_115 = tpu.memref_slice %arg14[%dma_start3A_113, %dma_start3A_114] : memref<64x128xf32, #tpu.memory_space<vmem>> -> memref<64x128xf32, #tpu.memory_space<vmem>>
      tpu.enqueue_dma source(%dma_start3A_115 : memref<64x128xf32, #tpu.memory_space<vmem>>) target(%dma_start3A_112 : memref<64x128xf32, #tpu.memory_space<hbm>>) target_semaphore(%run_scoped3A : memref<!tpu.dma_semaphore, #tpu.memory_space<semaphore_mem>>)
      %dma_wait3A = arith.constant 0 : i32
      %dma_wait3A_116 = arith.constant 0 : i32
      %dma_wait3A_117 = tpu.memref_slice %arg14[%dma_wait3A, %dma_wait3A_116] : memref<64x128xf32, #tpu.memory_space<vmem>> -> memref<64x128xf32, #tpu.memory_space<vmem>>
      %dma_wait3A_118 = arith.constant 0 : i32
      %dma_wait3A_119 = tpu.memref_slice %arg6[%add3A_71, %dma_wait3A_118] : memref<10240x128xf32, #tpu.memory_space<hbm>> -> memref<64x128xf32, #tpu.memory_space<hbm>>
      %dma_wait3A_120 = arith.constant 0 : i32
      %dma_wait3A_121 = tpu.memref_slice %arg6[%add3A_71, %dma_wait3A_120] : memref<10240x128xf32, #tpu.memory_space<hbm>> -> memref<64x128xf32, #tpu.memory_space<hbm>>
      %dma_wait3A_122 = arith.constant 0 : i32
      %dma_wait3A_123 = arith.constant 0 : i32
      %dma_wait3A_124 = tpu.memref_slice %arg14[%dma_wait3A_122, %dma_wait3A_123] : memref<64x128xf32, #tpu.memory_space<vmem>> -> memref<64x128xf32, #tpu.memory_space<vmem>>
      tpu.wait_dma2 semaphore(%run_scoped3A : memref<!tpu.dma_semaphore, #tpu.memory_space<semaphore_mem>>) src(%dma_wait3A_124 : memref<64x128xf32, #tpu.memory_space<vmem>>) dst(%dma_wait3A_121 : memref<64x128xf32, #tpu.memory_space<hbm>>)
      tpu.yield
    }) : () -> ()
    %add3A_72 = arith.constant 192 : i32
    %add3A_73 = arith.addi %mul3A_54, %add3A_72 : i32
    "tpu.region"() ({
      %run_scoped3A = tpu.sem_alloc : memref<!tpu.dma_semaphore, #tpu.memory_space<semaphore_mem>>
      %dma_start3A = arith.constant 0 : i32
      %dma_start3A_107 = arith.constant 0 : i32
      %dma_start3A_108 = tpu.memref_slice %arg14[%dma_start3A, %dma_start3A_107] : memref<64x128xf32, #tpu.memory_space<vmem>> -> memref<64x128xf32, #tpu.memory_space<vmem>>
      %dma_start3A_109 = arith.constant 0 : i32
      %dma_start3A_110 = tpu.memref_slice %arg15[%add3A_73, %dma_start3A_109] : memref<5128x128xf32, #tpu.memory_space<vmem_shared>> -> memref<64x128xf32, #tpu.memory_space<vmem_shared>>
      %dma_start3A_111 = arith.constant 0 : i32
      %dma_start3A_112 = arith.constant 0 : i32
      %dma_start3A_113 = tpu.memref_slice %arg14[%dma_start3A_111, %dma_start3A_112] : memref<64x128xf32, #tpu.memory_space<vmem>> -> memref<64x128xf32, #tpu.memory_space<vmem>>
      %dma_start3A_114 = arith.constant 0 : i32
      %dma_start3A_115 = tpu.memref_slice %arg15[%add3A_73, %dma_start3A_114] : memref<5128x128xf32, #tpu.memory_space<vmem_shared>> -> memref<64x128xf32, #tpu.memory_space<vmem_shared>>
      tpu.enqueue_dma source(%dma_start3A_115 : memref<64x128xf32, #tpu.memory_space<vmem_shared>>) target(%dma_start3A_113 : memref<64x128xf32, #tpu.memory_space<vmem>>) target_semaphore(%run_scoped3A : memref<!tpu.dma_semaphore, #tpu.memory_space<semaphore_mem>>)
      %dma_wait3A = arith.constant 0 : i32
      %dma_wait3A_116 = arith.constant 0 : i32
      %dma_wait3A_117 = tpu.memref_slice %arg14[%dma_wait3A, %dma_wait3A_116] : memref<64x128xf32, #tpu.memory_space<vmem>> -> memref<64x128xf32, #tpu.memory_space<vmem>>
      %dma_wait3A_118 = arith.constant 0 : i32
      %dma_wait3A_119 = tpu.memref_slice %arg15[%add3A_73, %dma_wait3A_118] : memref<5128x128xf32, #tpu.memory_space<vmem_shared>> -> memref<64x128xf32, #tpu.memory_space<vmem_shared>>
      %dma_wait3A_120 = arith.constant 0 : i32
      %dma_wait3A_121 = arith.constant 0 : i32
      %dma_wait3A_122 = tpu.memref_slice %arg14[%dma_wait3A_120, %dma_wait3A_121] : memref<64x128xf32, #tpu.memory_space<vmem>> -> memref<64x128xf32, #tpu.memory_space<vmem>>
      %dma_wait3A_123 = arith.constant 0 : i32
      %dma_wait3A_124 = tpu.memref_slice %arg15[%add3A_73, %dma_wait3A_123] : memref<5128x128xf32, #tpu.memory_space<vmem_shared>> -> memref<64x128xf32, #tpu.memory_space<vmem_shared>>
      tpu.wait_dma2 semaphore(%run_scoped3A : memref<!tpu.dma_semaphore, #tpu.memory_space<semaphore_mem>>) src(%dma_wait3A_124 : memref<64x128xf32, #tpu.memory_space<vmem_shared>>) dst(%dma_wait3A_122 : memref<64x128xf32, #tpu.memory_space<vmem>>)
      tpu.yield
    }) : () -> ()
    %add3A_74 = arith.constant 192 : i32
    %add3A_75 = arith.addi %add3A_59, %add3A_74 : i32
    "tpu.region"() ({
      %run_scoped3A = tpu.sem_alloc : memref<!tpu.dma_semaphore, #tpu.memory_space<semaphore_mem>>
      %dma_start3A = arith.constant 0 : i32
      %dma_start3A_107 = arith.constant 0 : i32
      %dma_start3A_108 = tpu.memref_slice %arg14[%dma_start3A, %dma_start3A_107] : memref<64x128xf32, #tpu.memory_space<vmem>> -> memref<64x128xf32, #tpu.memory_space<vmem>>
      %dma_start3A_109 = arith.constant 0 : i32
      %dma_start3A_110 = tpu.memref_slice %arg6[%add3A_75, %dma_start3A_109] : memref<10240x128xf32, #tpu.memory_space<hbm>> -> memref<64x128xf32, #tpu.memory_space<hbm>>
      %dma_start3A_111 = arith.constant 0 : i32
      %dma_start3A_112 = tpu.memref_slice %arg6[%add3A_75, %dma_start3A_111] : memref<10240x128xf32, #tpu.memory_space<hbm>> -> memref<64x128xf32, #tpu.memory_space<hbm>>
      %dma_start3A_113 = arith.constant 0 : i32
      %dma_start3A_114 = arith.constant 0 : i32
      %dma_start3A_115 = tpu.memref_slice %arg14[%dma_start3A_113, %dma_start3A_114] : memref<64x128xf32, #tpu.memory_space<vmem>> -> memref<64x128xf32, #tpu.memory_space<vmem>>
      tpu.enqueue_dma source(%dma_start3A_115 : memref<64x128xf32, #tpu.memory_space<vmem>>) target(%dma_start3A_112 : memref<64x128xf32, #tpu.memory_space<hbm>>) target_semaphore(%run_scoped3A : memref<!tpu.dma_semaphore, #tpu.memory_space<semaphore_mem>>)
      %dma_wait3A = arith.constant 0 : i32
      %dma_wait3A_116 = arith.constant 0 : i32
      %dma_wait3A_117 = tpu.memref_slice %arg14[%dma_wait3A, %dma_wait3A_116] : memref<64x128xf32, #tpu.memory_space<vmem>> -> memref<64x128xf32, #tpu.memory_space<vmem>>
      %dma_wait3A_118 = arith.constant 0 : i32
      %dma_wait3A_119 = tpu.memref_slice %arg6[%add3A_75, %dma_wait3A_118] : memref<10240x128xf32, #tpu.memory_space<hbm>> -> memref<64x128xf32, #tpu.memory_space<hbm>>
      %dma_wait3A_120 = arith.constant 0 : i32
      %dma_wait3A_121 = tpu.memref_slice %arg6[%add3A_75, %dma_wait3A_120] : memref<10240x128xf32, #tpu.memory_space<hbm>> -> memref<64x128xf32, #tpu.memory_space<hbm>>
      %dma_wait3A_122 = arith.constant 0 : i32
      %dma_wait3A_123 = arith.constant 0 : i32
      %dma_wait3A_124 = tpu.memref_slice %arg14[%dma_wait3A_122, %dma_wait3A_123] : memref<64x128xf32, #tpu.memory_space<vmem>> -> memref<64x128xf32, #tpu.memory_space<vmem>>
      tpu.wait_dma2 semaphore(%run_scoped3A : memref<!tpu.dma_semaphore, #tpu.memory_space<semaphore_mem>>) src(%dma_wait3A_124 : memref<64x128xf32, #tpu.memory_space<vmem>>) dst(%dma_wait3A_121 : memref<64x128xf32, #tpu.memory_space<hbm>>)
      tpu.yield
    }) : () -> ()
    %add3A_76 = arith.constant 256 : i32
    %add3A_77 = arith.addi %mul3A_54, %add3A_76 : i32
    "tpu.region"() ({
      %run_scoped3A = tpu.sem_alloc : memref<!tpu.dma_semaphore, #tpu.memory_space<semaphore_mem>>
      %dma_start3A = arith.constant 0 : i32
      %dma_start3A_107 = arith.constant 0 : i32
      %dma_start3A_108 = tpu.memref_slice %arg14[%dma_start3A, %dma_start3A_107] : memref<64x128xf32, #tpu.memory_space<vmem>> -> memref<64x128xf32, #tpu.memory_space<vmem>>
      %dma_start3A_109 = arith.constant 0 : i32
      %dma_start3A_110 = tpu.memref_slice %arg15[%add3A_77, %dma_start3A_109] : memref<5128x128xf32, #tpu.memory_space<vmem_shared>> -> memref<64x128xf32, #tpu.memory_space<vmem_shared>>
      %dma_start3A_111 = arith.constant 0 : i32
      %dma_start3A_112 = arith.constant 0 : i32
      %dma_start3A_113 = tpu.memref_slice %arg14[%dma_start3A_111, %dma_start3A_112] : memref<64x128xf32, #tpu.memory_space<vmem>> -> memref<64x128xf32, #tpu.memory_space<vmem>>
      %dma_start3A_114 = arith.constant 0 : i32
      %dma_start3A_115 = tpu.memref_slice %arg15[%add3A_77, %dma_start3A_114] : memref<5128x128xf32, #tpu.memory_space<vmem_shared>> -> memref<64x128xf32, #tpu.memory_space<vmem_shared>>
      tpu.enqueue_dma source(%dma_start3A_115 : memref<64x128xf32, #tpu.memory_space<vmem_shared>>) target(%dma_start3A_113 : memref<64x128xf32, #tpu.memory_space<vmem>>) target_semaphore(%run_scoped3A : memref<!tpu.dma_semaphore, #tpu.memory_space<semaphore_mem>>)
      %dma_wait3A = arith.constant 0 : i32
      %dma_wait3A_116 = arith.constant 0 : i32
      %dma_wait3A_117 = tpu.memref_slice %arg14[%dma_wait3A, %dma_wait3A_116] : memref<64x128xf32, #tpu.memory_space<vmem>> -> memref<64x128xf32, #tpu.memory_space<vmem>>
      %dma_wait3A_118 = arith.constant 0 : i32
      %dma_wait3A_119 = tpu.memref_slice %arg15[%add3A_77, %dma_wait3A_118] : memref<5128x128xf32, #tpu.memory_space<vmem_shared>> -> memref<64x128xf32, #tpu.memory_space<vmem_shared>>
      %dma_wait3A_120 = arith.constant 0 : i32
      %dma_wait3A_121 = arith.constant 0 : i32
      %dma_wait3A_122 = tpu.memref_slice %arg14[%dma_wait3A_120, %dma_wait3A_121] : memref<64x128xf32, #tpu.memory_space<vmem>> -> memref<64x128xf32, #tpu.memory_space<vmem>>
      %dma_wait3A_123 = arith.constant 0 : i32
      %dma_wait3A_124 = tpu.memref_slice %arg15[%add3A_77, %dma_wait3A_123] : memref<5128x128xf32, #tpu.memory_space<vmem_shared>> -> memref<64x128xf32, #tpu.memory_space<vmem_shared>>
      tpu.wait_dma2 semaphore(%run_scoped3A : memref<!tpu.dma_semaphore, #tpu.memory_space<semaphore_mem>>) src(%dma_wait3A_124 : memref<64x128xf32, #tpu.memory_space<vmem_shared>>) dst(%dma_wait3A_122 : memref<64x128xf32, #tpu.memory_space<vmem>>)
      tpu.yield
    }) : () -> ()
    %add3A_78 = arith.constant 256 : i32
    %add3A_79 = arith.addi %add3A_59, %add3A_78 : i32
    "tpu.region"() ({
      %run_scoped3A = tpu.sem_alloc : memref<!tpu.dma_semaphore, #tpu.memory_space<semaphore_mem>>
      %dma_start3A = arith.constant 0 : i32
      %dma_start3A_107 = arith.constant 0 : i32
      %dma_start3A_108 = tpu.memref_slice %arg14[%dma_start3A, %dma_start3A_107] : memref<64x128xf32, #tpu.memory_space<vmem>> -> memref<64x128xf32, #tpu.memory_space<vmem>>
      %dma_start3A_109 = arith.constant 0 : i32
      %dma_start3A_110 = tpu.memref_slice %arg6[%add3A_79, %dma_start3A_109] : memref<10240x128xf32, #tpu.memory_space<hbm>> -> memref<64x128xf32, #tpu.memory_space<hbm>>
      %dma_start3A_111 = arith.constant 0 : i32
      %dma_start3A_112 = tpu.memref_slice %arg6[%add3A_79, %dma_start3A_111] : memref<10240x128xf32, #tpu.memory_space<hbm>> -> memref<64x128xf32, #tpu.memory_space<hbm>>
      %dma_start3A_113 = arith.constant 0 : i32
      %dma_start3A_114 = arith.constant 0 : i32
      %dma_start3A_115 = tpu.memref_slice %arg14[%dma_start3A_113, %dma_start3A_114] : memref<64x128xf32, #tpu.memory_space<vmem>> -> memref<64x128xf32, #tpu.memory_space<vmem>>
      tpu.enqueue_dma source(%dma_start3A_115 : memref<64x128xf32, #tpu.memory_space<vmem>>) target(%dma_start3A_112 : memref<64x128xf32, #tpu.memory_space<hbm>>) target_semaphore(%run_scoped3A : memref<!tpu.dma_semaphore, #tpu.memory_space<semaphore_mem>>)
      %dma_wait3A = arith.constant 0 : i32
      %dma_wait3A_116 = arith.constant 0 : i32
      %dma_wait3A_117 = tpu.memref_slice %arg14[%dma_wait3A, %dma_wait3A_116] : memref<64x128xf32, #tpu.memory_space<vmem>> -> memref<64x128xf32, #tpu.memory_space<vmem>>
      %dma_wait3A_118 = arith.constant 0 : i32
      %dma_wait3A_119 = tpu.memref_slice %arg6[%add3A_79, %dma_wait3A_118] : memref<10240x128xf32, #tpu.memory_space<hbm>> -> memref<64x128xf32, #tpu.memory_space<hbm>>
      %dma_wait3A_120 = arith.constant 0 : i32
      %dma_wait3A_121 = tpu.memref_slice %arg6[%add3A_79, %dma_wait3A_120] : memref<10240x128xf32, #tpu.memory_space<hbm>> -> memref<64x128xf32, #tpu.memory_space<hbm>>
      %dma_wait3A_122 = arith.constant 0 : i32
      %dma_wait3A_123 = arith.constant 0 : i32
      %dma_wait3A_124 = tpu.memref_slice %arg14[%dma_wait3A_122, %dma_wait3A_123] : memref<64x128xf32, #tpu.memory_space<vmem>> -> memref<64x128xf32, #tpu.memory_space<vmem>>
      tpu.wait_dma2 semaphore(%run_scoped3A : memref<!tpu.dma_semaphore, #tpu.memory_space<semaphore_mem>>) src(%dma_wait3A_124 : memref<64x128xf32, #tpu.memory_space<vmem>>) dst(%dma_wait3A_121 : memref<64x128xf32, #tpu.memory_space<hbm>>)
      tpu.yield
    }) : () -> ()
    %mul3A_80 = arith.constant 320 : i32
    %mul3A_81 = arith.muli %arg1, %mul3A_80 : i32
    %mul3A_82 = arith.constant 5120 : i32
    %mul3A_83 = arith.muli %arg0, %mul3A_82 : i32
    %mul3A_84 = arith.constant 320 : i32
    %mul3A_85 = arith.muli %arg1, %mul3A_84 : i32
    %add3A_86 = arith.addi %mul3A_83, %mul3A_85 : i32
    %add3A_87 = arith.constant 0 : i32
    %add3A_88 = arith.addi %mul3A_81, %add3A_87 : i32
    "tpu.region"() ({
      %run_scoped3A = tpu.sem_alloc : memref<!tpu.dma_semaphore, #tpu.memory_space<semaphore_mem>>
      %dma_start3A = arith.constant 0 : i32
      %dma_start3A_107 = arith.constant 0 : i32
      %dma_start3A_108 = tpu.memref_slice %arg13[%dma_start3A, %dma_start3A_107] : memref<64x128xf32, #tpu.memory_space<vmem>> -> memref<64x128xf32, #tpu.memory_space<vmem>>
      %dma_start3A_109 = arith.constant 0 : i32
      %dma_start3A_110 = tpu.memref_slice %arg16[%add3A_88, %dma_start3A_109] : memref<5128x128xf32, #tpu.memory_space<vmem_shared>> -> memref<64x128xf32, #tpu.memory_space<vmem_shared>>
      %dma_start3A_111 = arith.constant 0 : i32
      %dma_start3A_112 = arith.constant 0 : i32
      %dma_start3A_113 = tpu.memref_slice %arg13[%dma_start3A_111, %dma_start3A_112] : memref<64x128xf32, #tpu.memory_space<vmem>> -> memref<64x128xf32, #tpu.memory_space<vmem>>
      %dma_start3A_114 = arith.constant 0 : i32
      %dma_start3A_115 = tpu.memref_slice %arg16[%add3A_88, %dma_start3A_114] : memref<5128x128xf32, #tpu.memory_space<vmem_shared>> -> memref<64x128xf32, #tpu.memory_space<vmem_shared>>
      tpu.enqueue_dma source(%dma_start3A_115 : memref<64x128xf32, #tpu.memory_space<vmem_shared>>) target(%dma_start3A_113 : memref<64x128xf32, #tpu.memory_space<vmem>>) target_semaphore(%run_scoped3A : memref<!tpu.dma_semaphore, #tpu.memory_space<semaphore_mem>>)
      %dma_wait3A = arith.constant 0 : i32
      %dma_wait3A_116 = arith.constant 0 : i32
      %dma_wait3A_117 = tpu.memref_slice %arg13[%dma_wait3A, %dma_wait3A_116] : memref<64x128xf32, #tpu.memory_space<vmem>> -> memref<64x128xf32, #tpu.memory_space<vmem>>
      %dma_wait3A_118 = arith.constant 0 : i32
      %dma_wait3A_119 = tpu.memref_slice %arg16[%add3A_88, %dma_wait3A_118] : memref<5128x128xf32, #tpu.memory_space<vmem_shared>> -> memref<64x128xf32, #tpu.memory_space<vmem_shared>>
      %dma_wait3A_120 = arith.constant 0 : i32
      %dma_wait3A_121 = arith.constant 0 : i32
      %dma_wait3A_122 = tpu.memref_slice %arg13[%dma_wait3A_120, %dma_wait3A_121] : memref<64x128xf32, #tpu.memory_space<vmem>> -> memref<64x128xf32, #tpu.memory_space<vmem>>
      %dma_wait3A_123 = arith.constant 0 : i32
      %dma_wait3A_124 = tpu.memref_slice %arg16[%add3A_88, %dma_wait3A_123] : memref<5128x128xf32, #tpu.memory_space<vmem_shared>> -> memref<64x128xf32, #tpu.memory_space<vmem_shared>>
      tpu.wait_dma2 semaphore(%run_scoped3A : memref<!tpu.dma_semaphore, #tpu.memory_space<semaphore_mem>>) src(%dma_wait3A_124 : memref<64x128xf32, #tpu.memory_space<vmem_shared>>) dst(%dma_wait3A_122 : memref<64x128xf32, #tpu.memory_space<vmem>>)
      tpu.yield
    }) : () -> ()
    %add3A_89 = arith.constant 0 : i32
    %add3A_90 = arith.addi %add3A_86, %add3A_89 : i32
    "tpu.region"() ({
      %run_scoped3A = tpu.sem_alloc : memref<!tpu.dma_semaphore, #tpu.memory_space<semaphore_mem>>
      %dma_start3A = arith.constant 0 : i32
      %dma_start3A_107 = arith.constant 0 : i32
      %dma_start3A_108 = tpu.memref_slice %arg13[%dma_start3A, %dma_start3A_107] : memref<64x128xf32, #tpu.memory_space<vmem>> -> memref<64x128xf32, #tpu.memory_space<vmem>>
      %dma_start3A_109 = arith.constant 0 : i32
      %dma_start3A_110 = tpu.memref_slice %arg7[%add3A_90, %dma_start3A_109] : memref<10240x128xf32, #tpu.memory_space<hbm>> -> memref<64x128xf32, #tpu.memory_space<hbm>>
      %dma_start3A_111 = arith.constant 0 : i32
      %dma_start3A_112 = tpu.memref_slice %arg7[%add3A_90, %dma_start3A_111] : memref<10240x128xf32, #tpu.memory_space<hbm>> -> memref<64x128xf32, #tpu.memory_space<hbm>>
      %dma_start3A_113 = arith.constant 0 : i32
      %dma_start3A_114 = arith.constant 0 : i32
      %dma_start3A_115 = tpu.memref_slice %arg13[%dma_start3A_113, %dma_start3A_114] : memref<64x128xf32, #tpu.memory_space<vmem>> -> memref<64x128xf32, #tpu.memory_space<vmem>>
      tpu.enqueue_dma source(%dma_start3A_115 : memref<64x128xf32, #tpu.memory_space<vmem>>) target(%dma_start3A_112 : memref<64x128xf32, #tpu.memory_space<hbm>>) target_semaphore(%run_scoped3A : memref<!tpu.dma_semaphore, #tpu.memory_space<semaphore_mem>>)
      %dma_wait3A = arith.constant 0 : i32
      %dma_wait3A_116 = arith.constant 0 : i32
      %dma_wait3A_117 = tpu.memref_slice %arg13[%dma_wait3A, %dma_wait3A_116] : memref<64x128xf32, #tpu.memory_space<vmem>> -> memref<64x128xf32, #tpu.memory_space<vmem>>
      %dma_wait3A_118 = arith.constant 0 : i32
      %dma_wait3A_119 = tpu.memref_slice %arg7[%add3A_90, %dma_wait3A_118] : memref<10240x128xf32, #tpu.memory_space<hbm>> -> memref<64x128xf32, #tpu.memory_space<hbm>>
      %dma_wait3A_120 = arith.constant 0 : i32
      %dma_wait3A_121 = tpu.memref_slice %arg7[%add3A_90, %dma_wait3A_120] : memref<10240x128xf32, #tpu.memory_space<hbm>> -> memref<64x128xf32, #tpu.memory_space<hbm>>
      %dma_wait3A_122 = arith.constant 0 : i32
      %dma_wait3A_123 = arith.constant 0 : i32
      %dma_wait3A_124 = tpu.memref_slice %arg13[%dma_wait3A_122, %dma_wait3A_123] : memref<64x128xf32, #tpu.memory_space<vmem>> -> memref<64x128xf32, #tpu.memory_space<vmem>>
      tpu.wait_dma2 semaphore(%run_scoped3A : memref<!tpu.dma_semaphore, #tpu.memory_space<semaphore_mem>>) src(%dma_wait3A_124 : memref<64x128xf32, #tpu.memory_space<vmem>>) dst(%dma_wait3A_121 : memref<64x128xf32, #tpu.memory_space<hbm>>)
      tpu.yield
    }) : () -> ()
    %add3A_91 = arith.constant 64 : i32
    %add3A_92 = arith.addi %mul3A_81, %add3A_91 : i32
    "tpu.region"() ({
      %run_scoped3A = tpu.sem_alloc : memref<!tpu.dma_semaphore, #tpu.memory_space<semaphore_mem>>
      %dma_start3A = arith.constant 0 : i32
      %dma_start3A_107 = arith.constant 0 : i32
      %dma_start3A_108 = tpu.memref_slice %arg13[%dma_start3A, %dma_start3A_107] : memref<64x128xf32, #tpu.memory_space<vmem>> -> memref<64x128xf32, #tpu.memory_space<vmem>>
      %dma_start3A_109 = arith.constant 0 : i32
      %dma_start3A_110 = tpu.memref_slice %arg16[%add3A_92, %dma_start3A_109] : memref<5128x128xf32, #tpu.memory_space<vmem_shared>> -> memref<64x128xf32, #tpu.memory_space<vmem_shared>>
      %dma_start3A_111 = arith.constant 0 : i32
      %dma_start3A_112 = arith.constant 0 : i32
      %dma_start3A_113 = tpu.memref_slice %arg13[%dma_start3A_111, %dma_start3A_112] : memref<64x128xf32, #tpu.memory_space<vmem>> -> memref<64x128xf32, #tpu.memory_space<vmem>>
      %dma_start3A_114 = arith.constant 0 : i32
      %dma_start3A_115 = tpu.memref_slice %arg16[%add3A_92, %dma_start3A_114] : memref<5128x128xf32, #tpu.memory_space<vmem_shared>> -> memref<64x128xf32, #tpu.memory_space<vmem_shared>>
      tpu.enqueue_dma source(%dma_start3A_115 : memref<64x128xf32, #tpu.memory_space<vmem_shared>>) target(%dma_start3A_113 : memref<64x128xf32, #tpu.memory_space<vmem>>) target_semaphore(%run_scoped3A : memref<!tpu.dma_semaphore, #tpu.memory_space<semaphore_mem>>)
      %dma_wait3A = arith.constant 0 : i32
      %dma_wait3A_116 = arith.constant 0 : i32
      %dma_wait3A_117 = tpu.memref_slice %arg13[%dma_wait3A, %dma_wait3A_116] : memref<64x128xf32, #tpu.memory_space<vmem>> -> memref<64x128xf32, #tpu.memory_space<vmem>>
      %dma_wait3A_118 = arith.constant 0 : i32
      %dma_wait3A_119 = tpu.memref_slice %arg16[%add3A_92, %dma_wait3A_118] : memref<5128x128xf32, #tpu.memory_space<vmem_shared>> -> memref<64x128xf32, #tpu.memory_space<vmem_shared>>
      %dma_wait3A_120 = arith.constant 0 : i32
      %dma_wait3A_121 = arith.constant 0 : i32
      %dma_wait3A_122 = tpu.memref_slice %arg13[%dma_wait3A_120, %dma_wait3A_121] : memref<64x128xf32, #tpu.memory_space<vmem>> -> memref<64x128xf32, #tpu.memory_space<vmem>>
      %dma_wait3A_123 = arith.constant 0 : i32
      %dma_wait3A_124 = tpu.memref_slice %arg16[%add3A_92, %dma_wait3A_123] : memref<5128x128xf32, #tpu.memory_space<vmem_shared>> -> memref<64x128xf32, #tpu.memory_space<vmem_shared>>
      tpu.wait_dma2 semaphore(%run_scoped3A : memref<!tpu.dma_semaphore, #tpu.memory_space<semaphore_mem>>) src(%dma_wait3A_124 : memref<64x128xf32, #tpu.memory_space<vmem_shared>>) dst(%dma_wait3A_122 : memref<64x128xf32, #tpu.memory_space<vmem>>)
      tpu.yield
    }) : () -> ()
    %add3A_93 = arith.constant 64 : i32
    %add3A_94 = arith.addi %add3A_86, %add3A_93 : i32
    "tpu.region"() ({
      %run_scoped3A = tpu.sem_alloc : memref<!tpu.dma_semaphore, #tpu.memory_space<semaphore_mem>>
      %dma_start3A = arith.constant 0 : i32
      %dma_start3A_107 = arith.constant 0 : i32
      %dma_start3A_108 = tpu.memref_slice %arg13[%dma_start3A, %dma_start3A_107] : memref<64x128xf32, #tpu.memory_space<vmem>> -> memref<64x128xf32, #tpu.memory_space<vmem>>
      %dma_start3A_109 = arith.constant 0 : i32
      %dma_start3A_110 = tpu.memref_slice %arg7[%add3A_94, %dma_start3A_109] : memref<10240x128xf32, #tpu.memory_space<hbm>> -> memref<64x128xf32, #tpu.memory_space<hbm>>
      %dma_start3A_111 = arith.constant 0 : i32
      %dma_start3A_112 = tpu.memref_slice %arg7[%add3A_94, %dma_start3A_111] : memref<10240x128xf32, #tpu.memory_space<hbm>> -> memref<64x128xf32, #tpu.memory_space<hbm>>
      %dma_start3A_113 = arith.constant 0 : i32
      %dma_start3A_114 = arith.constant 0 : i32
      %dma_start3A_115 = tpu.memref_slice %arg13[%dma_start3A_113, %dma_start3A_114] : memref<64x128xf32, #tpu.memory_space<vmem>> -> memref<64x128xf32, #tpu.memory_space<vmem>>
      tpu.enqueue_dma source(%dma_start3A_115 : memref<64x128xf32, #tpu.memory_space<vmem>>) target(%dma_start3A_112 : memref<64x128xf32, #tpu.memory_space<hbm>>) target_semaphore(%run_scoped3A : memref<!tpu.dma_semaphore, #tpu.memory_space<semaphore_mem>>)
      %dma_wait3A = arith.constant 0 : i32
      %dma_wait3A_116 = arith.constant 0 : i32
      %dma_wait3A_117 = tpu.memref_slice %arg13[%dma_wait3A, %dma_wait3A_116] : memref<64x128xf32, #tpu.memory_space<vmem>> -> memref<64x128xf32, #tpu.memory_space<vmem>>
      %dma_wait3A_118 = arith.constant 0 : i32
      %dma_wait3A_119 = tpu.memref_slice %arg7[%add3A_94, %dma_wait3A_118] : memref<10240x128xf32, #tpu.memory_space<hbm>> -> memref<64x128xf32, #tpu.memory_space<hbm>>
      %dma_wait3A_120 = arith.constant 0 : i32
      %dma_wait3A_121 = tpu.memref_slice %arg7[%add3A_94, %dma_wait3A_120] : memref<10240x128xf32, #tpu.memory_space<hbm>> -> memref<64x128xf32, #tpu.memory_space<hbm>>
      %dma_wait3A_122 = arith.constant 0 : i32
      %dma_wait3A_123 = arith.constant 0 : i32
      %dma_wait3A_124 = tpu.memref_slice %arg13[%dma_wait3A_122, %dma_wait3A_123] : memref<64x128xf32, #tpu.memory_space<vmem>> -> memref<64x128xf32, #tpu.memory_space<vmem>>
      tpu.wait_dma2 semaphore(%run_scoped3A : memref<!tpu.dma_semaphore, #tpu.memory_space<semaphore_mem>>) src(%dma_wait3A_124 : memref<64x128xf32, #tpu.memory_space<vmem>>) dst(%dma_wait3A_121 : memref<64x128xf32, #tpu.memory_space<hbm>>)
      tpu.yield
    }) : () -> ()
    %add3A_95 = arith.constant 128 : i32
    %add3A_96 = arith.addi %mul3A_81, %add3A_95 : i32
    "tpu.region"() ({
      %run_scoped3A = tpu.sem_alloc : memref<!tpu.dma_semaphore, #tpu.memory_space<semaphore_mem>>
      %dma_start3A = arith.constant 0 : i32
      %dma_start3A_107 = arith.constant 0 : i32
      %dma_start3A_108 = tpu.memref_slice %arg13[%dma_start3A, %dma_start3A_107] : memref<64x128xf32, #tpu.memory_space<vmem>> -> memref<64x128xf32, #tpu.memory_space<vmem>>
      %dma_start3A_109 = arith.constant 0 : i32
      %dma_start3A_110 = tpu.memref_slice %arg16[%add3A_96, %dma_start3A_109] : memref<5128x128xf32, #tpu.memory_space<vmem_shared>> -> memref<64x128xf32, #tpu.memory_space<vmem_shared>>
      %dma_start3A_111 = arith.constant 0 : i32
      %dma_start3A_112 = arith.constant 0 : i32
      %dma_start3A_113 = tpu.memref_slice %arg13[%dma_start3A_111, %dma_start3A_112] : memref<64x128xf32, #tpu.memory_space<vmem>> -> memref<64x128xf32, #tpu.memory_space<vmem>>
      %dma_start3A_114 = arith.constant 0 : i32
      %dma_start3A_115 = tpu.memref_slice %arg16[%add3A_96, %dma_start3A_114] : memref<5128x128xf32, #tpu.memory_space<vmem_shared>> -> memref<64x128xf32, #tpu.memory_space<vmem_shared>>
      tpu.enqueue_dma source(%dma_start3A_115 : memref<64x128xf32, #tpu.memory_space<vmem_shared>>) target(%dma_start3A_113 : memref<64x128xf32, #tpu.memory_space<vmem>>) target_semaphore(%run_scoped3A : memref<!tpu.dma_semaphore, #tpu.memory_space<semaphore_mem>>)
      %dma_wait3A = arith.constant 0 : i32
      %dma_wait3A_116 = arith.constant 0 : i32
      %dma_wait3A_117 = tpu.memref_slice %arg13[%dma_wait3A, %dma_wait3A_116] : memref<64x128xf32, #tpu.memory_space<vmem>> -> memref<64x128xf32, #tpu.memory_space<vmem>>
      %dma_wait3A_118 = arith.constant 0 : i32
      %dma_wait3A_119 = tpu.memref_slice %arg16[%add3A_96, %dma_wait3A_118] : memref<5128x128xf32, #tpu.memory_space<vmem_shared>> -> memref<64x128xf32, #tpu.memory_space<vmem_shared>>
      %dma_wait3A_120 = arith.constant 0 : i32
      %dma_wait3A_121 = arith.constant 0 : i32
      %dma_wait3A_122 = tpu.memref_slice %arg13[%dma_wait3A_120, %dma_wait3A_121] : memref<64x128xf32, #tpu.memory_space<vmem>> -> memref<64x128xf32, #tpu.memory_space<vmem>>
      %dma_wait3A_123 = arith.constant 0 : i32
      %dma_wait3A_124 = tpu.memref_slice %arg16[%add3A_96, %dma_wait3A_123] : memref<5128x128xf32, #tpu.memory_space<vmem_shared>> -> memref<64x128xf32, #tpu.memory_space<vmem_shared>>
      tpu.wait_dma2 semaphore(%run_scoped3A : memref<!tpu.dma_semaphore, #tpu.memory_space<semaphore_mem>>) src(%dma_wait3A_124 : memref<64x128xf32, #tpu.memory_space<vmem_shared>>) dst(%dma_wait3A_122 : memref<64x128xf32, #tpu.memory_space<vmem>>)
      tpu.yield
    }) : () -> ()
    %add3A_97 = arith.constant 128 : i32
    %add3A_98 = arith.addi %add3A_86, %add3A_97 : i32
    "tpu.region"() ({
      %run_scoped3A = tpu.sem_alloc : memref<!tpu.dma_semaphore, #tpu.memory_space<semaphore_mem>>
      %dma_start3A = arith.constant 0 : i32
      %dma_start3A_107 = arith.constant 0 : i32
      %dma_start3A_108 = tpu.memref_slice %arg13[%dma_start3A, %dma_start3A_107] : memref<64x128xf32, #tpu.memory_space<vmem>> -> memref<64x128xf32, #tpu.memory_space<vmem>>
      %dma_start3A_109 = arith.constant 0 : i32
      %dma_start3A_110 = tpu.memref_slice %arg7[%add3A_98, %dma_start3A_109] : memref<10240x128xf32, #tpu.memory_space<hbm>> -> memref<64x128xf32, #tpu.memory_space<hbm>>
      %dma_start3A_111 = arith.constant 0 : i32
      %dma_start3A_112 = tpu.memref_slice %arg7[%add3A_98, %dma_start3A_111] : memref<10240x128xf32, #tpu.memory_space<hbm>> -> memref<64x128xf32, #tpu.memory_space<hbm>>
      %dma_start3A_113 = arith.constant 0 : i32
      %dma_start3A_114 = arith.constant 0 : i32
      %dma_start3A_115 = tpu.memref_slice %arg13[%dma_start3A_113, %dma_start3A_114] : memref<64x128xf32, #tpu.memory_space<vmem>> -> memref<64x128xf32, #tpu.memory_space<vmem>>
      tpu.enqueue_dma source(%dma_start3A_115 : memref<64x128xf32, #tpu.memory_space<vmem>>) target(%dma_start3A_112 : memref<64x128xf32, #tpu.memory_space<hbm>>) target_semaphore(%run_scoped3A : memref<!tpu.dma_semaphore, #tpu.memory_space<semaphore_mem>>)
      %dma_wait3A = arith.constant 0 : i32
      %dma_wait3A_116 = arith.constant 0 : i32
      %dma_wait3A_117 = tpu.memref_slice %arg13[%dma_wait3A, %dma_wait3A_116] : memref<64x128xf32, #tpu.memory_space<vmem>> -> memref<64x128xf32, #tpu.memory_space<vmem>>
      %dma_wait3A_118 = arith.constant 0 : i32
      %dma_wait3A_119 = tpu.memref_slice %arg7[%add3A_98, %dma_wait3A_118] : memref<10240x128xf32, #tpu.memory_space<hbm>> -> memref<64x128xf32, #tpu.memory_space<hbm>>
      %dma_wait3A_120 = arith.constant 0 : i32
      %dma_wait3A_121 = tpu.memref_slice %arg7[%add3A_98, %dma_wait3A_120] : memref<10240x128xf32, #tpu.memory_space<hbm>> -> memref<64x128xf32, #tpu.memory_space<hbm>>
      %dma_wait3A_122 = arith.constant 0 : i32
      %dma_wait3A_123 = arith.constant 0 : i32
      %dma_wait3A_124 = tpu.memref_slice %arg13[%dma_wait3A_122, %dma_wait3A_123] : memref<64x128xf32, #tpu.memory_space<vmem>> -> memref<64x128xf32, #tpu.memory_space<vmem>>
      tpu.wait_dma2 semaphore(%run_scoped3A : memref<!tpu.dma_semaphore, #tpu.memory_space<semaphore_mem>>) src(%dma_wait3A_124 : memref<64x128xf32, #tpu.memory_space<vmem>>) dst(%dma_wait3A_121 : memref<64x128xf32, #tpu.memory_space<hbm>>)
      tpu.yield
    }) : () -> ()
    %add3A_99 = arith.constant 192 : i32
    %add3A_100 = arith.addi %mul3A_81, %add3A_99 : i32
    "tpu.region"() ({
      %run_scoped3A = tpu.sem_alloc : memref<!tpu.dma_semaphore, #tpu.memory_space<semaphore_mem>>
      %dma_start3A = arith.constant 0 : i32
      %dma_start3A_107 = arith.constant 0 : i32
      %dma_start3A_108 = tpu.memref_slice %arg13[%dma_start3A, %dma_start3A_107] : memref<64x128xf32, #tpu.memory_space<vmem>> -> memref<64x128xf32, #tpu.memory_space<vmem>>
      %dma_start3A_109 = arith.constant 0 : i32
      %dma_start3A_110 = tpu.memref_slice %arg16[%add3A_100, %dma_start3A_109] : memref<5128x128xf32, #tpu.memory_space<vmem_shared>> -> memref<64x128xf32, #tpu.memory_space<vmem_shared>>
      %dma_start3A_111 = arith.constant 0 : i32
      %dma_start3A_112 = arith.constant 0 : i32
      %dma_start3A_113 = tpu.memref_slice %arg13[%dma_start3A_111, %dma_start3A_112] : memref<64x128xf32, #tpu.memory_space<vmem>> -> memref<64x128xf32, #tpu.memory_space<vmem>>
      %dma_start3A_114 = arith.constant 0 : i32
      %dma_start3A_115 = tpu.memref_slice %arg16[%add3A_100, %dma_start3A_114] : memref<5128x128xf32, #tpu.memory_space<vmem_shared>> -> memref<64x128xf32, #tpu.memory_space<vmem_shared>>
      tpu.enqueue_dma source(%dma_start3A_115 : memref<64x128xf32, #tpu.memory_space<vmem_shared>>) target(%dma_start3A_113 : memref<64x128xf32, #tpu.memory_space<vmem>>) target_semaphore(%run_scoped3A : memref<!tpu.dma_semaphore, #tpu.memory_space<semaphore_mem>>)
      %dma_wait3A = arith.constant 0 : i32
      %dma_wait3A_116 = arith.constant 0 : i32
      %dma_wait3A_117 = tpu.memref_slice %arg13[%dma_wait3A, %dma_wait3A_116] : memref<64x128xf32, #tpu.memory_space<vmem>> -> memref<64x128xf32, #tpu.memory_space<vmem>>
      %dma_wait3A_118 = arith.constant 0 : i32
      %dma_wait3A_119 = tpu.memref_slice %arg16[%add3A_100, %dma_wait3A_118] : memref<5128x128xf32, #tpu.memory_space<vmem_shared>> -> memref<64x128xf32, #tpu.memory_space<vmem_shared>>
      %dma_wait3A_120 = arith.constant 0 : i32
      %dma_wait3A_121 = arith.constant 0 : i32
      %dma_wait3A_122 = tpu.memref_slice %arg13[%dma_wait3A_120, %dma_wait3A_121] : memref<64x128xf32, #tpu.memory_space<vmem>> -> memref<64x128xf32, #tpu.memory_space<vmem>>
      %dma_wait3A_123 = arith.constant 0 : i32
      %dma_wait3A_124 = tpu.memref_slice %arg16[%add3A_100, %dma_wait3A_123] : memref<5128x128xf32, #tpu.memory_space<vmem_shared>> -> memref<64x128xf32, #tpu.memory_space<vmem_shared>>
      tpu.wait_dma2 semaphore(%run_scoped3A : memref<!tpu.dma_semaphore, #tpu.memory_space<semaphore_mem>>) src(%dma_wait3A_124 : memref<64x128xf32, #tpu.memory_space<vmem_shared>>) dst(%dma_wait3A_122 : memref<64x128xf32, #tpu.memory_space<vmem>>)
      tpu.yield
    }) : () -> ()
    %add3A_101 = arith.constant 192 : i32
    %add3A_102 = arith.addi %add3A_86, %add3A_101 : i32
    "tpu.region"() ({
      %run_scoped3A = tpu.sem_alloc : memref<!tpu.dma_semaphore, #tpu.memory_space<semaphore_mem>>
      %dma_start3A = arith.constant 0 : i32
      %dma_start3A_107 = arith.constant 0 : i32
      %dma_start3A_108 = tpu.memref_slice %arg13[%dma_start3A, %dma_start3A_107] : memref<64x128xf32, #tpu.memory_space<vmem>> -> memref<64x128xf32, #tpu.memory_space<vmem>>
      %dma_start3A_109 = arith.constant 0 : i32
      %dma_start3A_110 = tpu.memref_slice %arg7[%add3A_102, %dma_start3A_109] : memref<10240x128xf32, #tpu.memory_space<hbm>> -> memref<64x128xf32, #tpu.memory_space<hbm>>
      %dma_start3A_111 = arith.constant 0 : i32
      %dma_start3A_112 = tpu.memref_slice %arg7[%add3A_102, %dma_start3A_111] : memref<10240x128xf32, #tpu.memory_space<hbm>> -> memref<64x128xf32, #tpu.memory_space<hbm>>
      %dma_start3A_113 = arith.constant 0 : i32
      %dma_start3A_114 = arith.constant 0 : i32
      %dma_start3A_115 = tpu.memref_slice %arg13[%dma_start3A_113, %dma_start3A_114] : memref<64x128xf32, #tpu.memory_space<vmem>> -> memref<64x128xf32, #tpu.memory_space<vmem>>
      tpu.enqueue_dma source(%dma_start3A_115 : memref<64x128xf32, #tpu.memory_space<vmem>>) target(%dma_start3A_112 : memref<64x128xf32, #tpu.memory_space<hbm>>) target_semaphore(%run_scoped3A : memref<!tpu.dma_semaphore, #tpu.memory_space<semaphore_mem>>)
      %dma_wait3A = arith.constant 0 : i32
      %dma_wait3A_116 = arith.constant 0 : i32
      %dma_wait3A_117 = tpu.memref_slice %arg13[%dma_wait3A, %dma_wait3A_116] : memref<64x128xf32, #tpu.memory_space<vmem>> -> memref<64x128xf32, #tpu.memory_space<vmem>>
      %dma_wait3A_118 = arith.constant 0 : i32
      %dma_wait3A_119 = tpu.memref_slice %arg7[%add3A_102, %dma_wait3A_118] : memref<10240x128xf32, #tpu.memory_space<hbm>> -> memref<64x128xf32, #tpu.memory_space<hbm>>
      %dma_wait3A_120 = arith.constant 0 : i32
      %dma_wait3A_121 = tpu.memref_slice %arg7[%add3A_102, %dma_wait3A_120] : memref<10240x128xf32, #tpu.memory_space<hbm>> -> memref<64x128xf32, #tpu.memory_space<hbm>>
      %dma_wait3A_122 = arith.constant 0 : i32
      %dma_wait3A_123 = arith.constant 0 : i32
      %dma_wait3A_124 = tpu.memref_slice %arg13[%dma_wait3A_122, %dma_wait3A_123] : memref<64x128xf32, #tpu.memory_space<vmem>> -> memref<64x128xf32, #tpu.memory_space<vmem>>
      tpu.wait_dma2 semaphore(%run_scoped3A : memref<!tpu.dma_semaphore, #tpu.memory_space<semaphore_mem>>) src(%dma_wait3A_124 : memref<64x128xf32, #tpu.memory_space<vmem>>) dst(%dma_wait3A_121 : memref<64x128xf32, #tpu.memory_space<hbm>>)
      tpu.yield
    }) : () -> ()
    %add3A_103 = arith.constant 256 : i32
    %add3A_104 = arith.addi %mul3A_81, %add3A_103 : i32
    "tpu.region"() ({
      %run_scoped3A = tpu.sem_alloc : memref<!tpu.dma_semaphore, #tpu.memory_space<semaphore_mem>>
      %dma_start3A = arith.constant 0 : i32
      %dma_start3A_107 = arith.constant 0 : i32
      %dma_start3A_108 = tpu.memref_slice %arg13[%dma_start3A, %dma_start3A_107] : memref<64x128xf32, #tpu.memory_space<vmem>> -> memref<64x128xf32, #tpu.memory_space<vmem>>
      %dma_start3A_109 = arith.constant 0 : i32
      %dma_start3A_110 = tpu.memref_slice %arg16[%add3A_104, %dma_start3A_109] : memref<5128x128xf32, #tpu.memory_space<vmem_shared>> -> memref<64x128xf32, #tpu.memory_space<vmem_shared>>
      %dma_start3A_111 = arith.constant 0 : i32
      %dma_start3A_112 = arith.constant 0 : i32
      %dma_start3A_113 = tpu.memref_slice %arg13[%dma_start3A_111, %dma_start3A_112] : memref<64x128xf32, #tpu.memory_space<vmem>> -> memref<64x128xf32, #tpu.memory_space<vmem>>
      %dma_start3A_114 = arith.constant 0 : i32
      %dma_start3A_115 = tpu.memref_slice %arg16[%add3A_104, %dma_start3A_114] : memref<5128x128xf32, #tpu.memory_space<vmem_shared>> -> memref<64x128xf32, #tpu.memory_space<vmem_shared>>
      tpu.enqueue_dma source(%dma_start3A_115 : memref<64x128xf32, #tpu.memory_space<vmem_shared>>) target(%dma_start3A_113 : memref<64x128xf32, #tpu.memory_space<vmem>>) target_semaphore(%run_scoped3A : memref<!tpu.dma_semaphore, #tpu.memory_space<semaphore_mem>>)
      %dma_wait3A = arith.constant 0 : i32
      %dma_wait3A_116 = arith.constant 0 : i32
      %dma_wait3A_117 = tpu.memref_slice %arg13[%dma_wait3A, %dma_wait3A_116] : memref<64x128xf32, #tpu.memory_space<vmem>> -> memref<64x128xf32, #tpu.memory_space<vmem>>
      %dma_wait3A_118 = arith.constant 0 : i32
      %dma_wait3A_119 = tpu.memref_slice %arg16[%add3A_104, %dma_wait3A_118] : memref<5128x128xf32, #tpu.memory_space<vmem_shared>> -> memref<64x128xf32, #tpu.memory_space<vmem_shared>>
      %dma_wait3A_120 = arith.constant 0 : i32
      %dma_wait3A_121 = arith.constant 0 : i32
      %dma_wait3A_122 = tpu.memref_slice %arg13[%dma_wait3A_120, %dma_wait3A_121] : memref<64x128xf32, #tpu.memory_space<vmem>> -> memref<64x128xf32, #tpu.memory_space<vmem>>
      %dma_wait3A_123 = arith.constant 0 : i32
      %dma_wait3A_124 = tpu.memref_slice %arg16[%add3A_104, %dma_wait3A_123] : memref<5128x128xf32, #tpu.memory_space<vmem_shared>> -> memref<64x128xf32, #tpu.memory_space<vmem_shared>>
      tpu.wait_dma2 semaphore(%run_scoped3A : memref<!tpu.dma_semaphore, #tpu.memory_space<semaphore_mem>>) src(%dma_wait3A_124 : memref<64x128xf32, #tpu.memory_space<vmem_shared>>) dst(%dma_wait3A_122 : memref<64x128xf32, #tpu.memory_space<vmem>>)
      tpu.yield
    }) : () -> ()
    %add3A_105 = arith.constant 256 : i32
    %add3A_106 = arith.addi %add3A_86, %add3A_105 : i32
    "tpu.region"() ({
      %run_scoped3A = tpu.sem_alloc : memref<!tpu.dma_semaphore, #tpu.memory_space<semaphore_mem>>
      %dma_start3A = arith.constant 0 : i32
      %dma_start3A_107 = arith.constant 0 : i32
      %dma_start3A_108 = tpu.memref_slice %arg13[%dma_start3A, %dma_start3A_107] : memref<64x128xf32, #tpu.memory_space<vmem>> -> memref<64x128xf32, #tpu.memory_space<vmem>>
      %dma_start3A_109 = arith.constant 0 : i32
      %dma_start3A_110 = tpu.memref_slice %arg7[%add3A_106, %dma_start3A_109] : memref<10240x128xf32, #tpu.memory_space<hbm>> -> memref<64x128xf32, #tpu.memory_space<hbm>>
      %dma_start3A_111 = arith.constant 0 : i32
      %dma_start3A_112 = tpu.memref_slice %arg7[%add3A_106, %dma_start3A_111] : memref<10240x128xf32, #tpu.memory_space<hbm>> -> memref<64x128xf32, #tpu.memory_space<hbm>>
      %dma_start3A_113 = arith.constant 0 : i32
      %dma_start3A_114 = arith.constant 0 : i32
      %dma_start3A_115 = tpu.memref_slice %arg13[%dma_start3A_113, %dma_start3A_114] : memref<64x128xf32, #tpu.memory_space<vmem>> -> memref<64x128xf32, #tpu.memory_space<vmem>>
      tpu.enqueue_dma source(%dma_start3A_115 : memref<64x128xf32, #tpu.memory_space<vmem>>) target(%dma_start3A_112 : memref<64x128xf32, #tpu.memory_space<hbm>>) target_semaphore(%run_scoped3A : memref<!tpu.dma_semaphore, #tpu.memory_space<semaphore_mem>>)
      %dma_wait3A = arith.constant 0 : i32
      %dma_wait3A_116 = arith.constant 0 : i32
      %dma_wait3A_117 = tpu.memref_slice %arg13[%dma_wait3A, %dma_wait3A_116] : memref<64x128xf32, #tpu.memory_space<vmem>> -> memref<64x128xf32, #tpu.memory_space<vmem>>
      %dma_wait3A_118 = arith.constant 0 : i32
      %dma_wait3A_119 = tpu.memref_slice %arg7[%add3A_106, %dma_wait3A_118] : memref<10240x128xf32, #tpu.memory_space<hbm>> -> memref<64x128xf32, #tpu.memory_space<hbm>>
      %dma_wait3A_120 = arith.constant 0 : i32
      %dma_wait3A_121 = tpu.memref_slice %arg7[%add3A_106, %dma_wait3A_120] : memref<10240x128xf32, #tpu.memory_space<hbm>> -> memref<64x128xf32, #tpu.memory_space<hbm>>
      %dma_wait3A_122 = arith.constant 0 : i32
      %dma_wait3A_123 = arith.constant 0 : i32
      %dma_wait3A_124 = tpu.memref_slice %arg13[%dma_wait3A_122, %dma_wait3A_123] : memref<64x128xf32, #tpu.memory_space<vmem>> -> memref<64x128xf32, #tpu.memory_space<vmem>>
      tpu.wait_dma2 semaphore(%run_scoped3A : memref<!tpu.dma_semaphore, #tpu.memory_space<semaphore_mem>>) src(%dma_wait3A_124 : memref<64x128xf32, #tpu.memory_space<vmem>>) dst(%dma_wait3A_121 : memref<64x128xf32, #tpu.memory_space<hbm>>)
      tpu.yield
    }) : () -> ()
    return
  }
}

module attributes {stable_mosaic.version = 14 : i64} {
  func.func @_tc_a_body(%arg0: i32, %arg1: memref<2048x128xf32, #tpu.memory_space<vmem>>, %arg2: memref<128x128xf32, #tpu.memory_space<vmem>>, %arg3: memref<128x16xf32, #tpu.memory_space<vmem>>, %arg4: memref<128x128xf32, #tpu.memory_space<vmem>>, %arg5: memref<2048x256xf32, #tpu.memory_space<vmem>>, %arg6: memref<2048x128xf32, #tpu.memory_space<vmem>>) attributes {dimension_semantics = [#tpu.dimension_semantics<arbitrary>], iteration_bounds = array<i64: 5>, scalar_prefetch = 0 : i64, scratch_operands = 0 : i64, tpu.core_type = #tpu.core_type<tc>, window_params = [{transform_indices = @transform_0, window_bounds = array<i64: 2048, 128>}, {pipeline_mode = #tpu.pipeline_mode<synchronous>, transform_indices = @transform_1, window_bounds = array<i64: 128, 128>}, {pipeline_mode = #tpu.pipeline_mode<synchronous>, transform_indices = @transform_2, window_bounds = array<i64: 128, 16>}, {pipeline_mode = #tpu.pipeline_mode<synchronous>, transform_indices = @transform_3, window_bounds = array<i64: 128, 128>}, {transform_indices = @transform_4, window_bounds = array<i64: 2048, 256>}, {transform_indices = @transform_5, window_bounds = array<i64: 2048, 128>}]} {
    %get3A = arith.constant 0 : index
    %get3A_0 = arith.constant 0 : index
    %get3A_1 = vector.load %arg1[%get3A, %get3A_0] : memref<2048x128xf32, #tpu.memory_space<vmem>>, vector<2048x128xf32>
    %get3A_2 = arith.constant 0 : index
    %get3A_3 = arith.constant 0 : index
    %get3A_4 = vector.load %arg2[%get3A_2, %get3A_3] : memref<128x128xf32, #tpu.memory_space<vmem>>, vector<128x128xf32>
    %dot_general3A = arith.constant dense<0.000000e+00> : vector<2048x128xf32>
    %dot_general3A_5 = tpu.matmul %get3A_1, %get3A_4, %dot_general3A {dimension_numbers = #tpu.dot_dimension_numbers<[1], [0], [0], [1], [0, 0, 1, 1], [], []>, transpose_lhs_hint = false} : vector<2048x128xf32>, vector<128x128xf32>, vector<2048x128xf32> -> vector<2048x128xf32>
    %get3A_6 = arith.constant 0 : index
    %get3A_7 = arith.constant 0 : index
    %get3A_8 = vector.load %arg3[%get3A_6, %get3A_7] : memref<128x16xf32, #tpu.memory_space<vmem>>, vector<128x16xf32>
    %dot_general3A_9 = arith.constant dense<0.000000e+00> : vector<2048x16xf32>
    %dot_general3A_10 = tpu.matmul %dot_general3A_5, %get3A_8, %dot_general3A_9 {dimension_numbers = #tpu.dot_dimension_numbers<[1], [0], [0], [1], [0, 0, 1, 1], [], []>, transpose_lhs_hint = false} : vector<2048x128xf32>, vector<128x16xf32>, vector<2048x16xf32> -> vector<2048x16xf32>
    %broadcast_in_dim3A = arith.constant 0.000000e+00 : f32
    %broadcast_in_dim3A_11 = vector.broadcast %broadcast_in_dim3A : f32 to vector<2048x112xf32>
    %concatenate3A = tpu.concatenate %dot_general3A_5, %dot_general3A_10, %broadcast_in_dim3A_11 in 1 : vector<2048x128xf32>, vector<2048x16xf32>, vector<2048x112xf32> -> vector<2048x256xf32>
    %swap3A = arith.constant 0 : index
    %swap3A_12 = arith.constant 0 : index
    %swap3A_13 = vector.load %arg5[%swap3A, %swap3A_12] : memref<2048x256xf32, #tpu.memory_space<vmem>>, vector<2048x256xf32>
    tpu.vector_store %arg5[%swap3A, %swap3A_12], %concatenate3A {strides = array<i32>} : memref<2048x256xf32, #tpu.memory_space<vmem>>, vector<2048x256xf32>,
    %get3A_14 = arith.constant 0 : index
    %get3A_15 = arith.constant 0 : index
    %get3A_16 = vector.load %arg4[%get3A_14, %get3A_15] : memref<128x128xf32, #tpu.memory_space<vmem>>, vector<128x128xf32>
    %dot_general3A_17 = arith.constant dense<0.000000e+00> : vector<2048x128xf32>
    %dot_general3A_18 = tpu.matmul %dot_general3A_5, %get3A_16, %dot_general3A_17 {dimension_numbers = #tpu.dot_dimension_numbers<[1], [0], [0], [1], [0, 0, 1, 1], [], []>, transpose_lhs_hint = false} : vector<2048x128xf32>, vector<128x128xf32>, vector<2048x128xf32> -> vector<2048x128xf32>
    %swap3A_19 = arith.constant 0 : index
    %swap3A_20 = arith.constant 0 : index
    %swap3A_21 = vector.load %arg6[%swap3A_19, %swap3A_20] : memref<2048x128xf32, #tpu.memory_space<vmem>>, vector<2048x128xf32>
    tpu.vector_store %arg6[%swap3A_19, %swap3A_20], %dot_general3A_18 {strides = array<i32>} : memref<2048x128xf32, #tpu.memory_space<vmem>>, vector<2048x128xf32>,
    return
  }
  func.func @transform_0(%arg0: i32) -> (i32, i32) {
    %c0_i32 = arith.constant 0 : i32
    %c0_i32_0 = arith.constant 0 : i32
    return %arg0, %c0_i32 : i32, i32
  }
  func.func @transform_1(%arg0: i32) -> (i32, i32) {
    %c0_i32 = arith.constant 0 : i32
    %c0_i32_0 = arith.constant 0 : i32
    %c0_i32_1 = arith.constant 0 : i32
    return %c0_i32, %c0_i32_0 : i32, i32
  }
  func.func @transform_2(%arg0: i32) -> (i32, i32) {
    %c0_i32 = arith.constant 0 : i32
    %c0_i32_0 = arith.constant 0 : i32
    %c0_i32_1 = arith.constant 0 : i32
    return %c0_i32, %c0_i32_0 : i32, i32
  }
  func.func @transform_3(%arg0: i32) -> (i32, i32) {
    %c0_i32 = arith.constant 0 : i32
    %c0_i32_0 = arith.constant 0 : i32
    %c0_i32_1 = arith.constant 0 : i32
    return %c0_i32, %c0_i32_0 : i32, i32
  }
  func.func @transform_4(%arg0: i32) -> (i32, i32) {
    %c0_i32 = arith.constant 0 : i32
    %c0_i32_0 = arith.constant 0 : i32
    return %arg0, %c0_i32 : i32, i32
  }
  func.func @transform_5(%arg0: i32) -> (i32, i32) {
    %c0_i32 = arith.constant 0 : i32
    %c0_i32_0 = arith.constant 0 : i32
    return %arg0, %c0_i32 : i32, i32
  }
}

module attributes {stable_mosaic.version = 14 : i64} {
  func.func @_tc_b_body(%arg0: i32, %arg1: memref<2048x128xf32, #tpu.memory_space<vmem>>, %arg2: memref<2048x128xf32, #tpu.memory_space<vmem>>, %arg3: memref<1x128xf32, #tpu.memory_space<vmem>>, %arg4: memref<128x128xf32, #tpu.memory_space<vmem>>, %arg5: memref<128x128xf32, #tpu.memory_space<vmem>>, %arg6: memref<128x128xf32, #tpu.memory_space<vmem>>, %arg7: memref<2048x128xf32, #tpu.memory_space<vmem>>, %arg8: memref<2048x128xf32, #tpu.memory_space<vmem>>) attributes {dimension_semantics = [#tpu.dimension_semantics<arbitrary>], iteration_bounds = array<i64: 5>, scalar_prefetch = 0 : i64, scratch_operands = 0 : i64, tpu.core_type = #tpu.core_type<tc>, window_params = [{transform_indices = @transform_0, window_bounds = array<i64: 2048, 128>}, {transform_indices = @transform_1, window_bounds = array<i64: 2048, 128>}, {pipeline_mode = #tpu.pipeline_mode<synchronous>, transform_indices = @transform_2, window_bounds = array<i64: 1, 128>}, {pipeline_mode = #tpu.pipeline_mode<synchronous>, transform_indices = @transform_3, window_bounds = array<i64: 128, 128>}, {pipeline_mode = #tpu.pipeline_mode<synchronous>, transform_indices = @transform_4, window_bounds = array<i64: 128, 128>}, {pipeline_mode = #tpu.pipeline_mode<synchronous>, transform_indices = @transform_5, window_bounds = array<i64: 128, 128>}, {transform_indices = @transform_6, window_bounds = array<i64: 2048, 128>}, {transform_indices = @transform_7, window_bounds = array<i64: 2048, 128>}]} {
    %get3A = arith.constant 0 : index
    %get3A_0 = arith.constant 0 : index
    %get3A_1 = vector.load %arg2[%get3A, %get3A_0] : memref<2048x128xf32, #tpu.memory_space<vmem>>, vector<2048x128xf32>
    %get3A_2 = arith.constant 0 : index
    %get3A_3 = arith.constant 0 : index
    %get3A_4 = vector.load %arg4[%get3A_2, %get3A_3] : memref<128x128xf32, #tpu.memory_space<vmem>>, vector<128x128xf32>
    %dot_general3A = arith.constant dense<0.000000e+00> : vector<2048x128xf32>
    %dot_general3A_5 = tpu.matmul %get3A_1, %get3A_4, %dot_general3A {dimension_numbers = #tpu.dot_dimension_numbers<[1], [0], [0], [1], [0, 0, 1, 1], [], []>, transpose_lhs_hint = false} : vector<2048x128xf32>, vector<128x128xf32>, vector<2048x128xf32> -> vector<2048x128xf32>
    %add3A = arith.constant 1.000000e-16 : f32
    %add3A_6 = vector.broadcast %add3A : f32 to vector<2048x128xf32>
    %add3A_7 = arith.addf %dot_general3A_5, %add3A_6 : vector<2048x128xf32>
    %get3A_8 = arith.constant 0 : index
    %get3A_9 = arith.constant 0 : index
    %get3A_10 = vector.load %arg1[%get3A_8, %get3A_9] : memref<2048x128xf32, #tpu.memory_space<vmem>>, vector<2048x128xf32>
    %div3A = arith.divf %get3A_10, %add3A_7 : vector<2048x128xf32>
    %get3A_11 = arith.constant 0 : index
    %get3A_12 = arith.constant 0 : index
    %get3A_13 = vector.load %arg3[%get3A_11, %get3A_12] : memref<1x128xf32, #tpu.memory_space<vmem>>, vector<1x128xf32>
    %add3A_14 = vector.broadcast %get3A_13 : vector<1x128xf32> to vector<2048x128xf32>
    %add3A_15 = arith.addf %div3A, %add3A_14 : vector<2048x128xf32>
    %max3A = arith.constant 0.000000e+00 : f32
    %max3A_16 = vector.broadcast %max3A : f32 to vector<2048x128xf32>
    %max3A_17 = arith.maximumf %add3A_15, %max3A_16 : vector<2048x128xf32>
    %get3A_18 = arith.constant 0 : index
    %get3A_19 = arith.constant 0 : index
    %get3A_20 = vector.load %arg5[%get3A_18, %get3A_19] : memref<128x128xf32, #tpu.memory_space<vmem>>, vector<128x128xf32>
    %dot_general3A_21 = arith.constant dense<0.000000e+00> : vector<2048x128xf32>
    %dot_general3A_22 = tpu.matmul %max3A_17, %get3A_20, %dot_general3A_21 {dimension_numbers = #tpu.dot_dimension_numbers<[1], [0], [0], [1], [0, 0, 1, 1], [], []>, transpose_lhs_hint = false} : vector<2048x128xf32>, vector<128x128xf32>, vector<2048x128xf32> -> vector<2048x128xf32>
    %swap3A = arith.constant 0 : index
    %swap3A_23 = arith.constant 0 : index
    %swap3A_24 = vector.load %arg7[%swap3A, %swap3A_23] : memref<2048x128xf32, #tpu.memory_space<vmem>>, vector<2048x128xf32>
    tpu.vector_store %arg7[%swap3A, %swap3A_23], %dot_general3A_22 {strides = array<i32>} : memref<2048x128xf32, #tpu.memory_space<vmem>>, vector<2048x128xf32>,
    %get3A_25 = arith.constant 0 : index
    %get3A_26 = arith.constant 0 : index
    %get3A_27 = vector.load %arg6[%get3A_25, %get3A_26] : memref<128x128xf32, #tpu.memory_space<vmem>>, vector<128x128xf32>
    %dot_general3A_28 = arith.constant dense<0.000000e+00> : vector<2048x128xf32>
    %dot_general3A_29 = tpu.matmul %max3A_17, %get3A_27, %dot_general3A_28 {dimension_numbers = #tpu.dot_dimension_numbers<[1], [0], [0], [1], [0, 0, 1, 1], [], []>, transpose_lhs_hint = false} : vector<2048x128xf32>, vector<128x128xf32>, vector<2048x128xf32> -> vector<2048x128xf32>
    %swap3A_30 = arith.constant 0 : index
    %swap3A_31 = arith.constant 0 : index
    %swap3A_32 = vector.load %arg8[%swap3A_30, %swap3A_31] : memref<2048x128xf32, #tpu.memory_space<vmem>>, vector<2048x128xf32>
    tpu.vector_store %arg8[%swap3A_30, %swap3A_31], %dot_general3A_29 {strides = array<i32>} : memref<2048x128xf32, #tpu.memory_space<vmem>>, vector<2048x128xf32>,
    return
  }
  func.func @transform_0(%arg0: i32) -> (i32, i32) {
    %c0_i32 = arith.constant 0 : i32
    %c0_i32_0 = arith.constant 0 : i32
    return %arg0, %c0_i32 : i32, i32
  }
  func.func @transform_1(%arg0: i32) -> (i32, i32) {
    %c0_i32 = arith.constant 0 : i32
    %c0_i32_0 = arith.constant 0 : i32
    return %arg0, %c0_i32 : i32, i32
  }
  func.func @transform_2(%arg0: i32) -> (i32, i32) {
    %c0_i32 = arith.constant 0 : i32
    %c0_i32_0 = arith.constant 0 : i32
    %c0_i32_1 = arith.constant 0 : i32
    return %c0_i32, %c0_i32_0 : i32, i32
  }
  func.func @transform_3(%arg0: i32) -> (i32, i32) {
    %c0_i32 = arith.constant 0 : i32
    %c0_i32_0 = arith.constant 0 : i32
    %c0_i32_1 = arith.constant 0 : i32
    return %c0_i32, %c0_i32_0 : i32, i32
  }
  func.func @transform_4(%arg0: i32) -> (i32, i32) {
    %c0_i32 = arith.constant 0 : i32
    %c0_i32_0 = arith.constant 0 : i32
    %c0_i32_1 = arith.constant 0 : i32
    return %c0_i32, %c0_i32_0 : i32, i32
  }
  func.func @transform_5(%arg0: i32) -> (i32, i32) {
    %c0_i32 = arith.constant 0 : i32
    %c0_i32_0 = arith.constant 0 : i32
    %c0_i32_1 = arith.constant 0 : i32
    return %c0_i32, %c0_i32_0 : i32, i32
  }
  func.func @transform_6(%arg0: i32) -> (i32, i32) {
    %c0_i32 = arith.constant 0 : i32
    %c0_i32_0 = arith.constant 0 : i32
    return %arg0, %c0_i32 : i32, i32
  }
  func.func @transform_7(%arg0: i32) -> (i32, i32) {
    %c0_i32 = arith.constant 0 : i32
    %c0_i32_0 = arith.constant 0 : i32
    return %arg0, %c0_i32 : i32, i32
  }
}

module attributes {stable_mosaic.version = 14 : i64} {
  func.func @_tc_c_body(%arg0: i32, %arg1: memref<2048x128xf32, #tpu.memory_space<vmem>>, %arg2: memref<1x64xf32, #tpu.memory_space<vmem>>, %arg3: memref<64x8xf32, #tpu.memory_space<vmem>>, %arg4: memref<1x8xf32, #tpu.memory_space<vmem>>, %arg5: memref<2048x8xf32, #tpu.memory_space<vmem>>) attributes {dimension_semantics = [#tpu.dimension_semantics<arbitrary>], iteration_bounds = array<i64: 5>, scalar_prefetch = 0 : i64, scratch_operands = 0 : i64, tpu.core_type = #tpu.core_type<tc>, window_params = [{transform_indices = @transform_0, window_bounds = array<i64: 2048, 128>}, {pipeline_mode = #tpu.pipeline_mode<synchronous>, transform_indices = @transform_1, window_bounds = array<i64: 1, 64>}, {pipeline_mode = #tpu.pipeline_mode<synchronous>, transform_indices = @transform_2, window_bounds = array<i64: 64, 8>}, {pipeline_mode = #tpu.pipeline_mode<synchronous>, transform_indices = @transform_3, window_bounds = array<i64: 1, 8>}, {transform_indices = @transform_4, window_bounds = array<i64: 2048, 8>}]} {
    %get3A = arith.constant 0 : index
    %get3A_0 = arith.constant 0 : index
    %get3A_1 = vector.load %arg1[%get3A, %get3A_0] : memref<2048x128xf32, #tpu.memory_space<vmem>>, vector<2048x128xf32>
    %slice3A = vector.extract_strided_slice %get3A_1 {offsets = [0, 64], sizes = [2048, 1], strides = [1, 1]} : vector<2048x128xf32> to vector<2048x1xf32>
    %add3A = arith.constant 1.000000e-16 : f32
    %add3A_2 = vector.broadcast %add3A : f32 to vector<2048x1xf32>
    %add3A_3 = arith.addf %slice3A, %add3A_2 : vector<2048x1xf32>
    %slice3A_4 = vector.extract_strided_slice %get3A_1 {offsets = [0, 0], sizes = [2048, 64], strides = [1, 1]} : vector<2048x128xf32> to vector<2048x64xf32>
    %div3A = vector.broadcast %add3A_3 : vector<2048x1xf32> to vector<2048x64xf32>
    %div3A_5 = arith.divf %slice3A_4, %div3A : vector<2048x64xf32>
    %get3A_6 = arith.constant 0 : index
    %get3A_7 = arith.constant 0 : index
    %get3A_8 = vector.load %arg2[%get3A_6, %get3A_7] : memref<1x64xf32, #tpu.memory_space<vmem>>, vector<1x64xf32>
    %add3A_9 = vector.broadcast %get3A_8 : vector<1x64xf32> to vector<2048x64xf32>
    %add3A_10 = arith.addf %div3A_5, %add3A_9 : vector<2048x64xf32>
    %max3A = arith.constant 0.000000e+00 : f32
    %max3A_11 = vector.broadcast %max3A : f32 to vector<2048x64xf32>
    %max3A_12 = arith.maximumf %add3A_10, %max3A_11 : vector<2048x64xf32>
    %get3A_13 = arith.constant 0 : index
    %get3A_14 = arith.constant 0 : index
    %get3A_15 = vector.load %arg3[%get3A_13, %get3A_14] : memref<64x8xf32, #tpu.memory_space<vmem>>, vector<64x8xf32>
    %dot_general3A = arith.constant dense<0.000000e+00> : vector<2048x8xf32>
    %dot_general3A_16 = tpu.matmul %max3A_12, %get3A_15, %dot_general3A {dimension_numbers = #tpu.dot_dimension_numbers<[1], [0], [0], [1], [0, 0, 1, 1], [], []>, transpose_lhs_hint = false} : vector<2048x64xf32>, vector<64x8xf32>, vector<2048x8xf32> -> vector<2048x8xf32>
    %get3A_17 = arith.constant 0 : index
    %get3A_18 = arith.constant 0 : index
    %get3A_19 = vector.load %arg4[%get3A_17, %get3A_18] : memref<1x8xf32, #tpu.memory_space<vmem>>, vector<1x8xf32>
    %add3A_20 = vector.broadcast %get3A_19 : vector<1x8xf32> to vector<2048x8xf32>
    %add3A_21 = arith.addf %dot_general3A_16, %add3A_20 : vector<2048x8xf32>
    %neg3A = arith.constant 0.000000e+00 : f32
    %neg3A_22 = vector.broadcast %neg3A : f32 to vector<2048x8xf32>
    %neg3A_23 = arith.subf %neg3A_22, %add3A_21 : vector<2048x8xf32>
    %exp3A = math.exp %neg3A_23 : vector<2048x8xf32>
    %add3A_24 = arith.constant 1.000000e+00 : f32
    %add3A_25 = vector.broadcast %add3A_24 : f32 to vector<2048x8xf32>
    %add3A_26 = arith.addf %add3A_25, %exp3A : vector<2048x8xf32>
    %div3A_27 = arith.constant 1.000000e+00 : f32
    %div3A_28 = vector.broadcast %div3A_27 : f32 to vector<2048x8xf32>
    %div3A_29 = arith.divf %div3A_28, %add3A_26 : vector<2048x8xf32>
    %swap3A = arith.constant 0 : index
    %swap3A_30 = arith.constant 0 : index
    %swap3A_31 = vector.load %arg5[%swap3A, %swap3A_30] : memref<2048x8xf32, #tpu.memory_space<vmem>>, vector<2048x8xf32>
    tpu.vector_store %arg5[%swap3A, %swap3A_30], %div3A_29 {strides = array<i32>} : memref<2048x8xf32, #tpu.memory_space<vmem>>, vector<2048x8xf32>,
    return
  }
  func.func @transform_0(%arg0: i32) -> (i32, i32) {
    %c0_i32 = arith.constant 0 : i32
    %c0_i32_0 = arith.constant 0 : i32
    return %arg0, %c0_i32 : i32, i32
  }
  func.func @transform_1(%arg0: i32) -> (i32, i32) {
    %c0_i32 = arith.constant 0 : i32
    %c0_i32_0 = arith.constant 0 : i32
    %c0_i32_1 = arith.constant 0 : i32
    return %c0_i32, %c0_i32_0 : i32, i32
  }
  func.func @transform_2(%arg0: i32) -> (i32, i32) {
    %c0_i32 = arith.constant 0 : i32
    %c0_i32_0 = arith.constant 0 : i32
    %c0_i32_1 = arith.constant 0 : i32
    return %c0_i32, %c0_i32_0 : i32, i32
  }
  func.func @transform_3(%arg0: i32) -> (i32, i32) {
    %c0_i32 = arith.constant 0 : i32
    %c0_i32_0 = arith.constant 0 : i32
    %c0_i32_1 = arith.constant 0 : i32
    return %c0_i32, %c0_i32_0 : i32, i32
  }
  func.func @transform_4(%arg0: i32) -> (i32, i32) {
    %c0_i32 = arith.constant 0 : i32
    %c0_i32_0 = arith.constant 0 : i32
    return %arg0, %c0_i32 : i32, i32
  }
}

</mosaic_0001>

<sc_bundles>
// kernel: kernel.10.cloned.1.call-start
scs
__scs_entry_jumppad:
0x0: {  	(pc) =	sbr.rel $0x88, $3  }
0x1: {  	(tag) =	ssettag $0x0;
	lr =	simm.s32 $0x1  }
0x2: {  	[smem:$0x3F95] =	sst lr;
	_ =	strace $0xD0000000  }
0x3: {  	_ = 	snop  }
0x4: {  	_ = 	snop  }
0x5: {  	_ = 	snop  }
0x6: {  	_ = 	snop  }
0x7: {  	_ = 	snop  }
__scs_overlays_trampoline_lowered:
0x8: {  	[smem:$0x3FA4] =	sst s0  }
0x9: {  	[smem:$0x3FA5] =	sst s1  }
0xa: {  	[smem:$0x3FA6] =	sst s2  }
0xb: {  	[smem:$0x3FA7] =	sst s3  }
0xc: {  	[smem:$0x3FA8] =	sst s4  }
0xd: {  	[smem:$0x3FA9] =	sst s5  }
0xe: {  	[smem:$0x3FAA] =	sst s6  }
0xf: {  	[smem:$0x3FAB] =	sst s7  }
0x10: {  	[smem:$0x3FAC] =	sst s8  }
0x11: {  	[smem:$0x3FAD] =	sst s9;
	s0 =	simm.s32 @!p0 $0x0  }
0x12: {  	s1 =	sld [smem:$0x3F93];
	s0 =	simm.s32 @p0 $0x1  }
0x13: {  	[smem:$0x3FAE] =	sst s0;
	s0 =	simm.s32 @!p1 $0x0  }
0x14: {  	s2 =	sld [smem:$0x3F92];
	s0 =	simm.s32 @p1 $0x1  }
0x15: {  	[smem:$0x3FAF] =	sst s0;
	s0 =	simm.s32 @!p2 $0x0  }
0x16: {  	s3 =	sld [smem:$0x3FDB];
	s0 =	simm.s32 @p2 $0x1  }
0x17: {  	s4 =	simm.s32 $0x1BF5;
	[smem:$0x3FB1] =	sst s0  }
0x18: {  	s0 =	sld [smem:$0x3F94];
	_ =	swait.ge [sflag:s4], $0x0  }
0x19: {  	s7 =	sld [smem:$0x3F95]  }
0x1a: {  	s8 =	sadd.s32 $0xFFFFE003, lr  }
0x1b: {  	s9 =	sadd.s32 $0xFFFFFEF7, lr;
	s5 =	simm.s32 $0xFFFFFFFF;
	p2 =	slt.u32 s8, $0xFFFFF086  }
0x1c: {  	p1 =	slt.u32 s9, $0xF7A;
	s5 =	simm.s32 @!p2 $0x0  }
0x1d: {  	s5 =	simm.s32 @p1 $0x1;
	p0 =	seq.s32 s7, s2  }
0x1e: {  	s7 =	smul.u32 @!p0 $0xF7A, s2;
	p2 =	seq.s32 @!p0 s5, $0x0  }
0x1f: {  	s9 =	smul.u32 $0xF7A, s1;
	s8 =	simm.s32 @!p0 $0x1BF5;
	p2 =	por !p2, p0  }
0x20: {  	[sflag:s8] =	ssyncset.s32 @!p0 $0xFFFFF086;
	s6 =	sadd.s32 @!p0 s3, s7;
	s7 =	simm.s32 @!p0 $0x108  }
0x21: {  	s3 =	sadd.s32 s3, s9;
	s6 =	sadd.s32 @!p0 $0x88, s6;
	s7 =	simm.s32 @p2 $0x1082  }
0x22: {  	[simem:s7], [sflag:s8] =	dma.local @!p0 [hbm:s6], $0xF7A  }
0x23: {  	s9 =	sor.u32 $0xD0000000, s2;
	s6 =	simm.s32 $0x108;
	_ =	swait.ge @!p0 [sflag:s8], $0x0  }
0x24: {  	s3 =	sadd.s32 $0x88, s3;
	s6 =	simm.s32 @!p1 $0x1082;
	[sflag:s4] =	ssyncset.s32 $0xFFFFF086  }
0x25: {  	[simem:s6], [sflag:s4] =	dma.local [hbm:s3], $0xF7A  }
0x26: {  	[smem:$0x3F95] =	sst s1;
	(tag) =	ssettag s2;
	_ =	strace s9  }
0x27: {  	s1 =	sld [smem:$0x3FA5]  }
0x28: {  	s2 =	sld [smem:$0x3FA6]  }
0x29: {  	s4 =	sld [smem:$0x3FA8]  }
0x2a: {  	p0 =	seq.s32 s5, $0x0;
	s5 =	sld [smem:$0x3FA9]  }
0x2b: {  	s6 =	sld [smem:$0x3FAA]  }
0x2c: {  	s7 =	sld [smem:$0x3FAB]  }
0x2d: {  	s3 =	simm.s32 $0x108;
	s8 =	sld [smem:$0x3FAC]  }
0x2e: {  	s3 =	simm.s32 @!p0 $0x1082;
	s9 =	sld [smem:$0x3FAD]  }
0x2f: {  	lr =	sadd.s32 s0, s3;
	s0 =	sld [smem:$0x3FA4]  }
0x30: {  	s3 =	sld [smem:$0x3FA7]  }
0x31: {  	[smem:$0x3FB0] =	sst s10  }
0x32: {  	s10 =	sld [smem:$0x3FAE];
	_ =	sdelay $0x3  }
0x33: {  	p0 =	seq.s32 s10, $0x1;
	s10 =	sld [smem:$0x3FB0];
	_ =	sdelay $0x3  }
0x34: {  	[smem:$0x3FB0] =	sst s10  }
0x35: {  	s10 =	sld [smem:$0x3FAF];
	_ =	sdelay $0x3  }
0x36: {  	p1 =	seq.s32 s10, $0x1;
	s10 =	sld [smem:$0x3FB0];
	_ =	sdelay $0x3  }
0x37: {  	[smem:$0x3FB0] =	sst s10  }
0x38: {  	s10 =	sld [smem:$0x3FB1]  }
0x39: {  	_ = 	snop;
	(pc) =	sbr.ind lr, $3  }
0x3a: {  	_ = 	snop  }
0x3b: {  	_ = 	snop  }
0x3c: {  	p2 =	seq.s32 s10, $0x1;
	s10 =	sld [smem:$0x3FB0]  }
0x3d: {  	_ =	shalt  }
0x3e: {  	_ =	shalt  }
0x3f: {  	_ =	shalt  }
0x40: {  	_ =	shalt  }
0x41: {  	_ =	shalt  }
0x42: {  	_ =	shalt  }
0x43: {  	_ =	shalt  }
0x44: {  	_ =	shalt  }
0x45: {  	_ =	shalt  }
0x46: {  	_ =	shalt  }
0x47: {  	_ =	shalt  }
0x48: {  	_ =	shalt  }
0x49: {  	_ =	shalt  }
0x4a: {  	_ =	shalt  }
0x4b: {  	_ =	shalt  }
0x4c: {  	_ =	shalt  }
0x4d: {  	_ =	shalt  }
0x4e: {  	_ =	shalt  }
0x4f: {  	_ =	shalt  }
0x50: {  	_ =	shalt  }
0x51: {  	_ =	shalt  }
0x52: {  	_ =	shalt  }
0x53: {  	_ =	shalt  }
0x54: {  	_ =	shalt  }
0x55: {  	_ =	shalt  }
0x56: {  	_ =	shalt  }
0x57: {  	_ =	shalt  }
0x58: {  	_ =	shalt  }
0x59: {  	_ =	shalt  }
0x5a: {  	_ =	shalt  }
0x5b: {  	_ =	shalt  }
0x5c: {  	_ =	shalt  }
0x5d: {  	_ =	shalt  }
0x5e: {  	_ =	shalt  }
0x5f: {  	_ =	shalt  }
0x60: {  	_ =	shalt  }
0x61: {  	_ =	shalt  }
0x62: {  	_ =	shalt  }
0x63: {  	_ =	shalt  }
0x64: {  	_ =	shalt  }
0x65: {  	_ =	shalt  }
0x66: {  	_ =	shalt  }
0x67: {  	_ =	shalt  }
0x68: {  	_ =	shalt  }
0x69: {  	_ =	shalt  }
0x6a: {  	_ =	shalt  }
0x6b: {  	_ =	shalt  }
0x6c: {  	_ =	shalt  }
0x6d: {  	_ =	shalt  }
0x6e: {  	_ =	shalt  }
0x6f: {  	_ =	shalt  }
0x70: {  	_ =	shalt  }
0x71: {  	_ =	shalt  }
0x72: {  	_ =	shalt  }
0x73: {  	_ =	shalt  }
0x74: {  	_ =	shalt  }
0x75: {  	_ =	shalt  }
0x76: {  	_ =	shalt  }
0x77: {  	_ =	shalt  }
0x78: {  	_ =	shalt  }
0x79: {  	_ =	shalt  }
0x7a: {  	_ =	shalt  }
0x7b: {  	_ =	shalt  }
0x7c: {  	_ =	shalt  }
0x7d: {  	_ =	shalt  }
0x7e: {  	_ =	shalt  }
0x7f: {  	_ =	shalt  }
0x80: {  	_ =	shalt  }
0x81: {  	_ =	shalt  }
0x82: {  	_ =	shalt  }
0x83: {  	_ =	shalt  }
0x84: {  	_ =	shalt  }
0x85: {  	_ =	shalt  }
0x86: {  	_ =	shalt  }
0x87: {  	_ =	shalt  }
.Lfunc_end0:
.L_simem_size_0:
called_computation.1_lowered:
.L_overlay_start_0:
0x88: {  	s2 =	sld [smem:$0x3FD9]  }
0x89: {  	s3 =	sld [smem:$0x3FFE];
	_ =	sdelay $0x1  }
0x8a: {  	s1 =	srdreg.scid  }
0x8b: {  	s0 =	sand.u32 $0x1, s1  }
0x8c: {  	s16 =	sshll.u32 s0, $0xA;
	s2 =	sadd.s32 s3, s2  }
0x8d: {  	s2 =	sadd.s32 s2, s16  }
0x8e: {  	[smem:$0x3FBC] =	sst s2  }
0x8f: {  	_ = 	snop  }
0x90: {  	(tm) =	ssettm $0x1  }
0x91: {  	s17 =	sld [smem:$0x3FFB];
	_ =	sdelay $0x3  }
0x92: {  	_ =	strace s17  }
0x93: {  	s2 =	sld [smem:$0x3FFC];
	_ =	sdelay $0x3  }
0x94: {  	_ =	strace s2  }
0x95: {  	s2 =	sld [smem:$0x3FFD];
	_ =	sdelay $0x3  }
0x96: {  	_ =	strace s2  }
0x97: {  	_ =	strace $0x8FFFFFFF  }
0x98: {  	s18 =	sld [smem:$0x3FDB];
	_ =	sdelay $0x1  }
0x99: {  	s19 =	simm.s32 $_scs_section_size  }
0x9a: {  	s4 =	simm.s32 $_size__tile_overlayer_lowered;
	s5 =	simm.s32 $_tile_overlayer_lowered  }
0x9b: {  	s22 =	simm.s32 $0x1BFF;
	s21 =	sshll.u32 s5, $0x1;
	s2 =	sadd.s32 s19, s18  }
0x9c: {  	s6 =	simm.s32 $0x0;
	s20 =	sshll.u32 s4, $0x1;
	s4 =	sadd.s32 s21, s2  }
0x9d: {  	[timem:s6], [sflag:s22] =	dma.local [hbm:s4], s20  }
0x9e: {  	_ =	swait.ge [sflag:s22], s20  }
0x9f: {  	s3 =	ssub.s32 $0x0, s20;
	[sflag:s22] =	ssyncset.done $0x0  }
0xa0: {  	[sflag:s22] =	ssyncadd.s32 s3;
	_ =	sdelay $0x1  }
0xa1: {  	s23 =	simm.s32 $0x1B8B  }
0xa2: {  	_ =	swait.ge [sflag:s23], $0x1  }
0xa3: {  	[sflag:s23] =	ssyncset.done $0x0  }
0xa4: {  	s25 =	simm.s32 $0x1B8E;
	s24 =	sld [smem:$0x3FFE];
	[sflag:s23] =	ssyncadd.s32 $0xFFFFFFFF  }
0xa5: {  	s26 =	simm.s32 $execute0_lowered;
	[smem:$0x3FD2] =	sst s25  }
0xa6: {  	s4 =	sshll.u32 s26, $0x1;
	_ =	strace $0x80000049;
	[dreg:$0x1] =	wrdreg $0xFFFFFFFF  }
0xa7: {  	s28 =	simm.s32 $_size_execute0_lowered;
	s2 =	sadd.s32 s2, s4;
	[dreg:$0x0] =	wrdreg $0x0  }
0xa8: {  	s4 =	sshll.u32 s28, $0x1;
	[dreg:$0x2] =	wrdreg s2  }
0xa9: {  	[dreg:$0x3] =	wrdreg s4  }
0xaa: {  	[dreg:$0x4] =	wrdreg $0xC0  }
0xab: {  	_ =	task [dreg:s6], $0x5FFFF  }
0xac: {  	[dreg:$0x1] =	wrdreg $0xFFFFFFFF  }
0xad: {  	[dreg:$0x0] =	wrdreg $0x60  }
0xae: {  	[dreg:$0x2] =	wrdreg s24  }
0xaf: {  	[dreg:$0x3] =	wrdreg $0x61800  }
0xb0: {  	[dreg:$0x4] =	wrdreg $0x9  }
0xb1: {  	_ =	task.clear_ibuf [dreg:s6], $0x5FFFF;
	_ =	strace $0x90000049  }
0xb2: {  	s29 =	simm.s32 $0x9;
	_ =	strace $0x8000004B  }
0xb3: {  	_ =	swait.ge [sflag:s29], $0x1  }
0xb4: {  	[sflag:s29] =	ssyncadd.s32 $0xFFFFFFFF  }
0xb5: {  	_ =	strace $0x9000004B  }
0xb6: {  	_ =	sfence  }
0xb7: {  	s30 =	sld [smem:$0x0];
	_ =	sdelay $0x2  }
0xb8: {  	s31 =	sshll.u32 s1, $0xD;
	s1 =	sshrl.u32 s1, $0x2  }
0xb9: {  	s3 =	sand.u32 $0x4000, s31;
	s1 =	sadd.s32 s1, s30  }
0xba: {  	s0 =	sor.u32 s3, s0;
	s1 =	sshll.u32 s1, $0x11  }
0xbb: {  	s0 =	sor.u32 s1, s0  }
0xbc: {  	s0 =	sadd.s32 $0x8F2B, s0  }
0xbd: {  	[sflag:s0] =	ssyncadd.remote.s32 $0x1  }
0xbe: {  	_ =	sfence.sel $0xFFFF  }
0xbf: {  	[dreg:$0x0] =	wrdreg $0xFFFFFFFF;
	(pc) =	sbr.abs _section_cstart, $3  }
0xc0: {  	[dreg:$0x1] =	wrdreg $0xFFFFFFFF  }
0xc1: {  	_ =	task.clear_ibuf [dreg:s6], $0x2FFFF;
	_ =	strace $0x9FFFFFFF  }
0xc2: {  	(tm) =	ssettm $0x7FFFFFFF  }
0xc3: {  	_ =	shalt  }
tec
execute0_lowered:
.L_overlay_start_1:
0x0: {  	(tag) =	ssettag $0x1  }
0x1: {  	s0 =	rddreg [dreg:$0x0]  }
0x2: {  	s1 =	rddreg [dreg:$0x1]  }
0x3: {  	s2 =	simm.s32 $0x0;
	s3 =	srdreg.scid;
	s12 =	stileid.u32  }
0x4: {  	s20 =	simm.s32 $0x4180;
	s21 =	simm.s32 $0x3;
	s22 =	simm.s32 $0x80  }
0x5: {  	s23 =	simm.s32 $0x40;
	s28 =	simm.s32 $0x2;
	s29 =	simm.s32 $0x100  }
0x6: {  	s30 =	simm.s32 $0x0;
	s31 =	simm.s32 $0x0;
	[smem:$0x7FF] =	sst s2  }
0x7: {  	s7 =	sand.u32 $0x1, s3;
	s8 =	smul.u32 $0x140, s12;
	s3 =	sadd.s32 $0x1C00, s0  }
0x8: {  	s4 =	sadd.s32 $0xBA00, s0;
	s9 =	smul.u32 $0x28000, s12;
	s5 =	sadd.s32 $0x15800, s0  }
0x9: {  	s6 =	sadd.s32 $0x3D800, s0;
	s13 =	sadd.s32 $0xA0000, s1;
	p0 =	sne.s32 s12, $0x0  }
0xa: {  	_ =	strace $0x8000004A;
	s14 =	smul.u32 $0x1400, s7;
	s10 =	ssub.s32 $0x2, s7  }
0xb: {  	[dreg:$0x3] =	wrdreg s13;
	s13 =	smul.u32 $0x13C, s12;
	s24 =	sshrl.u32 s9, $0x2  }
0xc: {  	s25 =	sshrl.u32 s10, $0x1;
	s8 =	sadd.s32 s8, s14;
	s7 =	sadd.s32 s24, s1  }
0xd: {  	s15 =	ssub.s32 s10, s25;
	s24 =	simm.s32 $0x180;
	s25 =	simm.s32 $0x2180  }
0xe: {  	s8 =	sshll.u32 s8, $0x4;
	s9 =	sadd.s32 $0x4000, s7;
	s10 =	sadd.s32 $0x6000, s7  }
0xf: {  	s11 =	sadd.s32 $0x8000, s7;
	s19 =	smax.u32 s15, $0x1;
	s0 =	sadd.s32 s8, s0  }
0x10: {  	s8 =	sadd.s32 $0x2000, s7;
	s16 =	sadd.s32 $0x65800, s0;
	s26 =	sadd.s32 $0x65C00, s0  }
0x11: {  	s17 =	sadd.s32 $0x66400, s0;
	s18 =	sadd.s32 $0x66800, s0;
	[dreg:$0x4] =	wrdreg s16  }
0x12: {  	v1 =	vimm.f32 $0.0e+00;
	v0 =	vmov s14;
	[dreg:$0x5] =	wrdreg s26;
	s16 =	sadd.s32 $0x66000, s0;
	s26 =	simm.s32 $0x1  }
.LBB2_1:
0x13: {  	s0 =	simm.s32 $0x0;
	s12 =	simm.s32 $0x200  }
.LBB2_2:
0x14: {  	p1 =	sne.s32 s12, $0x7E00;
	[tilespmem:s0+$0x41F0] =	vst v1  }
0x15: {  	[tilespmem:s0+$0x4180] =	vst v1  }
0x16: {  	[tilespmem:s0+$0x4190] =	vst v1  }
.Ltmp0:
0x17: {  	[tilespmem:s0+$0x41A0] =	vst v1;
	(pc) =	sbr.rel @p1 .LBB2_2-.Ltmp0, $4  }
0x18: {  	[tilespmem:s0+$0x41B0] =	vst v1  }
0x19: {  	[tilespmem:s0+$0x41C0] =	vst v1  }
0x1a: {  	[tilespmem:s0+$0x41D0] =	vst v1  }
0x1b: {  	[tilespmem:s0+$0x41E0] =	vst v1;
	s0 =	sshra.s32 s12, $0x2;
	s12 =	sadd.s32 $0x200, s12  }
0x1c: {  	[tilespmem:s0+$0x41F0] =	vst v1  }
0x1d: {  	[tilespmem:s0+$0x4180] =	vst v1  }
0x1e: {  	[tilespmem:s0+$0x4190] =	vst v1  }
0x1f: {  	[tilespmem:s0+$0x41A0] =	vst v1  }
0x20: {  	[tilespmem:s0+$0x41B0] =	vst v1  }
0x21: {  	[tilespmem:s0+$0x41C0] =	vst v1  }
0x22: {  	[tilespmem:s0+$0x41D0] =	vst v1  }
0x23: {  	[tilespmem:s0+$0x41E0] =	vst v1  }
0x24: {  	[spmem:s7] =	stream.linear.scatter [tilespmem:s20], [sflag:$0x3], $0x2000, $0x38;
	[tilespmem:$0x101C0] =	vst v63  }
0x25: {  	_ =	swait.ge [sflag:s21], $0x2000  }
0x26: {  	[sflag:s21] =	ssyncset.done $0x0  }
0x27: {  	[sflag:s21] =	ssyncadd.s32 $0xFFFFE000  }
0x28: {  	[spmem:s8] =	stream.linear.scatter [tilespmem:s20], [sflag:$0x3], $0x2000, $0x38;
	[tilespmem:$0x101C0] =	vst v63  }
0x29: {  	_ =	swait.ge [sflag:s21], $0x2000  }
0x2a: {  	[sflag:s21] =	ssyncset.done $0x0  }
0x2b: {  	[sflag:s21] =	ssyncadd.s32 $0xFFFFE000  }
0x2c: {  	[spmem:s9] =	stream.linear.scatter [tilespmem:s20], [sflag:$0x3], $0x2000, $0x38;
	[tilespmem:$0x101C0] =	vst v63  }
0x2d: {  	_ =	swait.ge [sflag:s21], $0x2000  }
0x2e: {  	[sflag:s21] =	ssyncset.done $0x0  }
0x2f: {  	[sflag:s21] =	ssyncadd.s32 $0xFFFFE000  }
0x30: {  	[spmem:s10] =	stream.linear.scatter [tilespmem:s20], [sflag:$0x3], $0x2000, $0x38;
	[tilespmem:$0x101C0] =	vst v63  }
0x31: {  	_ =	swait.ge [sflag:s21], $0x2000  }
0x32: {  	[sflag:s21] =	ssyncset.done $0x0  }
0x33: {  	[sflag:s21] =	ssyncadd.s32 $0xFFFFE000  }
0x34: {  	[spmem:s11] =	stream.linear.scatter [tilespmem:s20], [sflag:$0x3], $0x2000, $0x38;
	[tilespmem:$0x101C0] =	vst v63  }
0x35: {  	_ =	swait.ge [sflag:s21], $0x2000  }
0x36: {  	[sflag:s21] =	ssyncset.done $0x0  }
0x37: {  	s0 =	simm.s32 @!p0 $0x4180;
	s12 =	rddreg [dreg:$0x3];
	[sflag:s21] =	ssyncadd.s32 $0xFFFFE000  }
0x38: {  	[spmem:s12] =	stream.linear.scatter @!p0 [tilespmem:s0], [sflag:$0x3], $0x400, $0x38;
	[tilespmem:$0x101C0] =	vst v63  }
0x39: {  	s0 =	simm.s32 @!p0 $0x3  }
0x3a: {  	_ =	swait.ge @!p0 [sflag:s0], $0x400  }
0x3b: {  	[sflag:s0] =	ssyncset.done @!p0 $0x0  }
0x3c: {  	[sflag:s0] =	ssyncadd.s32 @!p0 $0xFFFFFC00  }
0x3d: {  	s0 =	simm.s32 $0x0;
	[bflag:$0x0] =	sbarrier.arrive $0xFFFF  }
.LBB2_4:
0x3e: {  	s12 =	sadd.s32 s13, s0  }
0x3f: {  	s12 =	sshll.u32 s12, $0x3  }
0x40: {  	s14 =	sadd.s32 s3, s12  }
0x41: {  	[tilespmem:s31], [sflag:$0x3] =	stream.linear.gather [hbm4b:s14+s31], $0x40, $0x38;
	[tilespmem:$0x101C0] =	vst v63  }
0x42: {  	_ =	swait.ge [sflag:s21], $0x40  }
0x43: {  	[sflag:s21] =	ssyncset.done $0x0  }
0x44: {  	s12 =	sadd.s32 s4, s12;
	[sflag:s21] =	ssyncadd.s32 $0xFFFFFFC0  }
0x45: {  	[tilespmem:s22], [sflag:$0x3] =	stream.linear.gather [hbm4b:s12+s31], $0x40, $0x38;
	[tilespmem:$0x101C0] =	vst v63  }
0x46: {  	_ =	swait.ge [sflag:s21], $0x40  }
0x47: {  	[sflag:s21] =	ssyncset.done $0x0  }
0x48: {  	[sflag:s21] =	ssyncadd.s32 $0xFFFFFFC0  }
0x49: {  	[tilespmem:s24], [sflag:$0x1] =	stream.indirect.gather [hbm4b:s5+s23], $0x80, s31, s23, $0xb8;
	[tilespmem:$0x101C0] =	vst v63  }
0x4a: {  	_ = 	snop  }
0x4b: {  	[tilespmem:s25], [sflag:$0x2] =	stream.indirect.gather [hbm4b:s6+s23], $0x80, s22, s23, $0xb8;
	[tilespmem:$0x101C0] =	vst v63  }
0x4c: {  	v2 =	vld [tilespmem:$0x80]  }
0x4d: {  	v3 =	vld [tilespmem:$0x90]  }
0x4e: {  	v4 =	vld [tilespmem:$0xA0]  }
0x4f: {  	v5 =	vld [tilespmem:$0xB0];
	_ =	sdelay $0x1  }
0x50: {  	v2 =	vsub.s32 v2, v0  }
0x51: {  	v3 =	vsub.s32 v3, v0;
	v2 =	vmin.u32 v2, $0x1400  }
0x52: {  	[tilespmem:$0x100] =	vst v2;
	v2 =	vmin.u32 v3, $0x1400;
	v3 =	vsub.s32 v4, v0  }
0x53: {  	[tilespmem:$0x110] =	vst v2;
	v2 =	vmin.u32 v3, $0x1400;
	v3 =	vsub.s32 v5, v0  }
0x54: {  	[tilespmem:$0x120] =	vst v2;
	v2 =	vmin.u32 v3, $0x1400  }
0x55: {  	[tilespmem:$0x130] =	vst v2  }
0x56: {  	_ =	swait.ge [sflag:s26], $0x2000  }
0x57: {  	[sflag:s26] =	ssyncset.done $0x0  }
0x58: {  	[sflag:s26] =	ssyncadd.s32 $0xFFFFE000  }
0x59: {  	_ =	swait.ge [sflag:s28], $0x2000  }
0x5a: {  	[sflag:s28] =	ssyncset.done $0x0  }
0x5b: {  	s12 =	simm.s32 $0x0;
	[sflag:s28] =	ssyncadd.s32 $0xFFFFE000  }
0x5c: {  	v2 =	vld [tilespmem:s12+$0x340]  }
0x5d: {  	v3 =	vld [tilespmem:s12+$0x2300]  }
0x5e: {  	v4 =	vld [tilespmem:s12+$0x1C0]  }
0x5f: {  	v5 =	vld [tilespmem:s12+$0x2180];
	_ =	sdelay $0x2  }
0x60: {  	v2 =	vadd.f32 v3, v2;
	_ =	sdelay $0x1  }
0x61: {  	v4 =	vadd.f32 v5, v4;
	v8 =	vmul.f32 $2.000000030e-01, v2  }
0x62: {  	v10 =	vld [tilespmem:s12+$0x240]  }
0x63: {  	v11 =	vld [tilespmem:s12+$0x2200];
	v5 =	vmul.f32 $2.000000030e-01, v4;
	v2 =	vmax.f32 v2, v8  }
0x64: {  	v17 =	vld [tilespmem:s12+$0x2C0];
	v2 =	vmul.f32 $1.442695020e+00, v2  }
0x65: {  	v3 =	vld [tilespmem:s12+$0x2280];
	v4 =	vmax.f32 v4, v5  }
0x66: {  	v6 =	vld [tilespmem:s12+$0x180];
	(erf) = vpow2.f32 v2;
	v2 =	vmul.f32 $1.442695020e+00, v4  }
0x67: {  	v7 =	vld [tilespmem:s12+$0x190]  }
0x68: {  	v12 =	vld [tilespmem:s12+$0x1A0];
	(erf) = vpow2.f32 v2;
	v2 =	vadd.f32 v11, v10  }
0x69: {  	v9 =	vld [tilespmem:s12+$0x200]  }
0x6a: {  	v13 =	vld [tilespmem:s12+$0x210];
	v3 =	vadd.f32 v3, v17;
	v4 =	vmul.f32 $2.000000030e-01, v2  }
0x6b: {  	v15 =	vld [tilespmem:s12+$0x220]  }
0x6c: {  	v16 =	vld [tilespmem:s12+$0x230];
	v17 =	vmul.f32 $2.000000030e-01, v3;
	v2 =	vmax.f32 v2, v4  }
0x6d: {  	v14 =	vld [tilespmem:s12+$0x280];
	v2 =	vmul.f32 $1.442695020e+00, v2  }
0x6e: {  	v19 =	vld [tilespmem:s12+$0x330];
	v3 =	vmax.f32 v3, v17  }
0x6f: {  	v18 =	vld [tilespmem:s12+$0x300];
	v3 =	vmul.f32 $1.442695020e+00, v3;
	(erf) = vpow2.f32 v2  }
0x70: {  	v8 =	vld [tilespmem:s12+$0x1B0]  }
0x71: {  	v5 =	vld [tilespmem:s12+$0x2B0];
	v17 =	vpop (erf);
	(erf) = vpow2.f32 v3  }
0x72: {  	v10 =	vld [tilespmem:s12+$0x290]  }
0x73: {  	v11 =	vld [tilespmem:s12+$0x2A0]  }
0x74: {  	v4 =	vld [tilespmem:s12+$0x310]  }
0x75: {  	s14 =	simm.s32 $0x200;
	v2 =	vld [tilespmem:s12+$0x320];
	[tilespmem:s12+$0x4340] =	vst v17;
	v3 =	vbroadcast v17, $0x0  }
0x76: {  	s15 =	simm.s32 $0x1000;
	v17 =	vld [tilespmem:s14+$0x340];
	v20 =	vpop (erf)  }
.LBB2_5:
0x77: {  	p1 =	sne.s32 s15, $0x7800;
	v21 =	vld [tilespmem:s14+$0x2300];
	[tilespmem:s12+$0x41C0] =	vst v20;
	v20 =	vbroadcast v20, $0x0;
	v19 =	vmul.f32 v19, v3  }
0x78: {  	v22 =	vld [tilespmem:s14+$0x1C0];
	v26 =	vmul.f32 v3, v18;
	v23 =	vpop (erf)  }
0x79: {  	v24 =	vld [tilespmem:s14+$0x2180];
	v6 =	vmul.f32 v20, v6;
	v25 =	vbroadcast v23, $0x0;
	[tilespmem:s12+$0x4330] =	vst v19  }
0x7a: {  	v7 =	vmul.f32 v20, v7;
	v12 =	vmul.f32 v20, v12;
	v19 =	vld [tilespmem:s14+$0x240];
	[tilespmem:s12+$0x4300] =	vst v26;
	v18 =	vpop (erf)  }
0x7b: {  	v8 =	vmul.f32 v8, v20;
	v26 =	vld [tilespmem:s14+$0x2200];
	[tilespmem:s12+$0x4180] =	vst v6;
	v20 =	vbroadcast v18, $0x0  }
0x7c: {  	v9 =	vmul.f32 v25, v9;
	v13 =	vmul.f32 v25, v13;
	v27 =	vld [tilespmem:s14+$0x2C0];
	v17 =	vadd.f32 v21, v17;
	[tilespmem:s12+$0x4190] =	vst v7  }
0x7d: {  	v15 =	vmul.f32 v25, v15;
	v16 =	vmul.f32 v16, v25;
	v21 =	vld [tilespmem:s14+$0x2280];
	[tilespmem:s12+$0x41A0] =	vst v12  }
0x7e: {  	v14 =	vmul.f32 v20, v14;
	v22 =	vadd.f32 v24, v22;
	v6 =	vld [tilespmem:s14+$0x180];
	v24 =	vmul.f32 $2.000000030e-01, v17;
	[tilespmem:s12+$0x41B0] =	vst v8  }
0x7f: {  	v10 =	vmul.f32 v20, v10;
	v11 =	vmul.f32 v20, v11;
	v7 =	vld [tilespmem:s14+$0x190];
	[tilespmem:s12+$0x4200] =	vst v9  }
0x80: {  	v9 =	vmul.f32 $2.000000030e-01, v22;
	v12 =	vld [tilespmem:s14+$0x1A0];
	v19 =	vadd.f32 v26, v19;
	v17 =	vmax.f32 v17, v24;
	[tilespmem:s12+$0x4210] =	vst v13  }
0x81: {  	v5 =	vmul.f32 v5, v20;
	v8 =	vld [tilespmem:s14+$0x1B0];
	v17 =	vmul.f32 $1.442695020e+00, v17;
	[tilespmem:s12+$0x4220] =	vst v15  }
0x82: {  	v13 =	vmax.f32 v22, v9;
	v15 =	vmul.f32 $2.000000030e-01, v19;
	v9 =	vld [tilespmem:s14+$0x200];
	v20 =	vadd.f32 v21, v27;
	[tilespmem:s12+$0x4230] =	vst v16  }
0x83: {  	v21 =	vmul.f32 $1.442695020e+00, v13;
	v13 =	vld [tilespmem:s14+$0x210];
	(erf) = vpow2.f32 v17;
	[tilespmem:s12+$0x4280] =	vst v14  }
0x84: {  	v4 =	vmul.f32 v3, v4;
	v14 =	vmax.f32 v19, v15;
	v15 =	vld [tilespmem:s14+$0x220];
	v17 =	vmul.f32 $2.000000030e-01, v20;
	[tilespmem:s12+$0x4290] =	vst v10  }
0x85: {  	v19 =	vmul.f32 $1.442695020e+00, v14;
	v16 =	vld [tilespmem:s14+$0x230];
	(erf) = vpow2.f32 v21;
	[tilespmem:s12+$0x42A0] =	vst v11  }
0x86: {  	v2 =	vmul.f32 v3, v2;
	v10 =	vmax.f32 v20, v17;
	v14 =	vld [tilespmem:s14+$0x280];
	[tilespmem:s12+$0x42B0] =	vst v5  }
0x87: {  	v3 =	vmul.f32 $1.442695020e+00, v10;
	v10 =	vld [tilespmem:s14+$0x290];
	(erf) = vpow2.f32 v19;
	[tilespmem:s12+$0x4310] =	vst v4  }
0x88: {  	v11 =	vld [tilespmem:s14+$0x2A0];
	[tilespmem:s12+$0x4320] =	vst v2  }
0x89: {  	v5 =	vld [tilespmem:s14+$0x2B0];
	(erf) = vpow2.f32 v3;
	[tilespmem:s12+$0x4240] =	vst v23  }
.Ltmp1:
0x8a: {  	v19 =	vld [tilespmem:s14+$0x330];
	[tilespmem:s12+$0x42C0] =	vst v18;
	s12 =	smov.u32 s14;
	(pc) =	sbr.rel @p1 .LBB2_5-.Ltmp1, $4  }
0x8b: {  	v18 =	vld [tilespmem:s12+$0x300]  }
0x8c: {  	v4 =	vld [tilespmem:s12+$0x310];
	v2 =	vpop (erf)  }
0x8d: {  	s14 =	sshra.s32 s15, $0x2;
	[tilespmem:s12+$0x4340] =	vst v2;
	v3 =	vbroadcast v2, $0x0;
	v2 =	vld [tilespmem:s12+$0x320]  }
0x8e: {  	s15 =	sadd.s32 $0x800, s15;
	v17 =	vld [tilespmem:s14+$0x340];
	v20 =	vpop (erf)  }
0x8f: {  	v21 =	vld [tilespmem:s14+$0x2300];
	[tilespmem:s12+$0x41C0] =	vst v20;
	v19 =	vmul.f32 v19, v3;
	v33 =	vbroadcast v20, $0x0  }
0x90: {  	v22 =	vld [tilespmem:s14+$0x1C0];
	v18 =	vmul.f32 v3, v18  }
0x91: {  	v23 =	vld [tilespmem:s14+$0x2180];
	[tilespmem:s12+$0x4330] =	vst v19;
	v6 =	vmul.f32 v33, v6  }
0x92: {  	v34 =	vpop (erf);
	v7 =	vmul.f32 v33, v7;
	v19 =	vld [tilespmem:s14+$0x240];
	[tilespmem:s12+$0x4300] =	vst v18  }
0x93: {  	v12 =	vmul.f32 v33, v12;
	v25 =	vbroadcast v34, $0x0;
	v18 =	vld [tilespmem:s14+$0x2200];
	[tilespmem:s12+$0x4180] =	vst v6  }
0x94: {  	v8 =	vmul.f32 v8, v33;
	v6 =	vld [tilespmem:s14+$0x2C0];
	[tilespmem:s12+$0x4190] =	vst v7;
	v17 =	vadd.f32 v21, v17  }
0x95: {  	v9 =	vmul.f32 v25, v9;
	v24 =	vld [tilespmem:s14+$0x2280];
	[tilespmem:s12+$0x41A0] =	vst v12  }
0x96: {  	v35 =	vpop (erf);
	v13 =	vmul.f32 v25, v13;
	v37 =	vadd.f32 v23, v22;
	v12 =	vld [tilespmem:s14+$0x180];
	[tilespmem:s12+$0x41B0] =	vst v8;
	v38 =	vmul.f32 $2.000000030e-01, v17  }
0x97: {  	v15 =	vmul.f32 v25, v15;
	v26 =	vbroadcast v35, $0x0;
	v8 =	vld [tilespmem:s14+$0x190];
	[tilespmem:s12+$0x4200] =	vst v9  }
0x98: {  	v16 =	vmul.f32 v16, v25;
	v23 =	vmul.f32 $2.000000030e-01, v37;
	v9 =	vld [tilespmem:s14+$0x1A0];
	[tilespmem:s12+$0x4210] =	vst v13;
	v17 =	vmax.f32 v17, v38  }
0x99: {  	v14 =	vmul.f32 v26, v14;
	v36 =	vld [tilespmem:s14+$0x1B0];
	[tilespmem:s12+$0x4220] =	vst v15;
	v39 =	vmul.f32 $1.442695020e+00, v17  }
0x9a: {  	v10 =	vmul.f32 v26, v10;
	v11 =	vmul.f32 v26, v11;
	v41 =	vmax.f32 v37, v23;
	v15 =	vld [tilespmem:s14+$0x200];
	[tilespmem:s12+$0x4230] =	vst v16  }
0x9b: {  	v18 =	vadd.f32 v18, v19;
	v42 =	vmul.f32 $1.442695020e+00, v41;
	v16 =	vld [tilespmem:s14+$0x210];
	[tilespmem:s12+$0x4280] =	vst v14;
	(erf) = vpow2.f32 v39  }
0x9c: {  	v4 =	vmul.f32 v3, v4;
	v5 =	vmul.f32 v5, v26;
	v14 =	vld [tilespmem:s14+$0x220];
	[tilespmem:s12+$0x4290] =	vst v10  }
0x9d: {  	v44 =	vmul.f32 $2.000000030e-01, v18;
	(erf) = vpow2.f32 v42;
	v10 =	vld [tilespmem:s14+$0x230];
	[tilespmem:s12+$0x42A0] =	vst v11  }
0x9e: {  	v2 =	vmul.f32 v3, v2;
	v40 =	vld [tilespmem:s14+$0x280];
	[tilespmem:s12+$0x42B0] =	vst v5  }
0x9f: {  	v45 =	vadd.f32 v24, v6;
	v46 =	vmax.f32 v18, v44;
	v43 =	vld [tilespmem:s14+$0x290];
	[tilespmem:s12+$0x4310] =	vst v4  }
0xa0: {  	v3 =	vld [tilespmem:s14+$0x2A0];
	[tilespmem:s12+$0x4320] =	vst v2;
	v2 =	vmul.f32 $1.442695020e+00, v46  }
0xa1: {  	v6 =	vmul.f32 $2.000000030e-01, v45;
	v47 =	vld [tilespmem:s14+$0x2B0];
	[tilespmem:s12+$0x4240] =	vst v34  }
0xa2: {  	(erf) = vpow2.f32 v2;
	v2 =	vld [tilespmem:s14+$0x330];
	[tilespmem:s12+$0x42C0] =	vst v35  }
0xa3: {  	v4 =	vmax.f32 v45, v6;
	v48 =	vld [tilespmem:s14+$0x300]  }
0xa4: {  	v4 =	vmul.f32 $1.442695020e+00, v4;
	v49 =	vpop (erf)  }
0xa5: {  	v51 =	vbroadcast v49, $0x0  }
0xa6: {  	(erf) = vpow2.f32 v4;
	v52 =	vpop (erf)  }
0xa7: {  	[tilespmem:s14+$0x4340] =	vst v49;
	v54 =	vbroadcast v52, $0x0;
	v2 =	vmul.f32 v2, v51  }
0xa8: {  	v50 =	vld [tilespmem:s14+$0x310];
	[tilespmem:s14+$0x41C0] =	vst v52;
	v6 =	vmul.f32 v51, v48  }
0xa9: {  	v55 =	vmul.f32 v54, v12;
	[tilespmem:s14+$0x4330] =	vst v2  }
0xaa: {  	v8 =	vmul.f32 v54, v8;
	[tilespmem:s14+$0x4300] =	vst v6  }
0xab: {  	v9 =	vmul.f32 v54, v9;
	[tilespmem:s14+$0x4180] =	vst v55  }
0xac: {  	v57 =	vmul.f32 v36, v54;
	[tilespmem:s14+$0x4190] =	vst v8  }
0xad: {  	v4 =	vmul.f32 v51, v50;
	[tilespmem:s14+$0x41A0] =	vst v9;
	v2 =	vpop (erf)  }
0xae: {  	[tilespmem:s14+$0x41B0] =	vst v57;
	v56 =	vbroadcast v2, $0x0  }
0xaf: {  	[tilespmem:s14+$0x4310] =	vst v4  }
0xb0: {  	[tilespmem:s14+$0x4240] =	vst v2;
	v59 =	vpop (erf);
	v58 =	vmul.f32 v56, v15  }
0xb1: {  	v60 =	vmul.f32 v56, v16;
	[tilespmem:s14+$0x42C0] =	vst v59  }
0xb2: {  	v61 =	vbroadcast v59, $0x0;
	v14 =	vmul.f32 v56, v14;
	[tilespmem:s14+$0x4200] =	vst v58  }
0xb3: {  	v53 =	vld [tilespmem:s14+$0x320];
	v6 =	vmul.f32 v10, v56;
	[tilespmem:s14+$0x4210] =	vst v60  }
0xb4: {  	v62 =	vmul.f32 v61, v40;
	[tilespmem:s14+$0x4220] =	vst v14  }
0xb5: {  	v63 =	vmul.f32 v61, v43;
	[tilespmem:s14+$0x4230] =	vst v6  }
0xb6: {  	v3 =	vmul.f32 v61, v3;
	[tilespmem:s14+$0x4280] =	vst v62  }
0xb7: {  	v5 =	vmul.f32 v47, v61;
	[tilespmem:s14+$0x4290] =	vst v63  }
0xb8: {  	s0 =	sadd.s32 $0x1, s0;
	[tilespmem:s14+$0x42A0] =	vst v3;
	v3 =	vmul.f32 v51, v53  }
0xb9: {  	p1 =	sne.s32 s0, $0x13C;
	[tilespmem:s14+$0x42B0] =	vst v5  }
.Ltmp2:
0xba: {  	[tilespmem:s14+$0x4320] =	vst v3;
	(pc) =	sbr.rel @p1 .LBB2_4-.Ltmp2, $4  }
0xbb: {  	[spmem:s1] =	stream.indirect.scatter.add.f32 [tilespmem:s20], [sflag:$0x3], $0x80, s29, s23, $0xb8;
	[tilespmem:$0x101C0] =	vst v63  }
0xbc: {  	_ =	swait.ge [sflag:s21], $0x2000  }
0xbd: {  	[sflag:s21] =	ssyncset.done $0x0  }
0xbe: {  	[sflag:s21] =	ssyncadd.s32 $0xFFFFE000  }
0xbf: {  	[bflag:$0x0] =	sbarrier.arrive $0xFFFF  }
0xc0: {  	[tilespmem:s20], [sflag:$0x3] =	stream.linear.gather [spmem:s7], $0x2000, $0x38;
	[tilespmem:$0x101C0] =	vst v63  }
0xc1: {  	_ =	swait.ge [sflag:s21], $0x2000  }
0xc2: {  	[sflag:s21] =	ssyncset.done $0x0  }
0xc3: {  	s0 =	rddreg [dreg:$0x4];
	[sflag:s21] =	ssyncadd.s32 $0xFFFFE000  }
0xc4: {  	[hbm4b:s0+s2] =	stream.linear.scatter [tilespmem:s20], [sflag:$0x3], $0x2000, $0x38;
	[tilespmem:$0x101C0] =	vst v63  }
0xc5: {  	_ =	swait.ge [sflag:s21], $0x2000  }
0xc6: {  	[sflag:s21] =	ssyncset.done $0x0  }
0xc7: {  	[sflag:s21] =	ssyncadd.s32 $0xFFFFE000  }
0xc8: {  	[tilespmem:s20], [sflag:$0x3] =	stream.linear.gather [spmem:s8], $0x2000, $0x38;
	[tilespmem:$0x101C0] =	vst v63  }
0xc9: {  	_ =	swait.ge [sflag:s21], $0x2000  }
0xca: {  	[sflag:s21] =	ssyncset.done $0x0  }
0xcb: {  	s15 =	rddreg [dreg:$0x5];
	[sflag:s21] =	ssyncadd.s32 $0xFFFFE000  }
0xcc: {  	[hbm4b:s15+s2] =	stream.linear.scatter [tilespmem:s20], [sflag:$0x3], $0x2000, $0x38;
	[tilespmem:$0x101C0] =	vst v63  }
0xcd: {  	_ =	swait.ge [sflag:s21], $0x2000  }
0xce: {  	[sflag:s21] =	ssyncset.done $0x0  }
0xcf: {  	[sflag:s21] =	ssyncadd.s32 $0xFFFFE000  }
0xd0: {  	[tilespmem:s20], [sflag:$0x3] =	stream.linear.gather [spmem:s9], $0x2000, $0x38;
	[tilespmem:$0x101C0] =	vst v63  }
0xd1: {  	_ =	swait.ge [sflag:s21], $0x2000  }
0xd2: {  	[sflag:s21] =	ssyncset.done $0x0  }
0xd3: {  	[sflag:s21] =	ssyncadd.s32 $0xFFFFE000  }
0xd4: {  	[hbm4b:s16+s2] =	stream.linear.scatter [tilespmem:s20], [sflag:$0x3], $0x2000, $0x38;
	[tilespmem:$0x101C0] =	vst v63  }
0xd5: {  	_ =	swait.ge [sflag:s21], $0x2000  }
0xd6: {  	[sflag:s21] =	ssyncset.done $0x0  }
0xd7: {  	[sflag:s21] =	ssyncadd.s32 $0xFFFFE000  }
0xd8: {  	[tilespmem:s20], [sflag:$0x3] =	stream.linear.gather [spmem:s10], $0x2000, $0x38;
	[tilespmem:$0x101C0] =	vst v63  }
0xd9: {  	_ =	swait.ge [sflag:s21], $0x2000  }
0xda: {  	[sflag:s21] =	ssyncset.done $0x0  }
0xdb: {  	[sflag:s21] =	ssyncadd.s32 $0xFFFFE000  }
0xdc: {  	[hbm4b:s17+s2] =	stream.linear.scatter [tilespmem:s20], [sflag:$0x3], $0x2000, $0x38;
	[tilespmem:$0x101C0] =	vst v63  }
0xdd: {  	_ =	swait.ge [sflag:s21], $0x2000  }
0xde: {  	[sflag:s21] =	ssyncset.done $0x0  }
0xdf: {  	[sflag:s21] =	ssyncadd.s32 $0xFFFFE000  }
0xe0: {  	[tilespmem:s20], [sflag:$0x3] =	stream.linear.gather [spmem:s11], $0x2000, $0x38;
	[tilespmem:$0x101C0] =	vst v63  }
0xe1: {  	s30 =	sadd.s32 $0x1, s30;
	_ =	swait.ge [sflag:s21], $0x2000  }
0xe2: {  	p1 =	sne.s32 s30, s19;
	[sflag:s21] =	ssyncset.done $0x0  }
.Ltmp3:
0xe3: {  	[sflag:s21] =	ssyncadd.s32 $0xFFFFE000;
	(pc) =	sbr.rel @p1 .LBB2_1-.Ltmp3, $4  }
0xe4: {  	[hbm4b:s18+s2] =	stream.linear.scatter [tilespmem:s20], [sflag:$0x3], $0x2000, $0x38;
	[tilespmem:$0x101C0] =	vst v63  }
0xe5: {  	_ =	swait.ge [sflag:s21], $0x2000  }
0xe6: {  	[sflag:s21] =	ssyncset.done $0x0  }
0xe7: {  	[sflag:s21] =	ssyncadd.s32 $0xFFFFE000  }
0xe8: {  	_ =	sfence.sel $0x180000  }
0xe9: {  	[bflag:$0x0] =	sbarrier.arrive $0xFFFF  }
0xea: {  	_ =	strace $0x9000004A  }
0xeb: {  	[bflag:$0x2] =	sbarrier.arrive $0xFFFF  }
0xec: {  	s0 =	rddreg [dreg:$0x2]  }
0xed: {  	s0 =	sadd.s32 @!p0 $0x100000, s0  }
0xee: {  	[sflag:s0] =	ssyncadd.tile.s32 @!p0 $0x1;
	_ =	shalt  }
.Lfunc_end2:
_tile_overlayer_lowered:
.L_overlay_start_2:
0xef: {  	(tag) =	ssettag $0x2  }
0xf0: {  	s0 =	rddreg [dreg:$0x0];
	s2 =	stileid.u32  }
0xf1: {  	s1 =	rddreg [dreg:$0x1];
	p0 =	sne.s32 s2, $0x0  }
0xf2: {  	s3 =	rddreg [dreg:$0x2];
	[bflag:$0x3] =	sbarrier.arrive $0xFFFF;
	s2 =	simm.s32 @!p0 $0x1C03  }
0xf3: {  	[timem:s3], [sflag:s2] =	dma.local @!p0 [hbm:s0], s1  }
0xf4: {  	s0 =	simm.s32 @!p0 $0x3  }
0xf5: {  	_ =	swait.ge @!p0 [sflag:s0], s1  }
0xf6: {  	s1 =	ssub.s32 @!p0 $0x0, s1;
	[sflag:s0] =	ssyncset.done @!p0 $0x0  }
0xf7: {  	[sflag:s0] =	ssyncadd.s32 @!p0 s1  }
0xf8: {  	[bflag:$0x3] =	sbarrier.arrive $0xFFFF  }
0xf9: {  	_ =	shalt  }

// kernel: kernel.7.cloned.1.call-start
scs
__scs_entry_jumppad:
0x0: {  	(pc) =	sbr.rel $0x88, $3  }
0x1: {  	(tag) =	ssettag $0x0;
	lr =	simm.s32 $0x1  }
0x2: {  	[smem:$0x3F95] =	sst lr;
	_ =	strace $0xD0000000  }
0x3: {  	_ = 	snop  }
0x4: {  	_ = 	snop  }
0x5: {  	_ = 	snop  }
0x6: {  	_ = 	snop  }
0x7: {  	_ = 	snop  }
__scs_overlays_trampoline_lowered:
0x8: {  	[smem:$0x3FA4] =	sst s0  }
0x9: {  	[smem:$0x3FA5] =	sst s1  }
0xa: {  	[smem:$0x3FA6] =	sst s2  }
0xb: {  	[smem:$0x3FA7] =	sst s3  }
0xc: {  	[smem:$0x3FA8] =	sst s4  }
0xd: {  	[smem:$0x3FA9] =	sst s5  }
0xe: {  	[smem:$0x3FAA] =	sst s6  }
0xf: {  	[smem:$0x3FAB] =	sst s7  }
0x10: {  	[smem:$0x3FAC] =	sst s8  }
0x11: {  	[smem:$0x3FAD] =	sst s9;
	s0 =	simm.s32 @!p0 $0x0  }
0x12: {  	s1 =	sld [smem:$0x3F93];
	s0 =	simm.s32 @p0 $0x1  }
0x13: {  	[smem:$0x3FAE] =	sst s0;
	s0 =	simm.s32 @!p1 $0x0  }
0x14: {  	s2 =	sld [smem:$0x3F92];
	s0 =	simm.s32 @p1 $0x1  }
0x15: {  	[smem:$0x3FAF] =	sst s0;
	s0 =	simm.s32 @!p2 $0x0  }
0x16: {  	s3 =	sld [smem:$0x3FDB];
	s0 =	simm.s32 @p2 $0x1  }
0x17: {  	s4 =	simm.s32 $0x1BF5;
	[smem:$0x3FB1] =	sst s0  }
0x18: {  	s0 =	sld [smem:$0x3F94];
	_ =	swait.ge [sflag:s4], $0x0  }
0x19: {  	s7 =	sld [smem:$0x3F95]  }
0x1a: {  	s8 =	sadd.s32 $0xFFFFE003, lr  }
0x1b: {  	s9 =	sadd.s32 $0xFFFFFEF7, lr;
	s5 =	simm.s32 $0xFFFFFFFF;
	p2 =	slt.u32 s8, $0xFFFFF086  }
0x1c: {  	p1 =	slt.u32 s9, $0xF7A;
	s5 =	simm.s32 @!p2 $0x0  }
0x1d: {  	s5 =	simm.s32 @p1 $0x1;
	p0 =	seq.s32 s7, s2  }
0x1e: {  	s7 =	smul.u32 @!p0 $0xF7A, s2;
	p2 =	seq.s32 @!p0 s5, $0x0  }
0x1f: {  	s9 =	smul.u32 $0xF7A, s1;
	s8 =	simm.s32 @!p0 $0x1BF5;
	p2 =	por !p2, p0  }
0x20: {  	[sflag:s8] =	ssyncset.s32 @!p0 $0xFFFFF086;
	s6 =	sadd.s32 @!p0 s3, s7;
	s7 =	simm.s32 @!p0 $0x108  }
0x21: {  	s3 =	sadd.s32 s3, s9;
	s6 =	sadd.s32 @!p0 $0x88, s6;
	s7 =	simm.s32 @p2 $0x1082  }
0x22: {  	[simem:s7], [sflag:s8] =	dma.local @!p0 [hbm:s6], $0xF7A  }
0x23: {  	s9 =	sor.u32 $0xD0000000, s2;
	s6 =	simm.s32 $0x108;
	_ =	swait.ge @!p0 [sflag:s8], $0x0  }
0x24: {  	s3 =	sadd.s32 $0x88, s3;
	s6 =	simm.s32 @!p1 $0x1082;
	[sflag:s4] =	ssyncset.s32 $0xFFFFF086  }
0x25: {  	[simem:s6], [sflag:s4] =	dma.local [hbm:s3], $0xF7A  }
0x26: {  	[smem:$0x3F95] =	sst s1;
	(tag) =	ssettag s2;
	_ =	strace s9  }
0x27: {  	s1 =	sld [smem:$0x3FA5]  }
0x28: {  	s2 =	sld [smem:$0x3FA6]  }
0x29: {  	s4 =	sld [smem:$0x3FA8]  }
0x2a: {  	p0 =	seq.s32 s5, $0x0;
	s5 =	sld [smem:$0x3FA9]  }
0x2b: {  	s6 =	sld [smem:$0x3FAA]  }
0x2c: {  	s7 =	sld [smem:$0x3FAB]  }
0x2d: {  	s3 =	simm.s32 $0x108;
	s8 =	sld [smem:$0x3FAC]  }
0x2e: {  	s3 =	simm.s32 @!p0 $0x1082;
	s9 =	sld [smem:$0x3FAD]  }
0x2f: {  	lr =	sadd.s32 s0, s3;
	s0 =	sld [smem:$0x3FA4]  }
0x30: {  	s3 =	sld [smem:$0x3FA7]  }
0x31: {  	[smem:$0x3FB0] =	sst s10  }
0x32: {  	s10 =	sld [smem:$0x3FAE];
	_ =	sdelay $0x3  }
0x33: {  	p0 =	seq.s32 s10, $0x1;
	s10 =	sld [smem:$0x3FB0];
	_ =	sdelay $0x3  }
0x34: {  	[smem:$0x3FB0] =	sst s10  }
0x35: {  	s10 =	sld [smem:$0x3FAF];
	_ =	sdelay $0x3  }
0x36: {  	p1 =	seq.s32 s10, $0x1;
	s10 =	sld [smem:$0x3FB0];
	_ =	sdelay $0x3  }
0x37: {  	[smem:$0x3FB0] =	sst s10  }
0x38: {  	s10 =	sld [smem:$0x3FB1]  }
0x39: {  	_ = 	snop;
	(pc) =	sbr.ind lr, $3  }
0x3a: {  	_ = 	snop  }
0x3b: {  	_ = 	snop  }
0x3c: {  	p2 =	seq.s32 s10, $0x1;
	s10 =	sld [smem:$0x3FB0]  }
0x3d: {  	_ =	shalt  }
0x3e: {  	_ =	shalt  }
0x3f: {  	_ =	shalt  }
0x40: {  	_ =	shalt  }
0x41: {  	_ =	shalt  }
0x42: {  	_ =	shalt  }
0x43: {  	_ =	shalt  }
0x44: {  	_ =	shalt  }
0x45: {  	_ =	shalt  }
0x46: {  	_ =	shalt  }
0x47: {  	_ =	shalt  }
0x48: {  	_ =	shalt  }
0x49: {  	_ =	shalt  }
0x4a: {  	_ =	shalt  }
0x4b: {  	_ =	shalt  }
0x4c: {  	_ =	shalt  }
0x4d: {  	_ =	shalt  }
0x4e: {  	_ =	shalt  }
0x4f: {  	_ =	shalt  }
0x50: {  	_ =	shalt  }
0x51: {  	_ =	shalt  }
0x52: {  	_ =	shalt  }
0x53: {  	_ =	shalt  }
0x54: {  	_ =	shalt  }
0x55: {  	_ =	shalt  }
0x56: {  	_ =	shalt  }
0x57: {  	_ =	shalt  }
0x58: {  	_ =	shalt  }
0x59: {  	_ =	shalt  }
0x5a: {  	_ =	shalt  }
0x5b: {  	_ =	shalt  }
0x5c: {  	_ =	shalt  }
0x5d: {  	_ =	shalt  }
0x5e: {  	_ =	shalt  }
0x5f: {  	_ =	shalt  }
0x60: {  	_ =	shalt  }
0x61: {  	_ =	shalt  }
0x62: {  	_ =	shalt  }
0x63: {  	_ =	shalt  }
0x64: {  	_ =	shalt  }
0x65: {  	_ =	shalt  }
0x66: {  	_ =	shalt  }
0x67: {  	_ =	shalt  }
0x68: {  	_ =	shalt  }
0x69: {  	_ =	shalt  }
0x6a: {  	_ =	shalt  }
0x6b: {  	_ =	shalt  }
0x6c: {  	_ =	shalt  }
0x6d: {  	_ =	shalt  }
0x6e: {  	_ =	shalt  }
0x6f: {  	_ =	shalt  }
0x70: {  	_ =	shalt  }
0x71: {  	_ =	shalt  }
0x72: {  	_ =	shalt  }
0x73: {  	_ =	shalt  }
0x74: {  	_ =	shalt  }
0x75: {  	_ =	shalt  }
0x76: {  	_ =	shalt  }
0x77: {  	_ =	shalt  }
0x78: {  	_ =	shalt  }
0x79: {  	_ =	shalt  }
0x7a: {  	_ =	shalt  }
0x7b: {  	_ =	shalt  }
0x7c: {  	_ =	shalt  }
0x7d: {  	_ =	shalt  }
0x7e: {  	_ =	shalt  }
0x7f: {  	_ =	shalt  }
0x80: {  	_ =	shalt  }
0x81: {  	_ =	shalt  }
0x82: {  	_ =	shalt  }
0x83: {  	_ =	shalt  }
0x84: {  	_ =	shalt  }
0x85: {  	_ =	shalt  }
0x86: {  	_ =	shalt  }
0x87: {  	_ =	shalt  }
.Lfunc_end0:
.L_simem_size_0:
called_computation_lowered:
.L_overlay_start_0:
0x88: {  	s2 =	sld [smem:$0x3FD9]  }
0x89: {  	s3 =	sld [smem:$0x3FFE];
	_ =	sdelay $0x1  }
0x8a: {  	s1 =	srdreg.scid  }
0x8b: {  	s0 =	sand.u32 $0x1, s1  }
0x8c: {  	s16 =	sshll.u32 s0, $0xA;
	s2 =	sadd.s32 s3, s2  }
0x8d: {  	s2 =	sadd.s32 s2, s16  }
0x8e: {  	[smem:$0x3FBC] =	sst s2  }
0x8f: {  	_ = 	snop  }
0x90: {  	(tm) =	ssettm $0x1  }
0x91: {  	s17 =	sld [smem:$0x3FFB];
	_ =	sdelay $0x3  }
0x92: {  	_ =	strace s17  }
0x93: {  	s2 =	sld [smem:$0x3FFC];
	_ =	sdelay $0x3  }
0x94: {  	_ =	strace s2  }
0x95: {  	s2 =	sld [smem:$0x3FFD];
	_ =	sdelay $0x3  }
0x96: {  	_ =	strace s2  }
0x97: {  	_ =	strace $0x8FFFFFFF  }
0x98: {  	s18 =	sld [smem:$0x3FDB];
	_ =	sdelay $0x1  }
0x99: {  	s19 =	simm.s32 $_scs_section_size  }
0x9a: {  	s4 =	simm.s32 $_size__tile_overlayer_lowered;
	s5 =	simm.s32 $_tile_overlayer_lowered  }
0x9b: {  	s22 =	simm.s32 $0x1BFF;
	s21 =	sshll.u32 s5, $0x1;
	s2 =	sadd.s32 s19, s18  }
0x9c: {  	s6 =	simm.s32 $0x0;
	s20 =	sshll.u32 s4, $0x1;
	s4 =	sadd.s32 s21, s2  }
0x9d: {  	[timem:s6], [sflag:s22] =	dma.local [hbm:s4], s20  }
0x9e: {  	_ =	swait.ge [sflag:s22], s20  }
0x9f: {  	s3 =	ssub.s32 $0x0, s20;
	[sflag:s22] =	ssyncset.done $0x0  }
0xa0: {  	[sflag:s22] =	ssyncadd.s32 s3;
	_ =	sdelay $0x1  }
0xa1: {  	s23 =	simm.s32 $0x1B8B  }
0xa2: {  	_ =	swait.ge [sflag:s23], $0x1  }
0xa3: {  	[sflag:s23] =	ssyncset.done $0x0  }
0xa4: {  	s25 =	simm.s32 $0x1B8E;
	s24 =	sld [smem:$0x3FFE];
	[sflag:s23] =	ssyncadd.s32 $0xFFFFFFFF  }
0xa5: {  	s26 =	simm.s32 $execute0_lowered;
	[smem:$0x3FD2] =	sst s25  }
0xa6: {  	s4 =	sshll.u32 s26, $0x1;
	_ =	strace $0x80000046;
	[dreg:$0x1] =	wrdreg $0xFFFFFFFF  }
0xa7: {  	s28 =	simm.s32 $_size_execute0_lowered;
	s2 =	sadd.s32 s2, s4;
	[dreg:$0x0] =	wrdreg $0x0  }
0xa8: {  	s4 =	sshll.u32 s28, $0x1;
	[dreg:$0x2] =	wrdreg s2  }
0xa9: {  	[dreg:$0x3] =	wrdreg s4  }
0xaa: {  	[dreg:$0x4] =	wrdreg $0xC0  }
0xab: {  	_ =	task [dreg:s6], $0x5FFFF  }
0xac: {  	[dreg:$0x1] =	wrdreg $0xFFFFFFFF  }
0xad: {  	[dreg:$0x0] =	wrdreg $0x60  }
0xae: {  	[dreg:$0x2] =	wrdreg s24  }
0xaf: {  	[dreg:$0x3] =	wrdreg $0xA1800  }
0xb0: {  	[dreg:$0x4] =	wrdreg $0x141C00  }
0xb1: {  	[dreg:$0x5] =	wrdreg $0x9  }
0xb2: {  	_ =	task.clear_ibuf [dreg:s6], $0x6FFFF;
	_ =	strace $0x90000046  }
0xb3: {  	s29 =	simm.s32 $0x9;
	_ =	strace $0x80000048  }
0xb4: {  	_ =	swait.ge [sflag:s29], $0x1  }
0xb5: {  	[sflag:s29] =	ssyncadd.s32 $0xFFFFFFFF  }
0xb6: {  	_ =	strace $0x90000048  }
0xb7: {  	_ =	sfence  }
0xb8: {  	s30 =	sld [smem:$0x0];
	_ =	sdelay $0x2  }
0xb9: {  	s31 =	sshll.u32 s1, $0xD;
	s1 =	sshrl.u32 s1, $0x2  }
0xba: {  	s3 =	sand.u32 $0x4000, s31;
	s1 =	sadd.s32 s1, s30  }
0xbb: {  	s0 =	sor.u32 s3, s0;
	s1 =	sshll.u32 s1, $0x11  }
0xbc: {  	s0 =	sor.u32 s1, s0  }
0xbd: {  	s0 =	sadd.s32 $0x8F2B, s0  }
0xbe: {  	[sflag:s0] =	ssyncadd.remote.s32 $0x1  }
0xbf: {  	_ =	sfence.sel $0xFFFF  }
0xc0: {  	[dreg:$0x0] =	wrdreg $0xFFFFFFFF;
	(pc) =	sbr.abs _section_cstart, $3  }
0xc1: {  	[dreg:$0x1] =	wrdreg $0xFFFFFFFF  }
0xc2: {  	_ =	task.clear_ibuf [dreg:s6], $0x2FFFF;
	_ =	strace $0x9FFFFFFF  }
0xc3: {  	(tm) =	ssettm $0x7FFFFFFF  }
tec
execute0_lowered:
.L_overlay_start_1:
0x0: {  	(tag) =	ssettag $0x1  }
0x1: {  	s0 =	rddreg [dreg:$0x0]  }
0x2: {  	s17 =	rddreg [dreg:$0x1]  }
0x3: {  	s18 =	rddreg [dreg:$0x2];
	s1 =	simm.s32 $0x0  }
0x4: {  	s19 =	srdreg.scid;
	s2 =	stileid.u32;
	s30 =	simm.s32 $0x3180  }
0x5: {  	[smem:$0x7FF] =	sst s1;
	s1 =	sand.u32 $0x1, s19;
	s3 =	smul.u32 $0x140, s2  }
0x6: {  	s31 =	simm.s32 $0x3980;
	s4 =	sadd.s32 $0x1C00, s0;
	s8 =	smul.u32 $0x1400, s1  }
0x7: {  	s5 =	sadd.s32 $0xBA00, s0;
	s6 =	sadd.s32 $0x15800, s0;
	s11 =	smul.u32 $0xA000, s2  }
0x8: {  	s7 =	sadd.s32 $0x65800, s0;
	s9 =	sadd.s32 $0x8D800, s0;
	s3 =	sadd.s32 s3, s8  }
0x9: {  	s0 =	sadd.s32 $0xB5800, s0;
	s22 =	sadd.s32 s11, s17;
	s3 =	sshll.u32 s3, $0x4  }
0xa: {  	_ =	strace $0x80000047;
	[dreg:$0x4] =	wrdreg s22;
	s12 =	sadd.s32 $0x400, s3  }
0xb: {  	s14 =	sadd.s32 s9, s3;
	s23 =	sadd.s32 $0x800, s3;
	s15 =	sadd.s32 $0xC00, s3  }
0xc: {  	s16 =	sadd.s32 $0x1000, s3;
	s3 =	sadd.s32 s0, s3;
	[dreg:$0x5] =	wrdreg s14  }
0xd: {  	p0 =	sne.s32 s2, $0x0;
	s21 =	sadd.s32 s9, s12;
	[dreg:$0xa] =	wrdreg s3  }
0xe: {  	s29 =	smul.u32 $0x13C, s2;
	s19 =	sadd.s32 s9, s23;
	[dreg:$0x6] =	wrdreg s21  }
0xf: {  	s2 =	simm.s32 $0x0;
	s24 =	sadd.s32 s9, s15;
	[dreg:$0x7] =	wrdreg s19  }
0x10: {  	s1 =	ssub.s32 $0x2, s1;
	s9 =	sadd.s32 s9, s16;
	[dreg:$0x8] =	wrdreg s24  }
0x11: {  	s10 =	sshrl.u32 s1, $0x1;
	s25 =	sadd.s32 s0, s12;
	[dreg:$0x9] =	wrdreg s9  }
0x12: {  	s20 =	sadd.s32 $0x2000, s11;
	s26 =	sadd.s32 s0, s23;
	[dreg:$0xb] =	wrdreg s25  }
0x13: {  	s13 =	sadd.s32 $0x4000, s11;
	s14 =	sadd.s32 s11, s18;
	[dreg:$0xc] =	wrdreg s26  }
0x14: {  	s1 =	ssub.s32 s1, s10;
	s23 =	sadd.s32 s20, s18;
	[dreg:$0xf] =	wrdreg s14  }
0x15: {  	s10 =	simm.s32 $0x3;
	s9 =	sadd.s32 s0, s15;
	[dreg:$0x11] =	wrdreg s23  }
0x16: {  	v0 =	vmov s8;
	s8 =	simm.s32 $0x4180;
	s0 =	sadd.s32 s0, s16;
	[dreg:$0xd] =	wrdreg s9  }
0x17: {  	s12 =	sadd.s32 $0x6000, s11;
	s19 =	smax.u32 s1, $0x1;
	[dreg:$0xe] =	wrdreg s0  }
0x18: {  	s15 =	sadd.s32 s20, s17;
	s20 =	sadd.s32 $0xA0000, s17;
	[dreg:$0x18] =	wrdreg s19  }
0x19: {  	s16 =	sadd.s32 $0x8000, s11;
	s21 =	sadd.s32 $0xA0000, s18;
	[dreg:$0x19] =	wrdreg s20  }
0x1a: {  	s24 =	sadd.s32 s13, s17;
	s13 =	sadd.s32 s13, s18;
	[dreg:$0x1a] =	wrdreg s21  }
0x1b: {  	s25 =	sadd.s32 s12, s17;
	s26 =	sadd.s32 s12, s18;
	[dreg:$0x10] =	wrdreg s15  }
0x1c: {  	s11 =	simm.s32 $0x6180;
	s12 =	simm.s32 $0x80;
	[dreg:$0x12] =	wrdreg s24  }
0x1d: {  	s28 =	sadd.s32 s16, s17;
	s3 =	sadd.s32 s16, s18;
	[dreg:$0x13] =	wrdreg s13  }
0x1e: {  	s9 =	simm.s32 $0x8180;
	s16 =	simm.s32 $0x1980;
	[dreg:$0x14] =	wrdreg s25  }
0x1f: {  	v4 =	vlaneseq.u32;
	s17 =	simm.s32 $0x2180;
	s18 =	simm.s32 $0x2980;
	[dreg:$0x15] =	wrdreg s26  }
0x20: {  	v1 =	vimm.f32 $0.0e+00;
	vm0 =	vmmov $0xffff;
	v3 =	vshrl.u32 v4, $0x3;
	s0 =	simm.s32 $0x40;
	s19 =	simm.s32 $0x1;
	[dreg:$0x16] =	wrdreg s28  }
0x21: {  	v2 =	vand.u32 $0x7, v4;
	v4 =	vor.u32 $0x8, v4;
	v3 =	vmul.u32 $0x8, v3;
	s20 =	simm.s32 $0x2;
	s21 =	simm.s32 $0x100;
	[dreg:$0x17] =	wrdreg s3  }
.LBB2_1:
0x22: {  	[dreg:$0x1b] =	wrdreg s2;
	s1 =	simm.s32 $0x0;
	s2 =	simm.s32 $0x200  }
.LBB2_2:
0x23: {  	p1 =	sne.s32 s2, $0x7E00;
	[tilespmem:s1+$0x81F0] =	vst v1  }
0x24: {  	[tilespmem:s1+$0x8180] =	vst v1  }
0x25: {  	[tilespmem:s1+$0x8190] =	vst v1  }
.Ltmp0:
0x26: {  	[tilespmem:s1+$0x81A0] =	vst v1;
	(pc) =	sbr.rel @p1 .LBB2_2-.Ltmp0, $4  }
0x27: {  	[tilespmem:s1+$0x81B0] =	vst v1  }
0x28: {  	[tilespmem:s1+$0x81C0] =	vst v1  }
0x29: {  	[tilespmem:s1+$0x81D0] =	vst v1  }
0x2a: {  	[tilespmem:s1+$0x81E0] =	vst v1;
	s1 =	sshra.s32 s2, $0x2;
	s2 =	sadd.s32 $0x200, s2  }
0x2b: {  	[tilespmem:s1+$0x81F0] =	vst v1  }
0x2c: {  	[tilespmem:s1+$0x8180] =	vst v1  }
0x2d: {  	[tilespmem:s1+$0x8190] =	vst v1  }
0x2e: {  	[tilespmem:s1+$0x81A0] =	vst v1  }
0x2f: {  	[tilespmem:s1+$0x81B0] =	vst v1  }
0x30: {  	[tilespmem:s1+$0x81C0] =	vst v1  }
0x31: {  	[tilespmem:s1+$0x81D0] =	vst v1  }
0x32: {  	[tilespmem:s1+$0x81E0] =	vst v1;
	s1 =	simm.s32 $0x0;
	s2 =	simm.s32 $0x200  }
.LBB2_4:
0x33: {  	p1 =	sne.s32 s2, $0x7E00;
	[tilespmem:s1+$0x61F0] =	vst v1  }
0x34: {  	[tilespmem:s1+$0x6180] =	vst v1  }
0x35: {  	[tilespmem:s1+$0x6190] =	vst v1  }
.Ltmp1:
0x36: {  	[tilespmem:s1+$0x61A0] =	vst v1;
	(pc) =	sbr.rel @p1 .LBB2_4-.Ltmp1, $4  }
0x37: {  	[tilespmem:s1+$0x61B0] =	vst v1  }
0x38: {  	[tilespmem:s1+$0x61C0] =	vst v1  }
0x39: {  	[tilespmem:s1+$0x61D0] =	vst v1  }
0x3a: {  	[tilespmem:s1+$0x61E0] =	vst v1;
	s1 =	sshra.s32 s2, $0x2;
	s2 =	sadd.s32 $0x200, s2  }
0x3b: {  	[tilespmem:s1+$0x61F0] =	vst v1  }
0x3c: {  	[tilespmem:s1+$0x6180] =	vst v1  }
0x3d: {  	[tilespmem:s1+$0x6190] =	vst v1  }
0x3e: {  	[tilespmem:s1+$0x61A0] =	vst v1  }
0x3f: {  	[tilespmem:s1+$0x61B0] =	vst v1  }
0x40: {  	[tilespmem:s1+$0x61C0] =	vst v1  }
0x41: {  	[tilespmem:s1+$0x61D0] =	vst v1  }
0x42: {  	[tilespmem:s1+$0x61E0] =	vst v1  }
0x43: {  	[spmem:s22] =	stream.linear.scatter [tilespmem:s9], [sflag:$0x3], $0x2000, $0x38;
	[tilespmem:$0x1E200] =	vst v63  }
0x44: {  	_ =	swait.ge [sflag:s10], $0x2000  }
0x45: {  	[sflag:s10] =	ssyncset.done $0x0  }
0x46: {  	[sflag:s10] =	ssyncadd.s32 $0xFFFFE000  }
0x47: {  	[spmem:s15] =	stream.linear.scatter [tilespmem:s9], [sflag:$0x3], $0x2000, $0x38;
	[tilespmem:$0x1E200] =	vst v63  }
0x48: {  	_ =	swait.ge [sflag:s10], $0x2000  }
0x49: {  	[sflag:s10] =	ssyncset.done $0x0  }
0x4a: {  	[sflag:s10] =	ssyncadd.s32 $0xFFFFE000  }
0x4b: {  	[spmem:s24] =	stream.linear.scatter [tilespmem:s9], [sflag:$0x3], $0x2000, $0x38;
	[tilespmem:$0x1E200] =	vst v63  }
0x4c: {  	_ =	swait.ge [sflag:s10], $0x2000  }
0x4d: {  	[sflag:s10] =	ssyncset.done $0x0  }
0x4e: {  	[sflag:s10] =	ssyncadd.s32 $0xFFFFE000  }
0x4f: {  	[spmem:s25] =	stream.linear.scatter [tilespmem:s9], [sflag:$0x3], $0x2000, $0x38;
	[tilespmem:$0x1E200] =	vst v63  }
0x50: {  	_ =	swait.ge [sflag:s10], $0x2000  }
0x51: {  	[sflag:s10] =	ssyncset.done $0x0  }
0x52: {  	[sflag:s10] =	ssyncadd.s32 $0xFFFFE000  }
0x53: {  	[spmem:s28] =	stream.linear.scatter [tilespmem:s9], [sflag:$0x3], $0x2000, $0x38;
	[tilespmem:$0x1E200] =	vst v63  }
0x54: {  	_ =	swait.ge [sflag:s10], $0x2000  }
0x55: {  	[sflag:s10] =	ssyncset.done $0x0  }
0x56: {  	s1 =	simm.s32 @!p0 $0x8180;
	s2 =	rddreg [dreg:$0x19];
	[sflag:s10] =	ssyncadd.s32 $0xFFFFE000  }
0x57: {  	[spmem:s2] =	stream.linear.scatter @!p0 [tilespmem:s1], [sflag:$0x3], $0x400, $0x38;
	[tilespmem:$0x1E200] =	vst v63  }
0x58: {  	s1 =	simm.s32 @!p0 $0x3  }
0x59: {  	_ =	swait.ge @!p0 [sflag:s1], $0x400  }
0x5a: {  	[sflag:s1] =	ssyncset.done @!p0 $0x0  }
0x5b: {  	[sflag:s1] =	ssyncadd.s32 @!p0 $0xFFFFFC00  }
0x5c: {  	[spmem:s14] =	stream.linear.scatter [tilespmem:s11], [sflag:$0x3], $0x2000, $0x38;
	[tilespmem:$0x1E200] =	vst v63  }
0x5d: {  	_ =	swait.ge [sflag:s10], $0x2000  }
0x5e: {  	[sflag:s10] =	ssyncset.done $0x0  }
0x5f: {  	[sflag:s10] =	ssyncadd.s32 $0xFFFFE000  }
0x60: {  	[spmem:s23] =	stream.linear.scatter [tilespmem:s11], [sflag:$0x3], $0x2000, $0x38;
	[tilespmem:$0x1E200] =	vst v63  }
0x61: {  	_ =	swait.ge [sflag:s10], $0x2000  }
0x62: {  	[sflag:s10] =	ssyncset.done $0x0  }
0x63: {  	[sflag:s10] =	ssyncadd.s32 $0xFFFFE000  }
0x64: {  	[spmem:s13] =	stream.linear.scatter [tilespmem:s11], [sflag:$0x3], $0x2000, $0x38;
	[tilespmem:$0x1E200] =	vst v63  }
0x65: {  	_ =	swait.ge [sflag:s10], $0x2000  }
0x66: {  	[sflag:s10] =	ssyncset.done $0x0  }
0x67: {  	[sflag:s10] =	ssyncadd.s32 $0xFFFFE000  }
0x68: {  	[spmem:s26] =	stream.linear.scatter [tilespmem:s11], [sflag:$0x3], $0x2000, $0x38;
	[tilespmem:$0x1E200] =	vst v63  }
0x69: {  	_ =	swait.ge [sflag:s10], $0x2000  }
0x6a: {  	[sflag:s10] =	ssyncset.done $0x0  }
0x6b: {  	[sflag:s10] =	ssyncadd.s32 $0xFFFFE000  }
0x6c: {  	[spmem:s3] =	stream.linear.scatter [tilespmem:s11], [sflag:$0x3], $0x2000, $0x38;
	[tilespmem:$0x1E200] =	vst v63  }
0x6d: {  	_ =	swait.ge [sflag:s10], $0x2000  }
0x6e: {  	[sflag:s10] =	ssyncset.done $0x0  }
0x6f: {  	s2 =	simm.s32 @!p0 $0x6180;
	s3 =	rddreg [dreg:$0x1a];
	[sflag:s10] =	ssyncadd.s32 $0xFFFFE000  }
0x70: {  	[spmem:s3] =	stream.linear.scatter @!p0 [tilespmem:s2], [sflag:$0x3], $0x400, $0x38;
	[tilespmem:$0x1E200] =	vst v63  }
0x71: {  	_ =	swait.ge @!p0 [sflag:s1], $0x400  }
0x72: {  	[sflag:s1] =	ssyncset.done @!p0 $0x0  }
0x73: {  	[sflag:s1] =	ssyncadd.s32 @!p0 $0xFFFFFC00  }
0x74: {  	s24 =	simm.s32 $0x0;
	s23 =	simm.s32 $0x0;
	[bflag:$0x0] =	sbarrier.arrive $0xFFFF  }
.LBB2_6:
0x75: {  	s1 =	sadd.s32 s29, s24  }
0x76: {  	s1 =	sshll.u32 s1, $0x3  }
0x77: {  	s2 =	sadd.s32 s4, s1  }
0x78: {  	[tilespmem:s23], [sflag:$0x3] =	stream.linear.gather [hbm4b:s2+s23], $0x40, $0x38;
	[tilespmem:$0x1E200] =	vst v63  }
0x79: {  	_ =	swait.ge [sflag:s10], $0x40  }
0x7a: {  	[sflag:s10] =	ssyncset.done $0x0  }
0x7b: {  	s1 =	sadd.s32 s5, s1;
	[sflag:s10] =	ssyncadd.s32 $0xFFFFFFC0  }
0x7c: {  	[tilespmem:s12], [sflag:$0x3] =	stream.linear.gather [hbm4b:s1+s23], $0x40, $0x38;
	[tilespmem:$0x1E200] =	vst v63  }
0x7d: {  	_ =	swait.ge [sflag:s10], $0x40  }
0x7e: {  	[sflag:s10] =	ssyncset.done $0x0  }
0x7f: {  	[sflag:s10] =	ssyncadd.s32 $0xFFFFFFC0  }
0x80: {  	v5 =	vld [tilespmem:$0x0];
	_ =	sdelay $0x4  }
0x81: {  	v6 =	vshll.u32 v5, $0x1  }
0x82: {  	v5 =	vand.u32 $0x7, v5;
	v6 =	vand.u32 $0xFFFFFFF0, v6  }
0x83: {  	v5 =	vor.u32 v5, v6  }
0x84: {  	v6 =	vperm.xlane v5, v2;
	_ =	sdelay $0x1  }
0x85: {  	v5 =	vperm.xlane v5, v4;
	v6 =	vadd.s32 v3, v6;
	_ =	sdelay $0x1  }
0x86: {  	v5 =	vadd.s32 v3, v5;
	_ =	sdelay $0x1  }
0x87: {  	s22 =	simm.s32 $0x180  }
0x88: {  	[tilespmem:s22], [sflag:$0x1] =	stream.indirect_vreg.gather [hbm4b:s6+s23], $0x80, v6, vm0, $0xb8;
	[tilespmem:$0x1E200] =	vst v63  }
0x89: {  	s25 =	simm.s32 $0x980  }
0x8a: {  	[tilespmem:s25], [sflag:$0x1] =	stream.indirect_vreg.gather [hbm4b:s6+s23], $0x80, v5, vm0, $0xb8;
	[tilespmem:$0x1E200] =	vst v63  }
0x8b: {  	v5 =	vld [tilespmem:$0x10];
	_ =	sdelay $0x4  }
0x8c: {  	v6 =	vshll.u32 v5, $0x1  }
0x8d: {  	v5 =	vand.u32 $0x7, v5;
	v6 =	vand.u32 $0xFFFFFFF0, v6  }
0x8e: {  	v5 =	vor.u32 v5, v6  }
0x8f: {  	v6 =	vperm.xlane v5, v2;
	_ =	sdelay $0x1  }
0x90: {  	v5 =	vperm.xlane v5, v4;
	v6 =	vadd.s32 v3, v6;
	_ =	sdelay $0x1  }
0x91: {  	v5 =	vadd.s32 v3, v5;
	_ =	sdelay $0x1  }
0x92: {  	s26 =	simm.s32 $0x1180  }
0x93: {  	[tilespmem:s26], [sflag:$0x1] =	stream.indirect_vreg.gather [hbm4b:s6+s23], $0x80, v6, vm0, $0xb8;
	[tilespmem:$0x1E200] =	vst v63  }
0x94: {  	_ = 	snop  }
0x95: {  	[tilespmem:s16], [sflag:$0x1] =	stream.indirect_vreg.gather [hbm4b:s6+s23], $0x80, v5, vm0, $0xb8;
	[tilespmem:$0x1E200] =	vst v63  }
0x96: {  	v5 =	vld [tilespmem:$0x20];
	_ =	sdelay $0x4  }
0x97: {  	v6 =	vshll.u32 v5, $0x1  }
0x98: {  	v5 =	vand.u32 $0x7, v5;
	v6 =	vand.u32 $0xFFFFFFF0, v6  }
0x99: {  	v5 =	vor.u32 v5, v6  }
0x9a: {  	v6 =	vperm.xlane v5, v2;
	_ =	sdelay $0x1  }
0x9b: {  	v5 =	vperm.xlane v5, v4;
	v6 =	vadd.s32 v3, v6;
	_ =	sdelay $0x1  }
0x9c: {  	v5 =	vadd.s32 v3, v5;
	_ =	sdelay $0x2  }
0x9d: {  	[tilespmem:s17], [sflag:$0x1] =	stream.indirect_vreg.gather [hbm4b:s6+s23], $0x80, v6, vm0, $0xb8;
	[tilespmem:$0x1E200] =	vst v63  }
0x9e: {  	_ = 	snop  }
0x9f: {  	[tilespmem:s18], [sflag:$0x1] =	stream.indirect_vreg.gather [hbm4b:s6+s23], $0x80, v5, vm0, $0xb8;
	[tilespmem:$0x1E200] =	vst v63  }
0xa0: {  	v5 =	vld [tilespmem:$0x30];
	_ =	sdelay $0x4  }
0xa1: {  	v6 =	vshll.u32 v5, $0x1  }
0xa2: {  	v5 =	vand.u32 $0x7, v5;
	v6 =	vand.u32 $0xFFFFFFF0, v6  }
0xa3: {  	v5 =	vor.u32 v5, v6  }
0xa4: {  	v6 =	vperm.xlane v5, v2;
	_ =	sdelay $0x1  }
0xa5: {  	v5 =	vperm.xlane v5, v4;
	v6 =	vadd.s32 v3, v6;
	_ =	sdelay $0x1  }
0xa6: {  	v5 =	vadd.s32 v3, v5;
	_ =	sdelay $0x2  }
0xa7: {  	[tilespmem:s30], [sflag:$0x1] =	stream.indirect_vreg.gather [hbm4b:s6+s23], $0x80, v6, vm0, $0xb8;
	[tilespmem:$0x1E200] =	vst v63  }
0xa8: {  	_ = 	snop  }
0xa9: {  	[tilespmem:s31], [sflag:$0x1] =	stream.indirect_vreg.gather [hbm4b:s6+s23], $0x80, v5, vm0, $0xb8;
	[tilespmem:$0x1E200] =	vst v63  }
0xaa: {  	_ = 	snop  }
0xab: {  	[tilespmem:s8], [sflag:$0x2] =	stream.indirect.gather [hbm4b:s7+s0], $0x80, s12, s0, $0xb8;
	[tilespmem:$0x1E200] =	vst v63  }
0xac: {  	v5 =	vld [tilespmem:$0x80]  }
0xad: {  	v6 =	vld [tilespmem:$0x90]  }
0xae: {  	v7 =	vld [tilespmem:$0xA0]  }
0xaf: {  	v8 =	vld [tilespmem:$0xB0];
	_ =	sdelay $0x1  }
0xb0: {  	v5 =	vsub.s32 v5, v0  }
0xb1: {  	v6 =	vsub.s32 v6, v0;
	v5 =	vmin.u32 v5, $0x1400  }
0xb2: {  	[tilespmem:$0x100] =	vst v5;
	v5 =	vmin.u32 v6, $0x1400;
	v6 =	vsub.s32 v7, v0  }
0xb3: {  	[tilespmem:$0x110] =	vst v5;
	v5 =	vmin.u32 v6, $0x1400;
	v6 =	vsub.s32 v8, v0  }
0xb4: {  	[tilespmem:$0x120] =	vst v5;
	v5 =	vmin.u32 v6, $0x1400  }
0xb5: {  	[tilespmem:$0x130] =	vst v5  }
0xb6: {  	_ =	swait.ge [sflag:s19], $0x4000  }
0xb7: {  	[sflag:s19] =	ssyncset.done $0x0  }
0xb8: {  	p1 =	por $0x0, $0x0;
	s28 =	simm.s32 $0x8280;
	[sflag:s19] =	ssyncadd.s32 $0xFFFFC000  }
0xb9: {  	s3 =	simm.s32 $0x0;
	s2 =	simm.s32 $0x0;
	_ =	swait.ge [sflag:s20], $0x2000  }
0xba: {  	s1 =	simm.s32 $0x0;
	s22 =	simm.s32 $0x0;
	[sflag:s20] =	ssyncset.done $0x0  }
0xbb: {  	s25 =	simm.s32 $0x4280;
	s26 =	simm.s32 $0x6280;
	[sflag:s20] =	ssyncadd.s32 $0xFFFFE000  }
.LBB2_7:
0xbc: {  	s13 =	simm.s32 $0x1  }
0xbd: {  	s13 =	simm.s32 @!p1 $0x0  }
0xbe: {  	s13 =	sshll.u32 s13, $0x9  }
0xbf: {  	s13 =	sadd.s32 s13, s2  }
0xc0: {  	v6 =	vld [tilespmem:s25+$0xFFFFFF00];
	s13 =	sor.u32 $0x400, s13  }
0xc1: {  	v5 =	vld [tilespmem:s13+$0x180];
	_ =	sdelay $0x4  }
0xc2: {  	v5 =	vadd.f32 v6, v5;
	_ =	sdelay $0x1  }
0xc3: {  	v6 =	vmul.f32 $2.000000030e-01, v5;
	_ =	sdelay $0x1  }
0xc4: {  	v5 =	vmax.f32 v5, v6  }
0xc5: {  	v5 =	vmul.f32 $1.442695020e+00, v5;
	_ =	sdelay $0x1  }
0xc6: {  	(erf) = vpow2.f32 v5;
	_ =	sdelay $0x7  }
0xc7: {  	s15 =	sand.u32 $0x3800, s2  }
0xc8: {  	s14 =	sand.u32 $0x200, s3;
	s13 =	sor.u32 $0x180, s15;
	v5 =	vpop (erf)  }
0xc9: {  	s14 =	sor.u32 s14, s13;
	[tilespmem:s26+$0xFFFFFF00] =	vst v5  }
0xca: {  	v6 =	vld [tilespmem:s14+$0x0];
	_ =	sdelay $0x2  }
0xcb: {  	v7 =	vbroadcast v5, $0x0;
	_ =	sdelay $0x1  }
0xcc: {  	v6 =	vmul.f32 v7, v6;
	_ =	sdelay $0x1  }
0xcd: {  	[tilespmem:s28+$0xFFFFFF00] =	vst v6  }
0xce: {  	v6 =	vld [tilespmem:s14+$0x10];
	_ =	sdelay $0x2  }
0xcf: {  	v7 =	vbroadcast v5, $0x1;
	_ =	sdelay $0x1  }
0xd0: {  	v6 =	vmul.f32 v7, v6;
	_ =	sdelay $0x1  }
0xd1: {  	[tilespmem:s28+$0xFFFFFF10] =	vst v6  }
0xd2: {  	v6 =	vld [tilespmem:s14+$0x20];
	_ =	sdelay $0x2  }
0xd3: {  	v7 =	vbroadcast v5, $0x2;
	_ =	sdelay $0x1  }
0xd4: {  	v6 =	vmul.f32 v7, v6;
	_ =	sdelay $0x1  }
0xd5: {  	[tilespmem:s28+$0xFFFFFF20] =	vst v6  }
0xd6: {  	v6 =	vld [tilespmem:s14+$0x30];
	_ =	sdelay $0x2  }
0xd7: {  	v7 =	vbroadcast v5, $0x3;
	_ =	sdelay $0x1  }
0xd8: {  	v6 =	vmul.f32 v6, v7;
	_ =	sdelay $0x1  }
0xd9: {  	[tilespmem:s28+$0xFFFFFF30] =	vst v6  }
0xda: {  	v6 =	vld [tilespmem:s14+$0x40];
	_ =	sdelay $0x2  }
0xdb: {  	v7 =	vbroadcast v5, $0x4;
	_ =	sdelay $0x1  }
0xdc: {  	v6 =	vmul.f32 v6, v7;
	_ =	sdelay $0x1  }
0xdd: {  	[tilespmem:s28+$0xFFFFFF40] =	vst v6  }
0xde: {  	v6 =	vld [tilespmem:s14+$0x50];
	_ =	sdelay $0x2  }
0xdf: {  	v7 =	vbroadcast v5, $0x5;
	_ =	sdelay $0x1  }
0xe0: {  	v6 =	vmul.f32 v6, v7;
	_ =	sdelay $0x1  }
0xe1: {  	[tilespmem:s28+$0xFFFFFF50] =	vst v6  }
0xe2: {  	v6 =	vld [tilespmem:s14+$0x60];
	_ =	sdelay $0x2  }
0xe3: {  	v7 =	vbroadcast v5, $0x6;
	_ =	sdelay $0x1  }
0xe4: {  	v6 =	vmul.f32 v6, v7;
	_ =	sdelay $0x1  }
0xe5: {  	[tilespmem:s28+$0xFFFFFF60] =	vst v6  }
0xe6: {  	v6 =	vld [tilespmem:s14+$0x70];
	_ =	sdelay $0x2  }
0xe7: {  	s15 =	sand.u32 $0x7, s1;
	v5 =	vbroadcast v5, $0x7  }
0xe8: {  	s14 =	sshll.u32 s15, $0x7  }
0xe9: {  	s14 =	sadd.s32 s2, s14;
	v5 =	vmul.f32 v6, v5  }
0xea: {  	s15 =	sadd.s32 $0x80, s14  }
0xeb: {  	s15 =	sor.u32 $0x400, s15;
	[tilespmem:s28+$0xFFFFFF70] =	vst v5  }
0xec: {  	v5 =	vld [tilespmem:s15+$0x180]  }
0xed: {  	v6 =	vld [tilespmem:s25+$0xFFFFFF80];
	_ =	sdelay $0x4  }
0xee: {  	v5 =	vadd.f32 v6, v5;
	_ =	sdelay $0x1  }
0xef: {  	v6 =	vmul.f32 $2.000000030e-01, v5;
	_ =	sdelay $0x1  }
0xf0: {  	v5 =	vmax.f32 v5, v6  }
0xf1: {  	v5 =	vmul.f32 $1.442695020e+00, v5;
	_ =	sdelay $0x1  }
0xf2: {  	(erf) = vpow2.f32 v5;
	_ =	sdelay $0x7  }
0xf3: {  	s15 =	sadd.s32 $0x80, s3  }
0xf4: {  	s15 =	sand.u32 $0x280, s15;
	v5 =	vpop (erf)  }
0xf5: {  	s15 =	sadd.s32 s15, s13;
	[tilespmem:s26+$0xFFFFFF80] =	vst v5  }
0xf6: {  	v6 =	vld [tilespmem:s15+$0x0];
	_ =	sdelay $0x2  }
0xf7: {  	v7 =	vbroadcast v5, $0x0;
	_ =	sdelay $0x1  }
0xf8: {  	v6 =	vmul.f32 v7, v6;
	_ =	sdelay $0x1  }
0xf9: {  	[tilespmem:s28+$0xFFFFFF80] =	vst v6  }
0xfa: {  	v6 =	vld [tilespmem:s15+$0x10];
	_ =	sdelay $0x2  }
0xfb: {  	v7 =	vbroadcast v5, $0x1;
	_ =	sdelay $0x1  }
0xfc: {  	v6 =	vmul.f32 v7, v6;
	_ =	sdelay $0x1  }
0xfd: {  	[tilespmem:s28+$0xFFFFFF90] =	vst v6  }
0xfe: {  	v6 =	vld [tilespmem:s15+$0x20];
	_ =	sdelay $0x2  }
0xff: {  	v7 =	vbroadcast v5, $0x2;
	_ =	sdelay $0x1  }
0x100: {  	v6 =	vmul.f32 v7, v6;
	_ =	sdelay $0x1  }
0x101: {  	[tilespmem:s28+$0xFFFFFFA0] =	vst v6  }
0x102: {  	v6 =	vld [tilespmem:s15+$0x30];
	_ =	sdelay $0x2  }
0x103: {  	v7 =	vbroadcast v5, $0x3;
	_ =	sdelay $0x1  }
0x104: {  	v6 =	vmul.f32 v6, v7;
	_ =	sdelay $0x1  }
0x105: {  	[tilespmem:s28+$0xFFFFFFB0] =	vst v6  }
0x106: {  	v6 =	vld [tilespmem:s15+$0x40];
	_ =	sdelay $0x2  }
0x107: {  	v7 =	vbroadcast v5, $0x4;
	_ =	sdelay $0x1  }
0x108: {  	v6 =	vmul.f32 v6, v7;
	_ =	sdelay $0x1  }
0x109: {  	[tilespmem:s28+$0xFFFFFFC0] =	vst v6  }
0x10a: {  	v6 =	vld [tilespmem:s15+$0x50];
	_ =	sdelay $0x2  }
0x10b: {  	v7 =	vbroadcast v5, $0x5;
	_ =	sdelay $0x1  }
0x10c: {  	v6 =	vmul.f32 v6, v7;
	_ =	sdelay $0x1  }
0x10d: {  	[tilespmem:s28+$0xFFFFFFD0] =	vst v6  }
0x10e: {  	v6 =	vld [tilespmem:s15+$0x60];
	_ =	sdelay $0x2  }
0x10f: {  	v7 =	vbroadcast v5, $0x6;
	_ =	sdelay $0x1  }
0x110: {  	v6 =	vmul.f32 v6, v7;
	_ =	sdelay $0x1  }
0x111: {  	[tilespmem:s28+$0xFFFFFFE0] =	vst v6  }
0x112: {  	v6 =	vld [tilespmem:s15+$0x70];
	_ =	sdelay $0x2  }
0x113: {  	v5 =	vbroadcast v5, $0x7;
	s15 =	sand.u32 $0x3, s22  }
0x114: {  	s15 =	sshll.u32 s15, $0x8  }
0x115: {  	s15 =	sadd.s32 s2, s15;
	v5 =	vmul.f32 v6, v5  }
0x116: {  	s15 =	sadd.s32 $0x100, s15  }
0x117: {  	s15 =	sor.u32 $0x400, s15;
	[tilespmem:s28+$0xFFFFFFF0] =	vst v5  }
0x118: {  	v5 =	vld [tilespmem:s15+$0x180]  }
0x119: {  	v6 =	vld [tilespmem:s25+$0x0];
	_ =	sdelay $0x4  }
0x11a: {  	v5 =	vadd.f32 v6, v5;
	_ =	sdelay $0x1  }
0x11b: {  	v6 =	vmul.f32 $2.000000030e-01, v5;
	_ =	sdelay $0x1  }
0x11c: {  	v5 =	vmax.f32 v5, v6  }
0x11d: {  	v5 =	vmul.f32 $1.442695020e+00, v5;
	_ =	sdelay $0x1  }
0x11e: {  	(erf) = vpow2.f32 v5;
	_ =	sdelay $0x7  }
0x11f: {  	s15 =	sadd.s32 $0x100, s3  }
0x120: {  	s15 =	sand.u32 $0x300, s15;
	v5 =	vpop (erf)  }
0x121: {  	s15 =	sadd.s32 s15, s13;
	[tilespmem:s26+$0x0] =	vst v5  }
0x122: {  	v6 =	vld [tilespmem:s15+$0x0];
	_ =	sdelay $0x2  }
0x123: {  	v7 =	vbroadcast v5, $0x0;
	_ =	sdelay $0x1  }
0x124: {  	v6 =	vmul.f32 v7, v6;
	_ =	sdelay $0x1  }
0x125: {  	[tilespmem:s28+$0x0] =	vst v6  }
0x126: {  	v6 =	vld [tilespmem:s15+$0x10];
	_ =	sdelay $0x2  }
0x127: {  	v7 =	vbroadcast v5, $0x1;
	_ =	sdelay $0x1  }
0x128: {  	v6 =	vmul.f32 v7, v6;
	_ =	sdelay $0x1  }
0x129: {  	[tilespmem:s28+$0x10] =	vst v6  }
0x12a: {  	v6 =	vld [tilespmem:s15+$0x20];
	_ =	sdelay $0x2  }
0x12b: {  	v7 =	vbroadcast v5, $0x2;
	_ =	sdelay $0x1  }
0x12c: {  	v6 =	vmul.f32 v7, v6;
	_ =	sdelay $0x1  }
0x12d: {  	[tilespmem:s28+$0x20] =	vst v6  }
0x12e: {  	v6 =	vld [tilespmem:s15+$0x30];
	_ =	sdelay $0x2  }
0x12f: {  	v7 =	vbroadcast v5, $0x3;
	_ =	sdelay $0x1  }
0x130: {  	v6 =	vmul.f32 v6, v7;
	_ =	sdelay $0x1  }
0x131: {  	[tilespmem:s28+$0x30] =	vst v6  }
0x132: {  	v6 =	vld [tilespmem:s15+$0x40];
	_ =	sdelay $0x2  }
0x133: {  	v7 =	vbroadcast v5, $0x4;
	_ =	sdelay $0x1  }
0x134: {  	v6 =	vmul.f32 v6, v7;
	_ =	sdelay $0x1  }
0x135: {  	[tilespmem:s28+$0x40] =	vst v6  }
0x136: {  	v6 =	vld [tilespmem:s15+$0x50];
	_ =	sdelay $0x2  }
0x137: {  	v7 =	vbroadcast v5, $0x5;
	_ =	sdelay $0x1  }
0x138: {  	v6 =	vmul.f32 v6, v7;
	_ =	sdelay $0x1  }
0x139: {  	[tilespmem:s28+$0x50] =	vst v6  }
0x13a: {  	v6 =	vld [tilespmem:s15+$0x60];
	_ =	sdelay $0x2  }
0x13b: {  	v7 =	vbroadcast v5, $0x6;
	_ =	sdelay $0x1  }
0x13c: {  	v6 =	vmul.f32 v6, v7;
	_ =	sdelay $0x1  }
0x13d: {  	[tilespmem:s28+$0x60] =	vst v6  }
0x13e: {  	v6 =	vld [tilespmem:s15+$0x70];
	_ =	sdelay $0x2  }
0x13f: {  	v5 =	vbroadcast v5, $0x7;
	_ =	sdelay $0x1  }
0x140: {  	v5 =	vmul.f32 v6, v5  }
0x141: {  	s14 =	sadd.s32 $0x180, s14  }
0x142: {  	s14 =	sor.u32 $0x400, s14;
	[tilespmem:s28+$0x70] =	vst v5  }
0x143: {  	v5 =	vld [tilespmem:s14+$0x180]  }
0x144: {  	v6 =	vld [tilespmem:s25+$0x80];
	_ =	sdelay $0x4  }
0x145: {  	v5 =	vadd.f32 v6, v5;
	_ =	sdelay $0x1  }
0x146: {  	v6 =	vmul.f32 $2.000000030e-01, v5;
	_ =	sdelay $0x1  }
0x147: {  	v5 =	vmax.f32 v5, v6  }
0x148: {  	v5 =	vmul.f32 $1.442695020e+00, v5;
	_ =	sdelay $0x1  }
0x149: {  	(erf) = vpow2.f32 v5;
	_ =	sdelay $0x7  }
0x14a: {  	s15 =	sadd.s32 $0x180, s3  }
0x14b: {  	s14 =	sand.u32 $0x380, s15;
	v5 =	vpop (erf)  }
0x14c: {  	s13 =	sadd.s32 s14, s13;
	[tilespmem:s26+$0x80] =	vst v5  }
0x14d: {  	v6 =	vld [tilespmem:s13+$0x0];
	_ =	sdelay $0x2  }
0x14e: {  	v7 =	vbroadcast v5, $0x0;
	_ =	sdelay $0x1  }
0x14f: {  	v6 =	vmul.f32 v7, v6;
	_ =	sdelay $0x1  }
0x150: {  	[tilespmem:s28+$0x80] =	vst v6  }
0x151: {  	v6 =	vld [tilespmem:s13+$0x10];
	_ =	sdelay $0x2  }
0x152: {  	v7 =	vbroadcast v5, $0x1;
	_ =	sdelay $0x1  }
0x153: {  	v6 =	vmul.f32 v7, v6;
	_ =	sdelay $0x1  }
0x154: {  	[tilespmem:s28+$0x90] =	vst v6  }
0x155: {  	v6 =	vld [tilespmem:s13+$0x20];
	_ =	sdelay $0x2  }
0x156: {  	v7 =	vbroadcast v5, $0x2;
	_ =	sdelay $0x1  }
0x157: {  	v6 =	vmul.f32 v7, v6;
	_ =	sdelay $0x1  }
0x158: {  	[tilespmem:s28+$0xA0] =	vst v6  }
0x159: {  	v6 =	vld [tilespmem:s13+$0x30];
	_ =	sdelay $0x2  }
0x15a: {  	v7 =	vbroadcast v5, $0x3;
	_ =	sdelay $0x1  }
0x15b: {  	v6 =	vmul.f32 v6, v7;
	_ =	sdelay $0x1  }
0x15c: {  	[tilespmem:s28+$0xB0] =	vst v6  }
0x15d: {  	v6 =	vld [tilespmem:s13+$0x40];
	_ =	sdelay $0x2  }
0x15e: {  	v7 =	vbroadcast v5, $0x4;
	_ =	sdelay $0x1  }
0x15f: {  	v6 =	vmul.f32 v6, v7;
	_ =	sdelay $0x1  }
0x160: {  	[tilespmem:s28+$0xC0] =	vst v6  }
0x161: {  	v6 =	vld [tilespmem:s13+$0x50];
	_ =	sdelay $0x2  }
0x162: {  	v7 =	vbroadcast v5, $0x5;
	_ =	sdelay $0x1  }
0x163: {  	v6 =	vmul.f32 v6, v7;
	_ =	sdelay $0x1  }
0x164: {  	[tilespmem:s28+$0xD0] =	vst v6  }
0x165: {  	v6 =	vld [tilespmem:s13+$0x60];
	_ =	sdelay $0x2  }
0x166: {  	v7 =	vbroadcast v5, $0x6;
	_ =	sdelay $0x1  }
0x167: {  	v6 =	vmul.f32 v6, v7;
	_ =	sdelay $0x1  }
0x168: {  	[tilespmem:s28+$0xE0] =	vst v6  }
0x169: {  	v6 =	vld [tilespmem:s13+$0x70];
	_ =	sdelay $0x1  }
0x16a: {  	p2 =	sne.s32 s2, $0x3C00  }
.Ltmp2:
0x16b: {  	v5 =	vbroadcast v5, $0x7;
	(pc) =	sbr.rel @p2 .LBB2_7-.Ltmp2, $4  }
0x16c: {  	_ = 	snop  }
0x16d: {  	p1 =	por !p1, !p1;
	s1 =	sadd.s32 $0x4, s1;
	v5 =	vmul.f32 v6, v5  }
0x16e: {  	s22 =	sadd.s32 $0x2, s22;
	s2 =	sadd.s32 $0x400, s2;
	s3 =	sadd.s32 $0x200, s3  }
0x16f: {  	s25 =	sadd.s32 $0x200, s25;
	s26 =	sadd.s32 $0x200, s26;
	[tilespmem:s28+$0xF0] =	vst v5;
	s28 =	sadd.s32 $0x200, s28  }
0x170: {  	s1 =	rddreg [dreg:$0x1]  }
0x171: {  	[spmem:s1] =	stream.indirect.scatter.add.f32 [tilespmem:s9], [sflag:$0x3], $0x80, s21, s0, $0xb8;
	[tilespmem:$0x1E200] =	vst v63  }
0x172: {  	_ =	swait.ge [sflag:s10], $0x2000  }
0x173: {  	s24 =	sadd.s32 $0x1, s24;
	[sflag:s10] =	ssyncset.done $0x0  }
0x174: {  	p1 =	sne.s32 s24, $0x13C;
	[sflag:s10] =	ssyncadd.s32 $0xFFFFE000  }
.Ltmp3:
0x175: {  	s28 =	rddreg [dreg:$0x2];
	(pc) =	sbr.rel @p1 .LBB2_6-.Ltmp3, $4  }
0x176: {  	[spmem:s28] =	stream.indirect.scatter.add.f32 [tilespmem:s11], [sflag:$0x3], $0x80, s21, s0, $0xb8;
	[tilespmem:$0x1E200] =	vst v63  }
0x177: {  	_ =	swait.ge [sflag:s10], $0x2000  }
0x178: {  	[sflag:s10] =	ssyncset.done $0x0  }
0x179: {  	[sflag:s10] =	ssyncadd.s32 $0xFFFFE000  }
0x17a: {  	[bflag:$0x0] =	sbarrier.arrive $0xFFFF  }
0x17b: {  	s22 =	rddreg [dreg:$0x4]  }
0x17c: {  	[tilespmem:s9], [sflag:$0x3] =	stream.linear.gather [spmem:s22], $0x2000, $0x38;
	[tilespmem:$0x1E200] =	vst v63  }
0x17d: {  	_ =	swait.ge [sflag:s10], $0x2000  }
0x17e: {  	[sflag:s10] =	ssyncset.done $0x0  }
0x17f: {  	s1 =	simm.s32 $0x0;
	s2 =	rddreg [dreg:$0x5];
	[sflag:s10] =	ssyncadd.s32 $0xFFFFE000  }
0x180: {  	[hbm4b:s2+s1] =	stream.linear.scatter [tilespmem:s9], [sflag:$0x3], $0x2000, $0x38;
	[tilespmem:$0x1E200] =	vst v63  }
0x181: {  	_ =	swait.ge [sflag:s10], $0x2000  }
0x182: {  	[sflag:s10] =	ssyncset.done $0x0  }
0x183: {  	s15 =	rddreg [dreg:$0x10];
	[sflag:s10] =	ssyncadd.s32 $0xFFFFE000  }
0x184: {  	[tilespmem:s9], [sflag:$0x3] =	stream.linear.gather [spmem:s15], $0x2000, $0x38;
	[tilespmem:$0x1E200] =	vst v63  }
0x185: {  	_ =	swait.ge [sflag:s10], $0x2000  }
0x186: {  	[sflag:s10] =	ssyncset.done $0x0  }
0x187: {  	s13 =	rddreg [dreg:$0x6];
	[sflag:s10] =	ssyncadd.s32 $0xFFFFE000  }
0x188: {  	[hbm4b:s13+s1] =	stream.linear.scatter [tilespmem:s9], [sflag:$0x3], $0x2000, $0x38;
	[tilespmem:$0x1E200] =	vst v63  }
0x189: {  	_ =	swait.ge [sflag:s10], $0x2000  }
0x18a: {  	[sflag:s10] =	ssyncset.done $0x0  }
0x18b: {  	s24 =	rddreg [dreg:$0x12];
	[sflag:s10] =	ssyncadd.s32 $0xFFFFE000  }
0x18c: {  	[tilespmem:s9], [sflag:$0x3] =	stream.linear.gather [spmem:s24], $0x2000, $0x38;
	[tilespmem:$0x1E200] =	vst v63  }
0x18d: {  	_ =	swait.ge [sflag:s10], $0x2000  }
0x18e: {  	[sflag:s10] =	ssyncset.done $0x0  }
0x18f: {  	s14 =	rddreg [dreg:$0x7];
	[sflag:s10] =	ssyncadd.s32 $0xFFFFE000  }
0x190: {  	[hbm4b:s14+s1] =	stream.linear.scatter [tilespmem:s9], [sflag:$0x3], $0x2000, $0x38;
	[tilespmem:$0x1E200] =	vst v63  }
0x191: {  	_ =	swait.ge [sflag:s10], $0x2000  }
0x192: {  	[sflag:s10] =	ssyncset.done $0x0  }
0x193: {  	s25 =	rddreg [dreg:$0x14];
	[sflag:s10] =	ssyncadd.s32 $0xFFFFE000  }
0x194: {  	[tilespmem:s9], [sflag:$0x3] =	stream.linear.gather [spmem:s25], $0x2000, $0x38;
	[tilespmem:$0x1E200] =	vst v63  }
0x195: {  	_ =	swait.ge [sflag:s10], $0x2000  }
0x196: {  	[sflag:s10] =	ssyncset.done $0x0  }
0x197: {  	s23 =	rddreg [dreg:$0x8];
	[sflag:s10] =	ssyncadd.s32 $0xFFFFE000  }
0x198: {  	[hbm4b:s23+s1] =	stream.linear.scatter [tilespmem:s9], [sflag:$0x3], $0x2000, $0x38;
	[tilespmem:$0x1E200] =	vst v63  }
0x199: {  	_ =	swait.ge [sflag:s10], $0x2000  }
0x19a: {  	[sflag:s10] =	ssyncset.done $0x0  }
0x19b: {  	s28 =	rddreg [dreg:$0x16];
	[sflag:s10] =	ssyncadd.s32 $0xFFFFE000  }
0x19c: {  	[tilespmem:s9], [sflag:$0x3] =	stream.linear.gather [spmem:s28], $0x2000, $0x38;
	[tilespmem:$0x1E200] =	vst v63  }
0x19d: {  	_ =	swait.ge [sflag:s10], $0x2000  }
0x19e: {  	[sflag:s10] =	ssyncset.done $0x0  }
0x19f: {  	s26 =	rddreg [dreg:$0x9];
	[sflag:s10] =	ssyncadd.s32 $0xFFFFE000  }
0x1a0: {  	[hbm4b:s26+s1] =	stream.linear.scatter [tilespmem:s9], [sflag:$0x3], $0x2000, $0x38;
	[tilespmem:$0x1E200] =	vst v63  }
0x1a1: {  	_ =	swait.ge [sflag:s10], $0x2000  }
0x1a2: {  	[sflag:s10] =	ssyncset.done $0x0  }
0x1a3: {  	s14 =	rddreg [dreg:$0xf];
	[sflag:s10] =	ssyncadd.s32 $0xFFFFE000  }
0x1a4: {  	[tilespmem:s11], [sflag:$0x3] =	stream.linear.gather [spmem:s14], $0x2000, $0x38;
	[tilespmem:$0x1E200] =	vst v63  }
0x1a5: {  	_ =	swait.ge [sflag:s10], $0x2000  }
0x1a6: {  	[sflag:s10] =	ssyncset.done $0x0  }
0x1a7: {  	s3 =	rddreg [dreg:$0xa];
	[sflag:s10] =	ssyncadd.s32 $0xFFFFE000  }
0x1a8: {  	[hbm4b:s3+s1] =	stream.linear.scatter [tilespmem:s11], [sflag:$0x3], $0x2000, $0x38;
	[tilespmem:$0x1E200] =	vst v63  }
0x1a9: {  	_ =	swait.ge [sflag:s10], $0x2000  }
0x1aa: {  	[sflag:s10] =	ssyncset.done $0x0  }
0x1ab: {  	s23 =	rddreg [dreg:$0x11];
	[sflag:s10] =	ssyncadd.s32 $0xFFFFE000  }
0x1ac: {  	[tilespmem:s11], [sflag:$0x3] =	stream.linear.gather [spmem:s23], $0x2000, $0x38;
	[tilespmem:$0x1E200] =	vst v63  }
0x1ad: {  	_ =	swait.ge [sflag:s10], $0x2000  }
0x1ae: {  	[sflag:s10] =	ssyncset.done $0x0  }
0x1af: {  	s13 =	rddreg [dreg:$0xb];
	[sflag:s10] =	ssyncadd.s32 $0xFFFFE000  }
0x1b0: {  	[hbm4b:s13+s1] =	stream.linear.scatter [tilespmem:s11], [sflag:$0x3], $0x2000, $0x38;
	[tilespmem:$0x1E200] =	vst v63  }
0x1b1: {  	_ =	swait.ge [sflag:s10], $0x2000  }
0x1b2: {  	[sflag:s10] =	ssyncset.done $0x0  }
0x1b3: {  	s13 =	rddreg [dreg:$0x13];
	[sflag:s10] =	ssyncadd.s32 $0xFFFFE000  }
0x1b4: {  	[tilespmem:s11], [sflag:$0x3] =	stream.linear.gather [spmem:s13], $0x2000, $0x38;
	[tilespmem:$0x1E200] =	vst v63  }
0x1b5: {  	_ =	swait.ge [sflag:s10], $0x2000  }
0x1b6: {  	[sflag:s10] =	ssyncset.done $0x0  }
0x1b7: {  	s26 =	rddreg [dreg:$0xc];
	[sflag:s10] =	ssyncadd.s32 $0xFFFFE000  }
0x1b8: {  	[hbm4b:s26+s1] =	stream.linear.scatter [tilespmem:s11], [sflag:$0x3], $0x2000, $0x38;
	[tilespmem:$0x1E200] =	vst v63  }
0x1b9: {  	_ =	swait.ge [sflag:s10], $0x2000  }
0x1ba: {  	[sflag:s10] =	ssyncset.done $0x0  }
0x1bb: {  	s26 =	rddreg [dreg:$0x15];
	[sflag:s10] =	ssyncadd.s32 $0xFFFFE000  }
0x1bc: {  	[tilespmem:s11], [sflag:$0x3] =	stream.linear.gather [spmem:s26], $0x2000, $0x38;
	[tilespmem:$0x1E200] =	vst v63  }
0x1bd: {  	_ =	swait.ge [sflag:s10], $0x2000  }
0x1be: {  	[sflag:s10] =	ssyncset.done $0x0  }
0x1bf: {  	s3 =	rddreg [dreg:$0xd];
	[sflag:s10] =	ssyncadd.s32 $0xFFFFE000  }
0x1c0: {  	[hbm4b:s3+s1] =	stream.linear.scatter [tilespmem:s11], [sflag:$0x3], $0x2000, $0x38;
	[tilespmem:$0x1E200] =	vst v63  }
0x1c1: {  	_ =	swait.ge [sflag:s10], $0x2000  }
0x1c2: {  	[sflag:s10] =	ssyncset.done $0x0  }
0x1c3: {  	s3 =	rddreg [dreg:$0x17];
	[sflag:s10] =	ssyncadd.s32 $0xFFFFE000  }
0x1c4: {  	[tilespmem:s11], [sflag:$0x3] =	stream.linear.gather [spmem:s3], $0x2000, $0x38;
	[tilespmem:$0x1E200] =	vst v63  }
0x1c5: {  	_ =	swait.ge [sflag:s10], $0x2000  }
0x1c6: {  	[sflag:s10] =	ssyncset.done $0x0  }
0x1c7: {  	s2 =	rddreg [dreg:$0xe];
	[sflag:s10] =	ssyncadd.s32 $0xFFFFE000  }
0x1c8: {  	[hbm4b:s2+s1] =	stream.linear.scatter [tilespmem:s11], [sflag:$0x3], $0x2000, $0x38;
	[tilespmem:$0x1E200] =	vst v63  }
0x1c9: {  	_ =	swait.ge [sflag:s10], $0x2000  }
0x1ca: {  	s1 =	rddreg [dreg:$0x1b]  }
0x1cb: {  	s2 =	sadd.s32 $0x1, s1;
	s1 =	rddreg [dreg:$0x18]  }
0x1cc: {  	p1 =	sne.s32 s2, s1  }
.Ltmp4:
0x1cd: {  	_ = 	snop;
	(pc) =	sbr.rel @p1 .LBB2_1-.Ltmp4, $3  }
0x1ce: {  	_ =	sdelay $0x1  }
0x1cf: {  	[sflag:s10] =	ssyncset.done $0x0  }
0x1d0: {  	[sflag:s10] =	ssyncadd.s32 $0xFFFFE000  }
0x1d1: {  	_ =	sfence.sel $0x180000  }
0x1d2: {  	[bflag:$0x0] =	sbarrier.arrive $0xFFFF  }
0x1d3: {  	_ =	strace $0x90000047  }
0x1d4: {  	[bflag:$0x2] =	sbarrier.arrive $0xFFFF  }
0x1d5: {  	s0 =	rddreg [dreg:$0x3]  }
0x1d6: {  	s0 =	sadd.s32 @!p0 $0x100000, s0  }
0x1d7: {  	[sflag:s0] =	ssyncadd.tile.s32 @!p0 $0x1;
	_ =	shalt  }
.Lfunc_end2:
_tile_overlayer_lowered:
.L_overlay_start_2:
0x1d8: {  	(tag) =	ssettag $0x2  }
0x1d9: {  	s0 =	rddreg [dreg:$0x0];
	s2 =	stileid.u32  }
0x1da: {  	s1 =	rddreg [dreg:$0x1];
	p0 =	sne.s32 s2, $0x0  }
0x1db: {  	s3 =	rddreg [dreg:$0x2];
	[bflag:$0x3] =	sbarrier.arrive $0xFFFF;
	s2 =	simm.s32 @!p0 $0x1C03  }
0x1dc: {  	[timem:s3], [sflag:s2] =	dma.local @!p0 [hbm:s0], s1  }
0x1dd: {  	s0 =	simm.s32 @!p0 $0x3  }
0x1de: {  	_ =	swait.ge @!p0 [sflag:s0], s1  }
0x1df: {  	s1 =	ssub.s32 @!p0 $0x0, s1;
	[sflag:s0] =	ssyncset.done @!p0 $0x0  }
0x1e0: {  	[sflag:s0] =	ssyncadd.s32 @!p0 s1  }
0x1e1: {  	[bflag:$0x3] =	sbarrier.arrive $0xFFFF  }
0x1e2: {  	_ =	shalt  }

</sc_bundles>
